<compile_context>
chip_gen: v7x
topology: tpu7x:2x2x1
jax: 0.10.2.dev20260603
libtpu: 0.0.44.dev20260713+nightly
codegen_flags: <defaults>
</compile_context>

<pallas_src>
import functools

import jax
import jax.numpy as jnp
from jax import lax
from jax.experimental import pallas as pl
from jax.experimental.pallas import tpu as pltpu
from jax.experimental.pallas import tpu_sc as plsc

_B, _N, _M = 8, 4096, 4096


_TILE_N = 1024
_NT = _N // _TILE_N


def _tc_body(x_ref, yt_ref, out_ref, min_yx, acc):
    b = pl.program_id(0)
    j = pl.program_id(1)

    @pl.when(jnp.logical_and(b == 0, j == 0))
    def _():
        out_ref[0, 0] = 0.0

    @pl.when(j == 0)
    def _():
        min_yx[...] = jnp.full((1, _M), jnp.inf, jnp.float32)
        acc[0] = 0.0
        acc[1] = 0.0

    x = x_ref[0]
    yt = yt_ref[0]

    mask = ((x[:, 0:1] != 10000.0)
            & (x[:, 1:2] != 10000.0)
            & (x[:, 2:3] != 10000.0))
    xs = jnp.where(mask, x, 1e19)

    d = None
    for k in range(3):
        diff = xs[:, k:k + 1] - yt[k:k + 1, :]
        sq = diff * diff
        d = sq if d is None else d + sq

    min_xy = jnp.min(d, axis=1, keepdims=True)
    acc[0] += jnp.sum(jnp.where(mask, min_xy, 0.0))
    acc[1] += jnp.sum(mask.astype(jnp.float32))

    part = jnp.min(d, axis=0, keepdims=True)
    min_yx[...] = jnp.minimum(min_yx[...], part)

    @pl.when(j == _NT - 1)
    def _():
        loss_b = acc[0] / acc[1] + jnp.sum(min_yx[...]) / _M
        out_ref[0, 0] += loss_b / _B


def _tc_part(fg, yt, nb):
    return pl.pallas_call(
        _tc_body,
        grid=(nb, _NT),
        in_specs=[
            pl.BlockSpec((1, _TILE_N, 3), lambda b, j: (b, j, 0)),
            pl.BlockSpec((1, 3, _M), lambda b, j: (b, 0, 0)),
        ],
        out_specs=pl.BlockSpec(memory_space=pltpu.SMEM),
        out_shape=jax.ShapeDtypeStruct((1, 1), jnp.float32),
        scratch_shapes=[
            pltpu.VMEM((1, _M), jnp.float32),
            pltpu.SMEM((2,), jnp.float32),
        ],
    )(fg, yt)[0, 0]



_NB_SC = 2
_NB_TC = _B - _NB_SC
_NC, _NS, _L = 2, 16, 16
_BPC = _NB_SC // _NC
_TPB = _NS // _BPC
_RPT = _N // _TPB
_RI = 8
_SEG = _M // _TPB
_SENTINEL = 1e19


def _fold(v, op):
    lanes = lax.broadcasted_iota(jnp.int32, (_L,), 0)
    for k in (8, 4, 2, 1):
        v = op(v, v.at[lanes ^ k].get(mode='promise_in_bounds'))
    return v


def _sc_body(fg_hbm, prj_hbm, out_hbm,
             x0, x1, x2, y0, y1, y2, myx, tmp, vbuf,
             sh_myx, sh_sums, sh_sums2):
    c = lax.axis_index("c")
    s = lax.axis_index("s")
    b_local = s // _TPB
    q = s % _TPB
    b_sc = c * _BPC + b_local
    b = _NB_TC + b_sc
    row0 = q * _RPT

    xoff = (b * 3) * _N + row0
    yoff = (b * 3) * _M
    pltpu.sync_copy(fg_hbm.at[pl.ds(xoff, _RPT)], x0)
    pltpu.sync_copy(fg_hbm.at[pl.ds(xoff + _N, _RPT)], x1)
    pltpu.sync_copy(fg_hbm.at[pl.ds(xoff + 2 * _N, _RPT)], x2)
    pltpu.sync_copy(prj_hbm.at[pl.ds(yoff, _M)], y0)
    pltpu.sync_copy(prj_hbm.at[pl.ds(yoff + _M, _M)], y1)
    pltpu.sync_copy(prj_hbm.at[pl.ds(yoff + 2 * _M, _M)], y2)

    def mask_step(i, cnt):
        sl = pl.ds(i * _L, _L)
        v0, v1, v2 = x0[sl], x1[sl], x2[sl]
        m = (v0 != 10000.0) & (v1 != 10000.0) & (v2 != 10000.0)
        x0[sl] = jnp.where(m, v0, _SENTINEL)
        return cnt + jnp.where(m, 1.0, 0.0)

    cnt_vec = lax.fori_loop(0, _RPT // _L, mask_step,
                            jnp.zeros((_L,), jnp.float32))
    count = _fold(cnt_vec, jnp.add)[0]

    def init_step(i, _):
        myx[pl.ds(i * _L, _L)] = jnp.full((_L,), jnp.inf, jnp.float32)
        return 0
    lax.fori_loop(0, _M // _L, init_step, 0)

    inf_vec = jnp.full((_L,), jnp.inf, jnp.float32)

    def row_block(ib, sum_xy):
        base = ib * _L
        xv0 = x0[pl.ds(base, _L)]
        xv1 = x1[pl.ds(base, _L)]
        xv2 = x2[pl.ds(base, _L)]
        xs0 = [(xv0[r], xv1[r], xv2[r]) for r in range(_RI)]
        xs1 = [(xv0[r], xv1[r], xv2[r]) for r in range(_RI, _L)]

        def half(xs, sum_xy):
            def y_step(j, minvecs):
                sl = pl.ds(j * _L, _L)
                yv0, yv1, yv2 = y0[sl], y1[sl], y2[sl]
                new_min = []
                bmin = None
                for r in range(_RI):
                    a = yv0 - xs[r][0]
                    d = a * a
                    a = yv1 - xs[r][1]
                    d = d + a * a
                    a = yv2 - xs[r][2]
                    d = d + a * a
                    new_min.append(jnp.minimum(minvecs[r], d))
                    bmin = d if bmin is None else jnp.minimum(bmin, d)
                myx[sl] = jnp.minimum(myx[sl], bmin)
                return tuple(new_min)

            minvecs = lax.fori_loop(0, _M // _L, y_step,
                                    tuple(inf_vec for _ in range(_RI)),
                                    unroll=2)
            for r in range(_RI):
                mn = _fold(minvecs[r], jnp.minimum)[0]
                valid = xs[r][0] < 1e18
                sum_xy = sum_xy + jnp.where(valid, mn, 0.0)
            return sum_xy

        return half(xs1, half(xs0, sum_xy))

    sum_xy = lax.fori_loop(0, _RPT // _L, row_block, jnp.float32(0.0))

    lanes = lax.broadcasted_iota(jnp.int32, (_L,), 0)
    packed = (jnp.where(lanes == 0, sum_xy, 0.0)
              + jnp.where(lanes == 1, count, 0.0))
    vbuf[...] = packed
    pltpu.sync_copy(myx, sh_myx.at[pl.ds(s * _M, _M)])
    pltpu.sync_copy(vbuf, sh_sums.at[pl.ds(s * _L, _L)])
    plsc.subcore_barrier()

    group0 = s - q
    for pt in range(_TPB):
        pltpu.sync_copy(
            sh_myx.at[pl.ds((group0 + pt) * _M + q * _SEG, _SEG)],
            tmp.at[pl.ds(pt * _SEG, _SEG)])

    def seg_step(i, ssum):
        acc = tmp[pl.ds(i * _L, _L)]
        for pt in range(1, _TPB):
            acc = jnp.minimum(acc, tmp[pl.ds(pt * _SEG + i * _L, _L)])
        return ssum + acc

    ssum = lax.fori_loop(0, _SEG // _L, seg_step,
                         jnp.zeros((_L,), jnp.float32))
    seg_total = _fold(ssum, jnp.add)
    vbuf[...] = jnp.where(lanes == 0, seg_total, 0.0)
    pltpu.sync_copy(vbuf, sh_sums2.at[pl.ds(s * _L, _L)])
    plsc.subcore_barrier()

    @pl.when(q == 0)
    def _():
        def lead_step(t, carry):
            svec, yxvec = carry
            pltpu.sync_copy(sh_sums.at[pl.ds((group0 + t) * _L, _L)], vbuf)
            svec = svec + vbuf[...]
            pltpu.sync_copy(sh_sums2.at[pl.ds((group0 + t) * _L, _L)], vbuf)
            yxvec = yxvec + vbuf[...]
            return svec, yxvec

        zero = jnp.zeros((_L,), jnp.float32)
        svec, yxvec = lax.fori_loop(0, _TPB, lead_step, (zero, zero))

        swapped = svec.at[lanes ^ 1].get(mode='promise_in_bounds')
        loss_xy = (svec / swapped)[0]
        loss_b = loss_xy + yxvec[0] * (1.0 / _M)
        vbuf[...] = jnp.zeros((_L,), jnp.float32) + loss_b
        pltpu.sync_copy(vbuf, out_hbm.at[pl.ds(b_sc * _L, _L)])


def _make_sc_call():
    mesh = plsc.VectorSubcoreMesh(core_axis_name="c", subcore_axis_name="s",
                                  num_cores=_NC, num_subcores=_NS)
    return functools.partial(
        pl.kernel,
        out_type=jax.ShapeDtypeStruct((_NB_SC * _L,), jnp.float32),
        mesh=mesh,
        scratch_types=[
            pltpu.VMEM((_RPT,), jnp.float32),
            pltpu.VMEM((_RPT,), jnp.float32),
            pltpu.VMEM((_RPT,), jnp.float32),
            pltpu.VMEM((_M,), jnp.float32),
            pltpu.VMEM((_M,), jnp.float32),
            pltpu.VMEM((_M,), jnp.float32),
            pltpu.VMEM((_M,), jnp.float32),
            pltpu.VMEM((_M,), jnp.float32),
            pltpu.VMEM((_L,), jnp.float32),
            pltpu.VMEM_SHARED((_NS * _M,), jnp.float32),
            pltpu.VMEM_SHARED((_NS * _L,), jnp.float32),
            pltpu.VMEM_SHARED((_NS * _L,), jnp.float32),
        ],
    )(_sc_body)



@jax.jit
def _chamfer(fg, prj):
    fgt = fg.transpose(0, 2, 1)
    yt = prj.transpose(0, 2, 1)
    sc_out = _make_sc_call()(fgt.reshape(-1), yt.reshape(-1))
    total = jnp.sum(sc_out.reshape(_NB_SC, _L)[:, 0]) / _B
    if _NB_TC:
        total = total + _tc_part(fg, yt, _NB_TC)
    return total


def kernel(fg_points, prj_points, x_lengths):
    del x_lengths
    return _chamfer(fg_points.astype(jnp.float32),
                    prj_points.astype(jnp.float32))

# --- scband reference (transcript-rebuilt; emitter-appended) ---
"""Pipeline reference for scband-chamfer-distance-loss-16071767621914 (READ-ONLY COPY).

The authoritative reference and input builder live on the scoring server;
editing this copy changes nothing except your own understanding.
"""

import jax, jax.numpy as jnp
import numpy as np


def setup_inputs(seed: int = 0) -> dict:
    key = jax.random.key(seed)
    k1, k2, k3 = jax.random.split(key, 3)
    B, N, M = 8, 4096, 4096
    fg_points = jax.random.normal(k1, (B, N, 3), dtype=jnp.float32)
    prj_points = jax.random.normal(k2, (B, M, 3), dtype=jnp.float32)
    x_lengths = jax.random.randint(k3, (B,), 0, 4096)
    return {"fg_points": fg_points, "prj_points": prj_points, "x_lengths": x_lengths}


def _chamfer_distance(x, y, x_mask):
    # x: [N, 3], y: [M, 3]; pytorch3d-style chamfer with point_reduction='mean'
    d = jnp.sum((x[:, None, :] - y[None, :, :]) ** 2, axis=-1)  # [N, M]
    min_xy = jnp.min(d, axis=1)  # for each x, nearest y
    count = jnp.sum(x_mask)
    loss_xy = jnp.sum(jnp.where(x_mask, min_xy, 0.0)) / count
    loss_yx = jnp.mean(jnp.min(jnp.where(x_mask[:, None], d, jnp.inf), axis=0))  # for each y, nearest x
    return loss_xy + loss_yx


def reference(fg_points, prj_points, x_lengths):
    fg_points = fg_points.astype(jnp.float32)
    prj_points = prj_points.astype(jnp.float32)
    x_lengths = x_lengths.astype(jnp.int32)  # cast, unused (matches torch module)
    loss_list = []
    for n in range(fg_points.shape[0]):
        fg_s = jnp.squeeze(fg_points[n])
        prj_s = jnp.squeeze(prj_points[n])
        condition = fg_s != 10000.0
        row_cond = jnp.all(condition, axis=1)
        loss_cd = _chamfer_distance(fg_s, prj_s, row_cond)
        loss_list.append(loss_cd)
    return jnp.mean(jnp.stack(loss_list))

if __name__ == "__main__":
    import jax
    _d = setup_inputs()
    print(jax.jit(kernel)(*tuple(_d.values())))

</pallas_src>

<mosaic_0001>
#map = affine_map<(d0, d1) -> (0)>
module attributes {stable_mosaic.version = 14 : i64} {
  func.func @_sc_body(%arg0: i32, %arg1: i32, %arg2: memref<98304xf32, #tpu.memory_space<hbm>>, %arg3: memref<98304xf32, #tpu.memory_space<hbm>>, %arg4: memref<32xf32, #tpu.memory_space<hbm>>, %arg5: memref<256xf32, #tpu.memory_space<vmem>>, %arg6: memref<256xf32, #tpu.memory_space<vmem>>, %arg7: memref<256xf32, #tpu.memory_space<vmem>>, %arg8: memref<4096xf32, #tpu.memory_space<vmem>>, %arg9: memref<4096xf32, #tpu.memory_space<vmem>>, %arg10: memref<4096xf32, #tpu.memory_space<vmem>>, %arg11: memref<4096xf32, #tpu.memory_space<vmem>>, %arg12: memref<4096xf32, #tpu.memory_space<vmem>>, %arg13: memref<16xf32, #tpu.memory_space<vmem>>, %arg14: memref<65536xf32, #tpu.memory_space<vmem_shared>>, %arg15: memref<256xf32, #tpu.memory_space<vmem_shared>>, %arg16: memref<256xf32, #tpu.memory_space<vmem_shared>>) attributes {dimension_semantics = [#tpu.dimension_semantics<core_parallel>, #tpu.dimension_semantics<subcore_parallel>], iteration_bounds = array<i64: 2, 16>, scalar_prefetch = 0 : i64, scratch_operands = 12 : i64, tpu.core_type = #tpu.core_type<sc_vector_subcore>, window_params = [{transform_indices = #map}, {transform_indices = #map}, {transform_indices = #map}]} {
    %jit3A = arith.constant 16 : i32
    %div3A = arith.divsi %arg1, %jit3A : i32
    %sign3A = arith.constant 0 : i32
    %sign3A_0 = arith.cmpi sgt, %arg1, %sign3A : i32
    %sign3A_1 = arith.extui %sign3A_0 : i1 to i32
    %sign3A_2 = arith.constant 0 : i32
    %sign3A_3 = arith.cmpi slt, %arg1, %sign3A_2 : i32
    %sign3A_4 = arith.extui %sign3A_3 : i1 to i32
    %sign3A_5 = arith.subi %sign3A_1, %sign3A_4 : i32
    %sign3A_6 = arith.constant 0 : i32
    %sign3A_7 = arith.cmpi sgt, %jit3A, %sign3A_6 : i32
    %sign3A_8 = arith.extui %sign3A_7 : i1 to i32
    %sign3A_9 = arith.constant 0 : i32
    %sign3A_10 = arith.cmpi slt, %jit3A, %sign3A_9 : i32
    %sign3A_11 = arith.extui %sign3A_10 : i1 to i32
    %sign3A_12 = arith.subi %sign3A_8, %sign3A_11 : i32
    %ne3A = arith.cmpi ne, %sign3A_5, %sign3A_12 : i32
    %rem3A = arith.remsi %arg1, %jit3A : i32
    %ne3A_13 = arith.constant 0 : i32
    %ne3A_14 = arith.cmpi ne, %rem3A, %ne3A_13 : i32
    %and3A = arith.andi %ne3A, %ne3A_14 : i1
    %sub3A = arith.constant 1 : i32
    %sub3A_15 = arith.subi %div3A, %sub3A : i32
    %select_n3A = arith.select %and3A, %sub3A_15, %div3A : i32
    %jit3A_16 = arith.constant 16 : i32
    %eq3A = arith.constant 0 : i32
    %eq3A_17 = arith.cmpi eq, %jit3A_16, %eq3A : i32
    %jit3A_18 = arith.constant 1 : i32
    %select_n3A_19 = arith.select %eq3A_17, %jit3A_18, %jit3A_16 : i32
    %rem3A_20 = arith.remsi %arg1, %select_n3A_19 : i32
    %ne3A_21 = arith.constant 0 : i32
    %ne3A_22 = arith.cmpi ne, %rem3A_20, %ne3A_21 : i32
    %lt3A = arith.constant 0 : i32
    %lt3A_23 = arith.cmpi slt, %rem3A_20, %lt3A : i32
    %lt3A_24 = arith.constant 0 : i32
    %lt3A_25 = arith.cmpi slt, %select_n3A_19, %lt3A_24 : i32
    %ne3A_26 = arith.xori %lt3A_23, %lt3A_25 : i1
    %and3A_27 = arith.andi %ne3A_26, %ne3A_22 : i1
    %add3A = arith.addi %rem3A_20, %select_n3A_19 : i32
    %select_n3A_28 = arith.select %and3A_27, %add3A, %rem3A_20 : i32
    %mul3A = arith.constant 1 : i32
    %mul3A_29 = arith.muli %arg0, %mul3A : i32
    %add3A_30 = arith.addi %mul3A_29, %select_n3A : i32
    %add3A_31 = arith.constant 6 : i32
    %add3A_32 = arith.addi %add3A_31, %add3A_30 : i32
    %mul3A_33 = arith.constant 256 : i32
    %mul3A_34 = arith.muli %select_n3A_28, %mul3A_33 : i32
    %mul3A_35 = arith.constant 3 : i32
    %mul3A_36 = arith.muli %add3A_32, %mul3A_35 : i32
    %mul3A_37 = arith.constant 4096 : i32
    %mul3A_38 = arith.muli %mul3A_36, %mul3A_37 : i32
    %add3A_39 = arith.addi %mul3A_38, %mul3A_34 : i32
    %mul3A_40 = arith.constant 3 : i32
    %mul3A_41 = arith.muli %add3A_32, %mul3A_40 : i32
    %mul3A_42 = arith.constant 4096 : i32
    %mul3A_43 = arith.muli %mul3A_41, %mul3A_42 : i32
    "tpu.region"() ({
      %run_scoped3A = tpu.sem_alloc : memref<!tpu.dma_semaphore, #tpu.memory_space<semaphore_mem>>
      %dma_start3A = tpu.memref_slice %arg2[%add3A_39] : memref<98304xf32, #tpu.memory_space<hbm>> -> memref<256xf32, #tpu.memory_space<hbm>>
      %dma_start3A_345 = tpu.memref_slice %arg2[%add3A_39] : memref<98304xf32, #tpu.memory_space<hbm>> -> memref<256xf32, #tpu.memory_space<hbm>>
      tpu.enqueue_dma source(%dma_start3A_345 : memref<256xf32, #tpu.memory_space<hbm>>) target(%arg5 : memref<256xf32, #tpu.memory_space<vmem>>) target_semaphore(%run_scoped3A : memref<!tpu.dma_semaphore, #tpu.memory_space<semaphore_mem>>)
      %dma_wait3A = tpu.memref_slice %arg2[%add3A_39] : memref<98304xf32, #tpu.memory_space<hbm>> -> memref<256xf32, #tpu.memory_space<hbm>>
      %dma_wait3A_346 = tpu.memref_slice %arg2[%add3A_39] : memref<98304xf32, #tpu.memory_space<hbm>> -> memref<256xf32, #tpu.memory_space<hbm>>
      tpu.wait_dma2 semaphore(%run_scoped3A : memref<!tpu.dma_semaphore, #tpu.memory_space<semaphore_mem>>) src(%dma_wait3A_346 : memref<256xf32, #tpu.memory_space<hbm>>) dst(%arg5 : memref<256xf32, #tpu.memory_space<vmem>>)
      tpu.yield
    }) : () -> ()
    %add3A_44 = arith.constant 4096 : i32
    %add3A_45 = arith.addi %add3A_39, %add3A_44 : i32
    "tpu.region"() ({
      %run_scoped3A = tpu.sem_alloc : memref<!tpu.dma_semaphore, #tpu.memory_space<semaphore_mem>>
      %dma_start3A = tpu.memref_slice %arg2[%add3A_45] : memref<98304xf32, #tpu.memory_space<hbm>> -> memref<256xf32, #tpu.memory_space<hbm>>
      %dma_start3A_345 = tpu.memref_slice %arg2[%add3A_45] : memref<98304xf32, #tpu.memory_space<hbm>> -> memref<256xf32, #tpu.memory_space<hbm>>
      tpu.enqueue_dma source(%dma_start3A_345 : memref<256xf32, #tpu.memory_space<hbm>>) target(%arg6 : memref<256xf32, #tpu.memory_space<vmem>>) target_semaphore(%run_scoped3A : memref<!tpu.dma_semaphore, #tpu.memory_space<semaphore_mem>>)
      %dma_wait3A = tpu.memref_slice %arg2[%add3A_45] : memref<98304xf32, #tpu.memory_space<hbm>> -> memref<256xf32, #tpu.memory_space<hbm>>
      %dma_wait3A_346 = tpu.memref_slice %arg2[%add3A_45] : memref<98304xf32, #tpu.memory_space<hbm>> -> memref<256xf32, #tpu.memory_space<hbm>>
      tpu.wait_dma2 semaphore(%run_scoped3A : memref<!tpu.dma_semaphore, #tpu.memory_space<semaphore_mem>>) src(%dma_wait3A_346 : memref<256xf32, #tpu.memory_space<hbm>>) dst(%arg6 : memref<256xf32, #tpu.memory_space<vmem>>)
      tpu.yield
    }) : () -> ()
    %add3A_46 = arith.constant 8192 : i32
    %add3A_47 = arith.addi %add3A_39, %add3A_46 : i32
    "tpu.region"() ({
      %run_scoped3A = tpu.sem_alloc : memref<!tpu.dma_semaphore, #tpu.memory_space<semaphore_mem>>
      %dma_start3A = tpu.memref_slice %arg2[%add3A_47] : memref<98304xf32, #tpu.memory_space<hbm>> -> memref<256xf32, #tpu.memory_space<hbm>>
      %dma_start3A_345 = tpu.memref_slice %arg2[%add3A_47] : memref<98304xf32, #tpu.memory_space<hbm>> -> memref<256xf32, #tpu.memory_space<hbm>>
      tpu.enqueue_dma source(%dma_start3A_345 : memref<256xf32, #tpu.memory_space<hbm>>) target(%arg7 : memref<256xf32, #tpu.memory_space<vmem>>) target_semaphore(%run_scoped3A : memref<!tpu.dma_semaphore, #tpu.memory_space<semaphore_mem>>)
      %dma_wait3A = tpu.memref_slice %arg2[%add3A_47] : memref<98304xf32, #tpu.memory_space<hbm>> -> memref<256xf32, #tpu.memory_space<hbm>>
      %dma_wait3A_346 = tpu.memref_slice %arg2[%add3A_47] : memref<98304xf32, #tpu.memory_space<hbm>> -> memref<256xf32, #tpu.memory_space<hbm>>
      tpu.wait_dma2 semaphore(%run_scoped3A : memref<!tpu.dma_semaphore, #tpu.memory_space<semaphore_mem>>) src(%dma_wait3A_346 : memref<256xf32, #tpu.memory_space<hbm>>) dst(%arg7 : memref<256xf32, #tpu.memory_space<vmem>>)
      tpu.yield
    }) : () -> ()
    "tpu.region"() ({
      %run_scoped3A = tpu.sem_alloc : memref<!tpu.dma_semaphore, #tpu.memory_space<semaphore_mem>>
      %dma_start3A = tpu.memref_slice %arg3[%mul3A_43] : memref<98304xf32, #tpu.memory_space<hbm>> -> memref<4096xf32, #tpu.memory_space<hbm>>
      %dma_start3A_345 = tpu.memref_slice %arg3[%mul3A_43] : memref<98304xf32, #tpu.memory_space<hbm>> -> memref<4096xf32, #tpu.memory_space<hbm>>
      tpu.enqueue_dma source(%dma_start3A_345 : memref<4096xf32, #tpu.memory_space<hbm>>) target(%arg8 : memref<4096xf32, #tpu.memory_space<vmem>>) target_semaphore(%run_scoped3A : memref<!tpu.dma_semaphore, #tpu.memory_space<semaphore_mem>>)
      %dma_wait3A = tpu.memref_slice %arg3[%mul3A_43] : memref<98304xf32, #tpu.memory_space<hbm>> -> memref<4096xf32, #tpu.memory_space<hbm>>
      %dma_wait3A_346 = tpu.memref_slice %arg3[%mul3A_43] : memref<98304xf32, #tpu.memory_space<hbm>> -> memref<4096xf32, #tpu.memory_space<hbm>>
      tpu.wait_dma2 semaphore(%run_scoped3A : memref<!tpu.dma_semaphore, #tpu.memory_space<semaphore_mem>>) src(%dma_wait3A_346 : memref<4096xf32, #tpu.memory_space<hbm>>) dst(%arg8 : memref<4096xf32, #tpu.memory_space<vmem>>)
      tpu.yield
    }) : () -> ()
    %add3A_48 = arith.constant 4096 : i32
    %add3A_49 = arith.addi %mul3A_43, %add3A_48 : i32
    "tpu.region"() ({
      %run_scoped3A = tpu.sem_alloc : memref<!tpu.dma_semaphore, #tpu.memory_space<semaphore_mem>>
      %dma_start3A = tpu.memref_slice %arg3[%add3A_49] : memref<98304xf32, #tpu.memory_space<hbm>> -> memref<4096xf32, #tpu.memory_space<hbm>>
      %dma_start3A_345 = tpu.memref_slice %arg3[%add3A_49] : memref<98304xf32, #tpu.memory_space<hbm>> -> memref<4096xf32, #tpu.memory_space<hbm>>
      tpu.enqueue_dma source(%dma_start3A_345 : memref<4096xf32, #tpu.memory_space<hbm>>) target(%arg9 : memref<4096xf32, #tpu.memory_space<vmem>>) target_semaphore(%run_scoped3A : memref<!tpu.dma_semaphore, #tpu.memory_space<semaphore_mem>>)
      %dma_wait3A = tpu.memref_slice %arg3[%add3A_49] : memref<98304xf32, #tpu.memory_space<hbm>> -> memref<4096xf32, #tpu.memory_space<hbm>>
      %dma_wait3A_346 = tpu.memref_slice %arg3[%add3A_49] : memref<98304xf32, #tpu.memory_space<hbm>> -> memref<4096xf32, #tpu.memory_space<hbm>>
      tpu.wait_dma2 semaphore(%run_scoped3A : memref<!tpu.dma_semaphore, #tpu.memory_space<semaphore_mem>>) src(%dma_wait3A_346 : memref<4096xf32, #tpu.memory_space<hbm>>) dst(%arg9 : memref<4096xf32, #tpu.memory_space<vmem>>)
      tpu.yield
    }) : () -> ()
    %add3A_50 = arith.constant 8192 : i32
    %add3A_51 = arith.addi %mul3A_43, %add3A_50 : i32
    "tpu.region"() ({
      %run_scoped3A = tpu.sem_alloc : memref<!tpu.dma_semaphore, #tpu.memory_space<semaphore_mem>>
      %dma_start3A = tpu.memref_slice %arg3[%add3A_51] : memref<98304xf32, #tpu.memory_space<hbm>> -> memref<4096xf32, #tpu.memory_space<hbm>>
      %dma_start3A_345 = tpu.memref_slice %arg3[%add3A_51] : memref<98304xf32, #tpu.memory_space<hbm>> -> memref<4096xf32, #tpu.memory_space<hbm>>
      tpu.enqueue_dma source(%dma_start3A_345 : memref<4096xf32, #tpu.memory_space<hbm>>) target(%arg10 : memref<4096xf32, #tpu.memory_space<vmem>>) target_semaphore(%run_scoped3A : memref<!tpu.dma_semaphore, #tpu.memory_space<semaphore_mem>>)
      %dma_wait3A = tpu.memref_slice %arg3[%add3A_51] : memref<98304xf32, #tpu.memory_space<hbm>> -> memref<4096xf32, #tpu.memory_space<hbm>>
      %dma_wait3A_346 = tpu.memref_slice %arg3[%add3A_51] : memref<98304xf32, #tpu.memory_space<hbm>> -> memref<4096xf32, #tpu.memory_space<hbm>>
      tpu.wait_dma2 semaphore(%run_scoped3A : memref<!tpu.dma_semaphore, #tpu.memory_space<semaphore_mem>>) src(%dma_wait3A_346 : memref<4096xf32, #tpu.memory_space<hbm>>) dst(%arg10 : memref<4096xf32, #tpu.memory_space<vmem>>)
      tpu.yield
    }) : () -> ()
    %broadcast_in_dim3A = arith.constant 0.000000e+00 : f32
    %broadcast_in_dim3A_52 = vector.broadcast %broadcast_in_dim3A : f32 to vector<16xf32>
    %scan3A = arith.constant 0 : i32
    %scan3A_53 = arith.constant 16 : i32
    %scan3A_54 = arith.addi %scan3A, %scan3A_53 : i32
    %scan3A_55 = arith.constant 1 : i32
    %scan3A_56 = scf.for %scan3A_345 = %scan3A to %scan3A_54 step %scan3A_55 iter_args(%scan3A_346 = %broadcast_in_dim3A_52) -> (vector<16xf32>)  : i32 {
      %mul3A_347 = arith.constant 16 : i32
      %mul3A_348 = arith.muli %scan3A_345, %mul3A_347 : i32
      %get3A = arith.index_cast %mul3A_348 : i32 to index
      %get3A_349 = tpu.vector_load %arg5[%get3A] {strides = array<i32>} : memref<256xf32, #tpu.memory_space<vmem>>, vector<16xf32>,
      %get3A_350 = vector.shape_cast %get3A_349 : vector<16xf32> to vector<16xf32>
      %get3A_351 = arith.index_cast %mul3A_348 : i32 to index
      %get3A_352 = tpu.vector_load %arg6[%get3A_351] {strides = array<i32>} : memref<256xf32, #tpu.memory_space<vmem>>, vector<16xf32>,
      %get3A_353 = vector.shape_cast %get3A_352 : vector<16xf32> to vector<16xf32>
      %get3A_354 = arith.index_cast %mul3A_348 : i32 to index
      %get3A_355 = tpu.vector_load %arg7[%get3A_354] {strides = array<i32>} : memref<256xf32, #tpu.memory_space<vmem>>, vector<16xf32>,
      %get3A_356 = vector.shape_cast %get3A_355 : vector<16xf32> to vector<16xf32>
      %ne3A_357 = arith.constant 1.000000e+04 : f32
      %ne3A_358 = vector.broadcast %ne3A_357 : f32 to vector<16xf32>
      %ne3A_359 = arith.cmpf one, %get3A_350, %ne3A_358 : vector<16xf32>
      %ne3A_360 = arith.constant 1.000000e+04 : f32
      %ne3A_361 = vector.broadcast %ne3A_360 : f32 to vector<16xf32>
      %ne3A_362 = arith.cmpf one, %get3A_353, %ne3A_361 : vector<16xf32>
      %and3A_363 = arith.andi %ne3A_359, %ne3A_362 : vector<16xi1>
      %ne3A_364 = arith.constant 1.000000e+04 : f32
      %ne3A_365 = vector.broadcast %ne3A_364 : f32 to vector<16xf32>
      %ne3A_366 = arith.cmpf one, %get3A_356, %ne3A_365 : vector<16xf32>
      %and3A_367 = arith.andi %and3A_363, %ne3A_366 : vector<16xi1>
      %jit3A_368 = arith.constant 9.99999998E+18 : f32
      %broadcast_in_dim3A_369 = vector.broadcast %jit3A_368 : f32 to vector<16xf32>
      %select_n3A_370 = arith.select %and3A_367, %get3A_350, %broadcast_in_dim3A_369 : vector<16xi1>, vector<16xf32>
      %swap3A_371 = arith.index_cast %mul3A_348 : i32 to index
      %swap3A_372 = tpu.vector_load %arg5[%swap3A_371] {strides = array<i32>} : memref<256xf32, #tpu.memory_space<vmem>>, vector<16xf32>,
      %swap3A_373 = vector.shape_cast %swap3A_372 : vector<16xf32> to vector<16xf32>
      %swap3A_374 = vector.shape_cast %select_n3A_370 : vector<16xf32> to vector<16xf32>
      tpu.vector_store %arg5[%swap3A_371], %swap3A_374 {strides = array<i32>} : memref<256xf32, #tpu.memory_space<vmem>>, vector<16xf32>,
      %jit3A_375 = arith.constant 1.000000e+00 : f32
      %jit3A_376 = arith.constant 0.000000e+00 : f32
      %broadcast_in_dim3A_377 = vector.broadcast %jit3A_375 : f32 to vector<16xf32>
      %broadcast_in_dim3A_378 = vector.broadcast %jit3A_376 : f32 to vector<16xf32>
      %select_n3A_379 = arith.select %and3A_367, %broadcast_in_dim3A_377, %broadcast_in_dim3A_378 : vector<16xi1>, vector<16xf32>
      %add3A_380 = arith.addf %scan3A_346, %select_n3A_379 : vector<16xf32>
      scf.yield %add3A_380 : vector<16xf32>
    }
    %scan3A_57 = arith.constant 16 : i32
    %iota3A = tpu.iota {dimensions = array<i32: 0>} : vector<16xi32>
    %xor3A = arith.constant 8 : i32
    %xor3A_58 = vector.broadcast %xor3A : i32 to vector<16xi32>
    %xor3A_59 = arith.xori %iota3A, %xor3A_58 : vector<16xi32>
    %lt3A_60 = arith.constant 0 : i32
    %lt3A_61 = vector.broadcast %lt3A_60 : i32 to vector<16xi32>
    %lt3A_62 = arith.cmpi slt, %xor3A_59, %lt3A_61 : vector<16xi32>
    %add3A_63 = arith.constant 16 : i32
    %add3A_64 = vector.broadcast %add3A_63 : i32 to vector<16xi32>
    %add3A_65 = arith.addi %xor3A_59, %add3A_64 : vector<16xi32>
    %select_n3A_66 = arith.select %lt3A_62, %add3A_65, %xor3A_59 : vector<16xi1>, vector<16xi32>
    %broadcast_in_dim3A_67 = vector.shape_cast %select_n3A_66 : vector<16xi32> to vector<16x1xi32>
    %gather3A = vector.shape_cast %broadcast_in_dim3A_67 : vector<16x1xi32> to vector<16xi32>
    %gather3A_68 = tpu.dynamic_gather %scan3A_56[%gather3A] in [0] : vector<16xf32>, vector<16xi32> -> vector<16xf32>
    %add3A_69 = arith.addf %scan3A_56, %gather3A_68 : vector<16xf32>
    %xor3A_70 = arith.constant 4 : i32
    %xor3A_71 = vector.broadcast %xor3A_70 : i32 to vector<16xi32>
    %xor3A_72 = arith.xori %iota3A, %xor3A_71 : vector<16xi32>
    %lt3A_73 = arith.constant 0 : i32
    %lt3A_74 = vector.broadcast %lt3A_73 : i32 to vector<16xi32>
    %lt3A_75 = arith.cmpi slt, %xor3A_72, %lt3A_74 : vector<16xi32>
    %add3A_76 = arith.constant 16 : i32
    %add3A_77 = vector.broadcast %add3A_76 : i32 to vector<16xi32>
    %add3A_78 = arith.addi %xor3A_72, %add3A_77 : vector<16xi32>
    %select_n3A_79 = arith.select %lt3A_75, %add3A_78, %xor3A_72 : vector<16xi1>, vector<16xi32>
    %broadcast_in_dim3A_80 = vector.shape_cast %select_n3A_79 : vector<16xi32> to vector<16x1xi32>
    %gather3A_81 = vector.shape_cast %broadcast_in_dim3A_80 : vector<16x1xi32> to vector<16xi32>
    %gather3A_82 = tpu.dynamic_gather %add3A_69[%gather3A_81] in [0] : vector<16xf32>, vector<16xi32> -> vector<16xf32>
    %add3A_83 = arith.addf %add3A_69, %gather3A_82 : vector<16xf32>
    %xor3A_84 = arith.constant 2 : i32
    %xor3A_85 = vector.broadcast %xor3A_84 : i32 to vector<16xi32>
    %xor3A_86 = arith.xori %iota3A, %xor3A_85 : vector<16xi32>
    %lt3A_87 = arith.constant 0 : i32
    %lt3A_88 = vector.broadcast %lt3A_87 : i32 to vector<16xi32>
    %lt3A_89 = arith.cmpi slt, %xor3A_86, %lt3A_88 : vector<16xi32>
    %add3A_90 = arith.constant 16 : i32
    %add3A_91 = vector.broadcast %add3A_90 : i32 to vector<16xi32>
    %add3A_92 = arith.addi %xor3A_86, %add3A_91 : vector<16xi32>
    %select_n3A_93 = arith.select %lt3A_89, %add3A_92, %xor3A_86 : vector<16xi1>, vector<16xi32>
    %broadcast_in_dim3A_94 = vector.shape_cast %select_n3A_93 : vector<16xi32> to vector<16x1xi32>
    %gather3A_95 = vector.shape_cast %broadcast_in_dim3A_94 : vector<16x1xi32> to vector<16xi32>
    %gather3A_96 = tpu.dynamic_gather %add3A_83[%gather3A_95] in [0] : vector<16xf32>, vector<16xi32> -> vector<16xf32>
    %add3A_97 = arith.addf %add3A_83, %gather3A_96 : vector<16xf32>
    %xor3A_98 = arith.constant 1 : i32
    %xor3A_99 = vector.broadcast %xor3A_98 : i32 to vector<16xi32>
    %xor3A_100 = arith.xori %iota3A, %xor3A_99 : vector<16xi32>
    %lt3A_101 = arith.constant 0 : i32
    %lt3A_102 = vector.broadcast %lt3A_101 : i32 to vector<16xi32>
    %lt3A_103 = arith.cmpi slt, %xor3A_100, %lt3A_102 : vector<16xi32>
    %add3A_104 = arith.constant 16 : i32
    %add3A_105 = vector.broadcast %add3A_104 : i32 to vector<16xi32>
    %add3A_106 = arith.addi %xor3A_100, %add3A_105 : vector<16xi32>
    %select_n3A_107 = arith.select %lt3A_103, %add3A_106, %xor3A_100 : vector<16xi1>, vector<16xi32>
    %broadcast_in_dim3A_108 = vector.shape_cast %select_n3A_107 : vector<16xi32> to vector<16x1xi32>
    %gather3A_109 = vector.shape_cast %broadcast_in_dim3A_108 : vector<16x1xi32> to vector<16xi32>
    %gather3A_110 = tpu.dynamic_gather %add3A_97[%gather3A_109] in [0] : vector<16xf32>, vector<16xi32> -> vector<16xf32>
    %add3A_111 = arith.addf %add3A_97, %gather3A_110 : vector<16xf32>
    %slice3A = vector.extract_strided_slice %add3A_111 {offsets = [0], sizes = [1], strides = [1]} : vector<16xf32> to vector<1xf32>
    %squeeze3A = vector.extract %slice3A[0] : f32 from vector<1xf32>
    %scan3A_112 = arith.constant 0 : i32
    %scan3A_113 = arith.constant 0 : i32
    %scan3A_114 = arith.constant 256 : i32
    %scan3A_115 = arith.addi %scan3A_113, %scan3A_114 : i32
    %scan3A_116 = arith.constant 1 : i32
    %scan3A_117 = scf.for %scan3A_345 = %scan3A_113 to %scan3A_115 step %scan3A_116 iter_args(%scan3A_346 = %scan3A_112) -> (i32)  : i32 {
      %broadcast_in_dim3A_347 = arith.constant 0x7F800000 : f32
      %broadcast_in_dim3A_348 = vector.broadcast %broadcast_in_dim3A_347 : f32 to vector<16xf32>
      %mul3A_349 = arith.constant 16 : i32
      %mul3A_350 = arith.muli %scan3A_345, %mul3A_349 : i32
      %swap3A_351 = arith.index_cast %mul3A_350 : i32 to index
      %swap3A_352 = tpu.vector_load %arg11[%swap3A_351] {strides = array<i32>} : memref<4096xf32, #tpu.memory_space<vmem>>, vector<16xf32>,
      %swap3A_353 = vector.shape_cast %swap3A_352 : vector<16xf32> to vector<16xf32>
      %swap3A_354 = vector.shape_cast %broadcast_in_dim3A_348 : vector<16xf32> to vector<16xf32>
      tpu.vector_store %arg11[%swap3A_351], %swap3A_354 {strides = array<i32>} : memref<4096xf32, #tpu.memory_space<vmem>>, vector<16xf32>,
      %scan3A_355 = arith.constant 0 : i32
      scf.yield %scan3A_355 : i32
    }
    %scan3A_118 = arith.constant 256 : i32
    %broadcast_in_dim3A_119 = arith.constant 0x7F800000 : f32
    %broadcast_in_dim3A_120 = vector.broadcast %broadcast_in_dim3A_119 : f32 to vector<16xf32>
    %scan3A_121 = arith.constant 0.000000e+00 : f32
    %scan3A_122 = arith.constant 0 : i32
    %scan3A_123 = arith.constant 16 : i32
    %scan3A_124 = arith.addi %scan3A_122, %scan3A_123 : i32
    %scan3A_125 = arith.constant 1 : i32
    %scan3A_126 = scf.for %scan3A_345 = %scan3A_122 to %scan3A_124 step %scan3A_125 iter_args(%scan3A_346 = %scan3A_121) -> (f32)  : i32 {
      %mul3A_347 = arith.constant 16 : i32
      %mul3A_348 = arith.muli %scan3A_345, %mul3A_347 : i32
      %get3A = arith.index_cast %mul3A_348 : i32 to index
      %get3A_349 = tpu.vector_load %arg5[%get3A] {strides = array<i32>} : memref<256xf32, #tpu.memory_space<vmem>>, vector<16xf32>,
      %get3A_350 = vector.shape_cast %get3A_349 : vector<16xf32> to vector<16xf32>
      %get3A_351 = arith.index_cast %mul3A_348 : i32 to index
      %get3A_352 = tpu.vector_load %arg6[%get3A_351] {strides = array<i32>} : memref<256xf32, #tpu.memory_space<vmem>>, vector<16xf32>,
      %get3A_353 = vector.shape_cast %get3A_352 : vector<16xf32> to vector<16xf32>
      %get3A_354 = arith.index_cast %mul3A_348 : i32 to index
      %get3A_355 = tpu.vector_load %arg7[%get3A_354] {strides = array<i32>} : memref<256xf32, #tpu.memory_space<vmem>>, vector<16xf32>,
      %get3A_356 = vector.shape_cast %get3A_355 : vector<16xf32> to vector<16xf32>
      %slice3A_357 = vector.extract_strided_slice %get3A_350 {offsets = [0], sizes = [1], strides = [1]} : vector<16xf32> to vector<1xf32>
      %squeeze3A_358 = vector.extract %slice3A_357[0] : f32 from vector<1xf32>
      %slice3A_359 = vector.extract_strided_slice %get3A_353 {offsets = [0], sizes = [1], strides = [1]} : vector<16xf32> to vector<1xf32>
      %squeeze3A_360 = vector.extract %slice3A_359[0] : f32 from vector<1xf32>
      %slice3A_361 = vector.extract_strided_slice %get3A_356 {offsets = [0], sizes = [1], strides = [1]} : vector<16xf32> to vector<1xf32>
      %squeeze3A_362 = vector.extract %slice3A_361[0] : f32 from vector<1xf32>
      %slice3A_363 = vector.extract_strided_slice %get3A_350 {offsets = [1], sizes = [1], strides = [1]} : vector<16xf32> to vector<1xf32>
      %squeeze3A_364 = vector.extract %slice3A_363[0] : f32 from vector<1xf32>
      %slice3A_365 = vector.extract_strided_slice %get3A_353 {offsets = [1], sizes = [1], strides = [1]} : vector<16xf32> to vector<1xf32>
      %squeeze3A_366 = vector.extract %slice3A_365[0] : f32 from vector<1xf32>
      %slice3A_367 = vector.extract_strided_slice %get3A_356 {offsets = [1], sizes = [1], strides = [1]} : vector<16xf32> to vector<1xf32>
      %squeeze3A_368 = vector.extract %slice3A_367[0] : f32 from vector<1xf32>
      %slice3A_369 = vector.extract_strided_slice %get3A_350 {offsets = [2], sizes = [1], strides = [1]} : vector<16xf32> to vector<1xf32>
      %squeeze3A_370 = vector.extract %slice3A_369[0] : f32 from vector<1xf32>
      %slice3A_371 = vector.extract_strided_slice %get3A_353 {offsets = [2], sizes = [1], strides = [1]} : vector<16xf32> to vector<1xf32>
      %squeeze3A_372 = vector.extract %slice3A_371[0] : f32 from vector<1xf32>
      %slice3A_373 = vector.extract_strided_slice %get3A_356 {offsets = [2], sizes = [1], strides = [1]} : vector<16xf32> to vector<1xf32>
      %squeeze3A_374 = vector.extract %slice3A_373[0] : f32 from vector<1xf32>
      %slice3A_375 = vector.extract_strided_slice %get3A_350 {offsets = [3], sizes = [1], strides = [1]} : vector<16xf32> to vector<1xf32>
      %squeeze3A_376 = vector.extract %slice3A_375[0] : f32 from vector<1xf32>
      %slice3A_377 = vector.extract_strided_slice %get3A_353 {offsets = [3], sizes = [1], strides = [1]} : vector<16xf32> to vector<1xf32>
      %squeeze3A_378 = vector.extract %slice3A_377[0] : f32 from vector<1xf32>
      %slice3A_379 = vector.extract_strided_slice %get3A_356 {offsets = [3], sizes = [1], strides = [1]} : vector<16xf32> to vector<1xf32>
      %squeeze3A_380 = vector.extract %slice3A_379[0] : f32 from vector<1xf32>
      %slice3A_381 = vector.extract_strided_slice %get3A_350 {offsets = [4], sizes = [1], strides = [1]} : vector<16xf32> to vector<1xf32>
      %squeeze3A_382 = vector.extract %slice3A_381[0] : f32 from vector<1xf32>
      %slice3A_383 = vector.extract_strided_slice %get3A_353 {offsets = [4], sizes = [1], strides = [1]} : vector<16xf32> to vector<1xf32>
      %squeeze3A_384 = vector.extract %slice3A_383[0] : f32 from vector<1xf32>
      %slice3A_385 = vector.extract_strided_slice %get3A_356 {offsets = [4], sizes = [1], strides = [1]} : vector<16xf32> to vector<1xf32>
      %squeeze3A_386 = vector.extract %slice3A_385[0] : f32 from vector<1xf32>
      %slice3A_387 = vector.extract_strided_slice %get3A_350 {offsets = [5], sizes = [1], strides = [1]} : vector<16xf32> to vector<1xf32>
      %squeeze3A_388 = vector.extract %slice3A_387[0] : f32 from vector<1xf32>
      %slice3A_389 = vector.extract_strided_slice %get3A_353 {offsets = [5], sizes = [1], strides = [1]} : vector<16xf32> to vector<1xf32>
      %squeeze3A_390 = vector.extract %slice3A_389[0] : f32 from vector<1xf32>
      %slice3A_391 = vector.extract_strided_slice %get3A_356 {offsets = [5], sizes = [1], strides = [1]} : vector<16xf32> to vector<1xf32>
      %squeeze3A_392 = vector.extract %slice3A_391[0] : f32 from vector<1xf32>
      %slice3A_393 = vector.extract_strided_slice %get3A_350 {offsets = [6], sizes = [1], strides = [1]} : vector<16xf32> to vector<1xf32>
      %squeeze3A_394 = vector.extract %slice3A_393[0] : f32 from vector<1xf32>
      %slice3A_395 = vector.extract_strided_slice %get3A_353 {offsets = [6], sizes = [1], strides = [1]} : vector<16xf32> to vector<1xf32>
      %squeeze3A_396 = vector.extract %slice3A_395[0] : f32 from vector<1xf32>
      %slice3A_397 = vector.extract_strided_slice %get3A_356 {offsets = [6], sizes = [1], strides = [1]} : vector<16xf32> to vector<1xf32>
      %squeeze3A_398 = vector.extract %slice3A_397[0] : f32 from vector<1xf32>
      %slice3A_399 = vector.extract_strided_slice %get3A_350 {offsets = [7], sizes = [1], strides = [1]} : vector<16xf32> to vector<1xf32>
      %squeeze3A_400 = vector.extract %slice3A_399[0] : f32 from vector<1xf32>
      %slice3A_401 = vector.extract_strided_slice %get3A_353 {offsets = [7], sizes = [1], strides = [1]} : vector<16xf32> to vector<1xf32>
      %squeeze3A_402 = vector.extract %slice3A_401[0] : f32 from vector<1xf32>
      %slice3A_403 = vector.extract_strided_slice %get3A_356 {offsets = [7], sizes = [1], strides = [1]} : vector<16xf32> to vector<1xf32>
      %squeeze3A_404 = vector.extract %slice3A_403[0] : f32 from vector<1xf32>
      %slice3A_405 = vector.extract_strided_slice %get3A_350 {offsets = [8], sizes = [1], strides = [1]} : vector<16xf32> to vector<1xf32>
      %squeeze3A_406 = vector.extract %slice3A_405[0] : f32 from vector<1xf32>
      %slice3A_407 = vector.extract_strided_slice %get3A_353 {offsets = [8], sizes = [1], strides = [1]} : vector<16xf32> to vector<1xf32>
      %squeeze3A_408 = vector.extract %slice3A_407[0] : f32 from vector<1xf32>
      %slice3A_409 = vector.extract_strided_slice %get3A_356 {offsets = [8], sizes = [1], strides = [1]} : vector<16xf32> to vector<1xf32>
      %squeeze3A_410 = vector.extract %slice3A_409[0] : f32 from vector<1xf32>
      %slice3A_411 = vector.extract_strided_slice %get3A_350 {offsets = [9], sizes = [1], strides = [1]} : vector<16xf32> to vector<1xf32>
      %squeeze3A_412 = vector.extract %slice3A_411[0] : f32 from vector<1xf32>
      %slice3A_413 = vector.extract_strided_slice %get3A_353 {offsets = [9], sizes = [1], strides = [1]} : vector<16xf32> to vector<1xf32>
      %squeeze3A_414 = vector.extract %slice3A_413[0] : f32 from vector<1xf32>
      %slice3A_415 = vector.extract_strided_slice %get3A_356 {offsets = [9], sizes = [1], strides = [1]} : vector<16xf32> to vector<1xf32>
      %squeeze3A_416 = vector.extract %slice3A_415[0] : f32 from vector<1xf32>
      %slice3A_417 = vector.extract_strided_slice %get3A_350 {offsets = [10], sizes = [1], strides = [1]} : vector<16xf32> to vector<1xf32>
      %squeeze3A_418 = vector.extract %slice3A_417[0] : f32 from vector<1xf32>
      %slice3A_419 = vector.extract_strided_slice %get3A_353 {offsets = [10], sizes = [1], strides = [1]} : vector<16xf32> to vector<1xf32>
      %squeeze3A_420 = vector.extract %slice3A_419[0] : f32 from vector<1xf32>
      %slice3A_421 = vector.extract_strided_slice %get3A_356 {offsets = [10], sizes = [1], strides = [1]} : vector<16xf32> to vector<1xf32>
      %squeeze3A_422 = vector.extract %slice3A_421[0] : f32 from vector<1xf32>
      %slice3A_423 = vector.extract_strided_slice %get3A_350 {offsets = [11], sizes = [1], strides = [1]} : vector<16xf32> to vector<1xf32>
      %squeeze3A_424 = vector.extract %slice3A_423[0] : f32 from vector<1xf32>
      %slice3A_425 = vector.extract_strided_slice %get3A_353 {offsets = [11], sizes = [1], strides = [1]} : vector<16xf32> to vector<1xf32>
      %squeeze3A_426 = vector.extract %slice3A_425[0] : f32 from vector<1xf32>
      %slice3A_427 = vector.extract_strided_slice %get3A_356 {offsets = [11], sizes = [1], strides = [1]} : vector<16xf32> to vector<1xf32>
      %squeeze3A_428 = vector.extract %slice3A_427[0] : f32 from vector<1xf32>
      %slice3A_429 = vector.extract_strided_slice %get3A_350 {offsets = [12], sizes = [1], strides = [1]} : vector<16xf32> to vector<1xf32>
      %squeeze3A_430 = vector.extract %slice3A_429[0] : f32 from vector<1xf32>
      %slice3A_431 = vector.extract_strided_slice %get3A_353 {offsets = [12], sizes = [1], strides = [1]} : vector<16xf32> to vector<1xf32>
      %squeeze3A_432 = vector.extract %slice3A_431[0] : f32 from vector<1xf32>
      %slice3A_433 = vector.extract_strided_slice %get3A_356 {offsets = [12], sizes = [1], strides = [1]} : vector<16xf32> to vector<1xf32>
      %squeeze3A_434 = vector.extract %slice3A_433[0] : f32 from vector<1xf32>
      %slice3A_435 = vector.extract_strided_slice %get3A_350 {offsets = [13], sizes = [1], strides = [1]} : vector<16xf32> to vector<1xf32>
      %squeeze3A_436 = vector.extract %slice3A_435[0] : f32 from vector<1xf32>
      %slice3A_437 = vector.extract_strided_slice %get3A_353 {offsets = [13], sizes = [1], strides = [1]} : vector<16xf32> to vector<1xf32>
      %squeeze3A_438 = vector.extract %slice3A_437[0] : f32 from vector<1xf32>
      %slice3A_439 = vector.extract_strided_slice %get3A_356 {offsets = [13], sizes = [1], strides = [1]} : vector<16xf32> to vector<1xf32>
      %squeeze3A_440 = vector.extract %slice3A_439[0] : f32 from vector<1xf32>
      %slice3A_441 = vector.extract_strided_slice %get3A_350 {offsets = [14], sizes = [1], strides = [1]} : vector<16xf32> to vector<1xf32>
      %squeeze3A_442 = vector.extract %slice3A_441[0] : f32 from vector<1xf32>
      %slice3A_443 = vector.extract_strided_slice %get3A_353 {offsets = [14], sizes = [1], strides = [1]} : vector<16xf32> to vector<1xf32>
      %squeeze3A_444 = vector.extract %slice3A_443[0] : f32 from vector<1xf32>
      %slice3A_445 = vector.extract_strided_slice %get3A_356 {offsets = [14], sizes = [1], strides = [1]} : vector<16xf32> to vector<1xf32>
      %squeeze3A_446 = vector.extract %slice3A_445[0] : f32 from vector<1xf32>
      %slice3A_447 = vector.extract_strided_slice %get3A_350 {offsets = [15], sizes = [1], strides = [1]} : vector<16xf32> to vector<1xf32>
      %squeeze3A_448 = vector.extract %slice3A_447[0] : f32 from vector<1xf32>
      %slice3A_449 = vector.extract_strided_slice %get3A_353 {offsets = [15], sizes = [1], strides = [1]} : vector<16xf32> to vector<1xf32>
      %squeeze3A_450 = vector.extract %slice3A_449[0] : f32 from vector<1xf32>
      %slice3A_451 = vector.extract_strided_slice %get3A_356 {offsets = [15], sizes = [1], strides = [1]} : vector<16xf32> to vector<1xf32>
      %squeeze3A_452 = vector.extract %slice3A_451[0] : f32 from vector<1xf32>
      %scan3A_453 = arith.constant 0 : i32
      %scan3A_454 = arith.constant 256 : i32
      %scan3A_455 = arith.addi %scan3A_453, %scan3A_454 : i32
      %scan3A_456 = arith.constant 2 : i32
      %scan3A_457:8 = scf.for %scan3A_1488 = %scan3A_453 to %scan3A_455 step %scan3A_456 iter_args(%scan3A_1489 = %broadcast_in_dim3A_120, %scan3A_1490 = %broadcast_in_dim3A_120, %scan3A_1491 = %broadcast_in_dim3A_120, %scan3A_1492 = %broadcast_in_dim3A_120, %scan3A_1493 = %broadcast_in_dim3A_120, %scan3A_1494 = %broadcast_in_dim3A_120, %scan3A_1495 = %broadcast_in_dim3A_120, %scan3A_1496 = %broadcast_in_dim3A_120) -> (vector<16xf32>, vector<16xf32>, vector<16xf32>, vector<16xf32>, vector<16xf32>, vector<16xf32>, vector<16xf32>, vector<16xf32>)  : i32 {
        %mul3A_1497 = arith.constant 16 : i32
        %mul3A_1498 = arith.muli %scan3A_1488, %mul3A_1497 : i32
        %get3A_1499 = arith.index_cast %mul3A_1498 : i32 to index
        %get3A_1500 = tpu.vector_load %arg8[%get3A_1499] {strides = array<i32>} : memref<4096xf32, #tpu.memory_space<vmem>>, vector<16xf32>,
        %get3A_1501 = vector.shape_cast %get3A_1500 : vector<16xf32> to vector<16xf32>
        %get3A_1502 = arith.index_cast %mul3A_1498 : i32 to index
        %get3A_1503 = tpu.vector_load %arg9[%get3A_1502] {strides = array<i32>} : memref<4096xf32, #tpu.memory_space<vmem>>, vector<16xf32>,
        %get3A_1504 = vector.shape_cast %get3A_1503 : vector<16xf32> to vector<16xf32>
        %get3A_1505 = arith.index_cast %mul3A_1498 : i32 to index
        %get3A_1506 = tpu.vector_load %arg10[%get3A_1505] {strides = array<i32>} : memref<4096xf32, #tpu.memory_space<vmem>>, vector<16xf32>,
        %get3A_1507 = vector.shape_cast %get3A_1506 : vector<16xf32> to vector<16xf32>
        %sub3A_1508 = vector.broadcast %squeeze3A_358 : f32 to vector<16xf32>
        %sub3A_1509 = arith.subf %get3A_1501, %sub3A_1508 : vector<16xf32>
        %mul3A_1510 = arith.mulf %sub3A_1509, %sub3A_1509 : vector<16xf32>
        %sub3A_1511 = vector.broadcast %squeeze3A_360 : f32 to vector<16xf32>
        %sub3A_1512 = arith.subf %get3A_1504, %sub3A_1511 : vector<16xf32>
        %mul3A_1513 = arith.mulf %sub3A_1512, %sub3A_1512 : vector<16xf32>
        %add3A_1514 = arith.addf %mul3A_1510, %mul3A_1513 : vector<16xf32>
        %sub3A_1515 = vector.broadcast %squeeze3A_362 : f32 to vector<16xf32>
        %sub3A_1516 = arith.subf %get3A_1507, %sub3A_1515 : vector<16xf32>
        %mul3A_1517 = arith.mulf %sub3A_1516, %sub3A_1516 : vector<16xf32>
        %add3A_1518 = arith.addf %add3A_1514, %mul3A_1517 : vector<16xf32>
        %min3A_1519 = arith.minimumf %scan3A_1489, %add3A_1518 : vector<16xf32>
        %sub3A_1520 = vector.broadcast %squeeze3A_364 : f32 to vector<16xf32>
        %sub3A_1521 = arith.subf %get3A_1501, %sub3A_1520 : vector<16xf32>
        %mul3A_1522 = arith.mulf %sub3A_1521, %sub3A_1521 : vector<16xf32>
        %sub3A_1523 = vector.broadcast %squeeze3A_366 : f32 to vector<16xf32>
        %sub3A_1524 = arith.subf %get3A_1504, %sub3A_1523 : vector<16xf32>
        %mul3A_1525 = arith.mulf %sub3A_1524, %sub3A_1524 : vector<16xf32>
        %add3A_1526 = arith.addf %mul3A_1522, %mul3A_1525 : vector<16xf32>
        %sub3A_1527 = vector.broadcast %squeeze3A_368 : f32 to vector<16xf32>
        %sub3A_1528 = arith.subf %get3A_1507, %sub3A_1527 : vector<16xf32>
        %mul3A_1529 = arith.mulf %sub3A_1528, %sub3A_1528 : vector<16xf32>
        %add3A_1530 = arith.addf %add3A_1526, %mul3A_1529 : vector<16xf32>
        %min3A_1531 = arith.minimumf %scan3A_1490, %add3A_1530 : vector<16xf32>
        %min3A_1532 = arith.minimumf %add3A_1518, %add3A_1530 : vector<16xf32>
        %sub3A_1533 = vector.broadcast %squeeze3A_370 : f32 to vector<16xf32>
        %sub3A_1534 = arith.subf %get3A_1501, %sub3A_1533 : vector<16xf32>
        %mul3A_1535 = arith.mulf %sub3A_1534, %sub3A_1534 : vector<16xf32>
        %sub3A_1536 = vector.broadcast %squeeze3A_372 : f32 to vector<16xf32>
        %sub3A_1537 = arith.subf %get3A_1504, %sub3A_1536 : vector<16xf32>
        %mul3A_1538 = arith.mulf %sub3A_1537, %sub3A_1537 : vector<16xf32>
        %add3A_1539 = arith.addf %mul3A_1535, %mul3A_1538 : vector<16xf32>
        %sub3A_1540 = vector.broadcast %squeeze3A_374 : f32 to vector<16xf32>
        %sub3A_1541 = arith.subf %get3A_1507, %sub3A_1540 : vector<16xf32>
        %mul3A_1542 = arith.mulf %sub3A_1541, %sub3A_1541 : vector<16xf32>
        %add3A_1543 = arith.addf %add3A_1539, %mul3A_1542 : vector<16xf32>
        %min3A_1544 = arith.minimumf %scan3A_1491, %add3A_1543 : vector<16xf32>
        %min3A_1545 = arith.minimumf %min3A_1532, %add3A_1543 : vector<16xf32>
        %sub3A_1546 = vector.broadcast %squeeze3A_376 : f32 to vector<16xf32>
        %sub3A_1547 = arith.subf %get3A_1501, %sub3A_1546 : vector<16xf32>
        %mul3A_1548 = arith.mulf %sub3A_1547, %sub3A_1547 : vector<16xf32>
        %sub3A_1549 = vector.broadcast %squeeze3A_378 : f32 to vector<16xf32>
        %sub3A_1550 = arith.subf %get3A_1504, %sub3A_1549 : vector<16xf32>
        %mul3A_1551 = arith.mulf %sub3A_1550, %sub3A_1550 : vector<16xf32>
        %add3A_1552 = arith.addf %mul3A_1548, %mul3A_1551 : vector<16xf32>
        %sub3A_1553 = vector.broadcast %squeeze3A_380 : f32 to vector<16xf32>
        %sub3A_1554 = arith.subf %get3A_1507, %sub3A_1553 : vector<16xf32>
        %mul3A_1555 = arith.mulf %sub3A_1554, %sub3A_1554 : vector<16xf32>
        %add3A_1556 = arith.addf %add3A_1552, %mul3A_1555 : vector<16xf32>
        %min3A_1557 = arith.minimumf %scan3A_1492, %add3A_1556 : vector<16xf32>
        %min3A_1558 = arith.minimumf %min3A_1545, %add3A_1556 : vector<16xf32>
        %sub3A_1559 = vector.broadcast %squeeze3A_382 : f32 to vector<16xf32>
        %sub3A_1560 = arith.subf %get3A_1501, %sub3A_1559 : vector<16xf32>
        %mul3A_1561 = arith.mulf %sub3A_1560, %sub3A_1560 : vector<16xf32>
        %sub3A_1562 = vector.broadcast %squeeze3A_384 : f32 to vector<16xf32>
        %sub3A_1563 = arith.subf %get3A_1504, %sub3A_1562 : vector<16xf32>
        %mul3A_1564 = arith.mulf %sub3A_1563, %sub3A_1563 : vector<16xf32>
        %add3A_1565 = arith.addf %mul3A_1561, %mul3A_1564 : vector<16xf32>
        %sub3A_1566 = vector.broadcast %squeeze3A_386 : f32 to vector<16xf32>
        %sub3A_1567 = arith.subf %get3A_1507, %sub3A_1566 : vector<16xf32>
        %mul3A_1568 = arith.mulf %sub3A_1567, %sub3A_1567 : vector<16xf32>
        %add3A_1569 = arith.addf %add3A_1565, %mul3A_1568 : vector<16xf32>
        %min3A_1570 = arith.minimumf %scan3A_1493, %add3A_1569 : vector<16xf32>
        %min3A_1571 = arith.minimumf %min3A_1558, %add3A_1569 : vector<16xf32>
        %sub3A_1572 = vector.broadcast %squeeze3A_388 : f32 to vector<16xf32>
        %sub3A_1573 = arith.subf %get3A_1501, %sub3A_1572 : vector<16xf32>
        %mul3A_1574 = arith.mulf %sub3A_1573, %sub3A_1573 : vector<16xf32>
        %sub3A_1575 = vector.broadcast %squeeze3A_390 : f32 to vector<16xf32>
        %sub3A_1576 = arith.subf %get3A_1504, %sub3A_1575 : vector<16xf32>
        %mul3A_1577 = arith.mulf %sub3A_1576, %sub3A_1576 : vector<16xf32>
        %add3A_1578 = arith.addf %mul3A_1574, %mul3A_1577 : vector<16xf32>
        %sub3A_1579 = vector.broadcast %squeeze3A_392 : f32 to vector<16xf32>
        %sub3A_1580 = arith.subf %get3A_1507, %sub3A_1579 : vector<16xf32>
        %mul3A_1581 = arith.mulf %sub3A_1580, %sub3A_1580 : vector<16xf32>
        %add3A_1582 = arith.addf %add3A_1578, %mul3A_1581 : vector<16xf32>
        %min3A_1583 = arith.minimumf %scan3A_1494, %add3A_1582 : vector<16xf32>
        %min3A_1584 = arith.minimumf %min3A_1571, %add3A_1582 : vector<16xf32>
        %sub3A_1585 = vector.broadcast %squeeze3A_394 : f32 to vector<16xf32>
        %sub3A_1586 = arith.subf %get3A_1501, %sub3A_1585 : vector<16xf32>
        %mul3A_1587 = arith.mulf %sub3A_1586, %sub3A_1586 : vector<16xf32>
        %sub3A_1588 = vector.broadcast %squeeze3A_396 : f32 to vector<16xf32>
        %sub3A_1589 = arith.subf %get3A_1504, %sub3A_1588 : vector<16xf32>
        %mul3A_1590 = arith.mulf %sub3A_1589, %sub3A_1589 : vector<16xf32>
        %add3A_1591 = arith.addf %mul3A_1587, %mul3A_1590 : vector<16xf32>
        %sub3A_1592 = vector.broadcast %squeeze3A_398 : f32 to vector<16xf32>
        %sub3A_1593 = arith.subf %get3A_1507, %sub3A_1592 : vector<16xf32>
        %mul3A_1594 = arith.mulf %sub3A_1593, %sub3A_1593 : vector<16xf32>
        %add3A_1595 = arith.addf %add3A_1591, %mul3A_1594 : vector<16xf32>
        %min3A_1596 = arith.minimumf %scan3A_1495, %add3A_1595 : vector<16xf32>
        %min3A_1597 = arith.minimumf %min3A_1584, %add3A_1595 : vector<16xf32>
        %sub3A_1598 = vector.broadcast %squeeze3A_400 : f32 to vector<16xf32>
        %sub3A_1599 = arith.subf %get3A_1501, %sub3A_1598 : vector<16xf32>
        %mul3A_1600 = arith.mulf %sub3A_1599, %sub3A_1599 : vector<16xf32>
        %sub3A_1601 = vector.broadcast %squeeze3A_402 : f32 to vector<16xf32>
        %sub3A_1602 = arith.subf %get3A_1504, %sub3A_1601 : vector<16xf32>
        %mul3A_1603 = arith.mulf %sub3A_1602, %sub3A_1602 : vector<16xf32>
        %add3A_1604 = arith.addf %mul3A_1600, %mul3A_1603 : vector<16xf32>
        %sub3A_1605 = vector.broadcast %squeeze3A_404 : f32 to vector<16xf32>
        %sub3A_1606 = arith.subf %get3A_1507, %sub3A_1605 : vector<16xf32>
        %mul3A_1607 = arith.mulf %sub3A_1606, %sub3A_1606 : vector<16xf32>
        %add3A_1608 = arith.addf %add3A_1604, %mul3A_1607 : vector<16xf32>
        %min3A_1609 = arith.minimumf %scan3A_1496, %add3A_1608 : vector<16xf32>
        %min3A_1610 = arith.minimumf %min3A_1597, %add3A_1608 : vector<16xf32>
        %get3A_1611 = arith.index_cast %mul3A_1498 : i32 to index
        %get3A_1612 = tpu.vector_load %arg11[%get3A_1611] {strides = array<i32>} : memref<4096xf32, #tpu.memory_space<vmem>>, vector<16xf32>,
        %get3A_1613 = vector.shape_cast %get3A_1612 : vector<16xf32> to vector<16xf32>
        %min3A_1614 = arith.minimumf %get3A_1613, %min3A_1610 : vector<16xf32>
        %swap3A_1615 = arith.index_cast %mul3A_1498 : i32 to index
        %swap3A_1616 = tpu.vector_load %arg11[%swap3A_1615] {strides = array<i32>} : memref<4096xf32, #tpu.memory_space<vmem>>, vector<16xf32>,
        %swap3A_1617 = vector.shape_cast %swap3A_1616 : vector<16xf32> to vector<16xf32>
        %swap3A_1618 = vector.shape_cast %min3A_1614 : vector<16xf32> to vector<16xf32>
        tpu.vector_store %arg11[%swap3A_1615], %swap3A_1618 {strides = array<i32>} : memref<4096xf32, #tpu.memory_space<vmem>>, vector<16xf32>,
        %scan3A_1619 = arith.constant 1 : i32
        %scan3A_1620 = arith.addi %scan3A_1488, %scan3A_1619 : i32
        %mul3A_1621 = arith.constant 16 : i32
        %mul3A_1622 = arith.muli %scan3A_1620, %mul3A_1621 : i32
        %get3A_1623 = arith.index_cast %mul3A_1622 : i32 to index
        %get3A_1624 = tpu.vector_load %arg8[%get3A_1623] {strides = array<i32>} : memref<4096xf32, #tpu.memory_space<vmem>>, vector<16xf32>,
        %get3A_1625 = vector.shape_cast %get3A_1624 : vector<16xf32> to vector<16xf32>
        %get3A_1626 = arith.index_cast %mul3A_1622 : i32 to index
        %get3A_1627 = tpu.vector_load %arg9[%get3A_1626] {strides = array<i32>} : memref<4096xf32, #tpu.memory_space<vmem>>, vector<16xf32>,
        %get3A_1628 = vector.shape_cast %get3A_1627 : vector<16xf32> to vector<16xf32>
        %get3A_1629 = arith.index_cast %mul3A_1622 : i32 to index
        %get3A_1630 = tpu.vector_load %arg10[%get3A_1629] {strides = array<i32>} : memref<4096xf32, #tpu.memory_space<vmem>>, vector<16xf32>,
        %get3A_1631 = vector.shape_cast %get3A_1630 : vector<16xf32> to vector<16xf32>
        %sub3A_1632 = vector.broadcast %squeeze3A_358 : f32 to vector<16xf32>
        %sub3A_1633 = arith.subf %get3A_1625, %sub3A_1632 : vector<16xf32>
        %mul3A_1634 = arith.mulf %sub3A_1633, %sub3A_1633 : vector<16xf32>
        %sub3A_1635 = vector.broadcast %squeeze3A_360 : f32 to vector<16xf32>
        %sub3A_1636 = arith.subf %get3A_1628, %sub3A_1635 : vector<16xf32>
        %mul3A_1637 = arith.mulf %sub3A_1636, %sub3A_1636 : vector<16xf32>
        %add3A_1638 = arith.addf %mul3A_1634, %mul3A_1637 : vector<16xf32>
        %sub3A_1639 = vector.broadcast %squeeze3A_362 : f32 to vector<16xf32>
        %sub3A_1640 = arith.subf %get3A_1631, %sub3A_1639 : vector<16xf32>
        %mul3A_1641 = arith.mulf %sub3A_1640, %sub3A_1640 : vector<16xf32>
        %add3A_1642 = arith.addf %add3A_1638, %mul3A_1641 : vector<16xf32>
        %min3A_1643 = arith.minimumf %min3A_1519, %add3A_1642 : vector<16xf32>
        %sub3A_1644 = vector.broadcast %squeeze3A_364 : f32 to vector<16xf32>
        %sub3A_1645 = arith.subf %get3A_1625, %sub3A_1644 : vector<16xf32>
        %mul3A_1646 = arith.mulf %sub3A_1645, %sub3A_1645 : vector<16xf32>
        %sub3A_1647 = vector.broadcast %squeeze3A_366 : f32 to vector<16xf32>
        %sub3A_1648 = arith.subf %get3A_1628, %sub3A_1647 : vector<16xf32>
        %mul3A_1649 = arith.mulf %sub3A_1648, %sub3A_1648 : vector<16xf32>
        %add3A_1650 = arith.addf %mul3A_1646, %mul3A_1649 : vector<16xf32>
        %sub3A_1651 = vector.broadcast %squeeze3A_368 : f32 to vector<16xf32>
        %sub3A_1652 = arith.subf %get3A_1631, %sub3A_1651 : vector<16xf32>
        %mul3A_1653 = arith.mulf %sub3A_1652, %sub3A_1652 : vector<16xf32>
        %add3A_1654 = arith.addf %add3A_1650, %mul3A_1653 : vector<16xf32>
        %min3A_1655 = arith.minimumf %min3A_1531, %add3A_1654 : vector<16xf32>
        %min3A_1656 = arith.minimumf %add3A_1642, %add3A_1654 : vector<16xf32>
        %sub3A_1657 = vector.broadcast %squeeze3A_370 : f32 to vector<16xf32>
        %sub3A_1658 = arith.subf %get3A_1625, %sub3A_1657 : vector<16xf32>
        %mul3A_1659 = arith.mulf %sub3A_1658, %sub3A_1658 : vector<16xf32>
        %sub3A_1660 = vector.broadcast %squeeze3A_372 : f32 to vector<16xf32>
        %sub3A_1661 = arith.subf %get3A_1628, %sub3A_1660 : vector<16xf32>
        %mul3A_1662 = arith.mulf %sub3A_1661, %sub3A_1661 : vector<16xf32>
        %add3A_1663 = arith.addf %mul3A_1659, %mul3A_1662 : vector<16xf32>
        %sub3A_1664 = vector.broadcast %squeeze3A_374 : f32 to vector<16xf32>
        %sub3A_1665 = arith.subf %get3A_1631, %sub3A_1664 : vector<16xf32>
        %mul3A_1666 = arith.mulf %sub3A_1665, %sub3A_1665 : vector<16xf32>
        %add3A_1667 = arith.addf %add3A_1663, %mul3A_1666 : vector<16xf32>
        %min3A_1668 = arith.minimumf %min3A_1544, %add3A_1667 : vector<16xf32>
        %min3A_1669 = arith.minimumf %min3A_1656, %add3A_1667 : vector<16xf32>
        %sub3A_1670 = vector.broadcast %squeeze3A_376 : f32 to vector<16xf32>
        %sub3A_1671 = arith.subf %get3A_1625, %sub3A_1670 : vector<16xf32>
        %mul3A_1672 = arith.mulf %sub3A_1671, %sub3A_1671 : vector<16xf32>
        %sub3A_1673 = vector.broadcast %squeeze3A_378 : f32 to vector<16xf32>
        %sub3A_1674 = arith.subf %get3A_1628, %sub3A_1673 : vector<16xf32>
        %mul3A_1675 = arith.mulf %sub3A_1674, %sub3A_1674 : vector<16xf32>
        %add3A_1676 = arith.addf %mul3A_1672, %mul3A_1675 : vector<16xf32>
        %sub3A_1677 = vector.broadcast %squeeze3A_380 : f32 to vector<16xf32>
        %sub3A_1678 = arith.subf %get3A_1631, %sub3A_1677 : vector<16xf32>
        %mul3A_1679 = arith.mulf %sub3A_1678, %sub3A_1678 : vector<16xf32>
        %add3A_1680 = arith.addf %add3A_1676, %mul3A_1679 : vector<16xf32>
        %min3A_1681 = arith.minimumf %min3A_1557, %add3A_1680 : vector<16xf32>
        %min3A_1682 = arith.minimumf %min3A_1669, %add3A_1680 : vector<16xf32>
        %sub3A_1683 = vector.broadcast %squeeze3A_382 : f32 to vector<16xf32>
        %sub3A_1684 = arith.subf %get3A_1625, %sub3A_1683 : vector<16xf32>
        %mul3A_1685 = arith.mulf %sub3A_1684, %sub3A_1684 : vector<16xf32>
        %sub3A_1686 = vector.broadcast %squeeze3A_384 : f32 to vector<16xf32>
        %sub3A_1687 = arith.subf %get3A_1628, %sub3A_1686 : vector<16xf32>
        %mul3A_1688 = arith.mulf %sub3A_1687, %sub3A_1687 : vector<16xf32>
        %add3A_1689 = arith.addf %mul3A_1685, %mul3A_1688 : vector<16xf32>
        %sub3A_1690 = vector.broadcast %squeeze3A_386 : f32 to vector<16xf32>
        %sub3A_1691 = arith.subf %get3A_1631, %sub3A_1690 : vector<16xf32>
        %mul3A_1692 = arith.mulf %sub3A_1691, %sub3A_1691 : vector<16xf32>
        %add3A_1693 = arith.addf %add3A_1689, %mul3A_1692 : vector<16xf32>
        %min3A_1694 = arith.minimumf %min3A_1570, %add3A_1693 : vector<16xf32>
        %min3A_1695 = arith.minimumf %min3A_1682, %add3A_1693 : vector<16xf32>
        %sub3A_1696 = vector.broadcast %squeeze3A_388 : f32 to vector<16xf32>
        %sub3A_1697 = arith.subf %get3A_1625, %sub3A_1696 : vector<16xf32>
        %mul3A_1698 = arith.mulf %sub3A_1697, %sub3A_1697 : vector<16xf32>
        %sub3A_1699 = vector.broadcast %squeeze3A_390 : f32 to vector<16xf32>
        %sub3A_1700 = arith.subf %get3A_1628, %sub3A_1699 : vector<16xf32>
        %mul3A_1701 = arith.mulf %sub3A_1700, %sub3A_1700 : vector<16xf32>
        %add3A_1702 = arith.addf %mul3A_1698, %mul3A_1701 : vector<16xf32>
        %sub3A_1703 = vector.broadcast %squeeze3A_392 : f32 to vector<16xf32>
        %sub3A_1704 = arith.subf %get3A_1631, %sub3A_1703 : vector<16xf32>
        %mul3A_1705 = arith.mulf %sub3A_1704, %sub3A_1704 : vector<16xf32>
        %add3A_1706 = arith.addf %add3A_1702, %mul3A_1705 : vector<16xf32>
        %min3A_1707 = arith.minimumf %min3A_1583, %add3A_1706 : vector<16xf32>
        %min3A_1708 = arith.minimumf %min3A_1695, %add3A_1706 : vector<16xf32>
        %sub3A_1709 = vector.broadcast %squeeze3A_394 : f32 to vector<16xf32>
        %sub3A_1710 = arith.subf %get3A_1625, %sub3A_1709 : vector<16xf32>
        %mul3A_1711 = arith.mulf %sub3A_1710, %sub3A_1710 : vector<16xf32>
        %sub3A_1712 = vector.broadcast %squeeze3A_396 : f32 to vector<16xf32>
        %sub3A_1713 = arith.subf %get3A_1628, %sub3A_1712 : vector<16xf32>
        %mul3A_1714 = arith.mulf %sub3A_1713, %sub3A_1713 : vector<16xf32>
        %add3A_1715 = arith.addf %mul3A_1711, %mul3A_1714 : vector<16xf32>
        %sub3A_1716 = vector.broadcast %squeeze3A_398 : f32 to vector<16xf32>
        %sub3A_1717 = arith.subf %get3A_1631, %sub3A_1716 : vector<16xf32>
        %mul3A_1718 = arith.mulf %sub3A_1717, %sub3A_1717 : vector<16xf32>
        %add3A_1719 = arith.addf %add3A_1715, %mul3A_1718 : vector<16xf32>
        %min3A_1720 = arith.minimumf %min3A_1596, %add3A_1719 : vector<16xf32>
        %min3A_1721 = arith.minimumf %min3A_1708, %add3A_1719 : vector<16xf32>
        %sub3A_1722 = vector.broadcast %squeeze3A_400 : f32 to vector<16xf32>
        %sub3A_1723 = arith.subf %get3A_1625, %sub3A_1722 : vector<16xf32>
        %mul3A_1724 = arith.mulf %sub3A_1723, %sub3A_1723 : vector<16xf32>
        %sub3A_1725 = vector.broadcast %squeeze3A_402 : f32 to vector<16xf32>
        %sub3A_1726 = arith.subf %get3A_1628, %sub3A_1725 : vector<16xf32>
        %mul3A_1727 = arith.mulf %sub3A_1726, %sub3A_1726 : vector<16xf32>
        %add3A_1728 = arith.addf %mul3A_1724, %mul3A_1727 : vector<16xf32>
        %sub3A_1729 = vector.broadcast %squeeze3A_404 : f32 to vector<16xf32>
        %sub3A_1730 = arith.subf %get3A_1631, %sub3A_1729 : vector<16xf32>
        %mul3A_1731 = arith.mulf %sub3A_1730, %sub3A_1730 : vector<16xf32>
        %add3A_1732 = arith.addf %add3A_1728, %mul3A_1731 : vector<16xf32>
        %min3A_1733 = arith.minimumf %min3A_1609, %add3A_1732 : vector<16xf32>
        %min3A_1734 = arith.minimumf %min3A_1721, %add3A_1732 : vector<16xf32>
        %get3A_1735 = arith.index_cast %mul3A_1622 : i32 to index
        %get3A_1736 = tpu.vector_load %arg11[%get3A_1735] {strides = array<i32>} : memref<4096xf32, #tpu.memory_space<vmem>>, vector<16xf32>,
        %get3A_1737 = vector.shape_cast %get3A_1736 : vector<16xf32> to vector<16xf32>
        %min3A_1738 = arith.minimumf %get3A_1737, %min3A_1734 : vector<16xf32>
        %swap3A_1739 = arith.index_cast %mul3A_1622 : i32 to index
        %swap3A_1740 = tpu.vector_load %arg11[%swap3A_1739] {strides = array<i32>} : memref<4096xf32, #tpu.memory_space<vmem>>, vector<16xf32>,
        %swap3A_1741 = vector.shape_cast %swap3A_1740 : vector<16xf32> to vector<16xf32>
        %swap3A_1742 = vector.shape_cast %min3A_1738 : vector<16xf32> to vector<16xf32>
        tpu.vector_store %arg11[%swap3A_1739], %swap3A_1742 {strides = array<i32>} : memref<4096xf32, #tpu.memory_space<vmem>>, vector<16xf32>,
        scf.yield %min3A_1643, %min3A_1655, %min3A_1668, %min3A_1681, %min3A_1694, %min3A_1707, %min3A_1720, %min3A_1733 : vector<16xf32>, vector<16xf32>, vector<16xf32>, vector<16xf32>, vector<16xf32>, vector<16xf32>, vector<16xf32>, vector<16xf32>
      }
      %scan3A_458 = arith.constant 256 : i32
      %iota3A_459 = tpu.iota {dimensions = array<i32: 0>} : vector<16xi32>
      %xor3A_460 = arith.constant 8 : i32
      %xor3A_461 = vector.broadcast %xor3A_460 : i32 to vector<16xi32>
      %xor3A_462 = arith.xori %iota3A_459, %xor3A_461 : vector<16xi32>
      %lt3A_463 = arith.constant 0 : i32
      %lt3A_464 = vector.broadcast %lt3A_463 : i32 to vector<16xi32>
      %lt3A_465 = arith.cmpi slt, %xor3A_462, %lt3A_464 : vector<16xi32>
      %add3A_466 = arith.constant 16 : i32
      %add3A_467 = vector.broadcast %add3A_466 : i32 to vector<16xi32>
      %add3A_468 = arith.addi %xor3A_462, %add3A_467 : vector<16xi32>
      %select_n3A_469 = arith.select %lt3A_465, %add3A_468, %xor3A_462 : vector<16xi1>, vector<16xi32>
      %broadcast_in_dim3A_470 = vector.shape_cast %select_n3A_469 : vector<16xi32> to vector<16x1xi32>
      %gather3A_471 = vector.shape_cast %broadcast_in_dim3A_470 : vector<16x1xi32> to vector<16xi32>
      %gather3A_472 = tpu.dynamic_gather %scan3A_457#0[%gather3A_471] in [0] : vector<16xf32>, vector<16xi32> -> vector<16xf32>
      %min3A = arith.minimumf %scan3A_457#0, %gather3A_472 : vector<16xf32>
      %xor3A_473 = arith.constant 4 : i32
      %xor3A_474 = vector.broadcast %xor3A_473 : i32 to vector<16xi32>
      %xor3A_475 = arith.xori %iota3A_459, %xor3A_474 : vector<16xi32>
      %lt3A_476 = arith.constant 0 : i32
      %lt3A_477 = vector.broadcast %lt3A_476 : i32 to vector<16xi32>
      %lt3A_478 = arith.cmpi slt, %xor3A_475, %lt3A_477 : vector<16xi32>
      %add3A_479 = arith.constant 16 : i32
      %add3A_480 = vector.broadcast %add3A_479 : i32 to vector<16xi32>
      %add3A_481 = arith.addi %xor3A_475, %add3A_480 : vector<16xi32>
      %select_n3A_482 = arith.select %lt3A_478, %add3A_481, %xor3A_475 : vector<16xi1>, vector<16xi32>
      %broadcast_in_dim3A_483 = vector.shape_cast %select_n3A_482 : vector<16xi32> to vector<16x1xi32>
      %gather3A_484 = vector.shape_cast %broadcast_in_dim3A_483 : vector<16x1xi32> to vector<16xi32>
      %gather3A_485 = tpu.dynamic_gather %min3A[%gather3A_484] in [0] : vector<16xf32>, vector<16xi32> -> vector<16xf32>
      %min3A_486 = arith.minimumf %min3A, %gather3A_485 : vector<16xf32>
      %xor3A_487 = arith.constant 2 : i32
      %xor3A_488 = vector.broadcast %xor3A_487 : i32 to vector<16xi32>
      %xor3A_489 = arith.xori %iota3A_459, %xor3A_488 : vector<16xi32>
      %lt3A_490 = arith.constant 0 : i32
      %lt3A_491 = vector.broadcast %lt3A_490 : i32 to vector<16xi32>
      %lt3A_492 = arith.cmpi slt, %xor3A_489, %lt3A_491 : vector<16xi32>
      %add3A_493 = arith.constant 16 : i32
      %add3A_494 = vector.broadcast %add3A_493 : i32 to vector<16xi32>
      %add3A_495 = arith.addi %xor3A_489, %add3A_494 : vector<16xi32>
      %select_n3A_496 = arith.select %lt3A_492, %add3A_495, %xor3A_489 : vector<16xi1>, vector<16xi32>
      %broadcast_in_dim3A_497 = vector.shape_cast %select_n3A_496 : vector<16xi32> to vector<16x1xi32>
      %gather3A_498 = vector.shape_cast %broadcast_in_dim3A_497 : vector<16x1xi32> to vector<16xi32>
      %gather3A_499 = tpu.dynamic_gather %min3A_486[%gather3A_498] in [0] : vector<16xf32>, vector<16xi32> -> vector<16xf32>
      %min3A_500 = arith.minimumf %min3A_486, %gather3A_499 : vector<16xf32>
      %xor3A_501 = arith.constant 1 : i32
      %xor3A_502 = vector.broadcast %xor3A_501 : i32 to vector<16xi32>
      %xor3A_503 = arith.xori %iota3A_459, %xor3A_502 : vector<16xi32>
      %lt3A_504 = arith.constant 0 : i32
      %lt3A_505 = vector.broadcast %lt3A_504 : i32 to vector<16xi32>
      %lt3A_506 = arith.cmpi slt, %xor3A_503, %lt3A_505 : vector<16xi32>
      %add3A_507 = arith.constant 16 : i32
      %add3A_508 = vector.broadcast %add3A_507 : i32 to vector<16xi32>
      %add3A_509 = arith.addi %xor3A_503, %add3A_508 : vector<16xi32>
      %select_n3A_510 = arith.select %lt3A_506, %add3A_509, %xor3A_503 : vector<16xi1>, vector<16xi32>
      %broadcast_in_dim3A_511 = vector.shape_cast %select_n3A_510 : vector<16xi32> to vector<16x1xi32>
      %gather3A_512 = vector.shape_cast %broadcast_in_dim3A_511 : vector<16x1xi32> to vector<16xi32>
      %gather3A_513 = tpu.dynamic_gather %min3A_500[%gather3A_512] in [0] : vector<16xf32>, vector<16xi32> -> vector<16xf32>
      %min3A_514 = arith.minimumf %min3A_500, %gather3A_513 : vector<16xf32>
      %slice3A_515 = vector.extract_strided_slice %min3A_514 {offsets = [0], sizes = [1], strides = [1]} : vector<16xf32> to vector<1xf32>
      %squeeze3A_516 = vector.extract %slice3A_515[0] : f32 from vector<1xf32>
      %lt3A_517 = arith.constant 9.99999984E+17 : f32
      %lt3A_518 = arith.cmpf olt, %squeeze3A_358, %lt3A_517 : f32
      %jit3A_519 = arith.constant 0.000000e+00 : f32
      %select_n3A_520 = arith.select %lt3A_518, %squeeze3A_516, %jit3A_519 : f32
      %add3A_521 = arith.addf %scan3A_346, %select_n3A_520 : f32
      %iota3A_522 = tpu.iota {dimensions = array<i32: 0>} : vector<16xi32>
      %xor3A_523 = arith.constant 8 : i32
      %xor3A_524 = vector.broadcast %xor3A_523 : i32 to vector<16xi32>
      %xor3A_525 = arith.xori %iota3A_522, %xor3A_524 : vector<16xi32>
      %lt3A_526 = arith.constant 0 : i32
      %lt3A_527 = vector.broadcast %lt3A_526 : i32 to vector<16xi32>
      %lt3A_528 = arith.cmpi slt, %xor3A_525, %lt3A_527 : vector<16xi32>
      %add3A_529 = arith.constant 16 : i32
      %add3A_530 = vector.broadcast %add3A_529 : i32 to vector<16xi32>
      %add3A_531 = arith.addi %xor3A_525, %add3A_530 : vector<16xi32>
      %select_n3A_532 = arith.select %lt3A_528, %add3A_531, %xor3A_525 : vector<16xi1>, vector<16xi32>
      %broadcast_in_dim3A_533 = vector.shape_cast %select_n3A_532 : vector<16xi32> to vector<16x1xi32>
      %gather3A_534 = vector.shape_cast %broadcast_in_dim3A_533 : vector<16x1xi32> to vector<16xi32>
      %gather3A_535 = tpu.dynamic_gather %scan3A_457#1[%gather3A_534] in [0] : vector<16xf32>, vector<16xi32> -> vector<16xf32>
      %min3A_536 = arith.minimumf %scan3A_457#1, %gather3A_535 : vector<16xf32>
      %xor3A_537 = arith.constant 4 : i32
      %xor3A_538 = vector.broadcast %xor3A_537 : i32 to vector<16xi32>
      %xor3A_539 = arith.xori %iota3A_522, %xor3A_538 : vector<16xi32>
      %lt3A_540 = arith.constant 0 : i32
      %lt3A_541 = vector.broadcast %lt3A_540 : i32 to vector<16xi32>
      %lt3A_542 = arith.cmpi slt, %xor3A_539, %lt3A_541 : vector<16xi32>
      %add3A_543 = arith.constant 16 : i32
      %add3A_544 = vector.broadcast %add3A_543 : i32 to vector<16xi32>
      %add3A_545 = arith.addi %xor3A_539, %add3A_544 : vector<16xi32>
      %select_n3A_546 = arith.select %lt3A_542, %add3A_545, %xor3A_539 : vector<16xi1>, vector<16xi32>
      %broadcast_in_dim3A_547 = vector.shape_cast %select_n3A_546 : vector<16xi32> to vector<16x1xi32>
      %gather3A_548 = vector.shape_cast %broadcast_in_dim3A_547 : vector<16x1xi32> to vector<16xi32>
      %gather3A_549 = tpu.dynamic_gather %min3A_536[%gather3A_548] in [0] : vector<16xf32>, vector<16xi32> -> vector<16xf32>
      %min3A_550 = arith.minimumf %min3A_536, %gather3A_549 : vector<16xf32>
      %xor3A_551 = arith.constant 2 : i32
      %xor3A_552 = vector.broadcast %xor3A_551 : i32 to vector<16xi32>
      %xor3A_553 = arith.xori %iota3A_522, %xor3A_552 : vector<16xi32>
      %lt3A_554 = arith.constant 0 : i32
      %lt3A_555 = vector.broadcast %lt3A_554 : i32 to vector<16xi32>
      %lt3A_556 = arith.cmpi slt, %xor3A_553, %lt3A_555 : vector<16xi32>
      %add3A_557 = arith.constant 16 : i32
      %add3A_558 = vector.broadcast %add3A_557 : i32 to vector<16xi32>
      %add3A_559 = arith.addi %xor3A_553, %add3A_558 : vector<16xi32>
      %select_n3A_560 = arith.select %lt3A_556, %add3A_559, %xor3A_553 : vector<16xi1>, vector<16xi32>
      %broadcast_in_dim3A_561 = vector.shape_cast %select_n3A_560 : vector<16xi32> to vector<16x1xi32>
      %gather3A_562 = vector.shape_cast %broadcast_in_dim3A_561 : vector<16x1xi32> to vector<16xi32>
      %gather3A_563 = tpu.dynamic_gather %min3A_550[%gather3A_562] in [0] : vector<16xf32>, vector<16xi32> -> vector<16xf32>
      %min3A_564 = arith.minimumf %min3A_550, %gather3A_563 : vector<16xf32>
      %xor3A_565 = arith.constant 1 : i32
      %xor3A_566 = vector.broadcast %xor3A_565 : i32 to vector<16xi32>
      %xor3A_567 = arith.xori %iota3A_522, %xor3A_566 : vector<16xi32>
      %lt3A_568 = arith.constant 0 : i32
      %lt3A_569 = vector.broadcast %lt3A_568 : i32 to vector<16xi32>
      %lt3A_570 = arith.cmpi slt, %xor3A_567, %lt3A_569 : vector<16xi32>
      %add3A_571 = arith.constant 16 : i32
      %add3A_572 = vector.broadcast %add3A_571 : i32 to vector<16xi32>
      %add3A_573 = arith.addi %xor3A_567, %add3A_572 : vector<16xi32>
      %select_n3A_574 = arith.select %lt3A_570, %add3A_573, %xor3A_567 : vector<16xi1>, vector<16xi32>
      %broadcast_in_dim3A_575 = vector.shape_cast %select_n3A_574 : vector<16xi32> to vector<16x1xi32>
      %gather3A_576 = vector.shape_cast %broadcast_in_dim3A_575 : vector<16x1xi32> to vector<16xi32>
      %gather3A_577 = tpu.dynamic_gather %min3A_564[%gather3A_576] in [0] : vector<16xf32>, vector<16xi32> -> vector<16xf32>
      %min3A_578 = arith.minimumf %min3A_564, %gather3A_577 : vector<16xf32>
      %slice3A_579 = vector.extract_strided_slice %min3A_578 {offsets = [0], sizes = [1], strides = [1]} : vector<16xf32> to vector<1xf32>
      %squeeze3A_580 = vector.extract %slice3A_579[0] : f32 from vector<1xf32>
      %lt3A_581 = arith.constant 9.99999984E+17 : f32
      %lt3A_582 = arith.cmpf olt, %squeeze3A_364, %lt3A_581 : f32
      %jit3A_583 = arith.constant 0.000000e+00 : f32
      %select_n3A_584 = arith.select %lt3A_582, %squeeze3A_580, %jit3A_583 : f32
      %add3A_585 = arith.addf %add3A_521, %select_n3A_584 : f32
      %iota3A_586 = tpu.iota {dimensions = array<i32: 0>} : vector<16xi32>
      %xor3A_587 = arith.constant 8 : i32
      %xor3A_588 = vector.broadcast %xor3A_587 : i32 to vector<16xi32>
      %xor3A_589 = arith.xori %iota3A_586, %xor3A_588 : vector<16xi32>
      %lt3A_590 = arith.constant 0 : i32
      %lt3A_591 = vector.broadcast %lt3A_590 : i32 to vector<16xi32>
      %lt3A_592 = arith.cmpi slt, %xor3A_589, %lt3A_591 : vector<16xi32>
      %add3A_593 = arith.constant 16 : i32
      %add3A_594 = vector.broadcast %add3A_593 : i32 to vector<16xi32>
      %add3A_595 = arith.addi %xor3A_589, %add3A_594 : vector<16xi32>
      %select_n3A_596 = arith.select %lt3A_592, %add3A_595, %xor3A_589 : vector<16xi1>, vector<16xi32>
      %broadcast_in_dim3A_597 = vector.shape_cast %select_n3A_596 : vector<16xi32> to vector<16x1xi32>
      %gather3A_598 = vector.shape_cast %broadcast_in_dim3A_597 : vector<16x1xi32> to vector<16xi32>
      %gather3A_599 = tpu.dynamic_gather %scan3A_457#2[%gather3A_598] in [0] : vector<16xf32>, vector<16xi32> -> vector<16xf32>
      %min3A_600 = arith.minimumf %scan3A_457#2, %gather3A_599 : vector<16xf32>
      %xor3A_601 = arith.constant 4 : i32
      %xor3A_602 = vector.broadcast %xor3A_601 : i32 to vector<16xi32>
      %xor3A_603 = arith.xori %iota3A_586, %xor3A_602 : vector<16xi32>
      %lt3A_604 = arith.constant 0 : i32
      %lt3A_605 = vector.broadcast %lt3A_604 : i32 to vector<16xi32>
      %lt3A_606 = arith.cmpi slt, %xor3A_603, %lt3A_605 : vector<16xi32>
      %add3A_607 = arith.constant 16 : i32
      %add3A_608 = vector.broadcast %add3A_607 : i32 to vector<16xi32>
      %add3A_609 = arith.addi %xor3A_603, %add3A_608 : vector<16xi32>
      %select_n3A_610 = arith.select %lt3A_606, %add3A_609, %xor3A_603 : vector<16xi1>, vector<16xi32>
      %broadcast_in_dim3A_611 = vector.shape_cast %select_n3A_610 : vector<16xi32> to vector<16x1xi32>
      %gather3A_612 = vector.shape_cast %broadcast_in_dim3A_611 : vector<16x1xi32> to vector<16xi32>
      %gather3A_613 = tpu.dynamic_gather %min3A_600[%gather3A_612] in [0] : vector<16xf32>, vector<16xi32> -> vector<16xf32>
      %min3A_614 = arith.minimumf %min3A_600, %gather3A_613 : vector<16xf32>
      %xor3A_615 = arith.constant 2 : i32
      %xor3A_616 = vector.broadcast %xor3A_615 : i32 to vector<16xi32>
      %xor3A_617 = arith.xori %iota3A_586, %xor3A_616 : vector<16xi32>
      %lt3A_618 = arith.constant 0 : i32
      %lt3A_619 = vector.broadcast %lt3A_618 : i32 to vector<16xi32>
      %lt3A_620 = arith.cmpi slt, %xor3A_617, %lt3A_619 : vector<16xi32>
      %add3A_621 = arith.constant 16 : i32
      %add3A_622 = vector.broadcast %add3A_621 : i32 to vector<16xi32>
      %add3A_623 = arith.addi %xor3A_617, %add3A_622 : vector<16xi32>
      %select_n3A_624 = arith.select %lt3A_620, %add3A_623, %xor3A_617 : vector<16xi1>, vector<16xi32>
      %broadcast_in_dim3A_625 = vector.shape_cast %select_n3A_624 : vector<16xi32> to vector<16x1xi32>
      %gather3A_626 = vector.shape_cast %broadcast_in_dim3A_625 : vector<16x1xi32> to vector<16xi32>
      %gather3A_627 = tpu.dynamic_gather %min3A_614[%gather3A_626] in [0] : vector<16xf32>, vector<16xi32> -> vector<16xf32>
      %min3A_628 = arith.minimumf %min3A_614, %gather3A_627 : vector<16xf32>
      %xor3A_629 = arith.constant 1 : i32
      %xor3A_630 = vector.broadcast %xor3A_629 : i32 to vector<16xi32>
      %xor3A_631 = arith.xori %iota3A_586, %xor3A_630 : vector<16xi32>
      %lt3A_632 = arith.constant 0 : i32
      %lt3A_633 = vector.broadcast %lt3A_632 : i32 to vector<16xi32>
      %lt3A_634 = arith.cmpi slt, %xor3A_631, %lt3A_633 : vector<16xi32>
      %add3A_635 = arith.constant 16 : i32
      %add3A_636 = vector.broadcast %add3A_635 : i32 to vector<16xi32>
      %add3A_637 = arith.addi %xor3A_631, %add3A_636 : vector<16xi32>
      %select_n3A_638 = arith.select %lt3A_634, %add3A_637, %xor3A_631 : vector<16xi1>, vector<16xi32>
      %broadcast_in_dim3A_639 = vector.shape_cast %select_n3A_638 : vector<16xi32> to vector<16x1xi32>
      %gather3A_640 = vector.shape_cast %broadcast_in_dim3A_639 : vector<16x1xi32> to vector<16xi32>
      %gather3A_641 = tpu.dynamic_gather %min3A_628[%gather3A_640] in [0] : vector<16xf32>, vector<16xi32> -> vector<16xf32>
      %min3A_642 = arith.minimumf %min3A_628, %gather3A_641 : vector<16xf32>
      %slice3A_643 = vector.extract_strided_slice %min3A_642 {offsets = [0], sizes = [1], strides = [1]} : vector<16xf32> to vector<1xf32>
      %squeeze3A_644 = vector.extract %slice3A_643[0] : f32 from vector<1xf32>
      %lt3A_645 = arith.constant 9.99999984E+17 : f32
      %lt3A_646 = arith.cmpf olt, %squeeze3A_370, %lt3A_645 : f32
      %jit3A_647 = arith.constant 0.000000e+00 : f32
      %select_n3A_648 = arith.select %lt3A_646, %squeeze3A_644, %jit3A_647 : f32
      %add3A_649 = arith.addf %add3A_585, %select_n3A_648 : f32
      %iota3A_650 = tpu.iota {dimensions = array<i32: 0>} : vector<16xi32>
      %xor3A_651 = arith.constant 8 : i32
      %xor3A_652 = vector.broadcast %xor3A_651 : i32 to vector<16xi32>
      %xor3A_653 = arith.xori %iota3A_650, %xor3A_652 : vector<16xi32>
      %lt3A_654 = arith.constant 0 : i32
      %lt3A_655 = vector.broadcast %lt3A_654 : i32 to vector<16xi32>
      %lt3A_656 = arith.cmpi slt, %xor3A_653, %lt3A_655 : vector<16xi32>
      %add3A_657 = arith.constant 16 : i32
      %add3A_658 = vector.broadcast %add3A_657 : i32 to vector<16xi32>
      %add3A_659 = arith.addi %xor3A_653, %add3A_658 : vector<16xi32>
      %select_n3A_660 = arith.select %lt3A_656, %add3A_659, %xor3A_653 : vector<16xi1>, vector<16xi32>
      %broadcast_in_dim3A_661 = vector.shape_cast %select_n3A_660 : vector<16xi32> to vector<16x1xi32>
      %gather3A_662 = vector.shape_cast %broadcast_in_dim3A_661 : vector<16x1xi32> to vector<16xi32>
      %gather3A_663 = tpu.dynamic_gather %scan3A_457#3[%gather3A_662] in [0] : vector<16xf32>, vector<16xi32> -> vector<16xf32>
      %min3A_664 = arith.minimumf %scan3A_457#3, %gather3A_663 : vector<16xf32>
      %xor3A_665 = arith.constant 4 : i32
      %xor3A_666 = vector.broadcast %xor3A_665 : i32 to vector<16xi32>
      %xor3A_667 = arith.xori %iota3A_650, %xor3A_666 : vector<16xi32>
      %lt3A_668 = arith.constant 0 : i32
      %lt3A_669 = vector.broadcast %lt3A_668 : i32 to vector<16xi32>
      %lt3A_670 = arith.cmpi slt, %xor3A_667, %lt3A_669 : vector<16xi32>
      %add3A_671 = arith.constant 16 : i32
      %add3A_672 = vector.broadcast %add3A_671 : i32 to vector<16xi32>
      %add3A_673 = arith.addi %xor3A_667, %add3A_672 : vector<16xi32>
      %select_n3A_674 = arith.select %lt3A_670, %add3A_673, %xor3A_667 : vector<16xi1>, vector<16xi32>
      %broadcast_in_dim3A_675 = vector.shape_cast %select_n3A_674 : vector<16xi32> to vector<16x1xi32>
      %gather3A_676 = vector.shape_cast %broadcast_in_dim3A_675 : vector<16x1xi32> to vector<16xi32>
      %gather3A_677 = tpu.dynamic_gather %min3A_664[%gather3A_676] in [0] : vector<16xf32>, vector<16xi32> -> vector<16xf32>
      %min3A_678 = arith.minimumf %min3A_664, %gather3A_677 : vector<16xf32>
      %xor3A_679 = arith.constant 2 : i32
      %xor3A_680 = vector.broadcast %xor3A_679 : i32 to vector<16xi32>
      %xor3A_681 = arith.xori %iota3A_650, %xor3A_680 : vector<16xi32>
      %lt3A_682 = arith.constant 0 : i32
      %lt3A_683 = vector.broadcast %lt3A_682 : i32 to vector<16xi32>
      %lt3A_684 = arith.cmpi slt, %xor3A_681, %lt3A_683 : vector<16xi32>
      %add3A_685 = arith.constant 16 : i32
      %add3A_686 = vector.broadcast %add3A_685 : i32 to vector<16xi32>
      %add3A_687 = arith.addi %xor3A_681, %add3A_686 : vector<16xi32>
      %select_n3A_688 = arith.select %lt3A_684, %add3A_687, %xor3A_681 : vector<16xi1>, vector<16xi32>
      %broadcast_in_dim3A_689 = vector.shape_cast %select_n3A_688 : vector<16xi32> to vector<16x1xi32>
      %gather3A_690 = vector.shape_cast %broadcast_in_dim3A_689 : vector<16x1xi32> to vector<16xi32>
      %gather3A_691 = tpu.dynamic_gather %min3A_678[%gather3A_690] in [0] : vector<16xf32>, vector<16xi32> -> vector<16xf32>
      %min3A_692 = arith.minimumf %min3A_678, %gather3A_691 : vector<16xf32>
      %xor3A_693 = arith.constant 1 : i32
      %xor3A_694 = vector.broadcast %xor3A_693 : i32 to vector<16xi32>
      %xor3A_695 = arith.xori %iota3A_650, %xor3A_694 : vector<16xi32>
      %lt3A_696 = arith.constant 0 : i32
      %lt3A_697 = vector.broadcast %lt3A_696 : i32 to vector<16xi32>
      %lt3A_698 = arith.cmpi slt, %xor3A_695, %lt3A_697 : vector<16xi32>
      %add3A_699 = arith.constant 16 : i32
      %add3A_700 = vector.broadcast %add3A_699 : i32 to vector<16xi32>
      %add3A_701 = arith.addi %xor3A_695, %add3A_700 : vector<16xi32>
      %select_n3A_702 = arith.select %lt3A_698, %add3A_701, %xor3A_695 : vector<16xi1>, vector<16xi32>
      %broadcast_in_dim3A_703 = vector.shape_cast %select_n3A_702 : vector<16xi32> to vector<16x1xi32>
      %gather3A_704 = vector.shape_cast %broadcast_in_dim3A_703 : vector<16x1xi32> to vector<16xi32>
      %gather3A_705 = tpu.dynamic_gather %min3A_692[%gather3A_704] in [0] : vector<16xf32>, vector<16xi32> -> vector<16xf32>
      %min3A_706 = arith.minimumf %min3A_692, %gather3A_705 : vector<16xf32>
      %slice3A_707 = vector.extract_strided_slice %min3A_706 {offsets = [0], sizes = [1], strides = [1]} : vector<16xf32> to vector<1xf32>
      %squeeze3A_708 = vector.extract %slice3A_707[0] : f32 from vector<1xf32>
      %lt3A_709 = arith.constant 9.99999984E+17 : f32
      %lt3A_710 = arith.cmpf olt, %squeeze3A_376, %lt3A_709 : f32
      %jit3A_711 = arith.constant 0.000000e+00 : f32
      %select_n3A_712 = arith.select %lt3A_710, %squeeze3A_708, %jit3A_711 : f32
      %add3A_713 = arith.addf %add3A_649, %select_n3A_712 : f32
      %iota3A_714 = tpu.iota {dimensions = array<i32: 0>} : vector<16xi32>
      %xor3A_715 = arith.constant 8 : i32
      %xor3A_716 = vector.broadcast %xor3A_715 : i32 to vector<16xi32>
      %xor3A_717 = arith.xori %iota3A_714, %xor3A_716 : vector<16xi32>
      %lt3A_718 = arith.constant 0 : i32
      %lt3A_719 = vector.broadcast %lt3A_718 : i32 to vector<16xi32>
      %lt3A_720 = arith.cmpi slt, %xor3A_717, %lt3A_719 : vector<16xi32>
      %add3A_721 = arith.constant 16 : i32
      %add3A_722 = vector.broadcast %add3A_721 : i32 to vector<16xi32>
      %add3A_723 = arith.addi %xor3A_717, %add3A_722 : vector<16xi32>
      %select_n3A_724 = arith.select %lt3A_720, %add3A_723, %xor3A_717 : vector<16xi1>, vector<16xi32>
      %broadcast_in_dim3A_725 = vector.shape_cast %select_n3A_724 : vector<16xi32> to vector<16x1xi32>
      %gather3A_726 = vector.shape_cast %broadcast_in_dim3A_725 : vector<16x1xi32> to vector<16xi32>
      %gather3A_727 = tpu.dynamic_gather %scan3A_457#4[%gather3A_726] in [0] : vector<16xf32>, vector<16xi32> -> vector<16xf32>
      %min3A_728 = arith.minimumf %scan3A_457#4, %gather3A_727 : vector<16xf32>
      %xor3A_729 = arith.constant 4 : i32
      %xor3A_730 = vector.broadcast %xor3A_729 : i32 to vector<16xi32>
      %xor3A_731 = arith.xori %iota3A_714, %xor3A_730 : vector<16xi32>
      %lt3A_732 = arith.constant 0 : i32
      %lt3A_733 = vector.broadcast %lt3A_732 : i32 to vector<16xi32>
      %lt3A_734 = arith.cmpi slt, %xor3A_731, %lt3A_733 : vector<16xi32>
      %add3A_735 = arith.constant 16 : i32
      %add3A_736 = vector.broadcast %add3A_735 : i32 to vector<16xi32>
      %add3A_737 = arith.addi %xor3A_731, %add3A_736 : vector<16xi32>
      %select_n3A_738 = arith.select %lt3A_734, %add3A_737, %xor3A_731 : vector<16xi1>, vector<16xi32>
      %broadcast_in_dim3A_739 = vector.shape_cast %select_n3A_738 : vector<16xi32> to vector<16x1xi32>
      %gather3A_740 = vector.shape_cast %broadcast_in_dim3A_739 : vector<16x1xi32> to vector<16xi32>
      %gather3A_741 = tpu.dynamic_gather %min3A_728[%gather3A_740] in [0] : vector<16xf32>, vector<16xi32> -> vector<16xf32>
      %min3A_742 = arith.minimumf %min3A_728, %gather3A_741 : vector<16xf32>
      %xor3A_743 = arith.constant 2 : i32
      %xor3A_744 = vector.broadcast %xor3A_743 : i32 to vector<16xi32>
      %xor3A_745 = arith.xori %iota3A_714, %xor3A_744 : vector<16xi32>
      %lt3A_746 = arith.constant 0 : i32
      %lt3A_747 = vector.broadcast %lt3A_746 : i32 to vector<16xi32>
      %lt3A_748 = arith.cmpi slt, %xor3A_745, %lt3A_747 : vector<16xi32>
      %add3A_749 = arith.constant 16 : i32
      %add3A_750 = vector.broadcast %add3A_749 : i32 to vector<16xi32>
      %add3A_751 = arith.addi %xor3A_745, %add3A_750 : vector<16xi32>
      %select_n3A_752 = arith.select %lt3A_748, %add3A_751, %xor3A_745 : vector<16xi1>, vector<16xi32>
      %broadcast_in_dim3A_753 = vector.shape_cast %select_n3A_752 : vector<16xi32> to vector<16x1xi32>
      %gather3A_754 = vector.shape_cast %broadcast_in_dim3A_753 : vector<16x1xi32> to vector<16xi32>
      %gather3A_755 = tpu.dynamic_gather %min3A_742[%gather3A_754] in [0] : vector<16xf32>, vector<16xi32> -> vector<16xf32>
      %min3A_756 = arith.minimumf %min3A_742, %gather3A_755 : vector<16xf32>
      %xor3A_757 = arith.constant 1 : i32
      %xor3A_758 = vector.broadcast %xor3A_757 : i32 to vector<16xi32>
      %xor3A_759 = arith.xori %iota3A_714, %xor3A_758 : vector<16xi32>
      %lt3A_760 = arith.constant 0 : i32
      %lt3A_761 = vector.broadcast %lt3A_760 : i32 to vector<16xi32>
      %lt3A_762 = arith.cmpi slt, %xor3A_759, %lt3A_761 : vector<16xi32>
      %add3A_763 = arith.constant 16 : i32
      %add3A_764 = vector.broadcast %add3A_763 : i32 to vector<16xi32>
      %add3A_765 = arith.addi %xor3A_759, %add3A_764 : vector<16xi32>
      %select_n3A_766 = arith.select %lt3A_762, %add3A_765, %xor3A_759 : vector<16xi1>, vector<16xi32>
      %broadcast_in_dim3A_767 = vector.shape_cast %select_n3A_766 : vector<16xi32> to vector<16x1xi32>
      %gather3A_768 = vector.shape_cast %broadcast_in_dim3A_767 : vector<16x1xi32> to vector<16xi32>
      %gather3A_769 = tpu.dynamic_gather %min3A_756[%gather3A_768] in [0] : vector<16xf32>, vector<16xi32> -> vector<16xf32>
      %min3A_770 = arith.minimumf %min3A_756, %gather3A_769 : vector<16xf32>
      %slice3A_771 = vector.extract_strided_slice %min3A_770 {offsets = [0], sizes = [1], strides = [1]} : vector<16xf32> to vector<1xf32>
      %squeeze3A_772 = vector.extract %slice3A_771[0] : f32 from vector<1xf32>
      %lt3A_773 = arith.constant 9.99999984E+17 : f32
      %lt3A_774 = arith.cmpf olt, %squeeze3A_382, %lt3A_773 : f32
      %jit3A_775 = arith.constant 0.000000e+00 : f32
      %select_n3A_776 = arith.select %lt3A_774, %squeeze3A_772, %jit3A_775 : f32
      %add3A_777 = arith.addf %add3A_713, %select_n3A_776 : f32
      %iota3A_778 = tpu.iota {dimensions = array<i32: 0>} : vector<16xi32>
      %xor3A_779 = arith.constant 8 : i32
      %xor3A_780 = vector.broadcast %xor3A_779 : i32 to vector<16xi32>
      %xor3A_781 = arith.xori %iota3A_778, %xor3A_780 : vector<16xi32>
      %lt3A_782 = arith.constant 0 : i32
      %lt3A_783 = vector.broadcast %lt3A_782 : i32 to vector<16xi32>
      %lt3A_784 = arith.cmpi slt, %xor3A_781, %lt3A_783 : vector<16xi32>
      %add3A_785 = arith.constant 16 : i32
      %add3A_786 = vector.broadcast %add3A_785 : i32 to vector<16xi32>
      %add3A_787 = arith.addi %xor3A_781, %add3A_786 : vector<16xi32>
      %select_n3A_788 = arith.select %lt3A_784, %add3A_787, %xor3A_781 : vector<16xi1>, vector<16xi32>
      %broadcast_in_dim3A_789 = vector.shape_cast %select_n3A_788 : vector<16xi32> to vector<16x1xi32>
      %gather3A_790 = vector.shape_cast %broadcast_in_dim3A_789 : vector<16x1xi32> to vector<16xi32>
      %gather3A_791 = tpu.dynamic_gather %scan3A_457#5[%gather3A_790] in [0] : vector<16xf32>, vector<16xi32> -> vector<16xf32>
      %min3A_792 = arith.minimumf %scan3A_457#5, %gather3A_791 : vector<16xf32>
      %xor3A_793 = arith.constant 4 : i32
      %xor3A_794 = vector.broadcast %xor3A_793 : i32 to vector<16xi32>
      %xor3A_795 = arith.xori %iota3A_778, %xor3A_794 : vector<16xi32>
      %lt3A_796 = arith.constant 0 : i32
      %lt3A_797 = vector.broadcast %lt3A_796 : i32 to vector<16xi32>
      %lt3A_798 = arith.cmpi slt, %xor3A_795, %lt3A_797 : vector<16xi32>
      %add3A_799 = arith.constant 16 : i32
      %add3A_800 = vector.broadcast %add3A_799 : i32 to vector<16xi32>
      %add3A_801 = arith.addi %xor3A_795, %add3A_800 : vector<16xi32>
      %select_n3A_802 = arith.select %lt3A_798, %add3A_801, %xor3A_795 : vector<16xi1>, vector<16xi32>
      %broadcast_in_dim3A_803 = vector.shape_cast %select_n3A_802 : vector<16xi32> to vector<16x1xi32>
      %gather3A_804 = vector.shape_cast %broadcast_in_dim3A_803 : vector<16x1xi32> to vector<16xi32>
      %gather3A_805 = tpu.dynamic_gather %min3A_792[%gather3A_804] in [0] : vector<16xf32>, vector<16xi32> -> vector<16xf32>
      %min3A_806 = arith.minimumf %min3A_792, %gather3A_805 : vector<16xf32>
      %xor3A_807 = arith.constant 2 : i32
      %xor3A_808 = vector.broadcast %xor3A_807 : i32 to vector<16xi32>
      %xor3A_809 = arith.xori %iota3A_778, %xor3A_808 : vector<16xi32>
      %lt3A_810 = arith.constant 0 : i32
      %lt3A_811 = vector.broadcast %lt3A_810 : i32 to vector<16xi32>
      %lt3A_812 = arith.cmpi slt, %xor3A_809, %lt3A_811 : vector<16xi32>
      %add3A_813 = arith.constant 16 : i32
      %add3A_814 = vector.broadcast %add3A_813 : i32 to vector<16xi32>
      %add3A_815 = arith.addi %xor3A_809, %add3A_814 : vector<16xi32>
      %select_n3A_816 = arith.select %lt3A_812, %add3A_815, %xor3A_809 : vector<16xi1>, vector<16xi32>
      %broadcast_in_dim3A_817 = vector.shape_cast %select_n3A_816 : vector<16xi32> to vector<16x1xi32>
      %gather3A_818 = vector.shape_cast %broadcast_in_dim3A_817 : vector<16x1xi32> to vector<16xi32>
      %gather3A_819 = tpu.dynamic_gather %min3A_806[%gather3A_818] in [0] : vector<16xf32>, vector<16xi32> -> vector<16xf32>
      %min3A_820 = arith.minimumf %min3A_806, %gather3A_819 : vector<16xf32>
      %xor3A_821 = arith.constant 1 : i32
      %xor3A_822 = vector.broadcast %xor3A_821 : i32 to vector<16xi32>
      %xor3A_823 = arith.xori %iota3A_778, %xor3A_822 : vector<16xi32>
      %lt3A_824 = arith.constant 0 : i32
      %lt3A_825 = vector.broadcast %lt3A_824 : i32 to vector<16xi32>
      %lt3A_826 = arith.cmpi slt, %xor3A_823, %lt3A_825 : vector<16xi32>
      %add3A_827 = arith.constant 16 : i32
      %add3A_828 = vector.broadcast %add3A_827 : i32 to vector<16xi32>
      %add3A_829 = arith.addi %xor3A_823, %add3A_828 : vector<16xi32>
      %select_n3A_830 = arith.select %lt3A_826, %add3A_829, %xor3A_823 : vector<16xi1>, vector<16xi32>
      %broadcast_in_dim3A_831 = vector.shape_cast %select_n3A_830 : vector<16xi32> to vector<16x1xi32>
      %gather3A_832 = vector.shape_cast %broadcast_in_dim3A_831 : vector<16x1xi32> to vector<16xi32>
      %gather3A_833 = tpu.dynamic_gather %min3A_820[%gather3A_832] in [0] : vector<16xf32>, vector<16xi32> -> vector<16xf32>
      %min3A_834 = arith.minimumf %min3A_820, %gather3A_833 : vector<16xf32>
      %slice3A_835 = vector.extract_strided_slice %min3A_834 {offsets = [0], sizes = [1], strides = [1]} : vector<16xf32> to vector<1xf32>
      %squeeze3A_836 = vector.extract %slice3A_835[0] : f32 from vector<1xf32>
      %lt3A_837 = arith.constant 9.99999984E+17 : f32
      %lt3A_838 = arith.cmpf olt, %squeeze3A_388, %lt3A_837 : f32
      %jit3A_839 = arith.constant 0.000000e+00 : f32
      %select_n3A_840 = arith.select %lt3A_838, %squeeze3A_836, %jit3A_839 : f32
      %add3A_841 = arith.addf %add3A_777, %select_n3A_840 : f32
      %iota3A_842 = tpu.iota {dimensions = array<i32: 0>} : vector<16xi32>
      %xor3A_843 = arith.constant 8 : i32
      %xor3A_844 = vector.broadcast %xor3A_843 : i32 to vector<16xi32>
      %xor3A_845 = arith.xori %iota3A_842, %xor3A_844 : vector<16xi32>
      %lt3A_846 = arith.constant 0 : i32
      %lt3A_847 = vector.broadcast %lt3A_846 : i32 to vector<16xi32>
      %lt3A_848 = arith.cmpi slt, %xor3A_845, %lt3A_847 : vector<16xi32>
      %add3A_849 = arith.constant 16 : i32
      %add3A_850 = vector.broadcast %add3A_849 : i32 to vector<16xi32>
      %add3A_851 = arith.addi %xor3A_845, %add3A_850 : vector<16xi32>
      %select_n3A_852 = arith.select %lt3A_848, %add3A_851, %xor3A_845 : vector<16xi1>, vector<16xi32>
      %broadcast_in_dim3A_853 = vector.shape_cast %select_n3A_852 : vector<16xi32> to vector<16x1xi32>
      %gather3A_854 = vector.shape_cast %broadcast_in_dim3A_853 : vector<16x1xi32> to vector<16xi32>
      %gather3A_855 = tpu.dynamic_gather %scan3A_457#6[%gather3A_854] in [0] : vector<16xf32>, vector<16xi32> -> vector<16xf32>
      %min3A_856 = arith.minimumf %scan3A_457#6, %gather3A_855 : vector<16xf32>
      %xor3A_857 = arith.constant 4 : i32
      %xor3A_858 = vector.broadcast %xor3A_857 : i32 to vector<16xi32>
      %xor3A_859 = arith.xori %iota3A_842, %xor3A_858 : vector<16xi32>
      %lt3A_860 = arith.constant 0 : i32
      %lt3A_861 = vector.broadcast %lt3A_860 : i32 to vector<16xi32>
      %lt3A_862 = arith.cmpi slt, %xor3A_859, %lt3A_861 : vector<16xi32>
      %add3A_863 = arith.constant 16 : i32
      %add3A_864 = vector.broadcast %add3A_863 : i32 to vector<16xi32>
      %add3A_865 = arith.addi %xor3A_859, %add3A_864 : vector<16xi32>
      %select_n3A_866 = arith.select %lt3A_862, %add3A_865, %xor3A_859 : vector<16xi1>, vector<16xi32>
      %broadcast_in_dim3A_867 = vector.shape_cast %select_n3A_866 : vector<16xi32> to vector<16x1xi32>
      %gather3A_868 = vector.shape_cast %broadcast_in_dim3A_867 : vector<16x1xi32> to vector<16xi32>
      %gather3A_869 = tpu.dynamic_gather %min3A_856[%gather3A_868] in [0] : vector<16xf32>, vector<16xi32> -> vector<16xf32>
      %min3A_870 = arith.minimumf %min3A_856, %gather3A_869 : vector<16xf32>
      %xor3A_871 = arith.constant 2 : i32
      %xor3A_872 = vector.broadcast %xor3A_871 : i32 to vector<16xi32>
      %xor3A_873 = arith.xori %iota3A_842, %xor3A_872 : vector<16xi32>
      %lt3A_874 = arith.constant 0 : i32
      %lt3A_875 = vector.broadcast %lt3A_874 : i32 to vector<16xi32>
      %lt3A_876 = arith.cmpi slt, %xor3A_873, %lt3A_875 : vector<16xi32>
      %add3A_877 = arith.constant 16 : i32
      %add3A_878 = vector.broadcast %add3A_877 : i32 to vector<16xi32>
      %add3A_879 = arith.addi %xor3A_873, %add3A_878 : vector<16xi32>
      %select_n3A_880 = arith.select %lt3A_876, %add3A_879, %xor3A_873 : vector<16xi1>, vector<16xi32>
      %broadcast_in_dim3A_881 = vector.shape_cast %select_n3A_880 : vector<16xi32> to vector<16x1xi32>
      %gather3A_882 = vector.shape_cast %broadcast_in_dim3A_881 : vector<16x1xi32> to vector<16xi32>
      %gather3A_883 = tpu.dynamic_gather %min3A_870[%gather3A_882] in [0] : vector<16xf32>, vector<16xi32> -> vector<16xf32>
      %min3A_884 = arith.minimumf %min3A_870, %gather3A_883 : vector<16xf32>
      %xor3A_885 = arith.constant 1 : i32
      %xor3A_886 = vector.broadcast %xor3A_885 : i32 to vector<16xi32>
      %xor3A_887 = arith.xori %iota3A_842, %xor3A_886 : vector<16xi32>
      %lt3A_888 = arith.constant 0 : i32
      %lt3A_889 = vector.broadcast %lt3A_888 : i32 to vector<16xi32>
      %lt3A_890 = arith.cmpi slt, %xor3A_887, %lt3A_889 : vector<16xi32>
      %add3A_891 = arith.constant 16 : i32
      %add3A_892 = vector.broadcast %add3A_891 : i32 to vector<16xi32>
      %add3A_893 = arith.addi %xor3A_887, %add3A_892 : vector<16xi32>
      %select_n3A_894 = arith.select %lt3A_890, %add3A_893, %xor3A_887 : vector<16xi1>, vector<16xi32>
      %broadcast_in_dim3A_895 = vector.shape_cast %select_n3A_894 : vector<16xi32> to vector<16x1xi32>
      %gather3A_896 = vector.shape_cast %broadcast_in_dim3A_895 : vector<16x1xi32> to vector<16xi32>
      %gather3A_897 = tpu.dynamic_gather %min3A_884[%gather3A_896] in [0] : vector<16xf32>, vector<16xi32> -> vector<16xf32>
      %min3A_898 = arith.minimumf %min3A_884, %gather3A_897 : vector<16xf32>
      %slice3A_899 = vector.extract_strided_slice %min3A_898 {offsets = [0], sizes = [1], strides = [1]} : vector<16xf32> to vector<1xf32>
      %squeeze3A_900 = vector.extract %slice3A_899[0] : f32 from vector<1xf32>
      %lt3A_901 = arith.constant 9.99999984E+17 : f32
      %lt3A_902 = arith.cmpf olt, %squeeze3A_394, %lt3A_901 : f32
      %jit3A_903 = arith.constant 0.000000e+00 : f32
      %select_n3A_904 = arith.select %lt3A_902, %squeeze3A_900, %jit3A_903 : f32
      %add3A_905 = arith.addf %add3A_841, %select_n3A_904 : f32
      %iota3A_906 = tpu.iota {dimensions = array<i32: 0>} : vector<16xi32>
      %xor3A_907 = arith.constant 8 : i32
      %xor3A_908 = vector.broadcast %xor3A_907 : i32 to vector<16xi32>
      %xor3A_909 = arith.xori %iota3A_906, %xor3A_908 : vector<16xi32>
      %lt3A_910 = arith.constant 0 : i32
      %lt3A_911 = vector.broadcast %lt3A_910 : i32 to vector<16xi32>
      %lt3A_912 = arith.cmpi slt, %xor3A_909, %lt3A_911 : vector<16xi32>
      %add3A_913 = arith.constant 16 : i32
      %add3A_914 = vector.broadcast %add3A_913 : i32 to vector<16xi32>
      %add3A_915 = arith.addi %xor3A_909, %add3A_914 : vector<16xi32>
      %select_n3A_916 = arith.select %lt3A_912, %add3A_915, %xor3A_909 : vector<16xi1>, vector<16xi32>
      %broadcast_in_dim3A_917 = vector.shape_cast %select_n3A_916 : vector<16xi32> to vector<16x1xi32>
      %gather3A_918 = vector.shape_cast %broadcast_in_dim3A_917 : vector<16x1xi32> to vector<16xi32>
      %gather3A_919 = tpu.dynamic_gather %scan3A_457#7[%gather3A_918] in [0] : vector<16xf32>, vector<16xi32> -> vector<16xf32>
      %min3A_920 = arith.minimumf %scan3A_457#7, %gather3A_919 : vector<16xf32>
      %xor3A_921 = arith.constant 4 : i32
      %xor3A_922 = vector.broadcast %xor3A_921 : i32 to vector<16xi32>
      %xor3A_923 = arith.xori %iota3A_906, %xor3A_922 : vector<16xi32>
      %lt3A_924 = arith.constant 0 : i32
      %lt3A_925 = vector.broadcast %lt3A_924 : i32 to vector<16xi32>
      %lt3A_926 = arith.cmpi slt, %xor3A_923, %lt3A_925 : vector<16xi32>
      %add3A_927 = arith.constant 16 : i32
      %add3A_928 = vector.broadcast %add3A_927 : i32 to vector<16xi32>
      %add3A_929 = arith.addi %xor3A_923, %add3A_928 : vector<16xi32>
      %select_n3A_930 = arith.select %lt3A_926, %add3A_929, %xor3A_923 : vector<16xi1>, vector<16xi32>
      %broadcast_in_dim3A_931 = vector.shape_cast %select_n3A_930 : vector<16xi32> to vector<16x1xi32>
      %gather3A_932 = vector.shape_cast %broadcast_in_dim3A_931 : vector<16x1xi32> to vector<16xi32>
      %gather3A_933 = tpu.dynamic_gather %min3A_920[%gather3A_932] in [0] : vector<16xf32>, vector<16xi32> -> vector<16xf32>
      %min3A_934 = arith.minimumf %min3A_920, %gather3A_933 : vector<16xf32>
      %xor3A_935 = arith.constant 2 : i32
      %xor3A_936 = vector.broadcast %xor3A_935 : i32 to vector<16xi32>
      %xor3A_937 = arith.xori %iota3A_906, %xor3A_936 : vector<16xi32>
      %lt3A_938 = arith.constant 0 : i32
      %lt3A_939 = vector.broadcast %lt3A_938 : i32 to vector<16xi32>
      %lt3A_940 = arith.cmpi slt, %xor3A_937, %lt3A_939 : vector<16xi32>
      %add3A_941 = arith.constant 16 : i32
      %add3A_942 = vector.broadcast %add3A_941 : i32 to vector<16xi32>
      %add3A_943 = arith.addi %xor3A_937, %add3A_942 : vector<16xi32>
      %select_n3A_944 = arith.select %lt3A_940, %add3A_943, %xor3A_937 : vector<16xi1>, vector<16xi32>
      %broadcast_in_dim3A_945 = vector.shape_cast %select_n3A_944 : vector<16xi32> to vector<16x1xi32>
      %gather3A_946 = vector.shape_cast %broadcast_in_dim3A_945 : vector<16x1xi32> to vector<16xi32>
      %gather3A_947 = tpu.dynamic_gather %min3A_934[%gather3A_946] in [0] : vector<16xf32>, vector<16xi32> -> vector<16xf32>
      %min3A_948 = arith.minimumf %min3A_934, %gather3A_947 : vector<16xf32>
      %xor3A_949 = arith.constant 1 : i32
      %xor3A_950 = vector.broadcast %xor3A_949 : i32 to vector<16xi32>
      %xor3A_951 = arith.xori %iota3A_906, %xor3A_950 : vector<16xi32>
      %lt3A_952 = arith.constant 0 : i32
      %lt3A_953 = vector.broadcast %lt3A_952 : i32 to vector<16xi32>
      %lt3A_954 = arith.cmpi slt, %xor3A_951, %lt3A_953 : vector<16xi32>
      %add3A_955 = arith.constant 16 : i32
      %add3A_956 = vector.broadcast %add3A_955 : i32 to vector<16xi32>
      %add3A_957 = arith.addi %xor3A_951, %add3A_956 : vector<16xi32>
      %select_n3A_958 = arith.select %lt3A_954, %add3A_957, %xor3A_951 : vector<16xi1>, vector<16xi32>
      %broadcast_in_dim3A_959 = vector.shape_cast %select_n3A_958 : vector<16xi32> to vector<16x1xi32>
      %gather3A_960 = vector.shape_cast %broadcast_in_dim3A_959 : vector<16x1xi32> to vector<16xi32>
      %gather3A_961 = tpu.dynamic_gather %min3A_948[%gather3A_960] in [0] : vector<16xf32>, vector<16xi32> -> vector<16xf32>
      %min3A_962 = arith.minimumf %min3A_948, %gather3A_961 : vector<16xf32>
      %slice3A_963 = vector.extract_strided_slice %min3A_962 {offsets = [0], sizes = [1], strides = [1]} : vector<16xf32> to vector<1xf32>
      %squeeze3A_964 = vector.extract %slice3A_963[0] : f32 from vector<1xf32>
      %lt3A_965 = arith.constant 9.99999984E+17 : f32
      %lt3A_966 = arith.cmpf olt, %squeeze3A_400, %lt3A_965 : f32
      %jit3A_967 = arith.constant 0.000000e+00 : f32
      %select_n3A_968 = arith.select %lt3A_966, %squeeze3A_964, %jit3A_967 : f32
      %add3A_969 = arith.addf %add3A_905, %select_n3A_968 : f32
      %scan3A_970 = arith.constant 0 : i32
      %scan3A_971 = arith.constant 256 : i32
      %scan3A_972 = arith.addi %scan3A_970, %scan3A_971 : i32
      %scan3A_973 = arith.constant 2 : i32
      %scan3A_974:8 = scf.for %scan3A_1488 = %scan3A_970 to %scan3A_972 step %scan3A_973 iter_args(%scan3A_1489 = %broadcast_in_dim3A_120, %scan3A_1490 = %broadcast_in_dim3A_120, %scan3A_1491 = %broadcast_in_dim3A_120, %scan3A_1492 = %broadcast_in_dim3A_120, %scan3A_1493 = %broadcast_in_dim3A_120, %scan3A_1494 = %broadcast_in_dim3A_120, %scan3A_1495 = %broadcast_in_dim3A_120, %scan3A_1496 = %broadcast_in_dim3A_120) -> (vector<16xf32>, vector<16xf32>, vector<16xf32>, vector<16xf32>, vector<16xf32>, vector<16xf32>, vector<16xf32>, vector<16xf32>)  : i32 {
        %mul3A_1497 = arith.constant 16 : i32
        %mul3A_1498 = arith.muli %scan3A_1488, %mul3A_1497 : i32
        %get3A_1499 = arith.index_cast %mul3A_1498 : i32 to index
        %get3A_1500 = tpu.vector_load %arg8[%get3A_1499] {strides = array<i32>} : memref<4096xf32, #tpu.memory_space<vmem>>, vector<16xf32>,
        %get3A_1501 = vector.shape_cast %get3A_1500 : vector<16xf32> to vector<16xf32>
        %get3A_1502 = arith.index_cast %mul3A_1498 : i32 to index
        %get3A_1503 = tpu.vector_load %arg9[%get3A_1502] {strides = array<i32>} : memref<4096xf32, #tpu.memory_space<vmem>>, vector<16xf32>,
        %get3A_1504 = vector.shape_cast %get3A_1503 : vector<16xf32> to vector<16xf32>
        %get3A_1505 = arith.index_cast %mul3A_1498 : i32 to index
        %get3A_1506 = tpu.vector_load %arg10[%get3A_1505] {strides = array<i32>} : memref<4096xf32, #tpu.memory_space<vmem>>, vector<16xf32>,
        %get3A_1507 = vector.shape_cast %get3A_1506 : vector<16xf32> to vector<16xf32>
        %sub3A_1508 = vector.broadcast %squeeze3A_406 : f32 to vector<16xf32>
        %sub3A_1509 = arith.subf %get3A_1501, %sub3A_1508 : vector<16xf32>
        %mul3A_1510 = arith.mulf %sub3A_1509, %sub3A_1509 : vector<16xf32>
        %sub3A_1511 = vector.broadcast %squeeze3A_408 : f32 to vector<16xf32>
        %sub3A_1512 = arith.subf %get3A_1504, %sub3A_1511 : vector<16xf32>
        %mul3A_1513 = arith.mulf %sub3A_1512, %sub3A_1512 : vector<16xf32>
        %add3A_1514 = arith.addf %mul3A_1510, %mul3A_1513 : vector<16xf32>
        %sub3A_1515 = vector.broadcast %squeeze3A_410 : f32 to vector<16xf32>
        %sub3A_1516 = arith.subf %get3A_1507, %sub3A_1515 : vector<16xf32>
        %mul3A_1517 = arith.mulf %sub3A_1516, %sub3A_1516 : vector<16xf32>
        %add3A_1518 = arith.addf %add3A_1514, %mul3A_1517 : vector<16xf32>
        %min3A_1519 = arith.minimumf %scan3A_1489, %add3A_1518 : vector<16xf32>
        %sub3A_1520 = vector.broadcast %squeeze3A_412 : f32 to vector<16xf32>
        %sub3A_1521 = arith.subf %get3A_1501, %sub3A_1520 : vector<16xf32>
        %mul3A_1522 = arith.mulf %sub3A_1521, %sub3A_1521 : vector<16xf32>
        %sub3A_1523 = vector.broadcast %squeeze3A_414 : f32 to vector<16xf32>
        %sub3A_1524 = arith.subf %get3A_1504, %sub3A_1523 : vector<16xf32>
        %mul3A_1525 = arith.mulf %sub3A_1524, %sub3A_1524 : vector<16xf32>
        %add3A_1526 = arith.addf %mul3A_1522, %mul3A_1525 : vector<16xf32>
        %sub3A_1527 = vector.broadcast %squeeze3A_416 : f32 to vector<16xf32>
        %sub3A_1528 = arith.subf %get3A_1507, %sub3A_1527 : vector<16xf32>
        %mul3A_1529 = arith.mulf %sub3A_1528, %sub3A_1528 : vector<16xf32>
        %add3A_1530 = arith.addf %add3A_1526, %mul3A_1529 : vector<16xf32>
        %min3A_1531 = arith.minimumf %scan3A_1490, %add3A_1530 : vector<16xf32>
        %min3A_1532 = arith.minimumf %add3A_1518, %add3A_1530 : vector<16xf32>
        %sub3A_1533 = vector.broadcast %squeeze3A_418 : f32 to vector<16xf32>
        %sub3A_1534 = arith.subf %get3A_1501, %sub3A_1533 : vector<16xf32>
        %mul3A_1535 = arith.mulf %sub3A_1534, %sub3A_1534 : vector<16xf32>
        %sub3A_1536 = vector.broadcast %squeeze3A_420 : f32 to vector<16xf32>
        %sub3A_1537 = arith.subf %get3A_1504, %sub3A_1536 : vector<16xf32>
        %mul3A_1538 = arith.mulf %sub3A_1537, %sub3A_1537 : vector<16xf32>
        %add3A_1539 = arith.addf %mul3A_1535, %mul3A_1538 : vector<16xf32>
        %sub3A_1540 = vector.broadcast %squeeze3A_422 : f32 to vector<16xf32>
        %sub3A_1541 = arith.subf %get3A_1507, %sub3A_1540 : vector<16xf32>
        %mul3A_1542 = arith.mulf %sub3A_1541, %sub3A_1541 : vector<16xf32>
        %add3A_1543 = arith.addf %add3A_1539, %mul3A_1542 : vector<16xf32>
        %min3A_1544 = arith.minimumf %scan3A_1491, %add3A_1543 : vector<16xf32>
        %min3A_1545 = arith.minimumf %min3A_1532, %add3A_1543 : vector<16xf32>
        %sub3A_1546 = vector.broadcast %squeeze3A_424 : f32 to vector<16xf32>
        %sub3A_1547 = arith.subf %get3A_1501, %sub3A_1546 : vector<16xf32>
        %mul3A_1548 = arith.mulf %sub3A_1547, %sub3A_1547 : vector<16xf32>
        %sub3A_1549 = vector.broadcast %squeeze3A_426 : f32 to vector<16xf32>
        %sub3A_1550 = arith.subf %get3A_1504, %sub3A_1549 : vector<16xf32>
        %mul3A_1551 = arith.mulf %sub3A_1550, %sub3A_1550 : vector<16xf32>
        %add3A_1552 = arith.addf %mul3A_1548, %mul3A_1551 : vector<16xf32>
        %sub3A_1553 = vector.broadcast %squeeze3A_428 : f32 to vector<16xf32>
        %sub3A_1554 = arith.subf %get3A_1507, %sub3A_1553 : vector<16xf32>
        %mul3A_1555 = arith.mulf %sub3A_1554, %sub3A_1554 : vector<16xf32>
        %add3A_1556 = arith.addf %add3A_1552, %mul3A_1555 : vector<16xf32>
        %min3A_1557 = arith.minimumf %scan3A_1492, %add3A_1556 : vector<16xf32>
        %min3A_1558 = arith.minimumf %min3A_1545, %add3A_1556 : vector<16xf32>
        %sub3A_1559 = vector.broadcast %squeeze3A_430 : f32 to vector<16xf32>
        %sub3A_1560 = arith.subf %get3A_1501, %sub3A_1559 : vector<16xf32>
        %mul3A_1561 = arith.mulf %sub3A_1560, %sub3A_1560 : vector<16xf32>
        %sub3A_1562 = vector.broadcast %squeeze3A_432 : f32 to vector<16xf32>
        %sub3A_1563 = arith.subf %get3A_1504, %sub3A_1562 : vector<16xf32>
        %mul3A_1564 = arith.mulf %sub3A_1563, %sub3A_1563 : vector<16xf32>
        %add3A_1565 = arith.addf %mul3A_1561, %mul3A_1564 : vector<16xf32>
        %sub3A_1566 = vector.broadcast %squeeze3A_434 : f32 to vector<16xf32>
        %sub3A_1567 = arith.subf %get3A_1507, %sub3A_1566 : vector<16xf32>
        %mul3A_1568 = arith.mulf %sub3A_1567, %sub3A_1567 : vector<16xf32>
        %add3A_1569 = arith.addf %add3A_1565, %mul3A_1568 : vector<16xf32>
        %min3A_1570 = arith.minimumf %scan3A_1493, %add3A_1569 : vector<16xf32>
        %min3A_1571 = arith.minimumf %min3A_1558, %add3A_1569 : vector<16xf32>
        %sub3A_1572 = vector.broadcast %squeeze3A_436 : f32 to vector<16xf32>
        %sub3A_1573 = arith.subf %get3A_1501, %sub3A_1572 : vector<16xf32>
        %mul3A_1574 = arith.mulf %sub3A_1573, %sub3A_1573 : vector<16xf32>
        %sub3A_1575 = vector.broadcast %squeeze3A_438 : f32 to vector<16xf32>
        %sub3A_1576 = arith.subf %get3A_1504, %sub3A_1575 : vector<16xf32>
        %mul3A_1577 = arith.mulf %sub3A_1576, %sub3A_1576 : vector<16xf32>
        %add3A_1578 = arith.addf %mul3A_1574, %mul3A_1577 : vector<16xf32>
        %sub3A_1579 = vector.broadcast %squeeze3A_440 : f32 to vector<16xf32>
        %sub3A_1580 = arith.subf %get3A_1507, %sub3A_1579 : vector<16xf32>
        %mul3A_1581 = arith.mulf %sub3A_1580, %sub3A_1580 : vector<16xf32>
        %add3A_1582 = arith.addf %add3A_1578, %mul3A_1581 : vector<16xf32>
        %min3A_1583 = arith.minimumf %scan3A_1494, %add3A_1582 : vector<16xf32>
        %min3A_1584 = arith.minimumf %min3A_1571, %add3A_1582 : vector<16xf32>
        %sub3A_1585 = vector.broadcast %squeeze3A_442 : f32 to vector<16xf32>
        %sub3A_1586 = arith.subf %get3A_1501, %sub3A_1585 : vector<16xf32>
        %mul3A_1587 = arith.mulf %sub3A_1586, %sub3A_1586 : vector<16xf32>
        %sub3A_1588 = vector.broadcast %squeeze3A_444 : f32 to vector<16xf32>
        %sub3A_1589 = arith.subf %get3A_1504, %sub3A_1588 : vector<16xf32>
        %mul3A_1590 = arith.mulf %sub3A_1589, %sub3A_1589 : vector<16xf32>
        %add3A_1591 = arith.addf %mul3A_1587, %mul3A_1590 : vector<16xf32>
        %sub3A_1592 = vector.broadcast %squeeze3A_446 : f32 to vector<16xf32>
        %sub3A_1593 = arith.subf %get3A_1507, %sub3A_1592 : vector<16xf32>
        %mul3A_1594 = arith.mulf %sub3A_1593, %sub3A_1593 : vector<16xf32>
        %add3A_1595 = arith.addf %add3A_1591, %mul3A_1594 : vector<16xf32>
        %min3A_1596 = arith.minimumf %scan3A_1495, %add3A_1595 : vector<16xf32>
        %min3A_1597 = arith.minimumf %min3A_1584, %add3A_1595 : vector<16xf32>
        %sub3A_1598 = vector.broadcast %squeeze3A_448 : f32 to vector<16xf32>
        %sub3A_1599 = arith.subf %get3A_1501, %sub3A_1598 : vector<16xf32>
        %mul3A_1600 = arith.mulf %sub3A_1599, %sub3A_1599 : vector<16xf32>
        %sub3A_1601 = vector.broadcast %squeeze3A_450 : f32 to vector<16xf32>
        %sub3A_1602 = arith.subf %get3A_1504, %sub3A_1601 : vector<16xf32>
        %mul3A_1603 = arith.mulf %sub3A_1602, %sub3A_1602 : vector<16xf32>
        %add3A_1604 = arith.addf %mul3A_1600, %mul3A_1603 : vector<16xf32>
        %sub3A_1605 = vector.broadcast %squeeze3A_452 : f32 to vector<16xf32>
        %sub3A_1606 = arith.subf %get3A_1507, %sub3A_1605 : vector<16xf32>
        %mul3A_1607 = arith.mulf %sub3A_1606, %sub3A_1606 : vector<16xf32>
        %add3A_1608 = arith.addf %add3A_1604, %mul3A_1607 : vector<16xf32>
        %min3A_1609 = arith.minimumf %scan3A_1496, %add3A_1608 : vector<16xf32>
        %min3A_1610 = arith.minimumf %min3A_1597, %add3A_1608 : vector<16xf32>
        %get3A_1611 = arith.index_cast %mul3A_1498 : i32 to index
        %get3A_1612 = tpu.vector_load %arg11[%get3A_1611] {strides = array<i32>} : memref<4096xf32, #tpu.memory_space<vmem>>, vector<16xf32>,
        %get3A_1613 = vector.shape_cast %get3A_1612 : vector<16xf32> to vector<16xf32>
        %min3A_1614 = arith.minimumf %get3A_1613, %min3A_1610 : vector<16xf32>
        %swap3A_1615 = arith.index_cast %mul3A_1498 : i32 to index
        %swap3A_1616 = tpu.vector_load %arg11[%swap3A_1615] {strides = array<i32>} : memref<4096xf32, #tpu.memory_space<vmem>>, vector<16xf32>,
        %swap3A_1617 = vector.shape_cast %swap3A_1616 : vector<16xf32> to vector<16xf32>
        %swap3A_1618 = vector.shape_cast %min3A_1614 : vector<16xf32> to vector<16xf32>
        tpu.vector_store %arg11[%swap3A_1615], %swap3A_1618 {strides = array<i32>} : memref<4096xf32, #tpu.memory_space<vmem>>, vector<16xf32>,
        %scan3A_1619 = arith.constant 1 : i32
        %scan3A_1620 = arith.addi %scan3A_1488, %scan3A_1619 : i32
        %mul3A_1621 = arith.constant 16 : i32
        %mul3A_1622 = arith.muli %scan3A_1620, %mul3A_1621 : i32
        %get3A_1623 = arith.index_cast %mul3A_1622 : i32 to index
        %get3A_1624 = tpu.vector_load %arg8[%get3A_1623] {strides = array<i32>} : memref<4096xf32, #tpu.memory_space<vmem>>, vector<16xf32>,
        %get3A_1625 = vector.shape_cast %get3A_1624 : vector<16xf32> to vector<16xf32>
        %get3A_1626 = arith.index_cast %mul3A_1622 : i32 to index
        %get3A_1627 = tpu.vector_load %arg9[%get3A_1626] {strides = array<i32>} : memref<4096xf32, #tpu.memory_space<vmem>>, vector<16xf32>,
        %get3A_1628 = vector.shape_cast %get3A_1627 : vector<16xf32> to vector<16xf32>
        %get3A_1629 = arith.index_cast %mul3A_1622 : i32 to index
        %get3A_1630 = tpu.vector_load %arg10[%get3A_1629] {strides = array<i32>} : memref<4096xf32, #tpu.memory_space<vmem>>, vector<16xf32>,
        %get3A_1631 = vector.shape_cast %get3A_1630 : vector<16xf32> to vector<16xf32>
        %sub3A_1632 = vector.broadcast %squeeze3A_406 : f32 to vector<16xf32>
        %sub3A_1633 = arith.subf %get3A_1625, %sub3A_1632 : vector<16xf32>
        %mul3A_1634 = arith.mulf %sub3A_1633, %sub3A_1633 : vector<16xf32>
        %sub3A_1635 = vector.broadcast %squeeze3A_408 : f32 to vector<16xf32>
        %sub3A_1636 = arith.subf %get3A_1628, %sub3A_1635 : vector<16xf32>
        %mul3A_1637 = arith.mulf %sub3A_1636, %sub3A_1636 : vector<16xf32>
        %add3A_1638 = arith.addf %mul3A_1634, %mul3A_1637 : vector<16xf32>
        %sub3A_1639 = vector.broadcast %squeeze3A_410 : f32 to vector<16xf32>
        %sub3A_1640 = arith.subf %get3A_1631, %sub3A_1639 : vector<16xf32>
        %mul3A_1641 = arith.mulf %sub3A_1640, %sub3A_1640 : vector<16xf32>
        %add3A_1642 = arith.addf %add3A_1638, %mul3A_1641 : vector<16xf32>
        %min3A_1643 = arith.minimumf %min3A_1519, %add3A_1642 : vector<16xf32>
        %sub3A_1644 = vector.broadcast %squeeze3A_412 : f32 to vector<16xf32>
        %sub3A_1645 = arith.subf %get3A_1625, %sub3A_1644 : vector<16xf32>
        %mul3A_1646 = arith.mulf %sub3A_1645, %sub3A_1645 : vector<16xf32>
        %sub3A_1647 = vector.broadcast %squeeze3A_414 : f32 to vector<16xf32>
        %sub3A_1648 = arith.subf %get3A_1628, %sub3A_1647 : vector<16xf32>
        %mul3A_1649 = arith.mulf %sub3A_1648, %sub3A_1648 : vector<16xf32>
        %add3A_1650 = arith.addf %mul3A_1646, %mul3A_1649 : vector<16xf32>
        %sub3A_1651 = vector.broadcast %squeeze3A_416 : f32 to vector<16xf32>
        %sub3A_1652 = arith.subf %get3A_1631, %sub3A_1651 : vector<16xf32>
        %mul3A_1653 = arith.mulf %sub3A_1652, %sub3A_1652 : vector<16xf32>
        %add3A_1654 = arith.addf %add3A_1650, %mul3A_1653 : vector<16xf32>
        %min3A_1655 = arith.minimumf %min3A_1531, %add3A_1654 : vector<16xf32>
        %min3A_1656 = arith.minimumf %add3A_1642, %add3A_1654 : vector<16xf32>
        %sub3A_1657 = vector.broadcast %squeeze3A_418 : f32 to vector<16xf32>
        %sub3A_1658 = arith.subf %get3A_1625, %sub3A_1657 : vector<16xf32>
        %mul3A_1659 = arith.mulf %sub3A_1658, %sub3A_1658 : vector<16xf32>
        %sub3A_1660 = vector.broadcast %squeeze3A_420 : f32 to vector<16xf32>
        %sub3A_1661 = arith.subf %get3A_1628, %sub3A_1660 : vector<16xf32>
        %mul3A_1662 = arith.mulf %sub3A_1661, %sub3A_1661 : vector<16xf32>
        %add3A_1663 = arith.addf %mul3A_1659, %mul3A_1662 : vector<16xf32>
        %sub3A_1664 = vector.broadcast %squeeze3A_422 : f32 to vector<16xf32>
        %sub3A_1665 = arith.subf %get3A_1631, %sub3A_1664 : vector<16xf32>
        %mul3A_1666 = arith.mulf %sub3A_1665, %sub3A_1665 : vector<16xf32>
        %add3A_1667 = arith.addf %add3A_1663, %mul3A_1666 : vector<16xf32>
        %min3A_1668 = arith.minimumf %min3A_1544, %add3A_1667 : vector<16xf32>
        %min3A_1669 = arith.minimumf %min3A_1656, %add3A_1667 : vector<16xf32>
        %sub3A_1670 = vector.broadcast %squeeze3A_424 : f32 to vector<16xf32>
        %sub3A_1671 = arith.subf %get3A_1625, %sub3A_1670 : vector<16xf32>
        %mul3A_1672 = arith.mulf %sub3A_1671, %sub3A_1671 : vector<16xf32>
        %sub3A_1673 = vector.broadcast %squeeze3A_426 : f32 to vector<16xf32>
        %sub3A_1674 = arith.subf %get3A_1628, %sub3A_1673 : vector<16xf32>
        %mul3A_1675 = arith.mulf %sub3A_1674, %sub3A_1674 : vector<16xf32>
        %add3A_1676 = arith.addf %mul3A_1672, %mul3A_1675 : vector<16xf32>
        %sub3A_1677 = vector.broadcast %squeeze3A_428 : f32 to vector<16xf32>
        %sub3A_1678 = arith.subf %get3A_1631, %sub3A_1677 : vector<16xf32>
        %mul3A_1679 = arith.mulf %sub3A_1678, %sub3A_1678 : vector<16xf32>
        %add3A_1680 = arith.addf %add3A_1676, %mul3A_1679 : vector<16xf32>
        %min3A_1681 = arith.minimumf %min3A_1557, %add3A_1680 : vector<16xf32>
        %min3A_1682 = arith.minimumf %min3A_1669, %add3A_1680 : vector<16xf32>
        %sub3A_1683 = vector.broadcast %squeeze3A_430 : f32 to vector<16xf32>
        %sub3A_1684 = arith.subf %get3A_1625, %sub3A_1683 : vector<16xf32>
        %mul3A_1685 = arith.mulf %sub3A_1684, %sub3A_1684 : vector<16xf32>
        %sub3A_1686 = vector.broadcast %squeeze3A_432 : f32 to vector<16xf32>
        %sub3A_1687 = arith.subf %get3A_1628, %sub3A_1686 : vector<16xf32>
        %mul3A_1688 = arith.mulf %sub3A_1687, %sub3A_1687 : vector<16xf32>
        %add3A_1689 = arith.addf %mul3A_1685, %mul3A_1688 : vector<16xf32>
        %sub3A_1690 = vector.broadcast %squeeze3A_434 : f32 to vector<16xf32>
        %sub3A_1691 = arith.subf %get3A_1631, %sub3A_1690 : vector<16xf32>
        %mul3A_1692 = arith.mulf %sub3A_1691, %sub3A_1691 : vector<16xf32>
        %add3A_1693 = arith.addf %add3A_1689, %mul3A_1692 : vector<16xf32>
        %min3A_1694 = arith.minimumf %min3A_1570, %add3A_1693 : vector<16xf32>
        %min3A_1695 = arith.minimumf %min3A_1682, %add3A_1693 : vector<16xf32>
        %sub3A_1696 = vector.broadcast %squeeze3A_436 : f32 to vector<16xf32>
        %sub3A_1697 = arith.subf %get3A_1625, %sub3A_1696 : vector<16xf32>
        %mul3A_1698 = arith.mulf %sub3A_1697, %sub3A_1697 : vector<16xf32>
        %sub3A_1699 = vector.broadcast %squeeze3A_438 : f32 to vector<16xf32>
        %sub3A_1700 = arith.subf %get3A_1628, %sub3A_1699 : vector<16xf32>
        %mul3A_1701 = arith.mulf %sub3A_1700, %sub3A_1700 : vector<16xf32>
        %add3A_1702 = arith.addf %mul3A_1698, %mul3A_1701 : vector<16xf32>
        %sub3A_1703 = vector.broadcast %squeeze3A_440 : f32 to vector<16xf32>
        %sub3A_1704 = arith.subf %get3A_1631, %sub3A_1703 : vector<16xf32>
        %mul3A_1705 = arith.mulf %sub3A_1704, %sub3A_1704 : vector<16xf32>
        %add3A_1706 = arith.addf %add3A_1702, %mul3A_1705 : vector<16xf32>
        %min3A_1707 = arith.minimumf %min3A_1583, %add3A_1706 : vector<16xf32>
        %min3A_1708 = arith.minimumf %min3A_1695, %add3A_1706 : vector<16xf32>
        %sub3A_1709 = vector.broadcast %squeeze3A_442 : f32 to vector<16xf32>
        %sub3A_1710 = arith.subf %get3A_1625, %sub3A_1709 : vector<16xf32>
        %mul3A_1711 = arith.mulf %sub3A_1710, %sub3A_1710 : vector<16xf32>
        %sub3A_1712 = vector.broadcast %squeeze3A_444 : f32 to vector<16xf32>
        %sub3A_1713 = arith.subf %get3A_1628, %sub3A_1712 : vector<16xf32>
        %mul3A_1714 = arith.mulf %sub3A_1713, %sub3A_1713 : vector<16xf32>
        %add3A_1715 = arith.addf %mul3A_1711, %mul3A_1714 : vector<16xf32>
        %sub3A_1716 = vector.broadcast %squeeze3A_446 : f32 to vector<16xf32>
        %sub3A_1717 = arith.subf %get3A_1631, %sub3A_1716 : vector<16xf32>
        %mul3A_1718 = arith.mulf %sub3A_1717, %sub3A_1717 : vector<16xf32>
        %add3A_1719 = arith.addf %add3A_1715, %mul3A_1718 : vector<16xf32>
        %min3A_1720 = arith.minimumf %min3A_1596, %add3A_1719 : vector<16xf32>
        %min3A_1721 = arith.minimumf %min3A_1708, %add3A_1719 : vector<16xf32>
        %sub3A_1722 = vector.broadcast %squeeze3A_448 : f32 to vector<16xf32>
        %sub3A_1723 = arith.subf %get3A_1625, %sub3A_1722 : vector<16xf32>
        %mul3A_1724 = arith.mulf %sub3A_1723, %sub3A_1723 : vector<16xf32>
        %sub3A_1725 = vector.broadcast %squeeze3A_450 : f32 to vector<16xf32>
        %sub3A_1726 = arith.subf %get3A_1628, %sub3A_1725 : vector<16xf32>
        %mul3A_1727 = arith.mulf %sub3A_1726, %sub3A_1726 : vector<16xf32>
        %add3A_1728 = arith.addf %mul3A_1724, %mul3A_1727 : vector<16xf32>
        %sub3A_1729 = vector.broadcast %squeeze3A_452 : f32 to vector<16xf32>
        %sub3A_1730 = arith.subf %get3A_1631, %sub3A_1729 : vector<16xf32>
        %mul3A_1731 = arith.mulf %sub3A_1730, %sub3A_1730 : vector<16xf32>
        %add3A_1732 = arith.addf %add3A_1728, %mul3A_1731 : vector<16xf32>
        %min3A_1733 = arith.minimumf %min3A_1609, %add3A_1732 : vector<16xf32>
        %min3A_1734 = arith.minimumf %min3A_1721, %add3A_1732 : vector<16xf32>
        %get3A_1735 = arith.index_cast %mul3A_1622 : i32 to index
        %get3A_1736 = tpu.vector_load %arg11[%get3A_1735] {strides = array<i32>} : memref<4096xf32, #tpu.memory_space<vmem>>, vector<16xf32>,
        %get3A_1737 = vector.shape_cast %get3A_1736 : vector<16xf32> to vector<16xf32>
        %min3A_1738 = arith.minimumf %get3A_1737, %min3A_1734 : vector<16xf32>
        %swap3A_1739 = arith.index_cast %mul3A_1622 : i32 to index
        %swap3A_1740 = tpu.vector_load %arg11[%swap3A_1739] {strides = array<i32>} : memref<4096xf32, #tpu.memory_space<vmem>>, vector<16xf32>,
        %swap3A_1741 = vector.shape_cast %swap3A_1740 : vector<16xf32> to vector<16xf32>
        %swap3A_1742 = vector.shape_cast %min3A_1738 : vector<16xf32> to vector<16xf32>
        tpu.vector_store %arg11[%swap3A_1739], %swap3A_1742 {strides = array<i32>} : memref<4096xf32, #tpu.memory_space<vmem>>, vector<16xf32>,
        scf.yield %min3A_1643, %min3A_1655, %min3A_1668, %min3A_1681, %min3A_1694, %min3A_1707, %min3A_1720, %min3A_1733 : vector<16xf32>, vector<16xf32>, vector<16xf32>, vector<16xf32>, vector<16xf32>, vector<16xf32>, vector<16xf32>, vector<16xf32>
      }
      %scan3A_975 = arith.constant 256 : i32
      %iota3A_976 = tpu.iota {dimensions = array<i32: 0>} : vector<16xi32>
      %xor3A_977 = arith.constant 8 : i32
      %xor3A_978 = vector.broadcast %xor3A_977 : i32 to vector<16xi32>
      %xor3A_979 = arith.xori %iota3A_976, %xor3A_978 : vector<16xi32>
      %lt3A_980 = arith.constant 0 : i32
      %lt3A_981 = vector.broadcast %lt3A_980 : i32 to vector<16xi32>
      %lt3A_982 = arith.cmpi slt, %xor3A_979, %lt3A_981 : vector<16xi32>
      %add3A_983 = arith.constant 16 : i32
      %add3A_984 = vector.broadcast %add3A_983 : i32 to vector<16xi32>
      %add3A_985 = arith.addi %xor3A_979, %add3A_984 : vector<16xi32>
      %select_n3A_986 = arith.select %lt3A_982, %add3A_985, %xor3A_979 : vector<16xi1>, vector<16xi32>
      %broadcast_in_dim3A_987 = vector.shape_cast %select_n3A_986 : vector<16xi32> to vector<16x1xi32>
      %gather3A_988 = vector.shape_cast %broadcast_in_dim3A_987 : vector<16x1xi32> to vector<16xi32>
      %gather3A_989 = tpu.dynamic_gather %scan3A_974#0[%gather3A_988] in [0] : vector<16xf32>, vector<16xi32> -> vector<16xf32>
      %min3A_990 = arith.minimumf %scan3A_974#0, %gather3A_989 : vector<16xf32>
      %xor3A_991 = arith.constant 4 : i32
      %xor3A_992 = vector.broadcast %xor3A_991 : i32 to vector<16xi32>
      %xor3A_993 = arith.xori %iota3A_976, %xor3A_992 : vector<16xi32>
      %lt3A_994 = arith.constant 0 : i32
      %lt3A_995 = vector.broadcast %lt3A_994 : i32 to vector<16xi32>
      %lt3A_996 = arith.cmpi slt, %xor3A_993, %lt3A_995 : vector<16xi32>
      %add3A_997 = arith.constant 16 : i32
      %add3A_998 = vector.broadcast %add3A_997 : i32 to vector<16xi32>
      %add3A_999 = arith.addi %xor3A_993, %add3A_998 : vector<16xi32>
      %select_n3A_1000 = arith.select %lt3A_996, %add3A_999, %xor3A_993 : vector<16xi1>, vector<16xi32>
      %broadcast_in_dim3A_1001 = vector.shape_cast %select_n3A_1000 : vector<16xi32> to vector<16x1xi32>
      %gather3A_1002 = vector.shape_cast %broadcast_in_dim3A_1001 : vector<16x1xi32> to vector<16xi32>
      %gather3A_1003 = tpu.dynamic_gather %min3A_990[%gather3A_1002] in [0] : vector<16xf32>, vector<16xi32> -> vector<16xf32>
      %min3A_1004 = arith.minimumf %min3A_990, %gather3A_1003 : vector<16xf32>
      %xor3A_1005 = arith.constant 2 : i32
      %xor3A_1006 = vector.broadcast %xor3A_1005 : i32 to vector<16xi32>
      %xor3A_1007 = arith.xori %iota3A_976, %xor3A_1006 : vector<16xi32>
      %lt3A_1008 = arith.constant 0 : i32
      %lt3A_1009 = vector.broadcast %lt3A_1008 : i32 to vector<16xi32>
      %lt3A_1010 = arith.cmpi slt, %xor3A_1007, %lt3A_1009 : vector<16xi32>
      %add3A_1011 = arith.constant 16 : i32
      %add3A_1012 = vector.broadcast %add3A_1011 : i32 to vector<16xi32>
      %add3A_1013 = arith.addi %xor3A_1007, %add3A_1012 : vector<16xi32>
      %select_n3A_1014 = arith.select %lt3A_1010, %add3A_1013, %xor3A_1007 : vector<16xi1>, vector<16xi32>
      %broadcast_in_dim3A_1015 = vector.shape_cast %select_n3A_1014 : vector<16xi32> to vector<16x1xi32>
      %gather3A_1016 = vector.shape_cast %broadcast_in_dim3A_1015 : vector<16x1xi32> to vector<16xi32>
      %gather3A_1017 = tpu.dynamic_gather %min3A_1004[%gather3A_1016] in [0] : vector<16xf32>, vector<16xi32> -> vector<16xf32>
      %min3A_1018 = arith.minimumf %min3A_1004, %gather3A_1017 : vector<16xf32>
      %xor3A_1019 = arith.constant 1 : i32
      %xor3A_1020 = vector.broadcast %xor3A_1019 : i32 to vector<16xi32>
      %xor3A_1021 = arith.xori %iota3A_976, %xor3A_1020 : vector<16xi32>
      %lt3A_1022 = arith.constant 0 : i32
      %lt3A_1023 = vector.broadcast %lt3A_1022 : i32 to vector<16xi32>
      %lt3A_1024 = arith.cmpi slt, %xor3A_1021, %lt3A_1023 : vector<16xi32>
      %add3A_1025 = arith.constant 16 : i32
      %add3A_1026 = vector.broadcast %add3A_1025 : i32 to vector<16xi32>
      %add3A_1027 = arith.addi %xor3A_1021, %add3A_1026 : vector<16xi32>
      %select_n3A_1028 = arith.select %lt3A_1024, %add3A_1027, %xor3A_1021 : vector<16xi1>, vector<16xi32>
      %broadcast_in_dim3A_1029 = vector.shape_cast %select_n3A_1028 : vector<16xi32> to vector<16x1xi32>
      %gather3A_1030 = vector.shape_cast %broadcast_in_dim3A_1029 : vector<16x1xi32> to vector<16xi32>
      %gather3A_1031 = tpu.dynamic_gather %min3A_1018[%gather3A_1030] in [0] : vector<16xf32>, vector<16xi32> -> vector<16xf32>
      %min3A_1032 = arith.minimumf %min3A_1018, %gather3A_1031 : vector<16xf32>
      %slice3A_1033 = vector.extract_strided_slice %min3A_1032 {offsets = [0], sizes = [1], strides = [1]} : vector<16xf32> to vector<1xf32>
      %squeeze3A_1034 = vector.extract %slice3A_1033[0] : f32 from vector<1xf32>
      %lt3A_1035 = arith.constant 9.99999984E+17 : f32
      %lt3A_1036 = arith.cmpf olt, %squeeze3A_406, %lt3A_1035 : f32
      %jit3A_1037 = arith.constant 0.000000e+00 : f32
      %select_n3A_1038 = arith.select %lt3A_1036, %squeeze3A_1034, %jit3A_1037 : f32
      %add3A_1039 = arith.addf %add3A_969, %select_n3A_1038 : f32
      %iota3A_1040 = tpu.iota {dimensions = array<i32: 0>} : vector<16xi32>
      %xor3A_1041 = arith.constant 8 : i32
      %xor3A_1042 = vector.broadcast %xor3A_1041 : i32 to vector<16xi32>
      %xor3A_1043 = arith.xori %iota3A_1040, %xor3A_1042 : vector<16xi32>
      %lt3A_1044 = arith.constant 0 : i32
      %lt3A_1045 = vector.broadcast %lt3A_1044 : i32 to vector<16xi32>
      %lt3A_1046 = arith.cmpi slt, %xor3A_1043, %lt3A_1045 : vector<16xi32>
      %add3A_1047 = arith.constant 16 : i32
      %add3A_1048 = vector.broadcast %add3A_1047 : i32 to vector<16xi32>
      %add3A_1049 = arith.addi %xor3A_1043, %add3A_1048 : vector<16xi32>
      %select_n3A_1050 = arith.select %lt3A_1046, %add3A_1049, %xor3A_1043 : vector<16xi1>, vector<16xi32>
      %broadcast_in_dim3A_1051 = vector.shape_cast %select_n3A_1050 : vector<16xi32> to vector<16x1xi32>
      %gather3A_1052 = vector.shape_cast %broadcast_in_dim3A_1051 : vector<16x1xi32> to vector<16xi32>
      %gather3A_1053 = tpu.dynamic_gather %scan3A_974#1[%gather3A_1052] in [0] : vector<16xf32>, vector<16xi32> -> vector<16xf32>
      %min3A_1054 = arith.minimumf %scan3A_974#1, %gather3A_1053 : vector<16xf32>
      %xor3A_1055 = arith.constant 4 : i32
      %xor3A_1056 = vector.broadcast %xor3A_1055 : i32 to vector<16xi32>
      %xor3A_1057 = arith.xori %iota3A_1040, %xor3A_1056 : vector<16xi32>
      %lt3A_1058 = arith.constant 0 : i32
      %lt3A_1059 = vector.broadcast %lt3A_1058 : i32 to vector<16xi32>
      %lt3A_1060 = arith.cmpi slt, %xor3A_1057, %lt3A_1059 : vector<16xi32>
      %add3A_1061 = arith.constant 16 : i32
      %add3A_1062 = vector.broadcast %add3A_1061 : i32 to vector<16xi32>
      %add3A_1063 = arith.addi %xor3A_1057, %add3A_1062 : vector<16xi32>
      %select_n3A_1064 = arith.select %lt3A_1060, %add3A_1063, %xor3A_1057 : vector<16xi1>, vector<16xi32>
      %broadcast_in_dim3A_1065 = vector.shape_cast %select_n3A_1064 : vector<16xi32> to vector<16x1xi32>
      %gather3A_1066 = vector.shape_cast %broadcast_in_dim3A_1065 : vector<16x1xi32> to vector<16xi32>
      %gather3A_1067 = tpu.dynamic_gather %min3A_1054[%gather3A_1066] in [0] : vector<16xf32>, vector<16xi32> -> vector<16xf32>
      %min3A_1068 = arith.minimumf %min3A_1054, %gather3A_1067 : vector<16xf32>
      %xor3A_1069 = arith.constant 2 : i32
      %xor3A_1070 = vector.broadcast %xor3A_1069 : i32 to vector<16xi32>
      %xor3A_1071 = arith.xori %iota3A_1040, %xor3A_1070 : vector<16xi32>
      %lt3A_1072 = arith.constant 0 : i32
      %lt3A_1073 = vector.broadcast %lt3A_1072 : i32 to vector<16xi32>
      %lt3A_1074 = arith.cmpi slt, %xor3A_1071, %lt3A_1073 : vector<16xi32>
      %add3A_1075 = arith.constant 16 : i32
      %add3A_1076 = vector.broadcast %add3A_1075 : i32 to vector<16xi32>
      %add3A_1077 = arith.addi %xor3A_1071, %add3A_1076 : vector<16xi32>
      %select_n3A_1078 = arith.select %lt3A_1074, %add3A_1077, %xor3A_1071 : vector<16xi1>, vector<16xi32>
      %broadcast_in_dim3A_1079 = vector.shape_cast %select_n3A_1078 : vector<16xi32> to vector<16x1xi32>
      %gather3A_1080 = vector.shape_cast %broadcast_in_dim3A_1079 : vector<16x1xi32> to vector<16xi32>
      %gather3A_1081 = tpu.dynamic_gather %min3A_1068[%gather3A_1080] in [0] : vector<16xf32>, vector<16xi32> -> vector<16xf32>
      %min3A_1082 = arith.minimumf %min3A_1068, %gather3A_1081 : vector<16xf32>
      %xor3A_1083 = arith.constant 1 : i32
      %xor3A_1084 = vector.broadcast %xor3A_1083 : i32 to vector<16xi32>
      %xor3A_1085 = arith.xori %iota3A_1040, %xor3A_1084 : vector<16xi32>
      %lt3A_1086 = arith.constant 0 : i32
      %lt3A_1087 = vector.broadcast %lt3A_1086 : i32 to vector<16xi32>
      %lt3A_1088 = arith.cmpi slt, %xor3A_1085, %lt3A_1087 : vector<16xi32>
      %add3A_1089 = arith.constant 16 : i32
      %add3A_1090 = vector.broadcast %add3A_1089 : i32 to vector<16xi32>
      %add3A_1091 = arith.addi %xor3A_1085, %add3A_1090 : vector<16xi32>
      %select_n3A_1092 = arith.select %lt3A_1088, %add3A_1091, %xor3A_1085 : vector<16xi1>, vector<16xi32>
      %broadcast_in_dim3A_1093 = vector.shape_cast %select_n3A_1092 : vector<16xi32> to vector<16x1xi32>
      %gather3A_1094 = vector.shape_cast %broadcast_in_dim3A_1093 : vector<16x1xi32> to vector<16xi32>
      %gather3A_1095 = tpu.dynamic_gather %min3A_1082[%gather3A_1094] in [0] : vector<16xf32>, vector<16xi32> -> vector<16xf32>
      %min3A_1096 = arith.minimumf %min3A_1082, %gather3A_1095 : vector<16xf32>
      %slice3A_1097 = vector.extract_strided_slice %min3A_1096 {offsets = [0], sizes = [1], strides = [1]} : vector<16xf32> to vector<1xf32>
      %squeeze3A_1098 = vector.extract %slice3A_1097[0] : f32 from vector<1xf32>
      %lt3A_1099 = arith.constant 9.99999984E+17 : f32
      %lt3A_1100 = arith.cmpf olt, %squeeze3A_412, %lt3A_1099 : f32
      %jit3A_1101 = arith.constant 0.000000e+00 : f32
      %select_n3A_1102 = arith.select %lt3A_1100, %squeeze3A_1098, %jit3A_1101 : f32
      %add3A_1103 = arith.addf %add3A_1039, %select_n3A_1102 : f32
      %iota3A_1104 = tpu.iota {dimensions = array<i32: 0>} : vector<16xi32>
      %xor3A_1105 = arith.constant 8 : i32
      %xor3A_1106 = vector.broadcast %xor3A_1105 : i32 to vector<16xi32>
      %xor3A_1107 = arith.xori %iota3A_1104, %xor3A_1106 : vector<16xi32>
      %lt3A_1108 = arith.constant 0 : i32
      %lt3A_1109 = vector.broadcast %lt3A_1108 : i32 to vector<16xi32>
      %lt3A_1110 = arith.cmpi slt, %xor3A_1107, %lt3A_1109 : vector<16xi32>
      %add3A_1111 = arith.constant 16 : i32
      %add3A_1112 = vector.broadcast %add3A_1111 : i32 to vector<16xi32>
      %add3A_1113 = arith.addi %xor3A_1107, %add3A_1112 : vector<16xi32>
      %select_n3A_1114 = arith.select %lt3A_1110, %add3A_1113, %xor3A_1107 : vector<16xi1>, vector<16xi32>
      %broadcast_in_dim3A_1115 = vector.shape_cast %select_n3A_1114 : vector<16xi32> to vector<16x1xi32>
      %gather3A_1116 = vector.shape_cast %broadcast_in_dim3A_1115 : vector<16x1xi32> to vector<16xi32>
      %gather3A_1117 = tpu.dynamic_gather %scan3A_974#2[%gather3A_1116] in [0] : vector<16xf32>, vector<16xi32> -> vector<16xf32>
      %min3A_1118 = arith.minimumf %scan3A_974#2, %gather3A_1117 : vector<16xf32>
      %xor3A_1119 = arith.constant 4 : i32
      %xor3A_1120 = vector.broadcast %xor3A_1119 : i32 to vector<16xi32>
      %xor3A_1121 = arith.xori %iota3A_1104, %xor3A_1120 : vector<16xi32>
      %lt3A_1122 = arith.constant 0 : i32
      %lt3A_1123 = vector.broadcast %lt3A_1122 : i32 to vector<16xi32>
      %lt3A_1124 = arith.cmpi slt, %xor3A_1121, %lt3A_1123 : vector<16xi32>
      %add3A_1125 = arith.constant 16 : i32
      %add3A_1126 = vector.broadcast %add3A_1125 : i32 to vector<16xi32>
      %add3A_1127 = arith.addi %xor3A_1121, %add3A_1126 : vector<16xi32>
      %select_n3A_1128 = arith.select %lt3A_1124, %add3A_1127, %xor3A_1121 : vector<16xi1>, vector<16xi32>
      %broadcast_in_dim3A_1129 = vector.shape_cast %select_n3A_1128 : vector<16xi32> to vector<16x1xi32>
      %gather3A_1130 = vector.shape_cast %broadcast_in_dim3A_1129 : vector<16x1xi32> to vector<16xi32>
      %gather3A_1131 = tpu.dynamic_gather %min3A_1118[%gather3A_1130] in [0] : vector<16xf32>, vector<16xi32> -> vector<16xf32>
      %min3A_1132 = arith.minimumf %min3A_1118, %gather3A_1131 : vector<16xf32>
      %xor3A_1133 = arith.constant 2 : i32
      %xor3A_1134 = vector.broadcast %xor3A_1133 : i32 to vector<16xi32>
      %xor3A_1135 = arith.xori %iota3A_1104, %xor3A_1134 : vector<16xi32>
      %lt3A_1136 = arith.constant 0 : i32
      %lt3A_1137 = vector.broadcast %lt3A_1136 : i32 to vector<16xi32>
      %lt3A_1138 = arith.cmpi slt, %xor3A_1135, %lt3A_1137 : vector<16xi32>
      %add3A_1139 = arith.constant 16 : i32
      %add3A_1140 = vector.broadcast %add3A_1139 : i32 to vector<16xi32>
      %add3A_1141 = arith.addi %xor3A_1135, %add3A_1140 : vector<16xi32>
      %select_n3A_1142 = arith.select %lt3A_1138, %add3A_1141, %xor3A_1135 : vector<16xi1>, vector<16xi32>
      %broadcast_in_dim3A_1143 = vector.shape_cast %select_n3A_1142 : vector<16xi32> to vector<16x1xi32>
      %gather3A_1144 = vector.shape_cast %broadcast_in_dim3A_1143 : vector<16x1xi32> to vector<16xi32>
      %gather3A_1145 = tpu.dynamic_gather %min3A_1132[%gather3A_1144] in [0] : vector<16xf32>, vector<16xi32> -> vector<16xf32>
      %min3A_1146 = arith.minimumf %min3A_1132, %gather3A_1145 : vector<16xf32>
      %xor3A_1147 = arith.constant 1 : i32
      %xor3A_1148 = vector.broadcast %xor3A_1147 : i32 to vector<16xi32>
      %xor3A_1149 = arith.xori %iota3A_1104, %xor3A_1148 : vector<16xi32>
      %lt3A_1150 = arith.constant 0 : i32
      %lt3A_1151 = vector.broadcast %lt3A_1150 : i32 to vector<16xi32>
      %lt3A_1152 = arith.cmpi slt, %xor3A_1149, %lt3A_1151 : vector<16xi32>
      %add3A_1153 = arith.constant 16 : i32
      %add3A_1154 = vector.broadcast %add3A_1153 : i32 to vector<16xi32>
      %add3A_1155 = arith.addi %xor3A_1149, %add3A_1154 : vector<16xi32>
      %select_n3A_1156 = arith.select %lt3A_1152, %add3A_1155, %xor3A_1149 : vector<16xi1>, vector<16xi32>
      %broadcast_in_dim3A_1157 = vector.shape_cast %select_n3A_1156 : vector<16xi32> to vector<16x1xi32>
      %gather3A_1158 = vector.shape_cast %broadcast_in_dim3A_1157 : vector<16x1xi32> to vector<16xi32>
      %gather3A_1159 = tpu.dynamic_gather %min3A_1146[%gather3A_1158] in [0] : vector<16xf32>, vector<16xi32> -> vector<16xf32>
      %min3A_1160 = arith.minimumf %min3A_1146, %gather3A_1159 : vector<16xf32>
      %slice3A_1161 = vector.extract_strided_slice %min3A_1160 {offsets = [0], sizes = [1], strides = [1]} : vector<16xf32> to vector<1xf32>
      %squeeze3A_1162 = vector.extract %slice3A_1161[0] : f32 from vector<1xf32>
      %lt3A_1163 = arith.constant 9.99999984E+17 : f32
      %lt3A_1164 = arith.cmpf olt, %squeeze3A_418, %lt3A_1163 : f32
      %jit3A_1165 = arith.constant 0.000000e+00 : f32
      %select_n3A_1166 = arith.select %lt3A_1164, %squeeze3A_1162, %jit3A_1165 : f32
      %add3A_1167 = arith.addf %add3A_1103, %select_n3A_1166 : f32
      %iota3A_1168 = tpu.iota {dimensions = array<i32: 0>} : vector<16xi32>
      %xor3A_1169 = arith.constant 8 : i32
      %xor3A_1170 = vector.broadcast %xor3A_1169 : i32 to vector<16xi32>
      %xor3A_1171 = arith.xori %iota3A_1168, %xor3A_1170 : vector<16xi32>
      %lt3A_1172 = arith.constant 0 : i32
      %lt3A_1173 = vector.broadcast %lt3A_1172 : i32 to vector<16xi32>
      %lt3A_1174 = arith.cmpi slt, %xor3A_1171, %lt3A_1173 : vector<16xi32>
      %add3A_1175 = arith.constant 16 : i32
      %add3A_1176 = vector.broadcast %add3A_1175 : i32 to vector<16xi32>
      %add3A_1177 = arith.addi %xor3A_1171, %add3A_1176 : vector<16xi32>
      %select_n3A_1178 = arith.select %lt3A_1174, %add3A_1177, %xor3A_1171 : vector<16xi1>, vector<16xi32>
      %broadcast_in_dim3A_1179 = vector.shape_cast %select_n3A_1178 : vector<16xi32> to vector<16x1xi32>
      %gather3A_1180 = vector.shape_cast %broadcast_in_dim3A_1179 : vector<16x1xi32> to vector<16xi32>
      %gather3A_1181 = tpu.dynamic_gather %scan3A_974#3[%gather3A_1180] in [0] : vector<16xf32>, vector<16xi32> -> vector<16xf32>
      %min3A_1182 = arith.minimumf %scan3A_974#3, %gather3A_1181 : vector<16xf32>
      %xor3A_1183 = arith.constant 4 : i32
      %xor3A_1184 = vector.broadcast %xor3A_1183 : i32 to vector<16xi32>
      %xor3A_1185 = arith.xori %iota3A_1168, %xor3A_1184 : vector<16xi32>
      %lt3A_1186 = arith.constant 0 : i32
      %lt3A_1187 = vector.broadcast %lt3A_1186 : i32 to vector<16xi32>
      %lt3A_1188 = arith.cmpi slt, %xor3A_1185, %lt3A_1187 : vector<16xi32>
      %add3A_1189 = arith.constant 16 : i32
      %add3A_1190 = vector.broadcast %add3A_1189 : i32 to vector<16xi32>
      %add3A_1191 = arith.addi %xor3A_1185, %add3A_1190 : vector<16xi32>
      %select_n3A_1192 = arith.select %lt3A_1188, %add3A_1191, %xor3A_1185 : vector<16xi1>, vector<16xi32>
      %broadcast_in_dim3A_1193 = vector.shape_cast %select_n3A_1192 : vector<16xi32> to vector<16x1xi32>
      %gather3A_1194 = vector.shape_cast %broadcast_in_dim3A_1193 : vector<16x1xi32> to vector<16xi32>
      %gather3A_1195 = tpu.dynamic_gather %min3A_1182[%gather3A_1194] in [0] : vector<16xf32>, vector<16xi32> -> vector<16xf32>
      %min3A_1196 = arith.minimumf %min3A_1182, %gather3A_1195 : vector<16xf32>
      %xor3A_1197 = arith.constant 2 : i32
      %xor3A_1198 = vector.broadcast %xor3A_1197 : i32 to vector<16xi32>
      %xor3A_1199 = arith.xori %iota3A_1168, %xor3A_1198 : vector<16xi32>
      %lt3A_1200 = arith.constant 0 : i32
      %lt3A_1201 = vector.broadcast %lt3A_1200 : i32 to vector<16xi32>
      %lt3A_1202 = arith.cmpi slt, %xor3A_1199, %lt3A_1201 : vector<16xi32>
      %add3A_1203 = arith.constant 16 : i32
      %add3A_1204 = vector.broadcast %add3A_1203 : i32 to vector<16xi32>
      %add3A_1205 = arith.addi %xor3A_1199, %add3A_1204 : vector<16xi32>
      %select_n3A_1206 = arith.select %lt3A_1202, %add3A_1205, %xor3A_1199 : vector<16xi1>, vector<16xi32>
      %broadcast_in_dim3A_1207 = vector.shape_cast %select_n3A_1206 : vector<16xi32> to vector<16x1xi32>
      %gather3A_1208 = vector.shape_cast %broadcast_in_dim3A_1207 : vector<16x1xi32> to vector<16xi32>
      %gather3A_1209 = tpu.dynamic_gather %min3A_1196[%gather3A_1208] in [0] : vector<16xf32>, vector<16xi32> -> vector<16xf32>
      %min3A_1210 = arith.minimumf %min3A_1196, %gather3A_1209 : vector<16xf32>
      %xor3A_1211 = arith.constant 1 : i32
      %xor3A_1212 = vector.broadcast %xor3A_1211 : i32 to vector<16xi32>
      %xor3A_1213 = arith.xori %iota3A_1168, %xor3A_1212 : vector<16xi32>
      %lt3A_1214 = arith.constant 0 : i32
      %lt3A_1215 = vector.broadcast %lt3A_1214 : i32 to vector<16xi32>
      %lt3A_1216 = arith.cmpi slt, %xor3A_1213, %lt3A_1215 : vector<16xi32>
      %add3A_1217 = arith.constant 16 : i32
      %add3A_1218 = vector.broadcast %add3A_1217 : i32 to vector<16xi32>
      %add3A_1219 = arith.addi %xor3A_1213, %add3A_1218 : vector<16xi32>
      %select_n3A_1220 = arith.select %lt3A_1216, %add3A_1219, %xor3A_1213 : vector<16xi1>, vector<16xi32>
      %broadcast_in_dim3A_1221 = vector.shape_cast %select_n3A_1220 : vector<16xi32> to vector<16x1xi32>
      %gather3A_1222 = vector.shape_cast %broadcast_in_dim3A_1221 : vector<16x1xi32> to vector<16xi32>
      %gather3A_1223 = tpu.dynamic_gather %min3A_1210[%gather3A_1222] in [0] : vector<16xf32>, vector<16xi32> -> vector<16xf32>
      %min3A_1224 = arith.minimumf %min3A_1210, %gather3A_1223 : vector<16xf32>
      %slice3A_1225 = vector.extract_strided_slice %min3A_1224 {offsets = [0], sizes = [1], strides = [1]} : vector<16xf32> to vector<1xf32>
      %squeeze3A_1226 = vector.extract %slice3A_1225[0] : f32 from vector<1xf32>
      %lt3A_1227 = arith.constant 9.99999984E+17 : f32
      %lt3A_1228 = arith.cmpf olt, %squeeze3A_424, %lt3A_1227 : f32
      %jit3A_1229 = arith.constant 0.000000e+00 : f32
      %select_n3A_1230 = arith.select %lt3A_1228, %squeeze3A_1226, %jit3A_1229 : f32
      %add3A_1231 = arith.addf %add3A_1167, %select_n3A_1230 : f32
      %iota3A_1232 = tpu.iota {dimensions = array<i32: 0>} : vector<16xi32>
      %xor3A_1233 = arith.constant 8 : i32
      %xor3A_1234 = vector.broadcast %xor3A_1233 : i32 to vector<16xi32>
      %xor3A_1235 = arith.xori %iota3A_1232, %xor3A_1234 : vector<16xi32>
      %lt3A_1236 = arith.constant 0 : i32
      %lt3A_1237 = vector.broadcast %lt3A_1236 : i32 to vector<16xi32>
      %lt3A_1238 = arith.cmpi slt, %xor3A_1235, %lt3A_1237 : vector<16xi32>
      %add3A_1239 = arith.constant 16 : i32
      %add3A_1240 = vector.broadcast %add3A_1239 : i32 to vector<16xi32>
      %add3A_1241 = arith.addi %xor3A_1235, %add3A_1240 : vector<16xi32>
      %select_n3A_1242 = arith.select %lt3A_1238, %add3A_1241, %xor3A_1235 : vector<16xi1>, vector<16xi32>
      %broadcast_in_dim3A_1243 = vector.shape_cast %select_n3A_1242 : vector<16xi32> to vector<16x1xi32>
      %gather3A_1244 = vector.shape_cast %broadcast_in_dim3A_1243 : vector<16x1xi32> to vector<16xi32>
      %gather3A_1245 = tpu.dynamic_gather %scan3A_974#4[%gather3A_1244] in [0] : vector<16xf32>, vector<16xi32> -> vector<16xf32>
      %min3A_1246 = arith.minimumf %scan3A_974#4, %gather3A_1245 : vector<16xf32>
      %xor3A_1247 = arith.constant 4 : i32
      %xor3A_1248 = vector.broadcast %xor3A_1247 : i32 to vector<16xi32>
      %xor3A_1249 = arith.xori %iota3A_1232, %xor3A_1248 : vector<16xi32>
      %lt3A_1250 = arith.constant 0 : i32
      %lt3A_1251 = vector.broadcast %lt3A_1250 : i32 to vector<16xi32>
      %lt3A_1252 = arith.cmpi slt, %xor3A_1249, %lt3A_1251 : vector<16xi32>
      %add3A_1253 = arith.constant 16 : i32
      %add3A_1254 = vector.broadcast %add3A_1253 : i32 to vector<16xi32>
      %add3A_1255 = arith.addi %xor3A_1249, %add3A_1254 : vector<16xi32>
      %select_n3A_1256 = arith.select %lt3A_1252, %add3A_1255, %xor3A_1249 : vector<16xi1>, vector<16xi32>
      %broadcast_in_dim3A_1257 = vector.shape_cast %select_n3A_1256 : vector<16xi32> to vector<16x1xi32>
      %gather3A_1258 = vector.shape_cast %broadcast_in_dim3A_1257 : vector<16x1xi32> to vector<16xi32>
      %gather3A_1259 = tpu.dynamic_gather %min3A_1246[%gather3A_1258] in [0] : vector<16xf32>, vector<16xi32> -> vector<16xf32>
      %min3A_1260 = arith.minimumf %min3A_1246, %gather3A_1259 : vector<16xf32>
      %xor3A_1261 = arith.constant 2 : i32
      %xor3A_1262 = vector.broadcast %xor3A_1261 : i32 to vector<16xi32>
      %xor3A_1263 = arith.xori %iota3A_1232, %xor3A_1262 : vector<16xi32>
      %lt3A_1264 = arith.constant 0 : i32
      %lt3A_1265 = vector.broadcast %lt3A_1264 : i32 to vector<16xi32>
      %lt3A_1266 = arith.cmpi slt, %xor3A_1263, %lt3A_1265 : vector<16xi32>
      %add3A_1267 = arith.constant 16 : i32
      %add3A_1268 = vector.broadcast %add3A_1267 : i32 to vector<16xi32>
      %add3A_1269 = arith.addi %xor3A_1263, %add3A_1268 : vector<16xi32>
      %select_n3A_1270 = arith.select %lt3A_1266, %add3A_1269, %xor3A_1263 : vector<16xi1>, vector<16xi32>
      %broadcast_in_dim3A_1271 = vector.shape_cast %select_n3A_1270 : vector<16xi32> to vector<16x1xi32>
      %gather3A_1272 = vector.shape_cast %broadcast_in_dim3A_1271 : vector<16x1xi32> to vector<16xi32>
      %gather3A_1273 = tpu.dynamic_gather %min3A_1260[%gather3A_1272] in [0] : vector<16xf32>, vector<16xi32> -> vector<16xf32>
      %min3A_1274 = arith.minimumf %min3A_1260, %gather3A_1273 : vector<16xf32>
      %xor3A_1275 = arith.constant 1 : i32
      %xor3A_1276 = vector.broadcast %xor3A_1275 : i32 to vector<16xi32>
      %xor3A_1277 = arith.xori %iota3A_1232, %xor3A_1276 : vector<16xi32>
      %lt3A_1278 = arith.constant 0 : i32
      %lt3A_1279 = vector.broadcast %lt3A_1278 : i32 to vector<16xi32>
      %lt3A_1280 = arith.cmpi slt, %xor3A_1277, %lt3A_1279 : vector<16xi32>
      %add3A_1281 = arith.constant 16 : i32
      %add3A_1282 = vector.broadcast %add3A_1281 : i32 to vector<16xi32>
      %add3A_1283 = arith.addi %xor3A_1277, %add3A_1282 : vector<16xi32>
      %select_n3A_1284 = arith.select %lt3A_1280, %add3A_1283, %xor3A_1277 : vector<16xi1>, vector<16xi32>
      %broadcast_in_dim3A_1285 = vector.shape_cast %select_n3A_1284 : vector<16xi32> to vector<16x1xi32>
      %gather3A_1286 = vector.shape_cast %broadcast_in_dim3A_1285 : vector<16x1xi32> to vector<16xi32>
      %gather3A_1287 = tpu.dynamic_gather %min3A_1274[%gather3A_1286] in [0] : vector<16xf32>, vector<16xi32> -> vector<16xf32>
      %min3A_1288 = arith.minimumf %min3A_1274, %gather3A_1287 : vector<16xf32>
      %slice3A_1289 = vector.extract_strided_slice %min3A_1288 {offsets = [0], sizes = [1], strides = [1]} : vector<16xf32> to vector<1xf32>
      %squeeze3A_1290 = vector.extract %slice3A_1289[0] : f32 from vector<1xf32>
      %lt3A_1291 = arith.constant 9.99999984E+17 : f32
      %lt3A_1292 = arith.cmpf olt, %squeeze3A_430, %lt3A_1291 : f32
      %jit3A_1293 = arith.constant 0.000000e+00 : f32
      %select_n3A_1294 = arith.select %lt3A_1292, %squeeze3A_1290, %jit3A_1293 : f32
      %add3A_1295 = arith.addf %add3A_1231, %select_n3A_1294 : f32
      %iota3A_1296 = tpu.iota {dimensions = array<i32: 0>} : vector<16xi32>
      %xor3A_1297 = arith.constant 8 : i32
      %xor3A_1298 = vector.broadcast %xor3A_1297 : i32 to vector<16xi32>
      %xor3A_1299 = arith.xori %iota3A_1296, %xor3A_1298 : vector<16xi32>
      %lt3A_1300 = arith.constant 0 : i32
      %lt3A_1301 = vector.broadcast %lt3A_1300 : i32 to vector<16xi32>
      %lt3A_1302 = arith.cmpi slt, %xor3A_1299, %lt3A_1301 : vector<16xi32>
      %add3A_1303 = arith.constant 16 : i32
      %add3A_1304 = vector.broadcast %add3A_1303 : i32 to vector<16xi32>
      %add3A_1305 = arith.addi %xor3A_1299, %add3A_1304 : vector<16xi32>
      %select_n3A_1306 = arith.select %lt3A_1302, %add3A_1305, %xor3A_1299 : vector<16xi1>, vector<16xi32>
      %broadcast_in_dim3A_1307 = vector.shape_cast %select_n3A_1306 : vector<16xi32> to vector<16x1xi32>
      %gather3A_1308 = vector.shape_cast %broadcast_in_dim3A_1307 : vector<16x1xi32> to vector<16xi32>
      %gather3A_1309 = tpu.dynamic_gather %scan3A_974#5[%gather3A_1308] in [0] : vector<16xf32>, vector<16xi32> -> vector<16xf32>
      %min3A_1310 = arith.minimumf %scan3A_974#5, %gather3A_1309 : vector<16xf32>
      %xor3A_1311 = arith.constant 4 : i32
      %xor3A_1312 = vector.broadcast %xor3A_1311 : i32 to vector<16xi32>
      %xor3A_1313 = arith.xori %iota3A_1296, %xor3A_1312 : vector<16xi32>
      %lt3A_1314 = arith.constant 0 : i32
      %lt3A_1315 = vector.broadcast %lt3A_1314 : i32 to vector<16xi32>
      %lt3A_1316 = arith.cmpi slt, %xor3A_1313, %lt3A_1315 : vector<16xi32>
      %add3A_1317 = arith.constant 16 : i32
      %add3A_1318 = vector.broadcast %add3A_1317 : i32 to vector<16xi32>
      %add3A_1319 = arith.addi %xor3A_1313, %add3A_1318 : vector<16xi32>
      %select_n3A_1320 = arith.select %lt3A_1316, %add3A_1319, %xor3A_1313 : vector<16xi1>, vector<16xi32>
      %broadcast_in_dim3A_1321 = vector.shape_cast %select_n3A_1320 : vector<16xi32> to vector<16x1xi32>
      %gather3A_1322 = vector.shape_cast %broadcast_in_dim3A_1321 : vector<16x1xi32> to vector<16xi32>
      %gather3A_1323 = tpu.dynamic_gather %min3A_1310[%gather3A_1322] in [0] : vector<16xf32>, vector<16xi32> -> vector<16xf32>
      %min3A_1324 = arith.minimumf %min3A_1310, %gather3A_1323 : vector<16xf32>
      %xor3A_1325 = arith.constant 2 : i32
      %xor3A_1326 = vector.broadcast %xor3A_1325 : i32 to vector<16xi32>
      %xor3A_1327 = arith.xori %iota3A_1296, %xor3A_1326 : vector<16xi32>
      %lt3A_1328 = arith.constant 0 : i32
      %lt3A_1329 = vector.broadcast %lt3A_1328 : i32 to vector<16xi32>
      %lt3A_1330 = arith.cmpi slt, %xor3A_1327, %lt3A_1329 : vector<16xi32>
      %add3A_1331 = arith.constant 16 : i32
      %add3A_1332 = vector.broadcast %add3A_1331 : i32 to vector<16xi32>
      %add3A_1333 = arith.addi %xor3A_1327, %add3A_1332 : vector<16xi32>
      %select_n3A_1334 = arith.select %lt3A_1330, %add3A_1333, %xor3A_1327 : vector<16xi1>, vector<16xi32>
      %broadcast_in_dim3A_1335 = vector.shape_cast %select_n3A_1334 : vector<16xi32> to vector<16x1xi32>
      %gather3A_1336 = vector.shape_cast %broadcast_in_dim3A_1335 : vector<16x1xi32> to vector<16xi32>
      %gather3A_1337 = tpu.dynamic_gather %min3A_1324[%gather3A_1336] in [0] : vector<16xf32>, vector<16xi32> -> vector<16xf32>
      %min3A_1338 = arith.minimumf %min3A_1324, %gather3A_1337 : vector<16xf32>
      %xor3A_1339 = arith.constant 1 : i32
      %xor3A_1340 = vector.broadcast %xor3A_1339 : i32 to vector<16xi32>
      %xor3A_1341 = arith.xori %iota3A_1296, %xor3A_1340 : vector<16xi32>
      %lt3A_1342 = arith.constant 0 : i32
      %lt3A_1343 = vector.broadcast %lt3A_1342 : i32 to vector<16xi32>
      %lt3A_1344 = arith.cmpi slt, %xor3A_1341, %lt3A_1343 : vector<16xi32>
      %add3A_1345 = arith.constant 16 : i32
      %add3A_1346 = vector.broadcast %add3A_1345 : i32 to vector<16xi32>
      %add3A_1347 = arith.addi %xor3A_1341, %add3A_1346 : vector<16xi32>
      %select_n3A_1348 = arith.select %lt3A_1344, %add3A_1347, %xor3A_1341 : vector<16xi1>, vector<16xi32>
      %broadcast_in_dim3A_1349 = vector.shape_cast %select_n3A_1348 : vector<16xi32> to vector<16x1xi32>
      %gather3A_1350 = vector.shape_cast %broadcast_in_dim3A_1349 : vector<16x1xi32> to vector<16xi32>
      %gather3A_1351 = tpu.dynamic_gather %min3A_1338[%gather3A_1350] in [0] : vector<16xf32>, vector<16xi32> -> vector<16xf32>
      %min3A_1352 = arith.minimumf %min3A_1338, %gather3A_1351 : vector<16xf32>
      %slice3A_1353 = vector.extract_strided_slice %min3A_1352 {offsets = [0], sizes = [1], strides = [1]} : vector<16xf32> to vector<1xf32>
      %squeeze3A_1354 = vector.extract %slice3A_1353[0] : f32 from vector<1xf32>
      %lt3A_1355 = arith.constant 9.99999984E+17 : f32
      %lt3A_1356 = arith.cmpf olt, %squeeze3A_436, %lt3A_1355 : f32
      %jit3A_1357 = arith.constant 0.000000e+00 : f32
      %select_n3A_1358 = arith.select %lt3A_1356, %squeeze3A_1354, %jit3A_1357 : f32
      %add3A_1359 = arith.addf %add3A_1295, %select_n3A_1358 : f32
      %iota3A_1360 = tpu.iota {dimensions = array<i32: 0>} : vector<16xi32>
      %xor3A_1361 = arith.constant 8 : i32
      %xor3A_1362 = vector.broadcast %xor3A_1361 : i32 to vector<16xi32>
      %xor3A_1363 = arith.xori %iota3A_1360, %xor3A_1362 : vector<16xi32>
      %lt3A_1364 = arith.constant 0 : i32
      %lt3A_1365 = vector.broadcast %lt3A_1364 : i32 to vector<16xi32>
      %lt3A_1366 = arith.cmpi slt, %xor3A_1363, %lt3A_1365 : vector<16xi32>
      %add3A_1367 = arith.constant 16 : i32
      %add3A_1368 = vector.broadcast %add3A_1367 : i32 to vector<16xi32>
      %add3A_1369 = arith.addi %xor3A_1363, %add3A_1368 : vector<16xi32>
      %select_n3A_1370 = arith.select %lt3A_1366, %add3A_1369, %xor3A_1363 : vector<16xi1>, vector<16xi32>
      %broadcast_in_dim3A_1371 = vector.shape_cast %select_n3A_1370 : vector<16xi32> to vector<16x1xi32>
      %gather3A_1372 = vector.shape_cast %broadcast_in_dim3A_1371 : vector<16x1xi32> to vector<16xi32>
      %gather3A_1373 = tpu.dynamic_gather %scan3A_974#6[%gather3A_1372] in [0] : vector<16xf32>, vector<16xi32> -> vector<16xf32>
      %min3A_1374 = arith.minimumf %scan3A_974#6, %gather3A_1373 : vector<16xf32>
      %xor3A_1375 = arith.constant 4 : i32
      %xor3A_1376 = vector.broadcast %xor3A_1375 : i32 to vector<16xi32>
      %xor3A_1377 = arith.xori %iota3A_1360, %xor3A_1376 : vector<16xi32>
      %lt3A_1378 = arith.constant 0 : i32
      %lt3A_1379 = vector.broadcast %lt3A_1378 : i32 to vector<16xi32>
      %lt3A_1380 = arith.cmpi slt, %xor3A_1377, %lt3A_1379 : vector<16xi32>
      %add3A_1381 = arith.constant 16 : i32
      %add3A_1382 = vector.broadcast %add3A_1381 : i32 to vector<16xi32>
      %add3A_1383 = arith.addi %xor3A_1377, %add3A_1382 : vector<16xi32>
      %select_n3A_1384 = arith.select %lt3A_1380, %add3A_1383, %xor3A_1377 : vector<16xi1>, vector<16xi32>
      %broadcast_in_dim3A_1385 = vector.shape_cast %select_n3A_1384 : vector<16xi32> to vector<16x1xi32>
      %gather3A_1386 = vector.shape_cast %broadcast_in_dim3A_1385 : vector<16x1xi32> to vector<16xi32>
      %gather3A_1387 = tpu.dynamic_gather %min3A_1374[%gather3A_1386] in [0] : vector<16xf32>, vector<16xi32> -> vector<16xf32>
      %min3A_1388 = arith.minimumf %min3A_1374, %gather3A_1387 : vector<16xf32>
      %xor3A_1389 = arith.constant 2 : i32
      %xor3A_1390 = vector.broadcast %xor3A_1389 : i32 to vector<16xi32>
      %xor3A_1391 = arith.xori %iota3A_1360, %xor3A_1390 : vector<16xi32>
      %lt3A_1392 = arith.constant 0 : i32
      %lt3A_1393 = vector.broadcast %lt3A_1392 : i32 to vector<16xi32>
      %lt3A_1394 = arith.cmpi slt, %xor3A_1391, %lt3A_1393 : vector<16xi32>
      %add3A_1395 = arith.constant 16 : i32
      %add3A_1396 = vector.broadcast %add3A_1395 : i32 to vector<16xi32>
      %add3A_1397 = arith.addi %xor3A_1391, %add3A_1396 : vector<16xi32>
      %select_n3A_1398 = arith.select %lt3A_1394, %add3A_1397, %xor3A_1391 : vector<16xi1>, vector<16xi32>
      %broadcast_in_dim3A_1399 = vector.shape_cast %select_n3A_1398 : vector<16xi32> to vector<16x1xi32>
      %gather3A_1400 = vector.shape_cast %broadcast_in_dim3A_1399 : vector<16x1xi32> to vector<16xi32>
      %gather3A_1401 = tpu.dynamic_gather %min3A_1388[%gather3A_1400] in [0] : vector<16xf32>, vector<16xi32> -> vector<16xf32>
      %min3A_1402 = arith.minimumf %min3A_1388, %gather3A_1401 : vector<16xf32>
      %xor3A_1403 = arith.constant 1 : i32
      %xor3A_1404 = vector.broadcast %xor3A_1403 : i32 to vector<16xi32>
      %xor3A_1405 = arith.xori %iota3A_1360, %xor3A_1404 : vector<16xi32>
      %lt3A_1406 = arith.constant 0 : i32
      %lt3A_1407 = vector.broadcast %lt3A_1406 : i32 to vector<16xi32>
      %lt3A_1408 = arith.cmpi slt, %xor3A_1405, %lt3A_1407 : vector<16xi32>
      %add3A_1409 = arith.constant 16 : i32
      %add3A_1410 = vector.broadcast %add3A_1409 : i32 to vector<16xi32>
      %add3A_1411 = arith.addi %xor3A_1405, %add3A_1410 : vector<16xi32>
      %select_n3A_1412 = arith.select %lt3A_1408, %add3A_1411, %xor3A_1405 : vector<16xi1>, vector<16xi32>
      %broadcast_in_dim3A_1413 = vector.shape_cast %select_n3A_1412 : vector<16xi32> to vector<16x1xi32>
      %gather3A_1414 = vector.shape_cast %broadcast_in_dim3A_1413 : vector<16x1xi32> to vector<16xi32>
      %gather3A_1415 = tpu.dynamic_gather %min3A_1402[%gather3A_1414] in [0] : vector<16xf32>, vector<16xi32> -> vector<16xf32>
      %min3A_1416 = arith.minimumf %min3A_1402, %gather3A_1415 : vector<16xf32>
      %slice3A_1417 = vector.extract_strided_slice %min3A_1416 {offsets = [0], sizes = [1], strides = [1]} : vector<16xf32> to vector<1xf32>
      %squeeze3A_1418 = vector.extract %slice3A_1417[0] : f32 from vector<1xf32>
      %lt3A_1419 = arith.constant 9.99999984E+17 : f32
      %lt3A_1420 = arith.cmpf olt, %squeeze3A_442, %lt3A_1419 : f32
      %jit3A_1421 = arith.constant 0.000000e+00 : f32
      %select_n3A_1422 = arith.select %lt3A_1420, %squeeze3A_1418, %jit3A_1421 : f32
      %add3A_1423 = arith.addf %add3A_1359, %select_n3A_1422 : f32
      %iota3A_1424 = tpu.iota {dimensions = array<i32: 0>} : vector<16xi32>
      %xor3A_1425 = arith.constant 8 : i32
      %xor3A_1426 = vector.broadcast %xor3A_1425 : i32 to vector<16xi32>
      %xor3A_1427 = arith.xori %iota3A_1424, %xor3A_1426 : vector<16xi32>
      %lt3A_1428 = arith.constant 0 : i32
      %lt3A_1429 = vector.broadcast %lt3A_1428 : i32 to vector<16xi32>
      %lt3A_1430 = arith.cmpi slt, %xor3A_1427, %lt3A_1429 : vector<16xi32>
      %add3A_1431 = arith.constant 16 : i32
      %add3A_1432 = vector.broadcast %add3A_1431 : i32 to vector<16xi32>
      %add3A_1433 = arith.addi %xor3A_1427, %add3A_1432 : vector<16xi32>
      %select_n3A_1434 = arith.select %lt3A_1430, %add3A_1433, %xor3A_1427 : vector<16xi1>, vector<16xi32>
      %broadcast_in_dim3A_1435 = vector.shape_cast %select_n3A_1434 : vector<16xi32> to vector<16x1xi32>
      %gather3A_1436 = vector.shape_cast %broadcast_in_dim3A_1435 : vector<16x1xi32> to vector<16xi32>
      %gather3A_1437 = tpu.dynamic_gather %scan3A_974#7[%gather3A_1436] in [0] : vector<16xf32>, vector<16xi32> -> vector<16xf32>
      %min3A_1438 = arith.minimumf %scan3A_974#7, %gather3A_1437 : vector<16xf32>
      %xor3A_1439 = arith.constant 4 : i32
      %xor3A_1440 = vector.broadcast %xor3A_1439 : i32 to vector<16xi32>
      %xor3A_1441 = arith.xori %iota3A_1424, %xor3A_1440 : vector<16xi32>
      %lt3A_1442 = arith.constant 0 : i32
      %lt3A_1443 = vector.broadcast %lt3A_1442 : i32 to vector<16xi32>
      %lt3A_1444 = arith.cmpi slt, %xor3A_1441, %lt3A_1443 : vector<16xi32>
      %add3A_1445 = arith.constant 16 : i32
      %add3A_1446 = vector.broadcast %add3A_1445 : i32 to vector<16xi32>
      %add3A_1447 = arith.addi %xor3A_1441, %add3A_1446 : vector<16xi32>
      %select_n3A_1448 = arith.select %lt3A_1444, %add3A_1447, %xor3A_1441 : vector<16xi1>, vector<16xi32>
      %broadcast_in_dim3A_1449 = vector.shape_cast %select_n3A_1448 : vector<16xi32> to vector<16x1xi32>
      %gather3A_1450 = vector.shape_cast %broadcast_in_dim3A_1449 : vector<16x1xi32> to vector<16xi32>
      %gather3A_1451 = tpu.dynamic_gather %min3A_1438[%gather3A_1450] in [0] : vector<16xf32>, vector<16xi32> -> vector<16xf32>
      %min3A_1452 = arith.minimumf %min3A_1438, %gather3A_1451 : vector<16xf32>
      %xor3A_1453 = arith.constant 2 : i32
      %xor3A_1454 = vector.broadcast %xor3A_1453 : i32 to vector<16xi32>
      %xor3A_1455 = arith.xori %iota3A_1424, %xor3A_1454 : vector<16xi32>
      %lt3A_1456 = arith.constant 0 : i32
      %lt3A_1457 = vector.broadcast %lt3A_1456 : i32 to vector<16xi32>
      %lt3A_1458 = arith.cmpi slt, %xor3A_1455, %lt3A_1457 : vector<16xi32>
      %add3A_1459 = arith.constant 16 : i32
      %add3A_1460 = vector.broadcast %add3A_1459 : i32 to vector<16xi32>
      %add3A_1461 = arith.addi %xor3A_1455, %add3A_1460 : vector<16xi32>
      %select_n3A_1462 = arith.select %lt3A_1458, %add3A_1461, %xor3A_1455 : vector<16xi1>, vector<16xi32>
      %broadcast_in_dim3A_1463 = vector.shape_cast %select_n3A_1462 : vector<16xi32> to vector<16x1xi32>
      %gather3A_1464 = vector.shape_cast %broadcast_in_dim3A_1463 : vector<16x1xi32> to vector<16xi32>
      %gather3A_1465 = tpu.dynamic_gather %min3A_1452[%gather3A_1464] in [0] : vector<16xf32>, vector<16xi32> -> vector<16xf32>
      %min3A_1466 = arith.minimumf %min3A_1452, %gather3A_1465 : vector<16xf32>
      %xor3A_1467 = arith.constant 1 : i32
      %xor3A_1468 = vector.broadcast %xor3A_1467 : i32 to vector<16xi32>
      %xor3A_1469 = arith.xori %iota3A_1424, %xor3A_1468 : vector<16xi32>
      %lt3A_1470 = arith.constant 0 : i32
      %lt3A_1471 = vector.broadcast %lt3A_1470 : i32 to vector<16xi32>
      %lt3A_1472 = arith.cmpi slt, %xor3A_1469, %lt3A_1471 : vector<16xi32>
      %add3A_1473 = arith.constant 16 : i32
      %add3A_1474 = vector.broadcast %add3A_1473 : i32 to vector<16xi32>
      %add3A_1475 = arith.addi %xor3A_1469, %add3A_1474 : vector<16xi32>
      %select_n3A_1476 = arith.select %lt3A_1472, %add3A_1475, %xor3A_1469 : vector<16xi1>, vector<16xi32>
      %broadcast_in_dim3A_1477 = vector.shape_cast %select_n3A_1476 : vector<16xi32> to vector<16x1xi32>
      %gather3A_1478 = vector.shape_cast %broadcast_in_dim3A_1477 : vector<16x1xi32> to vector<16xi32>
      %gather3A_1479 = tpu.dynamic_gather %min3A_1466[%gather3A_1478] in [0] : vector<16xf32>, vector<16xi32> -> vector<16xf32>
      %min3A_1480 = arith.minimumf %min3A_1466, %gather3A_1479 : vector<16xf32>
      %slice3A_1481 = vector.extract_strided_slice %min3A_1480 {offsets = [0], sizes = [1], strides = [1]} : vector<16xf32> to vector<1xf32>
      %squeeze3A_1482 = vector.extract %slice3A_1481[0] : f32 from vector<1xf32>
      %lt3A_1483 = arith.constant 9.99999984E+17 : f32
      %lt3A_1484 = arith.cmpf olt, %squeeze3A_448, %lt3A_1483 : f32
      %jit3A_1485 = arith.constant 0.000000e+00 : f32
      %select_n3A_1486 = arith.select %lt3A_1484, %squeeze3A_1482, %jit3A_1485 : f32
      %add3A_1487 = arith.addf %add3A_1423, %select_n3A_1486 : f32
      scf.yield %add3A_1487 : f32
    }
    %scan3A_127 = arith.constant 16 : i32
    %iota3A_128 = tpu.iota {dimensions = array<i32: 0>} : vector<16xi32>
    %eq3A_129 = arith.constant 0 : i32
    %eq3A_130 = vector.broadcast %eq3A_129 : i32 to vector<16xi32>
    %eq3A_131 = arith.cmpi eq, %iota3A_128, %eq3A_130 : vector<16xi32>
    %jit3A_132 = arith.constant 0.000000e+00 : f32
    %broadcast_in_dim3A_133 = vector.broadcast %scan3A_126 : f32 to vector<16xf32>
    %broadcast_in_dim3A_134 = vector.broadcast %jit3A_132 : f32 to vector<16xf32>
    %select_n3A_135 = arith.select %eq3A_131, %broadcast_in_dim3A_133, %broadcast_in_dim3A_134 : vector<16xi1>, vector<16xf32>
    %eq3A_136 = arith.constant 1 : i32
    %eq3A_137 = vector.broadcast %eq3A_136 : i32 to vector<16xi32>
    %eq3A_138 = arith.cmpi eq, %iota3A_128, %eq3A_137 : vector<16xi32>
    %jit3A_139 = arith.constant 0.000000e+00 : f32
    %broadcast_in_dim3A_140 = vector.broadcast %squeeze3A : f32 to vector<16xf32>
    %broadcast_in_dim3A_141 = vector.broadcast %jit3A_139 : f32 to vector<16xf32>
    %select_n3A_142 = arith.select %eq3A_138, %broadcast_in_dim3A_140, %broadcast_in_dim3A_141 : vector<16xi1>, vector<16xf32>
    %add3A_143 = arith.addf %select_n3A_135, %select_n3A_142 : vector<16xf32>
    %swap3A = arith.constant 0 : index
    %swap3A_144 = tpu.vector_load %arg13[%swap3A] {strides = array<i32>} : memref<16xf32, #tpu.memory_space<vmem>>, vector<16xf32>,
    %swap3A_145 = vector.shape_cast %swap3A_144 : vector<16xf32> to vector<16xf32>
    %swap3A_146 = vector.shape_cast %add3A_143 : vector<16xf32> to vector<16xf32>
    tpu.vector_store %arg13[%swap3A], %swap3A_146 {strides = array<i32>} : memref<16xf32, #tpu.memory_space<vmem>>, vector<16xf32>,
    %mul3A_147 = arith.constant 4096 : i32
    %mul3A_148 = arith.muli %arg1, %mul3A_147 : i32
    "tpu.region"() ({
      %run_scoped3A = tpu.sem_alloc : memref<!tpu.dma_semaphore, #tpu.memory_space<semaphore_mem>>
      %dma_start3A = tpu.memref_slice %arg14[%mul3A_148] : memref<65536xf32, #tpu.memory_space<vmem_shared>> -> memref<4096xf32, #tpu.memory_space<vmem_shared>>
      %dma_start3A_345 = tpu.memref_slice %arg14[%mul3A_148] : memref<65536xf32, #tpu.memory_space<vmem_shared>> -> memref<4096xf32, #tpu.memory_space<vmem_shared>>
      tpu.enqueue_dma source(%arg11 : memref<4096xf32, #tpu.memory_space<vmem>>) target(%dma_start3A_345 : memref<4096xf32, #tpu.memory_space<vmem_shared>>) target_semaphore(%run_scoped3A : memref<!tpu.dma_semaphore, #tpu.memory_space<semaphore_mem>>)
      %dma_wait3A = tpu.memref_slice %arg14[%mul3A_148] : memref<65536xf32, #tpu.memory_space<vmem_shared>> -> memref<4096xf32, #tpu.memory_space<vmem_shared>>
      %dma_wait3A_346 = tpu.memref_slice %arg14[%mul3A_148] : memref<65536xf32, #tpu.memory_space<vmem_shared>> -> memref<4096xf32, #tpu.memory_space<vmem_shared>>
      tpu.wait_dma2 semaphore(%run_scoped3A : memref<!tpu.dma_semaphore, #tpu.memory_space<semaphore_mem>>) src(%arg11 : memref<4096xf32, #tpu.memory_space<vmem>>) dst(%dma_wait3A_346 : memref<4096xf32, #tpu.memory_space<vmem_shared>>)
      tpu.yield
    }) : () -> ()
    %mul3A_149 = arith.constant 16 : i32
    %mul3A_150 = arith.muli %arg1, %mul3A_149 : i32
    "tpu.region"() ({
      %run_scoped3A = tpu.sem_alloc : memref<!tpu.dma_semaphore, #tpu.memory_space<semaphore_mem>>
      %dma_start3A = tpu.memref_slice %arg15[%mul3A_150] : memref<256xf32, #tpu.memory_space<vmem_shared>> -> memref<16xf32, #tpu.memory_space<vmem_shared>>
      %dma_start3A_345 = tpu.memref_slice %arg15[%mul3A_150] : memref<256xf32, #tpu.memory_space<vmem_shared>> -> memref<16xf32, #tpu.memory_space<vmem_shared>>
      tpu.enqueue_dma source(%arg13 : memref<16xf32, #tpu.memory_space<vmem>>) target(%dma_start3A_345 : memref<16xf32, #tpu.memory_space<vmem_shared>>) target_semaphore(%run_scoped3A : memref<!tpu.dma_semaphore, #tpu.memory_space<semaphore_mem>>)
      %dma_wait3A = tpu.memref_slice %arg15[%mul3A_150] : memref<256xf32, #tpu.memory_space<vmem_shared>> -> memref<16xf32, #tpu.memory_space<vmem_shared>>
      %dma_wait3A_346 = tpu.memref_slice %arg15[%mul3A_150] : memref<256xf32, #tpu.memory_space<vmem_shared>> -> memref<16xf32, #tpu.memory_space<vmem_shared>>
      tpu.wait_dma2 semaphore(%run_scoped3A : memref<!tpu.dma_semaphore, #tpu.memory_space<semaphore_mem>>) src(%arg13 : memref<16xf32, #tpu.memory_space<vmem>>) dst(%dma_wait3A_346 : memref<16xf32, #tpu.memory_space<vmem_shared>>)
      tpu.yield
    }) : () -> ()
    %barrier3A = arith.constant 0 : index
    tpu.barrier barrier_id(%barrier3A)
    %sub3A_151 = arith.subi %arg1, %select_n3A_28 : i32
    %add3A_152 = arith.constant 0 : i32
    %add3A_153 = arith.addi %sub3A_151, %add3A_152 : i32
    %mul3A_154 = arith.constant 4096 : i32
    %mul3A_155 = arith.muli %add3A_153, %mul3A_154 : i32
    %mul3A_156 = arith.constant 256 : i32
    %mul3A_157 = arith.muli %select_n3A_28, %mul3A_156 : i32
    %add3A_158 = arith.addi %mul3A_155, %mul3A_157 : i32
    "tpu.region"() ({
      %run_scoped3A = tpu.sem_alloc : memref<!tpu.dma_semaphore, #tpu.memory_space<semaphore_mem>>
      %dma_start3A = arith.constant 0 : i32
      %dma_start3A_345 = tpu.memref_slice %arg12[%dma_start3A] : memref<4096xf32, #tpu.memory_space<vmem>> -> memref<256xf32, #tpu.memory_space<vmem>>
      %dma_start3A_346 = tpu.memref_slice %arg14[%add3A_158] : memref<65536xf32, #tpu.memory_space<vmem_shared>> -> memref<256xf32, #tpu.memory_space<vmem_shared>>
      %dma_start3A_347 = arith.constant 0 : i32
      %dma_start3A_348 = tpu.memref_slice %arg12[%dma_start3A_347] : memref<4096xf32, #tpu.memory_space<vmem>> -> memref<256xf32, #tpu.memory_space<vmem>>
      %dma_start3A_349 = tpu.memref_slice %arg14[%add3A_158] : memref<65536xf32, #tpu.memory_space<vmem_shared>> -> memref<256xf32, #tpu.memory_space<vmem_shared>>
      tpu.enqueue_dma source(%dma_start3A_349 : memref<256xf32, #tpu.memory_space<vmem_shared>>) target(%dma_start3A_348 : memref<256xf32, #tpu.memory_space<vmem>>) target_semaphore(%run_scoped3A : memref<!tpu.dma_semaphore, #tpu.memory_space<semaphore_mem>>)
      %dma_wait3A = arith.constant 0 : i32
      %dma_wait3A_350 = tpu.memref_slice %arg12[%dma_wait3A] : memref<4096xf32, #tpu.memory_space<vmem>> -> memref<256xf32, #tpu.memory_space<vmem>>
      %dma_wait3A_351 = tpu.memref_slice %arg14[%add3A_158] : memref<65536xf32, #tpu.memory_space<vmem_shared>> -> memref<256xf32, #tpu.memory_space<vmem_shared>>
      %dma_wait3A_352 = arith.constant 0 : i32
      %dma_wait3A_353 = tpu.memref_slice %arg12[%dma_wait3A_352] : memref<4096xf32, #tpu.memory_space<vmem>> -> memref<256xf32, #tpu.memory_space<vmem>>
      %dma_wait3A_354 = tpu.memref_slice %arg14[%add3A_158] : memref<65536xf32, #tpu.memory_space<vmem_shared>> -> memref<256xf32, #tpu.memory_space<vmem_shared>>
      tpu.wait_dma2 semaphore(%run_scoped3A : memref<!tpu.dma_semaphore, #tpu.memory_space<semaphore_mem>>) src(%dma_wait3A_354 : memref<256xf32, #tpu.memory_space<vmem_shared>>) dst(%dma_wait3A_353 : memref<256xf32, #tpu.memory_space<vmem>>)
      tpu.yield
    }) : () -> ()
    %add3A_159 = arith.constant 1 : i32
    %add3A_160 = arith.addi %sub3A_151, %add3A_159 : i32
    %mul3A_161 = arith.constant 4096 : i32
    %mul3A_162 = arith.muli %add3A_160, %mul3A_161 : i32
    %mul3A_163 = arith.constant 256 : i32
    %mul3A_164 = arith.muli %select_n3A_28, %mul3A_163 : i32
    %add3A_165 = arith.addi %mul3A_162, %mul3A_164 : i32
    "tpu.region"() ({
      %run_scoped3A = tpu.sem_alloc : memref<!tpu.dma_semaphore, #tpu.memory_space<semaphore_mem>>
      %dma_start3A = arith.constant 256 : i32
      %dma_start3A_345 = tpu.memref_slice %arg12[%dma_start3A] : memref<4096xf32, #tpu.memory_space<vmem>> -> memref<256xf32, #tpu.memory_space<vmem>>
      %dma_start3A_346 = tpu.memref_slice %arg14[%add3A_165] : memref<65536xf32, #tpu.memory_space<vmem_shared>> -> memref<256xf32, #tpu.memory_space<vmem_shared>>
      %dma_start3A_347 = arith.constant 256 : i32
      %dma_start3A_348 = tpu.memref_slice %arg12[%dma_start3A_347] : memref<4096xf32, #tpu.memory_space<vmem>> -> memref<256xf32, #tpu.memory_space<vmem>>
      %dma_start3A_349 = tpu.memref_slice %arg14[%add3A_165] : memref<65536xf32, #tpu.memory_space<vmem_shared>> -> memref<256xf32, #tpu.memory_space<vmem_shared>>
      tpu.enqueue_dma source(%dma_start3A_349 : memref<256xf32, #tpu.memory_space<vmem_shared>>) target(%dma_start3A_348 : memref<256xf32, #tpu.memory_space<vmem>>) target_semaphore(%run_scoped3A : memref<!tpu.dma_semaphore, #tpu.memory_space<semaphore_mem>>)
      %dma_wait3A = arith.constant 256 : i32
      %dma_wait3A_350 = tpu.memref_slice %arg12[%dma_wait3A] : memref<4096xf32, #tpu.memory_space<vmem>> -> memref<256xf32, #tpu.memory_space<vmem>>
      %dma_wait3A_351 = tpu.memref_slice %arg14[%add3A_165] : memref<65536xf32, #tpu.memory_space<vmem_shared>> -> memref<256xf32, #tpu.memory_space<vmem_shared>>
      %dma_wait3A_352 = arith.constant 256 : i32
      %dma_wait3A_353 = tpu.memref_slice %arg12[%dma_wait3A_352] : memref<4096xf32, #tpu.memory_space<vmem>> -> memref<256xf32, #tpu.memory_space<vmem>>
      %dma_wait3A_354 = tpu.memref_slice %arg14[%add3A_165] : memref<65536xf32, #tpu.memory_space<vmem_shared>> -> memref<256xf32, #tpu.memory_space<vmem_shared>>
      tpu.wait_dma2 semaphore(%run_scoped3A : memref<!tpu.dma_semaphore, #tpu.memory_space<semaphore_mem>>) src(%dma_wait3A_354 : memref<256xf32, #tpu.memory_space<vmem_shared>>) dst(%dma_wait3A_353 : memref<256xf32, #tpu.memory_space<vmem>>)
      tpu.yield
    }) : () -> ()
    %add3A_166 = arith.constant 2 : i32
    %add3A_167 = arith.addi %sub3A_151, %add3A_166 : i32
    %mul3A_168 = arith.constant 4096 : i32
    %mul3A_169 = arith.muli %add3A_167, %mul3A_168 : i32
    %mul3A_170 = arith.constant 256 : i32
    %mul3A_171 = arith.muli %select_n3A_28, %mul3A_170 : i32
    %add3A_172 = arith.addi %mul3A_169, %mul3A_171 : i32
    "tpu.region"() ({
      %run_scoped3A = tpu.sem_alloc : memref<!tpu.dma_semaphore, #tpu.memory_space<semaphore_mem>>
      %dma_start3A = arith.constant 512 : i32
      %dma_start3A_345 = tpu.memref_slice %arg12[%dma_start3A] : memref<4096xf32, #tpu.memory_space<vmem>> -> memref<256xf32, #tpu.memory_space<vmem>>
      %dma_start3A_346 = tpu.memref_slice %arg14[%add3A_172] : memref<65536xf32, #tpu.memory_space<vmem_shared>> -> memref<256xf32, #tpu.memory_space<vmem_shared>>
      %dma_start3A_347 = arith.constant 512 : i32
      %dma_start3A_348 = tpu.memref_slice %arg12[%dma_start3A_347] : memref<4096xf32, #tpu.memory_space<vmem>> -> memref<256xf32, #tpu.memory_space<vmem>>
      %dma_start3A_349 = tpu.memref_slice %arg14[%add3A_172] : memref<65536xf32, #tpu.memory_space<vmem_shared>> -> memref<256xf32, #tpu.memory_space<vmem_shared>>
      tpu.enqueue_dma source(%dma_start3A_349 : memref<256xf32, #tpu.memory_space<vmem_shared>>) target(%dma_start3A_348 : memref<256xf32, #tpu.memory_space<vmem>>) target_semaphore(%run_scoped3A : memref<!tpu.dma_semaphore, #tpu.memory_space<semaphore_mem>>)
      %dma_wait3A = arith.constant 512 : i32
      %dma_wait3A_350 = tpu.memref_slice %arg12[%dma_wait3A] : memref<4096xf32, #tpu.memory_space<vmem>> -> memref<256xf32, #tpu.memory_space<vmem>>
      %dma_wait3A_351 = tpu.memref_slice %arg14[%add3A_172] : memref<65536xf32, #tpu.memory_space<vmem_shared>> -> memref<256xf32, #tpu.memory_space<vmem_shared>>
      %dma_wait3A_352 = arith.constant 512 : i32
      %dma_wait3A_353 = tpu.memref_slice %arg12[%dma_wait3A_352] : memref<4096xf32, #tpu.memory_space<vmem>> -> memref<256xf32, #tpu.memory_space<vmem>>
      %dma_wait3A_354 = tpu.memref_slice %arg14[%add3A_172] : memref<65536xf32, #tpu.memory_space<vmem_shared>> -> memref<256xf32, #tpu.memory_space<vmem_shared>>
      tpu.wait_dma2 semaphore(%run_scoped3A : memref<!tpu.dma_semaphore, #tpu.memory_space<semaphore_mem>>) src(%dma_wait3A_354 : memref<256xf32, #tpu.memory_space<vmem_shared>>) dst(%dma_wait3A_353 : memref<256xf32, #tpu.memory_space<vmem>>)
      tpu.yield
    }) : () -> ()
    %add3A_173 = arith.constant 3 : i32
    %add3A_174 = arith.addi %sub3A_151, %add3A_173 : i32
    %mul3A_175 = arith.constant 4096 : i32
    %mul3A_176 = arith.muli %add3A_174, %mul3A_175 : i32
    %mul3A_177 = arith.constant 256 : i32
    %mul3A_178 = arith.muli %select_n3A_28, %mul3A_177 : i32
    %add3A_179 = arith.addi %mul3A_176, %mul3A_178 : i32
    "tpu.region"() ({
      %run_scoped3A = tpu.sem_alloc : memref<!tpu.dma_semaphore, #tpu.memory_space<semaphore_mem>>
      %dma_start3A = arith.constant 768 : i32
      %dma_start3A_345 = tpu.memref_slice %arg12[%dma_start3A] : memref<4096xf32, #tpu.memory_space<vmem>> -> memref<256xf32, #tpu.memory_space<vmem>>
      %dma_start3A_346 = tpu.memref_slice %arg14[%add3A_179] : memref<65536xf32, #tpu.memory_space<vmem_shared>> -> memref<256xf32, #tpu.memory_space<vmem_shared>>
      %dma_start3A_347 = arith.constant 768 : i32
      %dma_start3A_348 = tpu.memref_slice %arg12[%dma_start3A_347] : memref<4096xf32, #tpu.memory_space<vmem>> -> memref<256xf32, #tpu.memory_space<vmem>>
      %dma_start3A_349 = tpu.memref_slice %arg14[%add3A_179] : memref<65536xf32, #tpu.memory_space<vmem_shared>> -> memref<256xf32, #tpu.memory_space<vmem_shared>>
      tpu.enqueue_dma source(%dma_start3A_349 : memref<256xf32, #tpu.memory_space<vmem_shared>>) target(%dma_start3A_348 : memref<256xf32, #tpu.memory_space<vmem>>) target_semaphore(%run_scoped3A : memref<!tpu.dma_semaphore, #tpu.memory_space<semaphore_mem>>)
      %dma_wait3A = arith.constant 768 : i32
      %dma_wait3A_350 = tpu.memref_slice %arg12[%dma_wait3A] : memref<4096xf32, #tpu.memory_space<vmem>> -> memref<256xf32, #tpu.memory_space<vmem>>
      %dma_wait3A_351 = tpu.memref_slice %arg14[%add3A_179] : memref<65536xf32, #tpu.memory_space<vmem_shared>> -> memref<256xf32, #tpu.memory_space<vmem_shared>>
      %dma_wait3A_352 = arith.constant 768 : i32
      %dma_wait3A_353 = tpu.memref_slice %arg12[%dma_wait3A_352] : memref<4096xf32, #tpu.memory_space<vmem>> -> memref<256xf32, #tpu.memory_space<vmem>>
      %dma_wait3A_354 = tpu.memref_slice %arg14[%add3A_179] : memref<65536xf32, #tpu.memory_space<vmem_shared>> -> memref<256xf32, #tpu.memory_space<vmem_shared>>
      tpu.wait_dma2 semaphore(%run_scoped3A : memref<!tpu.dma_semaphore, #tpu.memory_space<semaphore_mem>>) src(%dma_wait3A_354 : memref<256xf32, #tpu.memory_space<vmem_shared>>) dst(%dma_wait3A_353 : memref<256xf32, #tpu.memory_space<vmem>>)
      tpu.yield
    }) : () -> ()
    %add3A_180 = arith.constant 4 : i32
    %add3A_181 = arith.addi %sub3A_151, %add3A_180 : i32
    %mul3A_182 = arith.constant 4096 : i32
    %mul3A_183 = arith.muli %add3A_181, %mul3A_182 : i32
    %mul3A_184 = arith.constant 256 : i32
    %mul3A_185 = arith.muli %select_n3A_28, %mul3A_184 : i32
    %add3A_186 = arith.addi %mul3A_183, %mul3A_185 : i32
    "tpu.region"() ({
      %run_scoped3A = tpu.sem_alloc : memref<!tpu.dma_semaphore, #tpu.memory_space<semaphore_mem>>
      %dma_start3A = arith.constant 1024 : i32
      %dma_start3A_345 = tpu.memref_slice %arg12[%dma_start3A] : memref<4096xf32, #tpu.memory_space<vmem>> -> memref<256xf32, #tpu.memory_space<vmem>>
      %dma_start3A_346 = tpu.memref_slice %arg14[%add3A_186] : memref<65536xf32, #tpu.memory_space<vmem_shared>> -> memref<256xf32, #tpu.memory_space<vmem_shared>>
      %dma_start3A_347 = arith.constant 1024 : i32
      %dma_start3A_348 = tpu.memref_slice %arg12[%dma_start3A_347] : memref<4096xf32, #tpu.memory_space<vmem>> -> memref<256xf32, #tpu.memory_space<vmem>>
      %dma_start3A_349 = tpu.memref_slice %arg14[%add3A_186] : memref<65536xf32, #tpu.memory_space<vmem_shared>> -> memref<256xf32, #tpu.memory_space<vmem_shared>>
      tpu.enqueue_dma source(%dma_start3A_349 : memref<256xf32, #tpu.memory_space<vmem_shared>>) target(%dma_start3A_348 : memref<256xf32, #tpu.memory_space<vmem>>) target_semaphore(%run_scoped3A : memref<!tpu.dma_semaphore, #tpu.memory_space<semaphore_mem>>)
      %dma_wait3A = arith.constant 1024 : i32
      %dma_wait3A_350 = tpu.memref_slice %arg12[%dma_wait3A] : memref<4096xf32, #tpu.memory_space<vmem>> -> memref<256xf32, #tpu.memory_space<vmem>>
      %dma_wait3A_351 = tpu.memref_slice %arg14[%add3A_186] : memref<65536xf32, #tpu.memory_space<vmem_shared>> -> memref<256xf32, #tpu.memory_space<vmem_shared>>
      %dma_wait3A_352 = arith.constant 1024 : i32
      %dma_wait3A_353 = tpu.memref_slice %arg12[%dma_wait3A_352] : memref<4096xf32, #tpu.memory_space<vmem>> -> memref<256xf32, #tpu.memory_space<vmem>>
      %dma_wait3A_354 = tpu.memref_slice %arg14[%add3A_186] : memref<65536xf32, #tpu.memory_space<vmem_shared>> -> memref<256xf32, #tpu.memory_space<vmem_shared>>
      tpu.wait_dma2 semaphore(%run_scoped3A : memref<!tpu.dma_semaphore, #tpu.memory_space<semaphore_mem>>) src(%dma_wait3A_354 : memref<256xf32, #tpu.memory_space<vmem_shared>>) dst(%dma_wait3A_353 : memref<256xf32, #tpu.memory_space<vmem>>)
      tpu.yield
    }) : () -> ()
    %add3A_187 = arith.constant 5 : i32
    %add3A_188 = arith.addi %sub3A_151, %add3A_187 : i32
    %mul3A_189 = arith.constant 4096 : i32
    %mul3A_190 = arith.muli %add3A_188, %mul3A_189 : i32
    %mul3A_191 = arith.constant 256 : i32
    %mul3A_192 = arith.muli %select_n3A_28, %mul3A_191 : i32
    %add3A_193 = arith.addi %mul3A_190, %mul3A_192 : i32
    "tpu.region"() ({
      %run_scoped3A = tpu.sem_alloc : memref<!tpu.dma_semaphore, #tpu.memory_space<semaphore_mem>>
      %dma_start3A = arith.constant 1280 : i32
      %dma_start3A_345 = tpu.memref_slice %arg12[%dma_start3A] : memref<4096xf32, #tpu.memory_space<vmem>> -> memref<256xf32, #tpu.memory_space<vmem>>
      %dma_start3A_346 = tpu.memref_slice %arg14[%add3A_193] : memref<65536xf32, #tpu.memory_space<vmem_shared>> -> memref<256xf32, #tpu.memory_space<vmem_shared>>
      %dma_start3A_347 = arith.constant 1280 : i32
      %dma_start3A_348 = tpu.memref_slice %arg12[%dma_start3A_347] : memref<4096xf32, #tpu.memory_space<vmem>> -> memref<256xf32, #tpu.memory_space<vmem>>
      %dma_start3A_349 = tpu.memref_slice %arg14[%add3A_193] : memref<65536xf32, #tpu.memory_space<vmem_shared>> -> memref<256xf32, #tpu.memory_space<vmem_shared>>
      tpu.enqueue_dma source(%dma_start3A_349 : memref<256xf32, #tpu.memory_space<vmem_shared>>) target(%dma_start3A_348 : memref<256xf32, #tpu.memory_space<vmem>>) target_semaphore(%run_scoped3A : memref<!tpu.dma_semaphore, #tpu.memory_space<semaphore_mem>>)
      %dma_wait3A = arith.constant 1280 : i32
      %dma_wait3A_350 = tpu.memref_slice %arg12[%dma_wait3A] : memref<4096xf32, #tpu.memory_space<vmem>> -> memref<256xf32, #tpu.memory_space<vmem>>
      %dma_wait3A_351 = tpu.memref_slice %arg14[%add3A_193] : memref<65536xf32, #tpu.memory_space<vmem_shared>> -> memref<256xf32, #tpu.memory_space<vmem_shared>>
      %dma_wait3A_352 = arith.constant 1280 : i32
      %dma_wait3A_353 = tpu.memref_slice %arg12[%dma_wait3A_352] : memref<4096xf32, #tpu.memory_space<vmem>> -> memref<256xf32, #tpu.memory_space<vmem>>
      %dma_wait3A_354 = tpu.memref_slice %arg14[%add3A_193] : memref<65536xf32, #tpu.memory_space<vmem_shared>> -> memref<256xf32, #tpu.memory_space<vmem_shared>>
      tpu.wait_dma2 semaphore(%run_scoped3A : memref<!tpu.dma_semaphore, #tpu.memory_space<semaphore_mem>>) src(%dma_wait3A_354 : memref<256xf32, #tpu.memory_space<vmem_shared>>) dst(%dma_wait3A_353 : memref<256xf32, #tpu.memory_space<vmem>>)
      tpu.yield
    }) : () -> ()
    %add3A_194 = arith.constant 6 : i32
    %add3A_195 = arith.addi %sub3A_151, %add3A_194 : i32
    %mul3A_196 = arith.constant 4096 : i32
    %mul3A_197 = arith.muli %add3A_195, %mul3A_196 : i32
    %mul3A_198 = arith.constant 256 : i32
    %mul3A_199 = arith.muli %select_n3A_28, %mul3A_198 : i32
    %add3A_200 = arith.addi %mul3A_197, %mul3A_199 : i32
    "tpu.region"() ({
      %run_scoped3A = tpu.sem_alloc : memref<!tpu.dma_semaphore, #tpu.memory_space<semaphore_mem>>
      %dma_start3A = arith.constant 1536 : i32
      %dma_start3A_345 = tpu.memref_slice %arg12[%dma_start3A] : memref<4096xf32, #tpu.memory_space<vmem>> -> memref<256xf32, #tpu.memory_space<vmem>>
      %dma_start3A_346 = tpu.memref_slice %arg14[%add3A_200] : memref<65536xf32, #tpu.memory_space<vmem_shared>> -> memref<256xf32, #tpu.memory_space<vmem_shared>>
      %dma_start3A_347 = arith.constant 1536 : i32
      %dma_start3A_348 = tpu.memref_slice %arg12[%dma_start3A_347] : memref<4096xf32, #tpu.memory_space<vmem>> -> memref<256xf32, #tpu.memory_space<vmem>>
      %dma_start3A_349 = tpu.memref_slice %arg14[%add3A_200] : memref<65536xf32, #tpu.memory_space<vmem_shared>> -> memref<256xf32, #tpu.memory_space<vmem_shared>>
      tpu.enqueue_dma source(%dma_start3A_349 : memref<256xf32, #tpu.memory_space<vmem_shared>>) target(%dma_start3A_348 : memref<256xf32, #tpu.memory_space<vmem>>) target_semaphore(%run_scoped3A : memref<!tpu.dma_semaphore, #tpu.memory_space<semaphore_mem>>)
      %dma_wait3A = arith.constant 1536 : i32
      %dma_wait3A_350 = tpu.memref_slice %arg12[%dma_wait3A] : memref<4096xf32, #tpu.memory_space<vmem>> -> memref<256xf32, #tpu.memory_space<vmem>>
      %dma_wait3A_351 = tpu.memref_slice %arg14[%add3A_200] : memref<65536xf32, #tpu.memory_space<vmem_shared>> -> memref<256xf32, #tpu.memory_space<vmem_shared>>
      %dma_wait3A_352 = arith.constant 1536 : i32
      %dma_wait3A_353 = tpu.memref_slice %arg12[%dma_wait3A_352] : memref<4096xf32, #tpu.memory_space<vmem>> -> memref<256xf32, #tpu.memory_space<vmem>>
      %dma_wait3A_354 = tpu.memref_slice %arg14[%add3A_200] : memref<65536xf32, #tpu.memory_space<vmem_shared>> -> memref<256xf32, #tpu.memory_space<vmem_shared>>
      tpu.wait_dma2 semaphore(%run_scoped3A : memref<!tpu.dma_semaphore, #tpu.memory_space<semaphore_mem>>) src(%dma_wait3A_354 : memref<256xf32, #tpu.memory_space<vmem_shared>>) dst(%dma_wait3A_353 : memref<256xf32, #tpu.memory_space<vmem>>)
      tpu.yield
    }) : () -> ()
    %add3A_201 = arith.constant 7 : i32
    %add3A_202 = arith.addi %sub3A_151, %add3A_201 : i32
    %mul3A_203 = arith.constant 4096 : i32
    %mul3A_204 = arith.muli %add3A_202, %mul3A_203 : i32
    %mul3A_205 = arith.constant 256 : i32
    %mul3A_206 = arith.muli %select_n3A_28, %mul3A_205 : i32
    %add3A_207 = arith.addi %mul3A_204, %mul3A_206 : i32
    "tpu.region"() ({
      %run_scoped3A = tpu.sem_alloc : memref<!tpu.dma_semaphore, #tpu.memory_space<semaphore_mem>>
      %dma_start3A = arith.constant 1792 : i32
      %dma_start3A_345 = tpu.memref_slice %arg12[%dma_start3A] : memref<4096xf32, #tpu.memory_space<vmem>> -> memref<256xf32, #tpu.memory_space<vmem>>
      %dma_start3A_346 = tpu.memref_slice %arg14[%add3A_207] : memref<65536xf32, #tpu.memory_space<vmem_shared>> -> memref<256xf32, #tpu.memory_space<vmem_shared>>
      %dma_start3A_347 = arith.constant 1792 : i32
      %dma_start3A_348 = tpu.memref_slice %arg12[%dma_start3A_347] : memref<4096xf32, #tpu.memory_space<vmem>> -> memref<256xf32, #tpu.memory_space<vmem>>
      %dma_start3A_349 = tpu.memref_slice %arg14[%add3A_207] : memref<65536xf32, #tpu.memory_space<vmem_shared>> -> memref<256xf32, #tpu.memory_space<vmem_shared>>
      tpu.enqueue_dma source(%dma_start3A_349 : memref<256xf32, #tpu.memory_space<vmem_shared>>) target(%dma_start3A_348 : memref<256xf32, #tpu.memory_space<vmem>>) target_semaphore(%run_scoped3A : memref<!tpu.dma_semaphore, #tpu.memory_space<semaphore_mem>>)
      %dma_wait3A = arith.constant 1792 : i32
      %dma_wait3A_350 = tpu.memref_slice %arg12[%dma_wait3A] : memref<4096xf32, #tpu.memory_space<vmem>> -> memref<256xf32, #tpu.memory_space<vmem>>
      %dma_wait3A_351 = tpu.memref_slice %arg14[%add3A_207] : memref<65536xf32, #tpu.memory_space<vmem_shared>> -> memref<256xf32, #tpu.memory_space<vmem_shared>>
      %dma_wait3A_352 = arith.constant 1792 : i32
      %dma_wait3A_353 = tpu.memref_slice %arg12[%dma_wait3A_352] : memref<4096xf32, #tpu.memory_space<vmem>> -> memref<256xf32, #tpu.memory_space<vmem>>
      %dma_wait3A_354 = tpu.memref_slice %arg14[%add3A_207] : memref<65536xf32, #tpu.memory_space<vmem_shared>> -> memref<256xf32, #tpu.memory_space<vmem_shared>>
      tpu.wait_dma2 semaphore(%run_scoped3A : memref<!tpu.dma_semaphore, #tpu.memory_space<semaphore_mem>>) src(%dma_wait3A_354 : memref<256xf32, #tpu.memory_space<vmem_shared>>) dst(%dma_wait3A_353 : memref<256xf32, #tpu.memory_space<vmem>>)
      tpu.yield
    }) : () -> ()
    %add3A_208 = arith.constant 8 : i32
    %add3A_209 = arith.addi %sub3A_151, %add3A_208 : i32
    %mul3A_210 = arith.constant 4096 : i32
    %mul3A_211 = arith.muli %add3A_209, %mul3A_210 : i32
    %mul3A_212 = arith.constant 256 : i32
    %mul3A_213 = arith.muli %select_n3A_28, %mul3A_212 : i32
    %add3A_214 = arith.addi %mul3A_211, %mul3A_213 : i32
    "tpu.region"() ({
      %run_scoped3A = tpu.sem_alloc : memref<!tpu.dma_semaphore, #tpu.memory_space<semaphore_mem>>
      %dma_start3A = arith.constant 2048 : i32
      %dma_start3A_345 = tpu.memref_slice %arg12[%dma_start3A] : memref<4096xf32, #tpu.memory_space<vmem>> -> memref<256xf32, #tpu.memory_space<vmem>>
      %dma_start3A_346 = tpu.memref_slice %arg14[%add3A_214] : memref<65536xf32, #tpu.memory_space<vmem_shared>> -> memref<256xf32, #tpu.memory_space<vmem_shared>>
      %dma_start3A_347 = arith.constant 2048 : i32
      %dma_start3A_348 = tpu.memref_slice %arg12[%dma_start3A_347] : memref<4096xf32, #tpu.memory_space<vmem>> -> memref<256xf32, #tpu.memory_space<vmem>>
      %dma_start3A_349 = tpu.memref_slice %arg14[%add3A_214] : memref<65536xf32, #tpu.memory_space<vmem_shared>> -> memref<256xf32, #tpu.memory_space<vmem_shared>>
      tpu.enqueue_dma source(%dma_start3A_349 : memref<256xf32, #tpu.memory_space<vmem_shared>>) target(%dma_start3A_348 : memref<256xf32, #tpu.memory_space<vmem>>) target_semaphore(%run_scoped3A : memref<!tpu.dma_semaphore, #tpu.memory_space<semaphore_mem>>)
      %dma_wait3A = arith.constant 2048 : i32
      %dma_wait3A_350 = tpu.memref_slice %arg12[%dma_wait3A] : memref<4096xf32, #tpu.memory_space<vmem>> -> memref<256xf32, #tpu.memory_space<vmem>>
      %dma_wait3A_351 = tpu.memref_slice %arg14[%add3A_214] : memref<65536xf32, #tpu.memory_space<vmem_shared>> -> memref<256xf32, #tpu.memory_space<vmem_shared>>
      %dma_wait3A_352 = arith.constant 2048 : i32
      %dma_wait3A_353 = tpu.memref_slice %arg12[%dma_wait3A_352] : memref<4096xf32, #tpu.memory_space<vmem>> -> memref<256xf32, #tpu.memory_space<vmem>>
      %dma_wait3A_354 = tpu.memref_slice %arg14[%add3A_214] : memref<65536xf32, #tpu.memory_space<vmem_shared>> -> memref<256xf32, #tpu.memory_space<vmem_shared>>
      tpu.wait_dma2 semaphore(%run_scoped3A : memref<!tpu.dma_semaphore, #tpu.memory_space<semaphore_mem>>) src(%dma_wait3A_354 : memref<256xf32, #tpu.memory_space<vmem_shared>>) dst(%dma_wait3A_353 : memref<256xf32, #tpu.memory_space<vmem>>)
      tpu.yield
    }) : () -> ()
    %add3A_215 = arith.constant 9 : i32
    %add3A_216 = arith.addi %sub3A_151, %add3A_215 : i32
    %mul3A_217 = arith.constant 4096 : i32
    %mul3A_218 = arith.muli %add3A_216, %mul3A_217 : i32
    %mul3A_219 = arith.constant 256 : i32
    %mul3A_220 = arith.muli %select_n3A_28, %mul3A_219 : i32
    %add3A_221 = arith.addi %mul3A_218, %mul3A_220 : i32
    "tpu.region"() ({
      %run_scoped3A = tpu.sem_alloc : memref<!tpu.dma_semaphore, #tpu.memory_space<semaphore_mem>>
      %dma_start3A = arith.constant 2304 : i32
      %dma_start3A_345 = tpu.memref_slice %arg12[%dma_start3A] : memref<4096xf32, #tpu.memory_space<vmem>> -> memref<256xf32, #tpu.memory_space<vmem>>
      %dma_start3A_346 = tpu.memref_slice %arg14[%add3A_221] : memref<65536xf32, #tpu.memory_space<vmem_shared>> -> memref<256xf32, #tpu.memory_space<vmem_shared>>
      %dma_start3A_347 = arith.constant 2304 : i32
      %dma_start3A_348 = tpu.memref_slice %arg12[%dma_start3A_347] : memref<4096xf32, #tpu.memory_space<vmem>> -> memref<256xf32, #tpu.memory_space<vmem>>
      %dma_start3A_349 = tpu.memref_slice %arg14[%add3A_221] : memref<65536xf32, #tpu.memory_space<vmem_shared>> -> memref<256xf32, #tpu.memory_space<vmem_shared>>
      tpu.enqueue_dma source(%dma_start3A_349 : memref<256xf32, #tpu.memory_space<vmem_shared>>) target(%dma_start3A_348 : memref<256xf32, #tpu.memory_space<vmem>>) target_semaphore(%run_scoped3A : memref<!tpu.dma_semaphore, #tpu.memory_space<semaphore_mem>>)
      %dma_wait3A = arith.constant 2304 : i32
      %dma_wait3A_350 = tpu.memref_slice %arg12[%dma_wait3A] : memref<4096xf32, #tpu.memory_space<vmem>> -> memref<256xf32, #tpu.memory_space<vmem>>
      %dma_wait3A_351 = tpu.memref_slice %arg14[%add3A_221] : memref<65536xf32, #tpu.memory_space<vmem_shared>> -> memref<256xf32, #tpu.memory_space<vmem_shared>>
      %dma_wait3A_352 = arith.constant 2304 : i32
      %dma_wait3A_353 = tpu.memref_slice %arg12[%dma_wait3A_352] : memref<4096xf32, #tpu.memory_space<vmem>> -> memref<256xf32, #tpu.memory_space<vmem>>
      %dma_wait3A_354 = tpu.memref_slice %arg14[%add3A_221] : memref<65536xf32, #tpu.memory_space<vmem_shared>> -> memref<256xf32, #tpu.memory_space<vmem_shared>>
      tpu.wait_dma2 semaphore(%run_scoped3A : memref<!tpu.dma_semaphore, #tpu.memory_space<semaphore_mem>>) src(%dma_wait3A_354 : memref<256xf32, #tpu.memory_space<vmem_shared>>) dst(%dma_wait3A_353 : memref<256xf32, #tpu.memory_space<vmem>>)
      tpu.yield
    }) : () -> ()
    %add3A_222 = arith.constant 10 : i32
    %add3A_223 = arith.addi %sub3A_151, %add3A_222 : i32
    %mul3A_224 = arith.constant 4096 : i32
    %mul3A_225 = arith.muli %add3A_223, %mul3A_224 : i32
    %mul3A_226 = arith.constant 256 : i32
    %mul3A_227 = arith.muli %select_n3A_28, %mul3A_226 : i32
    %add3A_228 = arith.addi %mul3A_225, %mul3A_227 : i32
    "tpu.region"() ({
      %run_scoped3A = tpu.sem_alloc : memref<!tpu.dma_semaphore, #tpu.memory_space<semaphore_mem>>
      %dma_start3A = arith.constant 2560 : i32
      %dma_start3A_345 = tpu.memref_slice %arg12[%dma_start3A] : memref<4096xf32, #tpu.memory_space<vmem>> -> memref<256xf32, #tpu.memory_space<vmem>>
      %dma_start3A_346 = tpu.memref_slice %arg14[%add3A_228] : memref<65536xf32, #tpu.memory_space<vmem_shared>> -> memref<256xf32, #tpu.memory_space<vmem_shared>>
      %dma_start3A_347 = arith.constant 2560 : i32
      %dma_start3A_348 = tpu.memref_slice %arg12[%dma_start3A_347] : memref<4096xf32, #tpu.memory_space<vmem>> -> memref<256xf32, #tpu.memory_space<vmem>>
      %dma_start3A_349 = tpu.memref_slice %arg14[%add3A_228] : memref<65536xf32, #tpu.memory_space<vmem_shared>> -> memref<256xf32, #tpu.memory_space<vmem_shared>>
      tpu.enqueue_dma source(%dma_start3A_349 : memref<256xf32, #tpu.memory_space<vmem_shared>>) target(%dma_start3A_348 : memref<256xf32, #tpu.memory_space<vmem>>) target_semaphore(%run_scoped3A : memref<!tpu.dma_semaphore, #tpu.memory_space<semaphore_mem>>)
      %dma_wait3A = arith.constant 2560 : i32
      %dma_wait3A_350 = tpu.memref_slice %arg12[%dma_wait3A] : memref<4096xf32, #tpu.memory_space<vmem>> -> memref<256xf32, #tpu.memory_space<vmem>>
      %dma_wait3A_351 = tpu.memref_slice %arg14[%add3A_228] : memref<65536xf32, #tpu.memory_space<vmem_shared>> -> memref<256xf32, #tpu.memory_space<vmem_shared>>
      %dma_wait3A_352 = arith.constant 2560 : i32
      %dma_wait3A_353 = tpu.memref_slice %arg12[%dma_wait3A_352] : memref<4096xf32, #tpu.memory_space<vmem>> -> memref<256xf32, #tpu.memory_space<vmem>>
      %dma_wait3A_354 = tpu.memref_slice %arg14[%add3A_228] : memref<65536xf32, #tpu.memory_space<vmem_shared>> -> memref<256xf32, #tpu.memory_space<vmem_shared>>
      tpu.wait_dma2 semaphore(%run_scoped3A : memref<!tpu.dma_semaphore, #tpu.memory_space<semaphore_mem>>) src(%dma_wait3A_354 : memref<256xf32, #tpu.memory_space<vmem_shared>>) dst(%dma_wait3A_353 : memref<256xf32, #tpu.memory_space<vmem>>)
      tpu.yield
    }) : () -> ()
    %add3A_229 = arith.constant 11 : i32
    %add3A_230 = arith.addi %sub3A_151, %add3A_229 : i32
    %mul3A_231 = arith.constant 4096 : i32
    %mul3A_232 = arith.muli %add3A_230, %mul3A_231 : i32
    %mul3A_233 = arith.constant 256 : i32
    %mul3A_234 = arith.muli %select_n3A_28, %mul3A_233 : i32
    %add3A_235 = arith.addi %mul3A_232, %mul3A_234 : i32
    "tpu.region"() ({
      %run_scoped3A = tpu.sem_alloc : memref<!tpu.dma_semaphore, #tpu.memory_space<semaphore_mem>>
      %dma_start3A = arith.constant 2816 : i32
      %dma_start3A_345 = tpu.memref_slice %arg12[%dma_start3A] : memref<4096xf32, #tpu.memory_space<vmem>> -> memref<256xf32, #tpu.memory_space<vmem>>
      %dma_start3A_346 = tpu.memref_slice %arg14[%add3A_235] : memref<65536xf32, #tpu.memory_space<vmem_shared>> -> memref<256xf32, #tpu.memory_space<vmem_shared>>
      %dma_start3A_347 = arith.constant 2816 : i32
      %dma_start3A_348 = tpu.memref_slice %arg12[%dma_start3A_347] : memref<4096xf32, #tpu.memory_space<vmem>> -> memref<256xf32, #tpu.memory_space<vmem>>
      %dma_start3A_349 = tpu.memref_slice %arg14[%add3A_235] : memref<65536xf32, #tpu.memory_space<vmem_shared>> -> memref<256xf32, #tpu.memory_space<vmem_shared>>
      tpu.enqueue_dma source(%dma_start3A_349 : memref<256xf32, #tpu.memory_space<vmem_shared>>) target(%dma_start3A_348 : memref<256xf32, #tpu.memory_space<vmem>>) target_semaphore(%run_scoped3A : memref<!tpu.dma_semaphore, #tpu.memory_space<semaphore_mem>>)
      %dma_wait3A = arith.constant 2816 : i32
      %dma_wait3A_350 = tpu.memref_slice %arg12[%dma_wait3A] : memref<4096xf32, #tpu.memory_space<vmem>> -> memref<256xf32, #tpu.memory_space<vmem>>
      %dma_wait3A_351 = tpu.memref_slice %arg14[%add3A_235] : memref<65536xf32, #tpu.memory_space<vmem_shared>> -> memref<256xf32, #tpu.memory_space<vmem_shared>>
      %dma_wait3A_352 = arith.constant 2816 : i32
      %dma_wait3A_353 = tpu.memref_slice %arg12[%dma_wait3A_352] : memref<4096xf32, #tpu.memory_space<vmem>> -> memref<256xf32, #tpu.memory_space<vmem>>
      %dma_wait3A_354 = tpu.memref_slice %arg14[%add3A_235] : memref<65536xf32, #tpu.memory_space<vmem_shared>> -> memref<256xf32, #tpu.memory_space<vmem_shared>>
      tpu.wait_dma2 semaphore(%run_scoped3A : memref<!tpu.dma_semaphore, #tpu.memory_space<semaphore_mem>>) src(%dma_wait3A_354 : memref<256xf32, #tpu.memory_space<vmem_shared>>) dst(%dma_wait3A_353 : memref<256xf32, #tpu.memory_space<vmem>>)
      tpu.yield
    }) : () -> ()
    %add3A_236 = arith.constant 12 : i32
    %add3A_237 = arith.addi %sub3A_151, %add3A_236 : i32
    %mul3A_238 = arith.constant 4096 : i32
    %mul3A_239 = arith.muli %add3A_237, %mul3A_238 : i32
    %mul3A_240 = arith.constant 256 : i32
    %mul3A_241 = arith.muli %select_n3A_28, %mul3A_240 : i32
    %add3A_242 = arith.addi %mul3A_239, %mul3A_241 : i32
    "tpu.region"() ({
      %run_scoped3A = tpu.sem_alloc : memref<!tpu.dma_semaphore, #tpu.memory_space<semaphore_mem>>
      %dma_start3A = arith.constant 3072 : i32
      %dma_start3A_345 = tpu.memref_slice %arg12[%dma_start3A] : memref<4096xf32, #tpu.memory_space<vmem>> -> memref<256xf32, #tpu.memory_space<vmem>>
      %dma_start3A_346 = tpu.memref_slice %arg14[%add3A_242] : memref<65536xf32, #tpu.memory_space<vmem_shared>> -> memref<256xf32, #tpu.memory_space<vmem_shared>>
      %dma_start3A_347 = arith.constant 3072 : i32
      %dma_start3A_348 = tpu.memref_slice %arg12[%dma_start3A_347] : memref<4096xf32, #tpu.memory_space<vmem>> -> memref<256xf32, #tpu.memory_space<vmem>>
      %dma_start3A_349 = tpu.memref_slice %arg14[%add3A_242] : memref<65536xf32, #tpu.memory_space<vmem_shared>> -> memref<256xf32, #tpu.memory_space<vmem_shared>>
      tpu.enqueue_dma source(%dma_start3A_349 : memref<256xf32, #tpu.memory_space<vmem_shared>>) target(%dma_start3A_348 : memref<256xf32, #tpu.memory_space<vmem>>) target_semaphore(%run_scoped3A : memref<!tpu.dma_semaphore, #tpu.memory_space<semaphore_mem>>)
      %dma_wait3A = arith.constant 3072 : i32
      %dma_wait3A_350 = tpu.memref_slice %arg12[%dma_wait3A] : memref<4096xf32, #tpu.memory_space<vmem>> -> memref<256xf32, #tpu.memory_space<vmem>>
      %dma_wait3A_351 = tpu.memref_slice %arg14[%add3A_242] : memref<65536xf32, #tpu.memory_space<vmem_shared>> -> memref<256xf32, #tpu.memory_space<vmem_shared>>
      %dma_wait3A_352 = arith.constant 3072 : i32
      %dma_wait3A_353 = tpu.memref_slice %arg12[%dma_wait3A_352] : memref<4096xf32, #tpu.memory_space<vmem>> -> memref<256xf32, #tpu.memory_space<vmem>>
      %dma_wait3A_354 = tpu.memref_slice %arg14[%add3A_242] : memref<65536xf32, #tpu.memory_space<vmem_shared>> -> memref<256xf32, #tpu.memory_space<vmem_shared>>
      tpu.wait_dma2 semaphore(%run_scoped3A : memref<!tpu.dma_semaphore, #tpu.memory_space<semaphore_mem>>) src(%dma_wait3A_354 : memref<256xf32, #tpu.memory_space<vmem_shared>>) dst(%dma_wait3A_353 : memref<256xf32, #tpu.memory_space<vmem>>)
      tpu.yield
    }) : () -> ()
    %add3A_243 = arith.constant 13 : i32
    %add3A_244 = arith.addi %sub3A_151, %add3A_243 : i32
    %mul3A_245 = arith.constant 4096 : i32
    %mul3A_246 = arith.muli %add3A_244, %mul3A_245 : i32
    %mul3A_247 = arith.constant 256 : i32
    %mul3A_248 = arith.muli %select_n3A_28, %mul3A_247 : i32
    %add3A_249 = arith.addi %mul3A_246, %mul3A_248 : i32
    "tpu.region"() ({
      %run_scoped3A = tpu.sem_alloc : memref<!tpu.dma_semaphore, #tpu.memory_space<semaphore_mem>>
      %dma_start3A = arith.constant 3328 : i32
      %dma_start3A_345 = tpu.memref_slice %arg12[%dma_start3A] : memref<4096xf32, #tpu.memory_space<vmem>> -> memref<256xf32, #tpu.memory_space<vmem>>
      %dma_start3A_346 = tpu.memref_slice %arg14[%add3A_249] : memref<65536xf32, #tpu.memory_space<vmem_shared>> -> memref<256xf32, #tpu.memory_space<vmem_shared>>
      %dma_start3A_347 = arith.constant 3328 : i32
      %dma_start3A_348 = tpu.memref_slice %arg12[%dma_start3A_347] : memref<4096xf32, #tpu.memory_space<vmem>> -> memref<256xf32, #tpu.memory_space<vmem>>
      %dma_start3A_349 = tpu.memref_slice %arg14[%add3A_249] : memref<65536xf32, #tpu.memory_space<vmem_shared>> -> memref<256xf32, #tpu.memory_space<vmem_shared>>
      tpu.enqueue_dma source(%dma_start3A_349 : memref<256xf32, #tpu.memory_space<vmem_shared>>) target(%dma_start3A_348 : memref<256xf32, #tpu.memory_space<vmem>>) target_semaphore(%run_scoped3A : memref<!tpu.dma_semaphore, #tpu.memory_space<semaphore_mem>>)
      %dma_wait3A = arith.constant 3328 : i32
      %dma_wait3A_350 = tpu.memref_slice %arg12[%dma_wait3A] : memref<4096xf32, #tpu.memory_space<vmem>> -> memref<256xf32, #tpu.memory_space<vmem>>
      %dma_wait3A_351 = tpu.memref_slice %arg14[%add3A_249] : memref<65536xf32, #tpu.memory_space<vmem_shared>> -> memref<256xf32, #tpu.memory_space<vmem_shared>>
      %dma_wait3A_352 = arith.constant 3328 : i32
      %dma_wait3A_353 = tpu.memref_slice %arg12[%dma_wait3A_352] : memref<4096xf32, #tpu.memory_space<vmem>> -> memref<256xf32, #tpu.memory_space<vmem>>
      %dma_wait3A_354 = tpu.memref_slice %arg14[%add3A_249] : memref<65536xf32, #tpu.memory_space<vmem_shared>> -> memref<256xf32, #tpu.memory_space<vmem_shared>>
      tpu.wait_dma2 semaphore(%run_scoped3A : memref<!tpu.dma_semaphore, #tpu.memory_space<semaphore_mem>>) src(%dma_wait3A_354 : memref<256xf32, #tpu.memory_space<vmem_shared>>) dst(%dma_wait3A_353 : memref<256xf32, #tpu.memory_space<vmem>>)
      tpu.yield
    }) : () -> ()
    %add3A_250 = arith.constant 14 : i32
    %add3A_251 = arith.addi %sub3A_151, %add3A_250 : i32
    %mul3A_252 = arith.constant 4096 : i32
    %mul3A_253 = arith.muli %add3A_251, %mul3A_252 : i32
    %mul3A_254 = arith.constant 256 : i32
    %mul3A_255 = arith.muli %select_n3A_28, %mul3A_254 : i32
    %add3A_256 = arith.addi %mul3A_253, %mul3A_255 : i32
    "tpu.region"() ({
      %run_scoped3A = tpu.sem_alloc : memref<!tpu.dma_semaphore, #tpu.memory_space<semaphore_mem>>
      %dma_start3A = arith.constant 3584 : i32
      %dma_start3A_345 = tpu.memref_slice %arg12[%dma_start3A] : memref<4096xf32, #tpu.memory_space<vmem>> -> memref<256xf32, #tpu.memory_space<vmem>>
      %dma_start3A_346 = tpu.memref_slice %arg14[%add3A_256] : memref<65536xf32, #tpu.memory_space<vmem_shared>> -> memref<256xf32, #tpu.memory_space<vmem_shared>>
      %dma_start3A_347 = arith.constant 3584 : i32
      %dma_start3A_348 = tpu.memref_slice %arg12[%dma_start3A_347] : memref<4096xf32, #tpu.memory_space<vmem>> -> memref<256xf32, #tpu.memory_space<vmem>>
      %dma_start3A_349 = tpu.memref_slice %arg14[%add3A_256] : memref<65536xf32, #tpu.memory_space<vmem_shared>> -> memref<256xf32, #tpu.memory_space<vmem_shared>>
      tpu.enqueue_dma source(%dma_start3A_349 : memref<256xf32, #tpu.memory_space<vmem_shared>>) target(%dma_start3A_348 : memref<256xf32, #tpu.memory_space<vmem>>) target_semaphore(%run_scoped3A : memref<!tpu.dma_semaphore, #tpu.memory_space<semaphore_mem>>)
      %dma_wait3A = arith.constant 3584 : i32
      %dma_wait3A_350 = tpu.memref_slice %arg12[%dma_wait3A] : memref<4096xf32, #tpu.memory_space<vmem>> -> memref<256xf32, #tpu.memory_space<vmem>>
      %dma_wait3A_351 = tpu.memref_slice %arg14[%add3A_256] : memref<65536xf32, #tpu.memory_space<vmem_shared>> -> memref<256xf32, #tpu.memory_space<vmem_shared>>
      %dma_wait3A_352 = arith.constant 3584 : i32
      %dma_wait3A_353 = tpu.memref_slice %arg12[%dma_wait3A_352] : memref<4096xf32, #tpu.memory_space<vmem>> -> memref<256xf32, #tpu.memory_space<vmem>>
      %dma_wait3A_354 = tpu.memref_slice %arg14[%add3A_256] : memref<65536xf32, #tpu.memory_space<vmem_shared>> -> memref<256xf32, #tpu.memory_space<vmem_shared>>
      tpu.wait_dma2 semaphore(%run_scoped3A : memref<!tpu.dma_semaphore, #tpu.memory_space<semaphore_mem>>) src(%dma_wait3A_354 : memref<256xf32, #tpu.memory_space<vmem_shared>>) dst(%dma_wait3A_353 : memref<256xf32, #tpu.memory_space<vmem>>)
      tpu.yield
    }) : () -> ()
    %add3A_257 = arith.constant 15 : i32
    %add3A_258 = arith.addi %sub3A_151, %add3A_257 : i32
    %mul3A_259 = arith.constant 4096 : i32
    %mul3A_260 = arith.muli %add3A_258, %mul3A_259 : i32
    %mul3A_261 = arith.constant 256 : i32
    %mul3A_262 = arith.muli %select_n3A_28, %mul3A_261 : i32
    %add3A_263 = arith.addi %mul3A_260, %mul3A_262 : i32
    "tpu.region"() ({
      %run_scoped3A = tpu.sem_alloc : memref<!tpu.dma_semaphore, #tpu.memory_space<semaphore_mem>>
      %dma_start3A = arith.constant 3840 : i32
      %dma_start3A_345 = tpu.memref_slice %arg12[%dma_start3A] : memref<4096xf32, #tpu.memory_space<vmem>> -> memref<256xf32, #tpu.memory_space<vmem>>
      %dma_start3A_346 = tpu.memref_slice %arg14[%add3A_263] : memref<65536xf32, #tpu.memory_space<vmem_shared>> -> memref<256xf32, #tpu.memory_space<vmem_shared>>
      %dma_start3A_347 = arith.constant 3840 : i32
      %dma_start3A_348 = tpu.memref_slice %arg12[%dma_start3A_347] : memref<4096xf32, #tpu.memory_space<vmem>> -> memref<256xf32, #tpu.memory_space<vmem>>
      %dma_start3A_349 = tpu.memref_slice %arg14[%add3A_263] : memref<65536xf32, #tpu.memory_space<vmem_shared>> -> memref<256xf32, #tpu.memory_space<vmem_shared>>
      tpu.enqueue_dma source(%dma_start3A_349 : memref<256xf32, #tpu.memory_space<vmem_shared>>) target(%dma_start3A_348 : memref<256xf32, #tpu.memory_space<vmem>>) target_semaphore(%run_scoped3A : memref<!tpu.dma_semaphore, #tpu.memory_space<semaphore_mem>>)
      %dma_wait3A = arith.constant 3840 : i32
      %dma_wait3A_350 = tpu.memref_slice %arg12[%dma_wait3A] : memref<4096xf32, #tpu.memory_space<vmem>> -> memref<256xf32, #tpu.memory_space<vmem>>
      %dma_wait3A_351 = tpu.memref_slice %arg14[%add3A_263] : memref<65536xf32, #tpu.memory_space<vmem_shared>> -> memref<256xf32, #tpu.memory_space<vmem_shared>>
      %dma_wait3A_352 = arith.constant 3840 : i32
      %dma_wait3A_353 = tpu.memref_slice %arg12[%dma_wait3A_352] : memref<4096xf32, #tpu.memory_space<vmem>> -> memref<256xf32, #tpu.memory_space<vmem>>
      %dma_wait3A_354 = tpu.memref_slice %arg14[%add3A_263] : memref<65536xf32, #tpu.memory_space<vmem_shared>> -> memref<256xf32, #tpu.memory_space<vmem_shared>>
      tpu.wait_dma2 semaphore(%run_scoped3A : memref<!tpu.dma_semaphore, #tpu.memory_space<semaphore_mem>>) src(%dma_wait3A_354 : memref<256xf32, #tpu.memory_space<vmem_shared>>) dst(%dma_wait3A_353 : memref<256xf32, #tpu.memory_space<vmem>>)
      tpu.yield
    }) : () -> ()
    %broadcast_in_dim3A_264 = arith.constant 0.000000e+00 : f32
    %broadcast_in_dim3A_265 = vector.broadcast %broadcast_in_dim3A_264 : f32 to vector<16xf32>
    %scan3A_266 = arith.constant 0 : i32
    %scan3A_267 = arith.constant 16 : i32
    %scan3A_268 = arith.addi %scan3A_266, %scan3A_267 : i32
    %scan3A_269 = arith.constant 1 : i32
    %scan3A_270 = scf.for %scan3A_345 = %scan3A_266 to %scan3A_268 step %scan3A_269 iter_args(%scan3A_346 = %broadcast_in_dim3A_265) -> (vector<16xf32>)  : i32 {
      %mul3A_347 = arith.constant 16 : i32
      %mul3A_348 = arith.muli %scan3A_345, %mul3A_347 : i32
      %get3A = arith.index_cast %mul3A_348 : i32 to index
      %get3A_349 = tpu.vector_load %arg12[%get3A] {strides = array<i32>} : memref<4096xf32, #tpu.memory_space<vmem>>, vector<16xf32>,
      %get3A_350 = vector.shape_cast %get3A_349 : vector<16xf32> to vector<16xf32>
      %mul3A_351 = arith.constant 16 : i32
      %mul3A_352 = arith.muli %scan3A_345, %mul3A_351 : i32
      %add3A_353 = arith.constant 256 : i32
      %add3A_354 = arith.addi %add3A_353, %mul3A_352 : i32
      %get3A_355 = arith.index_cast %add3A_354 : i32 to index
      %get3A_356 = tpu.vector_load %arg12[%get3A_355] {strides = array<i32>} : memref<4096xf32, #tpu.memory_space<vmem>>, vector<16xf32>,
      %get3A_357 = vector.shape_cast %get3A_356 : vector<16xf32> to vector<16xf32>
      %min3A = arith.minimumf %get3A_350, %get3A_357 : vector<16xf32>
      %mul3A_358 = arith.constant 16 : i32
      %mul3A_359 = arith.muli %scan3A_345, %mul3A_358 : i32
      %add3A_360 = arith.constant 512 : i32
      %add3A_361 = arith.addi %add3A_360, %mul3A_359 : i32
      %get3A_362 = arith.index_cast %add3A_361 : i32 to index
      %get3A_363 = tpu.vector_load %arg12[%get3A_362] {strides = array<i32>} : memref<4096xf32, #tpu.memory_space<vmem>>, vector<16xf32>,
      %get3A_364 = vector.shape_cast %get3A_363 : vector<16xf32> to vector<16xf32>
      %min3A_365 = arith.minimumf %min3A, %get3A_364 : vector<16xf32>
      %mul3A_366 = arith.constant 16 : i32
      %mul3A_367 = arith.muli %scan3A_345, %mul3A_366 : i32
      %add3A_368 = arith.constant 768 : i32
      %add3A_369 = arith.addi %add3A_368, %mul3A_367 : i32
      %get3A_370 = arith.index_cast %add3A_369 : i32 to index
      %get3A_371 = tpu.vector_load %arg12[%get3A_370] {strides = array<i32>} : memref<4096xf32, #tpu.memory_space<vmem>>, vector<16xf32>,
      %get3A_372 = vector.shape_cast %get3A_371 : vector<16xf32> to vector<16xf32>
      %min3A_373 = arith.minimumf %min3A_365, %get3A_372 : vector<16xf32>
      %mul3A_374 = arith.constant 16 : i32
      %mul3A_375 = arith.muli %scan3A_345, %mul3A_374 : i32
      %add3A_376 = arith.constant 1024 : i32
      %add3A_377 = arith.addi %add3A_376, %mul3A_375 : i32
      %get3A_378 = arith.index_cast %add3A_377 : i32 to index
      %get3A_379 = tpu.vector_load %arg12[%get3A_378] {strides = array<i32>} : memref<4096xf32, #tpu.memory_space<vmem>>, vector<16xf32>,
      %get3A_380 = vector.shape_cast %get3A_379 : vector<16xf32> to vector<16xf32>
      %min3A_381 = arith.minimumf %min3A_373, %get3A_380 : vector<16xf32>
      %mul3A_382 = arith.constant 16 : i32
      %mul3A_383 = arith.muli %scan3A_345, %mul3A_382 : i32
      %add3A_384 = arith.constant 1280 : i32
      %add3A_385 = arith.addi %add3A_384, %mul3A_383 : i32
      %get3A_386 = arith.index_cast %add3A_385 : i32 to index
      %get3A_387 = tpu.vector_load %arg12[%get3A_386] {strides = array<i32>} : memref<4096xf32, #tpu.memory_space<vmem>>, vector<16xf32>,
      %get3A_388 = vector.shape_cast %get3A_387 : vector<16xf32> to vector<16xf32>
      %min3A_389 = arith.minimumf %min3A_381, %get3A_388 : vector<16xf32>
      %mul3A_390 = arith.constant 16 : i32
      %mul3A_391 = arith.muli %scan3A_345, %mul3A_390 : i32
      %add3A_392 = arith.constant 1536 : i32
      %add3A_393 = arith.addi %add3A_392, %mul3A_391 : i32
      %get3A_394 = arith.index_cast %add3A_393 : i32 to index
      %get3A_395 = tpu.vector_load %arg12[%get3A_394] {strides = array<i32>} : memref<4096xf32, #tpu.memory_space<vmem>>, vector<16xf32>,
      %get3A_396 = vector.shape_cast %get3A_395 : vector<16xf32> to vector<16xf32>
      %min3A_397 = arith.minimumf %min3A_389, %get3A_396 : vector<16xf32>
      %mul3A_398 = arith.constant 16 : i32
      %mul3A_399 = arith.muli %scan3A_345, %mul3A_398 : i32
      %add3A_400 = arith.constant 1792 : i32
      %add3A_401 = arith.addi %add3A_400, %mul3A_399 : i32
      %get3A_402 = arith.index_cast %add3A_401 : i32 to index
      %get3A_403 = tpu.vector_load %arg12[%get3A_402] {strides = array<i32>} : memref<4096xf32, #tpu.memory_space<vmem>>, vector<16xf32>,
      %get3A_404 = vector.shape_cast %get3A_403 : vector<16xf32> to vector<16xf32>
      %min3A_405 = arith.minimumf %min3A_397, %get3A_404 : vector<16xf32>
      %mul3A_406 = arith.constant 16 : i32
      %mul3A_407 = arith.muli %scan3A_345, %mul3A_406 : i32
      %add3A_408 = arith.constant 2048 : i32
      %add3A_409 = arith.addi %add3A_408, %mul3A_407 : i32
      %get3A_410 = arith.index_cast %add3A_409 : i32 to index
      %get3A_411 = tpu.vector_load %arg12[%get3A_410] {strides = array<i32>} : memref<4096xf32, #tpu.memory_space<vmem>>, vector<16xf32>,
      %get3A_412 = vector.shape_cast %get3A_411 : vector<16xf32> to vector<16xf32>
      %min3A_413 = arith.minimumf %min3A_405, %get3A_412 : vector<16xf32>
      %mul3A_414 = arith.constant 16 : i32
      %mul3A_415 = arith.muli %scan3A_345, %mul3A_414 : i32
      %add3A_416 = arith.constant 2304 : i32
      %add3A_417 = arith.addi %add3A_416, %mul3A_415 : i32
      %get3A_418 = arith.index_cast %add3A_417 : i32 to index
      %get3A_419 = tpu.vector_load %arg12[%get3A_418] {strides = array<i32>} : memref<4096xf32, #tpu.memory_space<vmem>>, vector<16xf32>,
      %get3A_420 = vector.shape_cast %get3A_419 : vector<16xf32> to vector<16xf32>
      %min3A_421 = arith.minimumf %min3A_413, %get3A_420 : vector<16xf32>
      %mul3A_422 = arith.constant 16 : i32
      %mul3A_423 = arith.muli %scan3A_345, %mul3A_422 : i32
      %add3A_424 = arith.constant 2560 : i32
      %add3A_425 = arith.addi %add3A_424, %mul3A_423 : i32
      %get3A_426 = arith.index_cast %add3A_425 : i32 to index
      %get3A_427 = tpu.vector_load %arg12[%get3A_426] {strides = array<i32>} : memref<4096xf32, #tpu.memory_space<vmem>>, vector<16xf32>,
      %get3A_428 = vector.shape_cast %get3A_427 : vector<16xf32> to vector<16xf32>
      %min3A_429 = arith.minimumf %min3A_421, %get3A_428 : vector<16xf32>
      %mul3A_430 = arith.constant 16 : i32
      %mul3A_431 = arith.muli %scan3A_345, %mul3A_430 : i32
      %add3A_432 = arith.constant 2816 : i32
      %add3A_433 = arith.addi %add3A_432, %mul3A_431 : i32
      %get3A_434 = arith.index_cast %add3A_433 : i32 to index
      %get3A_435 = tpu.vector_load %arg12[%get3A_434] {strides = array<i32>} : memref<4096xf32, #tpu.memory_space<vmem>>, vector<16xf32>,
      %get3A_436 = vector.shape_cast %get3A_435 : vector<16xf32> to vector<16xf32>
      %min3A_437 = arith.minimumf %min3A_429, %get3A_436 : vector<16xf32>
      %mul3A_438 = arith.constant 16 : i32
      %mul3A_439 = arith.muli %scan3A_345, %mul3A_438 : i32
      %add3A_440 = arith.constant 3072 : i32
      %add3A_441 = arith.addi %add3A_440, %mul3A_439 : i32
      %get3A_442 = arith.index_cast %add3A_441 : i32 to index
      %get3A_443 = tpu.vector_load %arg12[%get3A_442] {strides = array<i32>} : memref<4096xf32, #tpu.memory_space<vmem>>, vector<16xf32>,
      %get3A_444 = vector.shape_cast %get3A_443 : vector<16xf32> to vector<16xf32>
      %min3A_445 = arith.minimumf %min3A_437, %get3A_444 : vector<16xf32>
      %mul3A_446 = arith.constant 16 : i32
      %mul3A_447 = arith.muli %scan3A_345, %mul3A_446 : i32
      %add3A_448 = arith.constant 3328 : i32
      %add3A_449 = arith.addi %add3A_448, %mul3A_447 : i32
      %get3A_450 = arith.index_cast %add3A_449 : i32 to index
      %get3A_451 = tpu.vector_load %arg12[%get3A_450] {strides = array<i32>} : memref<4096xf32, #tpu.memory_space<vmem>>, vector<16xf32>,
      %get3A_452 = vector.shape_cast %get3A_451 : vector<16xf32> to vector<16xf32>
      %min3A_453 = arith.minimumf %min3A_445, %get3A_452 : vector<16xf32>
      %mul3A_454 = arith.constant 16 : i32
      %mul3A_455 = arith.muli %scan3A_345, %mul3A_454 : i32
      %add3A_456 = arith.constant 3584 : i32
      %add3A_457 = arith.addi %add3A_456, %mul3A_455 : i32
      %get3A_458 = arith.index_cast %add3A_457 : i32 to index
      %get3A_459 = tpu.vector_load %arg12[%get3A_458] {strides = array<i32>} : memref<4096xf32, #tpu.memory_space<vmem>>, vector<16xf32>,
      %get3A_460 = vector.shape_cast %get3A_459 : vector<16xf32> to vector<16xf32>
      %min3A_461 = arith.minimumf %min3A_453, %get3A_460 : vector<16xf32>
      %mul3A_462 = arith.constant 16 : i32
      %mul3A_463 = arith.muli %scan3A_345, %mul3A_462 : i32
      %add3A_464 = arith.constant 3840 : i32
      %add3A_465 = arith.addi %add3A_464, %mul3A_463 : i32
      %get3A_466 = arith.index_cast %add3A_465 : i32 to index
      %get3A_467 = tpu.vector_load %arg12[%get3A_466] {strides = array<i32>} : memref<4096xf32, #tpu.memory_space<vmem>>, vector<16xf32>,
      %get3A_468 = vector.shape_cast %get3A_467 : vector<16xf32> to vector<16xf32>
      %min3A_469 = arith.minimumf %min3A_461, %get3A_468 : vector<16xf32>
      %add3A_470 = arith.addf %scan3A_346, %min3A_469 : vector<16xf32>
      scf.yield %add3A_470 : vector<16xf32>
    }
    %scan3A_271 = arith.constant 16 : i32
    %iota3A_272 = tpu.iota {dimensions = array<i32: 0>} : vector<16xi32>
    %xor3A_273 = arith.constant 8 : i32
    %xor3A_274 = vector.broadcast %xor3A_273 : i32 to vector<16xi32>
    %xor3A_275 = arith.xori %iota3A_272, %xor3A_274 : vector<16xi32>
    %lt3A_276 = arith.constant 0 : i32
    %lt3A_277 = vector.broadcast %lt3A_276 : i32 to vector<16xi32>
    %lt3A_278 = arith.cmpi slt, %xor3A_275, %lt3A_277 : vector<16xi32>
    %add3A_279 = arith.constant 16 : i32
    %add3A_280 = vector.broadcast %add3A_279 : i32 to vector<16xi32>
    %add3A_281 = arith.addi %xor3A_275, %add3A_280 : vector<16xi32>
    %select_n3A_282 = arith.select %lt3A_278, %add3A_281, %xor3A_275 : vector<16xi1>, vector<16xi32>
    %broadcast_in_dim3A_283 = vector.shape_cast %select_n3A_282 : vector<16xi32> to vector<16x1xi32>
    %gather3A_284 = vector.shape_cast %broadcast_in_dim3A_283 : vector<16x1xi32> to vector<16xi32>
    %gather3A_285 = tpu.dynamic_gather %scan3A_270[%gather3A_284] in [0] : vector<16xf32>, vector<16xi32> -> vector<16xf32>
    %add3A_286 = arith.addf %scan3A_270, %gather3A_285 : vector<16xf32>
    %xor3A_287 = arith.constant 4 : i32
    %xor3A_288 = vector.broadcast %xor3A_287 : i32 to vector<16xi32>
    %xor3A_289 = arith.xori %iota3A_272, %xor3A_288 : vector<16xi32>
    %lt3A_290 = arith.constant 0 : i32
    %lt3A_291 = vector.broadcast %lt3A_290 : i32 to vector<16xi32>
    %lt3A_292 = arith.cmpi slt, %xor3A_289, %lt3A_291 : vector<16xi32>
    %add3A_293 = arith.constant 16 : i32
    %add3A_294 = vector.broadcast %add3A_293 : i32 to vector<16xi32>
    %add3A_295 = arith.addi %xor3A_289, %add3A_294 : vector<16xi32>
    %select_n3A_296 = arith.select %lt3A_292, %add3A_295, %xor3A_289 : vector<16xi1>, vector<16xi32>
    %broadcast_in_dim3A_297 = vector.shape_cast %select_n3A_296 : vector<16xi32> to vector<16x1xi32>
    %gather3A_298 = vector.shape_cast %broadcast_in_dim3A_297 : vector<16x1xi32> to vector<16xi32>
    %gather3A_299 = tpu.dynamic_gather %add3A_286[%gather3A_298] in [0] : vector<16xf32>, vector<16xi32> -> vector<16xf32>
    %add3A_300 = arith.addf %add3A_286, %gather3A_299 : vector<16xf32>
    %xor3A_301 = arith.constant 2 : i32
    %xor3A_302 = vector.broadcast %xor3A_301 : i32 to vector<16xi32>
    %xor3A_303 = arith.xori %iota3A_272, %xor3A_302 : vector<16xi32>
    %lt3A_304 = arith.constant 0 : i32
    %lt3A_305 = vector.broadcast %lt3A_304 : i32 to vector<16xi32>
    %lt3A_306 = arith.cmpi slt, %xor3A_303, %lt3A_305 : vector<16xi32>
    %add3A_307 = arith.constant 16 : i32
    %add3A_308 = vector.broadcast %add3A_307 : i32 to vector<16xi32>
    %add3A_309 = arith.addi %xor3A_303, %add3A_308 : vector<16xi32>
    %select_n3A_310 = arith.select %lt3A_306, %add3A_309, %xor3A_303 : vector<16xi1>, vector<16xi32>
    %broadcast_in_dim3A_311 = vector.shape_cast %select_n3A_310 : vector<16xi32> to vector<16x1xi32>
    %gather3A_312 = vector.shape_cast %broadcast_in_dim3A_311 : vector<16x1xi32> to vector<16xi32>
    %gather3A_313 = tpu.dynamic_gather %add3A_300[%gather3A_312] in [0] : vector<16xf32>, vector<16xi32> -> vector<16xf32>
    %add3A_314 = arith.addf %add3A_300, %gather3A_313 : vector<16xf32>
    %xor3A_315 = arith.constant 1 : i32
    %xor3A_316 = vector.broadcast %xor3A_315 : i32 to vector<16xi32>
    %xor3A_317 = arith.xori %iota3A_272, %xor3A_316 : vector<16xi32>
    %lt3A_318 = arith.constant 0 : i32
    %lt3A_319 = vector.broadcast %lt3A_318 : i32 to vector<16xi32>
    %lt3A_320 = arith.cmpi slt, %xor3A_317, %lt3A_319 : vector<16xi32>
    %add3A_321 = arith.constant 16 : i32
    %add3A_322 = vector.broadcast %add3A_321 : i32 to vector<16xi32>
    %add3A_323 = arith.addi %xor3A_317, %add3A_322 : vector<16xi32>
    %select_n3A_324 = arith.select %lt3A_320, %add3A_323, %xor3A_317 : vector<16xi1>, vector<16xi32>
    %broadcast_in_dim3A_325 = vector.shape_cast %select_n3A_324 : vector<16xi32> to vector<16x1xi32>
    %gather3A_326 = vector.shape_cast %broadcast_in_dim3A_325 : vector<16x1xi32> to vector<16xi32>
    %gather3A_327 = tpu.dynamic_gather %add3A_314[%gather3A_326] in [0] : vector<16xf32>, vector<16xi32> -> vector<16xf32>
    %add3A_328 = arith.addf %add3A_314, %gather3A_327 : vector<16xf32>
    %eq3A_329 = arith.constant 0 : i32
    %eq3A_330 = vector.broadcast %eq3A_329 : i32 to vector<16xi32>
    %eq3A_331 = arith.cmpi eq, %iota3A_128, %eq3A_330 : vector<16xi32>
    %jit3A_332 = arith.constant 0.000000e+00 : f32
    %broadcast_in_dim3A_333 = vector.broadcast %jit3A_332 : f32 to vector<16xf32>
    %select_n3A_334 = arith.select %eq3A_331, %add3A_328, %broadcast_in_dim3A_333 : vector<16xi1>, vector<16xf32>
    %swap3A_335 = arith.constant 0 : index
    %swap3A_336 = tpu.vector_load %arg13[%swap3A_335] {strides = array<i32>} : memref<16xf32, #tpu.memory_space<vmem>>, vector<16xf32>,
    %swap3A_337 = vector.shape_cast %swap3A_336 : vector<16xf32> to vector<16xf32>
    %swap3A_338 = vector.shape_cast %select_n3A_334 : vector<16xf32> to vector<16xf32>
    tpu.vector_store %arg13[%swap3A_335], %swap3A_338 {strides = array<i32>} : memref<16xf32, #tpu.memory_space<vmem>>, vector<16xf32>,
    %mul3A_339 = arith.constant 16 : i32
    %mul3A_340 = arith.muli %arg1, %mul3A_339 : i32
    "tpu.region"() ({
      %run_scoped3A = tpu.sem_alloc : memref<!tpu.dma_semaphore, #tpu.memory_space<semaphore_mem>>
      %dma_start3A = tpu.memref_slice %arg16[%mul3A_340] : memref<256xf32, #tpu.memory_space<vmem_shared>> -> memref<16xf32, #tpu.memory_space<vmem_shared>>
      %dma_start3A_345 = tpu.memref_slice %arg16[%mul3A_340] : memref<256xf32, #tpu.memory_space<vmem_shared>> -> memref<16xf32, #tpu.memory_space<vmem_shared>>
      tpu.enqueue_dma source(%arg13 : memref<16xf32, #tpu.memory_space<vmem>>) target(%dma_start3A_345 : memref<16xf32, #tpu.memory_space<vmem_shared>>) target_semaphore(%run_scoped3A : memref<!tpu.dma_semaphore, #tpu.memory_space<semaphore_mem>>)
      %dma_wait3A = tpu.memref_slice %arg16[%mul3A_340] : memref<256xf32, #tpu.memory_space<vmem_shared>> -> memref<16xf32, #tpu.memory_space<vmem_shared>>
      %dma_wait3A_346 = tpu.memref_slice %arg16[%mul3A_340] : memref<256xf32, #tpu.memory_space<vmem_shared>> -> memref<16xf32, #tpu.memory_space<vmem_shared>>
      tpu.wait_dma2 semaphore(%run_scoped3A : memref<!tpu.dma_semaphore, #tpu.memory_space<semaphore_mem>>) src(%arg13 : memref<16xf32, #tpu.memory_space<vmem>>) dst(%dma_wait3A_346 : memref<16xf32, #tpu.memory_space<vmem_shared>>)
      tpu.yield
    }) : () -> ()
    %barrier3A_341 = arith.constant 0 : index
    tpu.barrier barrier_id(%barrier3A_341)
    %eq3A_342 = arith.constant 0 : i32
    %eq3A_343 = arith.cmpi eq, %select_n3A_28, %eq3A_342 : i32
    %convert_element_type3A = arith.extui %eq3A_343 : i1 to i32
    %cond3A = arith.constant 0 : i32
    %cond3A_344 = arith.cmpi ne, %convert_element_type3A, %cond3A : i32
    scf.if %cond3A_344 {
      %broadcast_in_dim3A_345 = arith.constant 0.000000e+00 : f32
      %broadcast_in_dim3A_346 = vector.broadcast %broadcast_in_dim3A_345 : f32 to vector<16xf32>
      %scan3A_347 = arith.constant 0 : i32
      %scan3A_348 = arith.constant 16 : i32
      %scan3A_349 = arith.addi %scan3A_347, %scan3A_348 : i32
      %scan3A_350 = arith.constant 1 : i32
      %scan3A_351:2 = scf.for %scan3A_384 = %scan3A_347 to %scan3A_349 step %scan3A_350 iter_args(%scan3A_385 = %broadcast_in_dim3A_346, %scan3A_386 = %broadcast_in_dim3A_346) -> (vector<16xf32>, vector<16xf32>)  : i32 {
        %add3A_387 = arith.addi %sub3A_151, %scan3A_384 : i32
        %mul3A_388 = arith.constant 16 : i32
        %mul3A_389 = arith.muli %add3A_387, %mul3A_388 : i32
        "tpu.region"() ({
          %run_scoped3A = tpu.sem_alloc : memref<!tpu.dma_semaphore, #tpu.memory_space<semaphore_mem>>
          %dma_start3A = tpu.memref_slice %arg15[%mul3A_389] : memref<256xf32, #tpu.memory_space<vmem_shared>> -> memref<16xf32, #tpu.memory_space<vmem_shared>>
          %dma_start3A_400 = tpu.memref_slice %arg15[%mul3A_389] : memref<256xf32, #tpu.memory_space<vmem_shared>> -> memref<16xf32, #tpu.memory_space<vmem_shared>>
          tpu.enqueue_dma source(%dma_start3A_400 : memref<16xf32, #tpu.memory_space<vmem_shared>>) target(%arg13 : memref<16xf32, #tpu.memory_space<vmem>>) target_semaphore(%run_scoped3A : memref<!tpu.dma_semaphore, #tpu.memory_space<semaphore_mem>>)
          %dma_wait3A = tpu.memref_slice %arg15[%mul3A_389] : memref<256xf32, #tpu.memory_space<vmem_shared>> -> memref<16xf32, #tpu.memory_space<vmem_shared>>
          %dma_wait3A_401 = tpu.memref_slice %arg15[%mul3A_389] : memref<256xf32, #tpu.memory_space<vmem_shared>> -> memref<16xf32, #tpu.memory_space<vmem_shared>>
          tpu.wait_dma2 semaphore(%run_scoped3A : memref<!tpu.dma_semaphore, #tpu.memory_space<semaphore_mem>>) src(%dma_wait3A_401 : memref<16xf32, #tpu.memory_space<vmem_shared>>) dst(%arg13 : memref<16xf32, #tpu.memory_space<vmem>>)
          tpu.yield
        }) : () -> ()
        %get3A = arith.constant 0 : index
        %get3A_390 = tpu.vector_load %arg13[%get3A] {strides = array<i32>} : memref<16xf32, #tpu.memory_space<vmem>>, vector<16xf32>,
        %get3A_391 = vector.shape_cast %get3A_390 : vector<16xf32> to vector<16xf32>
        %add3A_392 = arith.addf %scan3A_385, %get3A_391 : vector<16xf32>
        %add3A_393 = arith.addi %sub3A_151, %scan3A_384 : i32
        %mul3A_394 = arith.constant 16 : i32
        %mul3A_395 = arith.muli %add3A_393, %mul3A_394 : i32
        "tpu.region"() ({
          %run_scoped3A = tpu.sem_alloc : memref<!tpu.dma_semaphore, #tpu.memory_space<semaphore_mem>>
          %dma_start3A = tpu.memref_slice %arg16[%mul3A_395] : memref<256xf32, #tpu.memory_space<vmem_shared>> -> memref<16xf32, #tpu.memory_space<vmem_shared>>
          %dma_start3A_400 = tpu.memref_slice %arg16[%mul3A_395] : memref<256xf32, #tpu.memory_space<vmem_shared>> -> memref<16xf32, #tpu.memory_space<vmem_shared>>
          tpu.enqueue_dma source(%dma_start3A_400 : memref<16xf32, #tpu.memory_space<vmem_shared>>) target(%arg13 : memref<16xf32, #tpu.memory_space<vmem>>) target_semaphore(%run_scoped3A : memref<!tpu.dma_semaphore, #tpu.memory_space<semaphore_mem>>)
          %dma_wait3A = tpu.memref_slice %arg16[%mul3A_395] : memref<256xf32, #tpu.memory_space<vmem_shared>> -> memref<16xf32, #tpu.memory_space<vmem_shared>>
          %dma_wait3A_401 = tpu.memref_slice %arg16[%mul3A_395] : memref<256xf32, #tpu.memory_space<vmem_shared>> -> memref<16xf32, #tpu.memory_space<vmem_shared>>
          tpu.wait_dma2 semaphore(%run_scoped3A : memref<!tpu.dma_semaphore, #tpu.memory_space<semaphore_mem>>) src(%dma_wait3A_401 : memref<16xf32, #tpu.memory_space<vmem_shared>>) dst(%arg13 : memref<16xf32, #tpu.memory_space<vmem>>)
          tpu.yield
        }) : () -> ()
        %get3A_396 = arith.constant 0 : index
        %get3A_397 = tpu.vector_load %arg13[%get3A_396] {strides = array<i32>} : memref<16xf32, #tpu.memory_space<vmem>>, vector<16xf32>,
        %get3A_398 = vector.shape_cast %get3A_397 : vector<16xf32> to vector<16xf32>
        %add3A_399 = arith.addf %scan3A_386, %get3A_398 : vector<16xf32>
        scf.yield %add3A_392, %add3A_399 : vector<16xf32>, vector<16xf32>
      }
      %scan3A_352 = arith.constant 16 : i32
      %xor3A_353 = arith.constant 1 : i32
      %xor3A_354 = vector.broadcast %xor3A_353 : i32 to vector<16xi32>
      %xor3A_355 = arith.xori %iota3A_128, %xor3A_354 : vector<16xi32>
      %lt3A_356 = arith.constant 0 : i32
      %lt3A_357 = vector.broadcast %lt3A_356 : i32 to vector<16xi32>
      %lt3A_358 = arith.cmpi slt, %xor3A_355, %lt3A_357 : vector<16xi32>
      %add3A_359 = arith.constant 16 : i32
      %add3A_360 = vector.broadcast %add3A_359 : i32 to vector<16xi32>
      %add3A_361 = arith.addi %xor3A_355, %add3A_360 : vector<16xi32>
      %select_n3A_362 = arith.select %lt3A_358, %add3A_361, %xor3A_355 : vector<16xi1>, vector<16xi32>
      %broadcast_in_dim3A_363 = vector.shape_cast %select_n3A_362 : vector<16xi32> to vector<16x1xi32>
      %gather3A_364 = vector.shape_cast %broadcast_in_dim3A_363 : vector<16x1xi32> to vector<16xi32>
      %gather3A_365 = tpu.dynamic_gather %scan3A_351#0[%gather3A_364] in [0] : vector<16xf32>, vector<16xi32> -> vector<16xf32>
      %div3A_366 = arith.divf %scan3A_351#0, %gather3A_365 : vector<16xf32>
      %slice3A_367 = vector.extract_strided_slice %div3A_366 {offsets = [0], sizes = [1], strides = [1]} : vector<16xf32> to vector<1xf32>
      %squeeze3A_368 = vector.extract %slice3A_367[0] : f32 from vector<1xf32>
      %slice3A_369 = vector.extract_strided_slice %scan3A_351#1 {offsets = [0], sizes = [1], strides = [1]} : vector<16xf32> to vector<1xf32>
      %squeeze3A_370 = vector.extract %slice3A_369[0] : f32 from vector<1xf32>
      %mul3A_371 = arith.constant 2.44140625E-4 : f32
      %mul3A_372 = arith.mulf %squeeze3A_370, %mul3A_371 : f32
      %add3A_373 = arith.addf %squeeze3A_368, %mul3A_372 : f32
      %broadcast_in_dim3A_374 = arith.constant 0.000000e+00 : f32
      %broadcast_in_dim3A_375 = vector.broadcast %broadcast_in_dim3A_374 : f32 to vector<16xf32>
      %add3A_376 = vector.broadcast %add3A_373 : f32 to vector<16xf32>
      %add3A_377 = arith.addf %broadcast_in_dim3A_375, %add3A_376 : vector<16xf32>
      %swap3A_378 = arith.constant 0 : index
      %swap3A_379 = tpu.vector_load %arg13[%swap3A_378] {strides = array<i32>} : memref<16xf32, #tpu.memory_space<vmem>>, vector<16xf32>,
      %swap3A_380 = vector.shape_cast %swap3A_379 : vector<16xf32> to vector<16xf32>
      %swap3A_381 = vector.shape_cast %add3A_377 : vector<16xf32> to vector<16xf32>
      tpu.vector_store %arg13[%swap3A_378], %swap3A_381 {strides = array<i32>} : memref<16xf32, #tpu.memory_space<vmem>>, vector<16xf32>,
      %mul3A_382 = arith.constant 16 : i32
      %mul3A_383 = arith.muli %add3A_30, %mul3A_382 : i32
      "tpu.region"() ({
        %run_scoped3A = tpu.sem_alloc : memref<!tpu.dma_semaphore, #tpu.memory_space<semaphore_mem>>
        %dma_start3A = tpu.memref_slice %arg4[%mul3A_383] : memref<32xf32, #tpu.memory_space<hbm>> -> memref<16xf32, #tpu.memory_space<hbm>>
        %dma_start3A_384 = tpu.memref_slice %arg4[%mul3A_383] : memref<32xf32, #tpu.memory_space<hbm>> -> memref<16xf32, #tpu.memory_space<hbm>>
        tpu.enqueue_dma source(%arg13 : memref<16xf32, #tpu.memory_space<vmem>>) target(%dma_start3A_384 : memref<16xf32, #tpu.memory_space<hbm>>) target_semaphore(%run_scoped3A : memref<!tpu.dma_semaphore, #tpu.memory_space<semaphore_mem>>)
        %dma_wait3A = tpu.memref_slice %arg4[%mul3A_383] : memref<32xf32, #tpu.memory_space<hbm>> -> memref<16xf32, #tpu.memory_space<hbm>>
        %dma_wait3A_385 = tpu.memref_slice %arg4[%mul3A_383] : memref<32xf32, #tpu.memory_space<hbm>> -> memref<16xf32, #tpu.memory_space<hbm>>
        tpu.wait_dma2 semaphore(%run_scoped3A : memref<!tpu.dma_semaphore, #tpu.memory_space<semaphore_mem>>) src(%arg13 : memref<16xf32, #tpu.memory_space<vmem>>) dst(%dma_wait3A_385 : memref<16xf32, #tpu.memory_space<hbm>>)
        tpu.yield
      }) : () -> ()
    } else {
    }
    return
  }
}

module attributes {stable_mosaic.version = 14 : i64} {
  func.func @_tc_body(%arg0: i32, %arg1: i32, %arg2: memref<1x1024x3xf32, #tpu.memory_space<vmem>>, %arg3: memref<1x3x4096xf32, #tpu.memory_space<vmem>>, %arg4: memref<1x1xf32, #tpu.memory_space<smem>>, %arg5: memref<1x4096xf32, #tpu.memory_space<vmem>>, %arg6: memref<2xf32, #tpu.memory_space<smem>>) attributes {dimension_semantics = [#tpu.dimension_semantics<arbitrary>, #tpu.dimension_semantics<arbitrary>], iteration_bounds = array<i64: 6, 4>, scalar_prefetch = 0 : i64, scratch_operands = 2 : i64, tpu.core_type = #tpu.core_type<tc>, window_params = [{transform_indices = @transform_0, window_bounds = array<i64: 1, 1024, 3>}, {transform_indices = @transform_1, window_bounds = array<i64: 1, 3, 4096>}, {transform_indices = @transform_2, window_bounds = array<i64: 1, 1>}]} {
    %eq3A = arith.constant 0 : i32
    %eq3A_0 = arith.cmpi eq, %arg0, %eq3A : i32
    %eq3A_1 = arith.constant 0 : i32
    %eq3A_2 = arith.cmpi eq, %arg1, %eq3A_1 : i32
    %and3A = arith.andi %eq3A_0, %eq3A_2 : i1
    %convert_element_type3A = arith.extui %and3A : i1 to i32
    %cond3A = arith.constant 0 : i32
    %cond3A_3 = arith.cmpi ne, %convert_element_type3A, %cond3A : i32
    scf.if %cond3A_3 {
      %swap3A_88 = arith.constant 0.000000e+00 : f32
      %swap3A_89 = arith.constant 0 : index
      %swap3A_90 = arith.constant 0 : index
      %swap3A_91 = memref.load %arg4[%swap3A_89, %swap3A_90] : memref<1x1xf32, #tpu.memory_space<smem>>
      memref.store %swap3A_88, %arg4[%swap3A_89, %swap3A_90] : memref<1x1xf32, #tpu.memory_space<smem>>
    } else {
    }
    %eq3A_4 = arith.constant 0 : i32
    %eq3A_5 = arith.cmpi eq, %arg1, %eq3A_4 : i32
    %convert_element_type3A_6 = arith.extui %eq3A_5 : i1 to i32
    %cond3A_7 = arith.constant 0 : i32
    %cond3A_8 = arith.cmpi ne, %convert_element_type3A_6, %cond3A_7 : i32
    scf.if %cond3A_8 {
      %broadcast_in_dim3A_88 = arith.constant 0x7F800000 : f32
      %broadcast_in_dim3A_89 = vector.broadcast %broadcast_in_dim3A_88 : f32 to vector<1x4096xf32>
      %swap3A_90 = arith.constant 0 : index
      %swap3A_91 = arith.constant 0 : index
      %swap3A_92 = vector.load %arg5[%swap3A_90, %swap3A_91] : memref<1x4096xf32, #tpu.memory_space<vmem>>, vector<1x4096xf32>
      tpu.vector_store %arg5[%swap3A_90, %swap3A_91], %broadcast_in_dim3A_89 {strides = array<i32>} : memref<1x4096xf32, #tpu.memory_space<vmem>>, vector<1x4096xf32>,
      %swap3A_93 = arith.constant 0.000000e+00 : f32
      %swap3A_94 = arith.constant 0 : index
      %swap3A_95 = memref.load %arg6[%swap3A_94] : memref<2xf32, #tpu.memory_space<smem>>
      memref.store %swap3A_93, %arg6[%swap3A_94] : memref<2xf32, #tpu.memory_space<smem>>
      %swap3A_96 = arith.constant 0.000000e+00 : f32
      %swap3A_97 = arith.constant 1 : index
      %swap3A_98 = memref.load %arg6[%swap3A_97] : memref<2xf32, #tpu.memory_space<smem>>
      memref.store %swap3A_96, %arg6[%swap3A_97] : memref<2xf32, #tpu.memory_space<smem>>
    } else {
    }
    %get3A = arith.constant 0 : index
    %get3A_9 = arith.constant 0 : index
    %get3A_10 = arith.constant 0 : index
    %get3A_11 = vector.load %arg2[%get3A, %get3A_9, %get3A_10] : memref<1x1024x3xf32, #tpu.memory_space<vmem>>, vector<1x1024x3xf32>
    %get3A_12 = vector.shape_cast %get3A_11 : vector<1x1024x3xf32> to vector<1024x3xf32>
    %get3A_13 = arith.constant 0 : index
    %get3A_14 = arith.constant 0 : index
    %get3A_15 = arith.constant 0 : index
    %get3A_16 = vector.load %arg3[%get3A_13, %get3A_14, %get3A_15] : memref<1x3x4096xf32, #tpu.memory_space<vmem>>, vector<1x3x4096xf32>
    %get3A_17 = vector.shape_cast %get3A_16 : vector<1x3x4096xf32> to vector<3x4096xf32>
    %slice3A = vector.extract_strided_slice %get3A_12 {offsets = [0, 0], sizes = [1024, 1], strides = [1, 1]} : vector<1024x3xf32> to vector<1024x1xf32>
    %ne3A = arith.constant 1.000000e+04 : f32
    %ne3A_18 = vector.broadcast %ne3A : f32 to vector<1024x1xf32>
    %ne3A_19 = arith.cmpf one, %slice3A, %ne3A_18 : vector<1024x1xf32>
    %slice3A_20 = vector.extract_strided_slice %get3A_12 {offsets = [0, 1], sizes = [1024, 1], strides = [1, 1]} : vector<1024x3xf32> to vector<1024x1xf32>
    %ne3A_21 = arith.constant 1.000000e+04 : f32
    %ne3A_22 = vector.broadcast %ne3A_21 : f32 to vector<1024x1xf32>
    %ne3A_23 = arith.cmpf one, %slice3A_20, %ne3A_22 : vector<1024x1xf32>
    %and3A_24 = arith.andi %ne3A_19, %ne3A_23 : vector<1024x1xi1>
    %slice3A_25 = vector.extract_strided_slice %get3A_12 {offsets = [0, 2], sizes = [1024, 1], strides = [1, 1]} : vector<1024x3xf32> to vector<1024x1xf32>
    %ne3A_26 = arith.constant 1.000000e+04 : f32
    %ne3A_27 = vector.broadcast %ne3A_26 : f32 to vector<1024x1xf32>
    %ne3A_28 = arith.cmpf one, %slice3A_25, %ne3A_27 : vector<1024x1xf32>
    %and3A_29 = arith.andi %and3A_24, %ne3A_28 : vector<1024x1xi1>
    %jit3A = arith.constant 9.99999998E+18 : f32
    %broadcast_in_dim3A = vector.shape_cast %and3A_29 : vector<1024x1xi1> to vector<1024x1xi1>
    %broadcast_in_dim3A_30 = vector.broadcast %broadcast_in_dim3A : vector<1024x1xi1> to vector<1024x3xi1>
    %broadcast_in_dim3A_31 = vector.broadcast %jit3A : f32 to vector<1024x3xf32>
    %select_n3A = arith.select %broadcast_in_dim3A_30, %get3A_12, %broadcast_in_dim3A_31 : vector<1024x3xi1>, vector<1024x3xf32>
    %slice3A_32 = vector.extract_strided_slice %select_n3A {offsets = [0, 0], sizes = [1024, 1], strides = [1, 1]} : vector<1024x3xf32> to vector<1024x1xf32>
    %slice3A_33 = vector.extract_strided_slice %get3A_17 {offsets = [0, 0], sizes = [1, 4096], strides = [1, 1]} : vector<3x4096xf32> to vector<1x4096xf32>
    %sub3A = vector.broadcast %slice3A_32 : vector<1024x1xf32> to vector<1024x4096xf32>
    %sub3A_34 = vector.broadcast %slice3A_33 : vector<1x4096xf32> to vector<1024x4096xf32>
    %sub3A_35 = arith.subf %sub3A, %sub3A_34 : vector<1024x4096xf32>
    %mul3A = arith.mulf %sub3A_35, %sub3A_35 : vector<1024x4096xf32>
    %slice3A_36 = vector.extract_strided_slice %select_n3A {offsets = [0, 1], sizes = [1024, 1], strides = [1, 1]} : vector<1024x3xf32> to vector<1024x1xf32>
    %slice3A_37 = vector.extract_strided_slice %get3A_17 {offsets = [1, 0], sizes = [1, 4096], strides = [1, 1]} : vector<3x4096xf32> to vector<1x4096xf32>
    %sub3A_38 = vector.broadcast %slice3A_36 : vector<1024x1xf32> to vector<1024x4096xf32>
    %sub3A_39 = vector.broadcast %slice3A_37 : vector<1x4096xf32> to vector<1024x4096xf32>
    %sub3A_40 = arith.subf %sub3A_38, %sub3A_39 : vector<1024x4096xf32>
    %mul3A_41 = arith.mulf %sub3A_40, %sub3A_40 : vector<1024x4096xf32>
    %add3A = arith.addf %mul3A, %mul3A_41 : vector<1024x4096xf32>
    %slice3A_42 = vector.extract_strided_slice %select_n3A {offsets = [0, 2], sizes = [1024, 1], strides = [1, 1]} : vector<1024x3xf32> to vector<1024x1xf32>
    %slice3A_43 = vector.extract_strided_slice %get3A_17 {offsets = [2, 0], sizes = [1, 4096], strides = [1, 1]} : vector<3x4096xf32> to vector<1x4096xf32>
    %sub3A_44 = vector.broadcast %slice3A_42 : vector<1024x1xf32> to vector<1024x4096xf32>
    %sub3A_45 = vector.broadcast %slice3A_43 : vector<1x4096xf32> to vector<1024x4096xf32>
    %sub3A_46 = arith.subf %sub3A_44, %sub3A_45 : vector<1024x4096xf32>
    %mul3A_47 = arith.mulf %sub3A_46, %sub3A_46 : vector<1024x4096xf32>
    %add3A_48 = arith.addf %add3A, %mul3A_47 : vector<1024x4096xf32>
    %reduce_min3A = arith.constant dense<0x7F800000> : vector<1024xf32>
    %reduce_min3A_49 = vector.multi_reduction <minimumf>, %add3A_48, %reduce_min3A [1] : vector<1024x4096xf32> to vector<1024xf32>
    %broadcast_in_dim3A_50 = vector.shape_cast %reduce_min3A_49 : vector<1024xf32> to vector<1024x1xf32>
    %get3A_51 = arith.constant 0 : index
    %get3A_52 = memref.load %arg6[%get3A_51] : memref<2xf32, #tpu.memory_space<smem>>
    %jit3A_53 = arith.constant 0.000000e+00 : f32
    %broadcast_in_dim3A_54 = vector.broadcast %jit3A_53 : f32 to vector<1024x1xf32>
    %select_n3A_55 = arith.select %and3A_29, %broadcast_in_dim3A_50, %broadcast_in_dim3A_54 : vector<1024x1xi1>, vector<1024x1xf32>
    %reduce_sum3A = vector.shape_cast %select_n3A_55 : vector<1024x1xf32> to vector<1x1024x1xf32>
    %reduce_sum3A_56 = arith.constant dense<0.000000e+00> : vector<1xf32>
    %reduce_sum3A_57 = vector.multi_reduction <add>, %reduce_sum3A, %reduce_sum3A_56 [1, 2] : vector<1x1024x1xf32> to vector<1xf32>
    %reduce_sum3A_58 = vector.shape_cast %reduce_sum3A_57 : vector<1xf32> to vector<1x1x1xf32>
    %reduce_sum3A_59 = vector.extract %reduce_sum3A_58[0, 0, 0] : f32 from vector<1x1x1xf32>
    %add3A_60 = arith.addf %get3A_52, %reduce_sum3A_59 : f32
    %swap3A = arith.constant 0 : index
    %swap3A_61 = memref.load %arg6[%swap3A] : memref<2xf32, #tpu.memory_space<smem>>
    memref.store %add3A_60, %arg6[%swap3A] : memref<2xf32, #tpu.memory_space<smem>>
    %get3A_62 = arith.constant 1 : index
    %get3A_63 = memref.load %arg6[%get3A_62] : memref<2xf32, #tpu.memory_space<smem>>
    %convert_element_type3A_64 = arith.extui %and3A_29 : vector<1024x1xi1> to vector<1024x1xi32>
    %convert_element_type3A_65 = arith.sitofp %convert_element_type3A_64 : vector<1024x1xi32> to vector<1024x1xf32>
    %reduce_sum3A_66 = vector.shape_cast %convert_element_type3A_65 : vector<1024x1xf32> to vector<1x1024x1xf32>
    %reduce_sum3A_67 = arith.constant dense<0.000000e+00> : vector<1xf32>
    %reduce_sum3A_68 = vector.multi_reduction <add>, %reduce_sum3A_66, %reduce_sum3A_67 [1, 2] : vector<1x1024x1xf32> to vector<1xf32>
    %reduce_sum3A_69 = vector.shape_cast %reduce_sum3A_68 : vector<1xf32> to vector<1x1x1xf32>
    %reduce_sum3A_70 = vector.extract %reduce_sum3A_69[0, 0, 0] : f32 from vector<1x1x1xf32>
    %add3A_71 = arith.addf %get3A_63, %reduce_sum3A_70 : f32
    %swap3A_72 = arith.constant 1 : index
    %swap3A_73 = memref.load %arg6[%swap3A_72] : memref<2xf32, #tpu.memory_space<smem>>
    memref.store %add3A_71, %arg6[%swap3A_72] : memref<2xf32, #tpu.memory_space<smem>>
    %reduce_min3A_74 = arith.constant dense<0x7F800000> : vector<4096xf32>
    %reduce_min3A_75 = vector.multi_reduction <minimumf>, %add3A_48, %reduce_min3A_74 [0] : vector<1024x4096xf32> to vector<4096xf32>
    %broadcast_in_dim3A_76 = vector.shape_cast %reduce_min3A_75 : vector<4096xf32> to vector<1x4096xf32>
    %get3A_77 = arith.constant 0 : index
    %get3A_78 = arith.constant 0 : index
    %get3A_79 = vector.load %arg5[%get3A_77, %get3A_78] : memref<1x4096xf32, #tpu.memory_space<vmem>>, vector<1x4096xf32>
    %min3A = arith.minimumf %get3A_79, %broadcast_in_dim3A_76 : vector<1x4096xf32>
    %swap3A_80 = arith.constant 0 : index
    %swap3A_81 = arith.constant 0 : index
    %swap3A_82 = vector.load %arg5[%swap3A_80, %swap3A_81] : memref<1x4096xf32, #tpu.memory_space<vmem>>, vector<1x4096xf32>
    tpu.vector_store %arg5[%swap3A_80, %swap3A_81], %min3A {strides = array<i32>} : memref<1x4096xf32, #tpu.memory_space<vmem>>, vector<1x4096xf32>,
    %eq3A_83 = arith.constant 3 : i32
    %eq3A_84 = arith.cmpi eq, %arg1, %eq3A_83 : i32
    %convert_element_type3A_85 = arith.extui %eq3A_84 : i1 to i32
    %cond3A_86 = arith.constant 0 : i32
    %cond3A_87 = arith.cmpi ne, %convert_element_type3A_85, %cond3A_86 : i32
    scf.if %cond3A_87 {
      %get3A_88 = arith.constant 0 : index
      %get3A_89 = memref.load %arg6[%get3A_88] : memref<2xf32, #tpu.memory_space<smem>>
      %get3A_90 = arith.constant 1 : index
      %get3A_91 = memref.load %arg6[%get3A_90] : memref<2xf32, #tpu.memory_space<smem>>
      %div3A = arith.divf %get3A_89, %get3A_91 : f32
      %get3A_92 = arith.constant 0 : index
      %get3A_93 = arith.constant 0 : index
      %get3A_94 = vector.load %arg5[%get3A_92, %get3A_93] : memref<1x4096xf32, #tpu.memory_space<vmem>>, vector<1x4096xf32>
      %reduce_sum3A_95 = vector.shape_cast %get3A_94 : vector<1x4096xf32> to vector<1x1x4096xf32>
      %reduce_sum3A_96 = arith.constant dense<0.000000e+00> : vector<1xf32>
      %reduce_sum3A_97 = vector.multi_reduction <add>, %reduce_sum3A_95, %reduce_sum3A_96 [1, 2] : vector<1x1x4096xf32> to vector<1xf32>
      %reduce_sum3A_98 = vector.shape_cast %reduce_sum3A_97 : vector<1xf32> to vector<1x1x1xf32>
      %reduce_sum3A_99 = vector.extract %reduce_sum3A_98[0, 0, 0] : f32 from vector<1x1x1xf32>
      %div3A_100 = arith.constant 4.096000e+03 : f32
      %div3A_101 = arith.divf %reduce_sum3A_99, %div3A_100 : f32
      %add3A_102 = arith.addf %div3A, %div3A_101 : f32
      %get3A_103 = arith.constant 0 : index
      %get3A_104 = arith.constant 0 : index
      %get3A_105 = memref.load %arg4[%get3A_103, %get3A_104] : memref<1x1xf32, #tpu.memory_space<smem>>
      %div3A_106 = arith.constant 8.000000e+00 : f32
      %div3A_107 = arith.divf %add3A_102, %div3A_106 : f32
      %add3A_108 = arith.addf %get3A_105, %div3A_107 : f32
      %swap3A_109 = arith.constant 0 : index
      %swap3A_110 = arith.constant 0 : index
      %swap3A_111 = memref.load %arg4[%swap3A_109, %swap3A_110] : memref<1x1xf32, #tpu.memory_space<smem>>
      memref.store %add3A_108, %arg4[%swap3A_109, %swap3A_110] : memref<1x1xf32, #tpu.memory_space<smem>>
    } else {
    }
    return
  }
  func.func @transform_0(%arg0: i32, %arg1: i32) -> (i32, i32, i32) {
    %c0_i32 = arith.constant 0 : i32
    %c0_i32_0 = arith.constant 0 : i32
    return %arg0, %arg1, %c0_i32 : i32, i32, i32
  }
  func.func @transform_1(%arg0: i32, %arg1: i32) -> (i32, i32, i32) {
    %c0_i32 = arith.constant 0 : i32
    %c0_i32_0 = arith.constant 0 : i32
    %c0_i32_1 = arith.constant 0 : i32
    return %arg0, %c0_i32, %c0_i32_0 : i32, i32, i32
  }
  func.func @transform_2(%arg0: i32, %arg1: i32) -> (i32, i32) {
    %c0_i32 = arith.constant 0 : i32
    %c0_i32_0 = arith.constant 0 : i32
    %c0_i32_1 = arith.constant 0 : i32
    return %c0_i32, %c0_i32_0 : i32, i32
  }
}

</mosaic_0001>

<sc_bundles>
// kernel: _chamfer.4.cloned.1.call-start
scs
__scs_entry_jumppad:
0x0: {  	(pc) =	sbr.rel $0x88, $3  }
0x1: {  	(tag) =	ssettag $0x0;
	lr =	simm.s32 $0x1  }
0x2: {  	[smem:$0x3F9F] =	sst lr;
	_ =	strace $0xD0000000  }
0x3: {  	_ = 	snop  }
0x4: {  	_ = 	snop  }
0x5: {  	_ = 	snop  }
0x6: {  	_ = 	snop  }
0x7: {  	_ = 	snop  }
__scs_overlays_trampoline_lowered:
0x8: {  	[smem:$0x3FAE] =	sst s0  }
0x9: {  	[smem:$0x3FAF] =	sst s1  }
0xa: {  	[smem:$0x3FB0] =	sst s2  }
0xb: {  	[smem:$0x3FB1] =	sst s3  }
0xc: {  	[smem:$0x3FB2] =	sst s4  }
0xd: {  	[smem:$0x3FB3] =	sst s5  }
0xe: {  	[smem:$0x3FB4] =	sst s6  }
0xf: {  	[smem:$0x3FB5] =	sst s7  }
0x10: {  	[smem:$0x3FB6] =	sst s8  }
0x11: {  	[smem:$0x3FB7] =	sst s9;
	s0 =	simm.s32 @!p0 $0x0  }
0x12: {  	s1 =	sld [smem:$0x3F9D];
	s0 =	simm.s32 @p0 $0x1  }
0x13: {  	[smem:$0x3FB8] =	sst s0;
	s0 =	simm.s32 @!p1 $0x0  }
0x14: {  	s2 =	sld [smem:$0x3F9C];
	s0 =	simm.s32 @p1 $0x1  }
0x15: {  	[smem:$0x3FB9] =	sst s0;
	s0 =	simm.s32 @!p2 $0x0  }
0x16: {  	s3 =	sld [smem:$0x3FDB];
	s0 =	simm.s32 @p2 $0x1  }
0x17: {  	s4 =	simm.s32 $0x1BF5;
	[smem:$0x3FBB] =	sst s0  }
0x18: {  	s0 =	sld [smem:$0x3F9E];
	_ =	swait.ge [sflag:s4], $0x0  }
0x19: {  	s7 =	sld [smem:$0x3F9F]  }
0x1a: {  	s8 =	sadd.s32 $0xFFFFE003, lr  }
0x1b: {  	s9 =	sadd.s32 $0xFFFFFEF7, lr;
	s5 =	simm.s32 $0xFFFFFFFF;
	p2 =	slt.u32 s8, $0xFFFFF086  }
0x1c: {  	p1 =	slt.u32 s9, $0xF7A;
	s5 =	simm.s32 @!p2 $0x0  }
0x1d: {  	s5 =	simm.s32 @p1 $0x1;
	p0 =	seq.s32 s7, s2  }
0x1e: {  	s7 =	smul.u32 @!p0 $0xF7A, s2;
	p2 =	seq.s32 @!p0 s5, $0x0  }
0x1f: {  	s9 =	smul.u32 $0xF7A, s1;
	s8 =	simm.s32 @!p0 $0x1BF5;
	p2 =	por !p2, p0  }
0x20: {  	[sflag:s8] =	ssyncset.s32 @!p0 $0xFFFFF086;
	s6 =	sadd.s32 @!p0 s3, s7;
	s7 =	simm.s32 @!p0 $0x108  }
0x21: {  	s3 =	sadd.s32 s3, s9;
	s6 =	sadd.s32 @!p0 $0x88, s6;
	s7 =	simm.s32 @p2 $0x1082  }
0x22: {  	[simem:s7], [sflag:s8] =	dma.local @!p0 [hbm:s6], $0xF7A  }
0x23: {  	s9 =	sor.u32 $0xD0000000, s2;
	s6 =	simm.s32 $0x108;
	_ =	swait.ge @!p0 [sflag:s8], $0x0  }
0x24: {  	s3 =	sadd.s32 $0x88, s3;
	s6 =	simm.s32 @!p1 $0x1082;
	[sflag:s4] =	ssyncset.s32 $0xFFFFF086  }
0x25: {  	[simem:s6], [sflag:s4] =	dma.local [hbm:s3], $0xF7A  }
0x26: {  	[smem:$0x3F9F] =	sst s1;
	(tag) =	ssettag s2;
	_ =	strace s9  }
0x27: {  	s1 =	sld [smem:$0x3FAF]  }
0x28: {  	s2 =	sld [smem:$0x3FB0]  }
0x29: {  	s4 =	sld [smem:$0x3FB2]  }
0x2a: {  	p0 =	seq.s32 s5, $0x0;
	s5 =	sld [smem:$0x3FB3]  }
0x2b: {  	s6 =	sld [smem:$0x3FB4]  }
0x2c: {  	s7 =	sld [smem:$0x3FB5]  }
0x2d: {  	s3 =	simm.s32 $0x108;
	s8 =	sld [smem:$0x3FB6]  }
0x2e: {  	s3 =	simm.s32 @!p0 $0x1082;
	s9 =	sld [smem:$0x3FB7]  }
0x2f: {  	lr =	sadd.s32 s0, s3;
	s0 =	sld [smem:$0x3FAE]  }
0x30: {  	s3 =	sld [smem:$0x3FB1]  }
0x31: {  	[smem:$0x3FBA] =	sst s10  }
0x32: {  	s10 =	sld [smem:$0x3FB8];
	_ =	sdelay $0x3  }
0x33: {  	p0 =	seq.s32 s10, $0x1;
	s10 =	sld [smem:$0x3FBA];
	_ =	sdelay $0x3  }
0x34: {  	[smem:$0x3FBA] =	sst s10  }
0x35: {  	s10 =	sld [smem:$0x3FB9];
	_ =	sdelay $0x3  }
0x36: {  	p1 =	seq.s32 s10, $0x1;
	s10 =	sld [smem:$0x3FBA];
	_ =	sdelay $0x3  }
0x37: {  	[smem:$0x3FBA] =	sst s10  }
0x38: {  	s10 =	sld [smem:$0x3FBB]  }
0x39: {  	_ = 	snop;
	(pc) =	sbr.ind lr, $3  }
0x3a: {  	_ = 	snop  }
0x3b: {  	_ = 	snop  }
0x3c: {  	p2 =	seq.s32 s10, $0x1;
	s10 =	sld [smem:$0x3FBA]  }
0x3d: {  	_ =	shalt  }
0x3e: {  	_ =	shalt  }
0x3f: {  	_ =	shalt  }
0x40: {  	_ =	shalt  }
0x41: {  	_ =	shalt  }
0x42: {  	_ =	shalt  }
0x43: {  	_ =	shalt  }
0x44: {  	_ =	shalt  }
0x45: {  	_ =	shalt  }
0x46: {  	_ =	shalt  }
0x47: {  	_ =	shalt  }
0x48: {  	_ =	shalt  }
0x49: {  	_ =	shalt  }
0x4a: {  	_ =	shalt  }
0x4b: {  	_ =	shalt  }
0x4c: {  	_ =	shalt  }
0x4d: {  	_ =	shalt  }
0x4e: {  	_ =	shalt  }
0x4f: {  	_ =	shalt  }
0x50: {  	_ =	shalt  }
0x51: {  	_ =	shalt  }
0x52: {  	_ =	shalt  }
0x53: {  	_ =	shalt  }
0x54: {  	_ =	shalt  }
0x55: {  	_ =	shalt  }
0x56: {  	_ =	shalt  }
0x57: {  	_ =	shalt  }
0x58: {  	_ =	shalt  }
0x59: {  	_ =	shalt  }
0x5a: {  	_ =	shalt  }
0x5b: {  	_ =	shalt  }
0x5c: {  	_ =	shalt  }
0x5d: {  	_ =	shalt  }
0x5e: {  	_ =	shalt  }
0x5f: {  	_ =	shalt  }
0x60: {  	_ =	shalt  }
0x61: {  	_ =	shalt  }
0x62: {  	_ =	shalt  }
0x63: {  	_ =	shalt  }
0x64: {  	_ =	shalt  }
0x65: {  	_ =	shalt  }
0x66: {  	_ =	shalt  }
0x67: {  	_ =	shalt  }
0x68: {  	_ =	shalt  }
0x69: {  	_ =	shalt  }
0x6a: {  	_ =	shalt  }
0x6b: {  	_ =	shalt  }
0x6c: {  	_ =	shalt  }
0x6d: {  	_ =	shalt  }
0x6e: {  	_ =	shalt  }
0x6f: {  	_ =	shalt  }
0x70: {  	_ =	shalt  }
0x71: {  	_ =	shalt  }
0x72: {  	_ =	shalt  }
0x73: {  	_ =	shalt  }
0x74: {  	_ =	shalt  }
0x75: {  	_ =	shalt  }
0x76: {  	_ =	shalt  }
0x77: {  	_ =	shalt  }
0x78: {  	_ =	shalt  }
0x79: {  	_ =	shalt  }
0x7a: {  	_ =	shalt  }
0x7b: {  	_ =	shalt  }
0x7c: {  	_ =	shalt  }
0x7d: {  	_ =	shalt  }
0x7e: {  	_ =	shalt  }
0x7f: {  	_ =	shalt  }
0x80: {  	_ =	shalt  }
0x81: {  	_ =	shalt  }
0x82: {  	_ =	shalt  }
0x83: {  	_ =	shalt  }
0x84: {  	_ =	shalt  }
0x85: {  	_ =	shalt  }
0x86: {  	_ =	shalt  }
0x87: {  	_ =	shalt  }
.Lfunc_end0:
.L_simem_size_0:
called_computation_lowered:
.L_overlay_start_0:
0x88: {  	s2 =	sld [smem:$0x3FD9]  }
0x89: {  	s3 =	sld [smem:$0x3FFE];
	_ =	sdelay $0x1  }
0x8a: {  	s1 =	srdreg.scid  }
0x8b: {  	s0 =	sand.u32 $0x1, s1  }
0x8c: {  	s17 =	sshll.u32 s0, $0xA;
	s2 =	sadd.s32 s3, s2  }
0x8d: {  	s2 =	sadd.s32 s2, s17  }
0x8e: {  	[smem:$0x3FC6] =	sst s2  }
0x8f: {  	_ = 	snop  }
0x90: {  	s2 =	sld [smem:$0x3FD0];
	(tm) =	ssettm $0x1  }
0x91: {  	s18 =	sld [smem:$0x3FFB];
	_ =	sdelay $0x3  }
0x92: {  	_ =	strace s18  }
0x93: {  	s3 =	sld [smem:$0x3FFC];
	_ =	sdelay $0x3  }
0x94: {  	_ =	strace s3  }
0x95: {  	s3 =	sld [smem:$0x3FFD];
	_ =	sdelay $0x3  }
0x96: {  	_ =	strace s3  }
0x97: {  	_ =	strace $0x8FFFFFFF  }
0x98: {  	s19 =	sld [smem:$0x3FDB];
	_ =	sdelay $0x1  }
0x99: {  	s4 =	simm.s32 $_scs_section_size  }
0x9a: {  	s5 =	simm.s32 $_size__tile_overlayer_lowered;
	s6 =	simm.s32 $_tile_overlayer_lowered  }
0x9b: {  	s22 =	simm.s32 $0x1BFF;
	s21 =	sshll.u32 s6, $0x1;
	s3 =	sadd.s32 s4, s19  }
0x9c: {  	s7 =	simm.s32 $0x0;
	s20 =	sshll.u32 s5, $0x1;
	s5 =	sadd.s32 s21, s3  }
0x9d: {  	[timem:s7], [sflag:s22] =	dma.local [hbm:s5], s20  }
0x9e: {  	_ =	swait.ge [sflag:s22], s20  }
0x9f: {  	s4 =	ssub.s32 $0x0, s20;
	[sflag:s22] =	ssyncset.done $0x0  }
0xa0: {  	[sflag:s22] =	ssyncadd.s32 s4;
	_ =	sdelay $0x1  }
0xa1: {  	s23 =	simm.s32 $0x1B8B  }
0xa2: {  	_ =	swait.ge [sflag:s23], $0x1  }
0xa3: {  	[sflag:s23] =	ssyncset.done $0x0  }
0xa4: {  	s25 =	simm.s32 $0x1B8E;
	s24 =	sld [smem:$0x3FFE];
	[sflag:s23] =	ssyncadd.s32 $0xFFFFFFFF  }
0xa5: {  	s26 =	simm.s32 $execute0_lowered;
	[smem:$0x3FD2] =	sst s25  }
0xa6: {  	s5 =	sshll.u32 s26, $0x1;
	_ =	strace $0x80000046;
	[dreg:$0x1] =	wrdreg $0xFFFFFFFF  }
0xa7: {  	s28 =	simm.s32 $_size_execute0_lowered;
	s3 =	sadd.s32 s3, s5;
	[dreg:$0x0] =	wrdreg $0x0  }
0xa8: {  	s5 =	sshll.u32 s28, $0x1;
	[dreg:$0x2] =	wrdreg s3  }
0xa9: {  	[dreg:$0x3] =	wrdreg s5  }
0xaa: {  	[dreg:$0x4] =	wrdreg $0xC0  }
0xab: {  	_ =	task [dreg:s7], $0x5FFFF  }
0xac: {  	[dreg:$0x1] =	wrdreg $0xFFFFFFFF  }
0xad: {  	[dreg:$0x0] =	wrdreg $0x60  }
0xae: {  	[dreg:$0x2] =	wrdreg s24  }
0xaf: {  	[dreg:$0x3] =	wrdreg s2  }
0xb0: {  	[dreg:$0x4] =	wrdreg $0x53800  }
0xb1: {  	[dreg:$0x5] =	wrdreg $0x63800  }
0xb2: {  	[dreg:$0x6] =	wrdreg $0x63900  }
0xb3: {  	[dreg:$0x7] =	wrdreg $0x9  }
0xb4: {  	_ =	task.clear_ibuf [dreg:s7], $0x8FFFF;
	_ =	strace $0x90000046  }
0xb5: {  	s29 =	simm.s32 $0x9;
	_ =	strace $0x80000048  }
0xb6: {  	_ =	swait.ge [sflag:s29], $0x1  }
0xb7: {  	[sflag:s29] =	ssyncadd.s32 $0xFFFFFFFF  }
0xb8: {  	_ =	strace $0x90000048  }
0xb9: {  	_ =	sfence  }
0xba: {  	s30 =	sld [smem:$0x0];
	_ =	sdelay $0x2  }
0xbb: {  	s31 =	sshll.u32 s1, $0xD;
	s1 =	sshrl.u32 s1, $0x2  }
0xbc: {  	s3 =	sand.u32 $0x4000, s31;
	s1 =	sadd.s32 s1, s30  }
0xbd: {  	s0 =	sor.u32 s3, s0;
	s1 =	sshll.u32 s1, $0x11  }
0xbe: {  	s0 =	sor.u32 s1, s0  }
0xbf: {  	s0 =	sadd.s32 $0x8F2B, s0  }
0xc0: {  	[sflag:s0] =	ssyncadd.remote.s32 $0x1  }
0xc1: {  	_ =	sfence.sel $0xFFFF  }
0xc2: {  	[dreg:$0x0] =	wrdreg $0xFFFFFFFF;
	(pc) =	sbr.abs _section_cstart, $3  }
0xc3: {  	[dreg:$0x1] =	wrdreg $0xFFFFFFFF  }
0xc4: {  	_ =	task.clear_ibuf [dreg:s7], $0x2FFFF;
	_ =	strace $0x9FFFFFFF  }
0xc5: {  	(tm) =	ssettm $0x7FFFFFFF  }
tec
execute0_lowered:
.L_overlay_start_1:
0x0: {  	(tag) =	ssettag $0x1  }
0x1: {  	s0 =	rddreg [dreg:$0x0]  }
0x2: {  	s1 =	srdreg.scid;
	s4 =	rddreg [dreg:$0x1]  }
0x3: {  	s6 =	rddreg [dreg:$0x2];
	s8 =	stileid.u32  }
0x4: {  	s2 =	rddreg [dreg:$0x4];
	s3 =	simm.s32 $0x0;
	s5 =	sand.u32 $0x1, s1  }
0x5: {  	s1 =	rddreg [dreg:$0x3];
	s9 =	sshll.u32 s8, $0x8;
	s7 =	smul.u32 $0x3000, s5  }
0x6: {  	[smem:$0x7FF] =	sst s3;
	s14 =	sshll.u32 s8, $0x4;
	s12 =	ssub.s32 $0x2, s5  }
0x7: {  	_ =	strace $0x80000047;
	s15 =	sadd.s32 s14, s1;
	s10 =	sadd.s32 $0x12000, s7  }
0x8: {  	s5 =	sshll.u32 s5, $0x1;
	[dreg:$0xd] =	wrdreg s15;
	s11 =	sor.u32 s9, s10  }
0x9: {  	s4 =	sadd.s32 s4, s5;
	s10 =	sshrl.u32 s10, $0x3;
	s11 =	sshrl.u32 s11, $0x3  }
0xa: {  	[dreg:$0x16] =	wrdreg s4;
	s10 =	sadd.s32 s0, s10;
	s11 =	sadd.s32 s11, s0  }
0xb: {  	s13 =	sshrl.u32 s12, $0x1;
	[dreg:$0x9] =	wrdreg s10;
	s25 =	sadd.s32 $0x3000, s11  }
0xc: {  	s7 =	sshrl.u32 s7, $0x3;
	s26 =	sadd.s32 $0x3200, s11;
	[dreg:$0x6] =	wrdreg s25  }
0xd: {  	s0 =	sadd.s32 s7, s0;
	s11 =	sadd.s32 $0x3400, s11;
	[dreg:$0x7] =	wrdreg s26  }
0xe: {  	s12 =	ssub.s32 s12, s13;
	s7 =	sadd.s32 $0x2600, s0;
	[dreg:$0x8] =	wrdreg s11  }
0xf: {  	v0 =	vimm.s32 $0xFEDCBA98;
	s13 =	sshll.u32 s8, $0xC;
	s0 =	sadd.s32 $0x2800, s0;
	[dreg:$0xa] =	wrdreg s7  }
0x10: {  	v1 =	vimm.s32 $0x76543210;
	v2 =	vimm.s32 $0xBA98FEDC;
	v3 =	vimm.s32 $0x32107654;
	[dreg:$0xb] =	wrdreg s0;
	s0 =	sadd.s32 s13, s6  }
0x11: {  	v4 =	vimm.s32 $0xDCFE98BA;
	v5 =	vimm.s32 $0x54761032;
	v6 =	vimm.s32 $0xEFCDAB89;
	s11 =	sadd.s32 s9, s6;
	s26 =	smax.u32 s12, $0x1;
	[dreg:$0xc] =	wrdreg s0  }
0x12: {  	v7 =	vimm.s32 $0x67452301;
	v0 =	vunpack.c.l.s4.s8 v0;
	v1 =	vunpack.c.l.s4.s8 v1;
	s16 =	sadd.s32 $0x1000, s11;
	[dreg:$0x1a] =	wrdreg s26  }
0x13: {  	v2 =	vunpack.c.l.s4.s8 v2;
	v3 =	vunpack.c.l.s4.s8 v3;
	v4 =	vunpack.c.l.s4.s8 v4;
	s17 =	sadd.s32 $0x2000, s11;
	[dreg:$0xe] =	wrdreg s16  }
0x14: {  	v5 =	vunpack.c.l.s4.s8 v5;
	v6 =	vunpack.c.l.s4.s8 v6;
	v0 =	vunpack.c.0.s8.s32 v0;
	s18 =	sadd.s32 $0x3000, s11;
	[dreg:$0xf] =	wrdreg s17  }
0x15: {  	p0 =	sne.s32 s8, $0x0;
	v1 =	vunpack.c.0.s8.s32 v1;
	v2 =	vunpack.c.0.s8.s32 v2;
	v3 =	vunpack.c.0.s8.s32 v3;
	s19 =	sadd.s32 $0x4000, s11;
	[dreg:$0x10] =	wrdreg s18  }
0x16: {  	v7 =	vunpack.c.l.s4.s8 v7;
	v4 =	vunpack.c.0.s8.s32 v4;
	s4 =	simm.s32 $0x0;
	v0 =	vand.u32 $0xF, v0;
	s20 =	sadd.s32 $0x5000, s11;
	[dreg:$0x11] =	wrdreg s19  }
0x17: {  	v5 =	vunpack.c.0.s8.s32 v5;
	v0 =	vcombine.low v0, v1;
	v1 =	vcombine.low v3, v2;
	s21 =	sadd.s32 $0x6000, s11;
	s22 =	sadd.s32 $0x7000, s11;
	[dreg:$0x12] =	wrdreg s20  }
0x18: {  	s23 =	sadd.s32 $0x8000, s11;
	s24 =	sadd.s32 $0x9000, s11;
	[dreg:$0x13] =	wrdreg s21  }
.Ltmp0:
0x19: {  	v6 =	vunpack.c.0.s8.s32 v6;
	v7 =	vunpack.c.0.s8.s32 v7;
	[tilespmem:$0x1FFD0] =	vst v1;
	v1 =	vcombine.low v5, v4;
	s25 =	sadd.s32 $0xA000, s11;
	[dreg:$0x14] =	wrdreg s22;
	(pc) =	sbr.rel .LBB2_1-.Ltmp0, $4  }
0x1a: {  	s0 =	sadd.s32 s14, s2;
	s26 =	sadd.s32 $0xB000, s11;
	[dreg:$0x15] =	wrdreg s23  }
0x1b: {  	s28 =	sadd.s32 $0xC000, s11;
	s29 =	sadd.s32 $0xD000, s11;
	[tilespmem:$0x1FFE0] =	vst v1;
	v1 =	vcombine.low v7, v6;
	[dreg:$0x17] =	wrdreg s24  }
0x1c: {  	vm0 =	vcmask $0x300;
	s30 =	sadd.s32 $0xE000, s11;
	s31 =	sadd.s32 $0xF000, s11;
	[dreg:$0x18] =	wrdreg s25  }
0x1d: {  	vm1 =	vcmask $0x704;
	v3 =	vimm.f32 $0.0e+00;
	v7 =	vimm.f32 $+Inf;
	[dreg:$0x19] =	wrdreg s0;
	s0 =	simm.s32 $0x1;
	s21 =	simm.s32 $0x5300;
	[tilespmem:$0x1FFF0] =	vst v1  }
.LBB2_17:
0x1e: {  	s4 =	sadd.s32 $0x1, s4;
	s5 =	rddreg [dreg:$0x1a]  }
0x1f: {  	p1 =	sne.s32 s4, s5  }
.Ltmp1:
0x20: {  	_ = 	snop;
	(pc) =	sbr.rel @!p1 .LBB2_18-.Ltmp1, $1  }
0x21: {  	_ =	sdelay $0x3  }
.LBB2_1:
0x22: {  	s5 =	rddreg [dreg:$0x6]  }
0x23: {  	[tilespmem:s3], [sflag:$0x1] =	stream.linear.gather [hbm4b:s5+s3], $0x100, $0x38;
	[tilespmem:$0x63A0] =	vst v63  }
0x24: {  	_ =	swait.ge [sflag:s0], $0x100  }
0x25: {  	[sflag:s0] =	ssyncset.done $0x0  }
0x26: {  	s6 =	simm.s32 $0x100;
	s16 =	rddreg [dreg:$0x7];
	[sflag:s0] =	ssyncadd.s32 $0xFFFFFF00  }
0x27: {  	[tilespmem:s6], [sflag:$0x1] =	stream.linear.gather [hbm4b:s16+s3], $0x100, $0x38;
	[tilespmem:$0x63A0] =	vst v63  }
0x28: {  	_ =	swait.ge [sflag:s0], $0x100  }
0x29: {  	[sflag:s0] =	ssyncset.done $0x0  }
0x2a: {  	s18 =	simm.s32 $0x200;
	s17 =	rddreg [dreg:$0x8];
	[sflag:s0] =	ssyncadd.s32 $0xFFFFFF00  }
0x2b: {  	[tilespmem:s18], [sflag:$0x1] =	stream.linear.gather [hbm4b:s17+s3], $0x100, $0x38;
	[tilespmem:$0x63A0] =	vst v63  }
0x2c: {  	_ =	swait.ge [sflag:s0], $0x100  }
0x2d: {  	[sflag:s0] =	ssyncset.done $0x0  }
0x2e: {  	s20 =	simm.s32 $0x300;
	s19 =	rddreg [dreg:$0x9];
	[sflag:s0] =	ssyncadd.s32 $0xFFFFFF00  }
0x2f: {  	[tilespmem:s20], [sflag:$0x1] =	stream.linear.gather [hbm4b:s19+s3], $0x1000, $0x38;
	[tilespmem:$0x63A0] =	vst v63  }
0x30: {  	_ =	swait.ge [sflag:s0], $0x1000  }
0x31: {  	[sflag:s0] =	ssyncset.done $0x0  }
0x32: {  	s23 =	simm.s32 $0x1300;
	s22 =	rddreg [dreg:$0xa];
	[sflag:s0] =	ssyncadd.s32 $0xFFFFF000  }
0x33: {  	[tilespmem:s23], [sflag:$0x1] =	stream.linear.gather [hbm4b:s22+s3], $0x1000, $0x38;
	[tilespmem:$0x63A0] =	vst v63  }
0x34: {  	_ =	swait.ge [sflag:s0], $0x1000  }
0x35: {  	[sflag:s0] =	ssyncset.done $0x0  }
0x36: {  	s25 =	simm.s32 $0x2300;
	s24 =	rddreg [dreg:$0xb];
	[sflag:s0] =	ssyncadd.s32 $0xFFFFF000  }
0x37: {  	[tilespmem:s25], [sflag:$0x1] =	stream.linear.gather [hbm4b:s24+s3], $0x1000, $0x38;
	[tilespmem:$0x63A0] =	vst v63  }
0x38: {  	_ =	swait.ge [sflag:s0], $0x1000  }
0x39: {  	[sflag:s0] =	ssyncset.done $0x0  }
0x3a: {  	s5 =	simm.s32 $0x0;
	[sflag:s0] =	ssyncadd.s32 $0xFFFFF000  }
0x3b: {  	v2 =	vld [tilespmem:s5+$0x200]  }
0x3c: {  	v1 =	vimm.f32 $0.0e+00;
	s6 =	simm.s32 $0x40;
	v4 =	vld [tilespmem:s5+$0x100]  }
.LBB2_2:
0x3d: {  	p1 =	sne.s32 s6, $0x3C0;
	v5 =	vld [tilespmem:s5+$0x0];
	_ =	sdelay $0x3  }
0x3e: {  	vm3 =	vlt.f32 v2, $1.000000000e+04;
	vm2 =	vlt.f32 v4, $1.000000000e+04  }
0x3f: {  	vm6 =	vgt.f32 v4, $1.000000000e+04;
	vm4 =	vlt.f32 v5, $1.000000000e+04;
	vm5 =	vgt.f32 v5, $1.000000000e+04  }
.Ltmp2:
0x40: {  	vm2 =	vmor vm6, vm2;
	vm4 =	vmor vm5, vm4;
	vm5 =	vgt.f32 v2, $1.000000000e+04;
	(pc) =	sbr.rel @p1 .LBB2_2-.Ltmp2, $4  }
0x41: {  	vm2 =	vmand vm4, vm2;
	vm3 =	vmor vm5, vm3  }
0x42: {  	s7 =	sshra.s32 s6, $0x2;
	vm2 =	vmand vm2, vm3  }
0x43: {  	v2 =	vld [tilespmem:s7+$0x200];
	v5 =	vnsel vm2, $0x5F0AC723, v5;
	v6 =	vsel vm2, $0x3F800000, v3  }
0x44: {  	s6 =	sadd.s32 $0x40, s6;
	v4 =	vld [tilespmem:s7+$0x100];
	[tilespmem:s5+$0x0] =	vst v5;
	v1 =	vadd.f32 v6, v1;
	s5 =	smov.u32 s7  }
0x45: {  	v5 =	vld [tilespmem:s5+$0x0];
	_ =	sdelay $0x3  }
0x46: {  	vm3 =	vlt.f32 v2, $1.000000000e+04;
	vm2 =	vlt.f32 v4, $1.000000000e+04  }
0x47: {  	vm6 =	vgt.f32 v4, $1.000000000e+04;
	vm4 =	vlt.f32 v5, $1.000000000e+04;
	vm5 =	vgt.f32 v5, $1.000000000e+04  }
0x48: {  	vm15 =	vgt.f32 v2, $1.000000000e+04;
	vm2 =	vmor vm6, vm2;
	vm4 =	vmor vm5, vm4  }
0x49: {  	vm3 =	vmor vm15, vm3;
	vm2 =	vmand vm4, vm2  }
0x4a: {  	vm2 =	vmand vm2, vm3  }
0x4b: {  	v2 =	vsel vm2, $0x3F800000, v3  }
0x4c: {  	v1 =	vadd.f32 v2, v1;
	_ =	sdelay $0x1  }
0x4d: {  	v2 =	vperm.xlane v1, v0;
	_ =	sdelay $0x1  }
0x4e: {  	v1 =	vadd.f32 v2, v1;
	v2 =	vld [tilespmem:$0x1FFD0];
	_ =	sdelay $0x4  }
0x4f: {  	v2 =	vperm.xlane v1, v2;
	_ =	sdelay $0x1  }
0x50: {  	v1 =	vadd.f32 v2, v1;
	v2 =	vld [tilespmem:$0x1FFE0];
	_ =	sdelay $0x4  }
0x51: {  	v2 =	vperm.xlane v1, v2;
	_ =	sdelay $0x1  }
0x52: {  	v2 =	vadd.f32 v2, v1;
	v1 =	vnsel vm2, $0x5F0AC723, v5  }
0x53: {  	[tilespmem:s5+$0x0] =	vst v1;
	v1 =	vld [tilespmem:$0x1FFF0];
	_ =	sdelay $0x4  }
0x54: {  	v1 =	vperm.xlane v2, v1  }
0x55: {  	[tilespmem:$0x1FFB0] =	vst v2  }
0x56: {  	s6 =	simm.s32 $0x0;
	s5 =	simm.s32 $0x0;
	[tilespmem:$0x1FFC0] =	vst v1  }
.LBB2_4:
0x57: {  	p1 =	sne.s32 s6, $0x3FC0  }
.Ltmp3:
0x58: {  	_ = 	snop;
	(pc) =	sbr.rel @p1 .LBB2_4-.Ltmp3, $3  }
0x59: {  	_ =	sdelay $0x1  }
0x5a: {  	s7 =	sshra.s32 s6, $0x2  }
0x5b: {  	s6 =	sadd.s32 $0x40, s6;
	[tilespmem:s7+$0x3300] =	vst v7  }
0x5c: {  	s6 =	simm.f32 $0.0e+00  }
.LBB2_6:
0x5d: {  	s7 =	sshll.u32 s5, $0x4  }
0x5e: {  	v8 =	vld [tilespmem:s7+$0x0]  }
0x5f: {  	v13 =	vld [tilespmem:s7+$0x100]  }
0x60: {  	v12 =	vld [tilespmem:s7+$0x200];
	_ =	sdelay $0x3  }
0x61: {  	v24 =	vbroadcast v8, $0x0;
	v23 =	vbroadcast v13, $0x0  }
0x62: {  	s25 =	simm.s32 $0x1310;
	v9 =	vbroadcast v12, $0x0;
	v11 =	vbroadcast v8, $0x1  }
0x63: {  	s8 =	simm.s32 $0x2310;
	v1 =	vld [tilespmem:s25+$0xFFFFFFF0];
	v25 =	vbroadcast v13, $0x1;
	v10 =	vbroadcast v12, $0x1  }
0x64: {  	v2 =	vld [tilespmem:s8+$0xFFFFFFF0];
	v26 =	vbroadcast v8, $0x2;
	v27 =	vbroadcast v13, $0x2  }
0x65: {  	s10 =	simm.s32 $0x310;
	v14 =	vbroadcast v12, $0x2;
	v18 =	vbroadcast v8, $0x3  }
0x66: {  	v4 =	vld [tilespmem:s10+$0xFFFFFFF0];
	v28 =	vbroadcast v13, $0x3;
	v29 =	vbroadcast v13, $0x5  }
0x67: {  	v15 =	vbroadcast v12, $0x3;
	v31 =	vbroadcast v13, $0x7  }
0x68: {  	v16 =	vbroadcast v8, $0x4;
	v17 =	vbroadcast v12, $0x6;
	v5 =	vsub.f32 v1, v29  }
0x69: {  	v34 =	vbroadcast v8, $0x7;
	v6 =	vsub.f32 v1, v31;
	v7 =	vsub.f32 v2, v9  }
0x6a: {  	v19 =	vbroadcast v13, $0x4;
	v35 =	vsub.f32 v2, v17;
	v36 =	vsub.f32 v2, v14  }
0x6b: {  	v20 =	vbroadcast v12, $0x4;
	v37 =	vsub.f32 v4, v34;
	v38 =	vsub.f32 v4, v24  }
0x6c: {  	v21 =	vbroadcast v13, $0x6;
	v39 =	vsub.f32 v1, v25;
	v40 =	vsub.f32 v4, v11  }
0x6d: {  	v22 =	vbroadcast v8, $0x5;
	v41 =	vsub.f32 v2, v10;
	v42 =	vsub.f32 v2, v15  }
0x6e: {  	v32 =	vbroadcast v12, $0x5;
	v43 =	vsub.f32 v1, v21;
	v44 =	vsub.f32 v1, v23  }
0x6f: {  	v33 =	vbroadcast v12, $0x7;
	v45 =	vsub.f32 v1, v28;
	v46 =	vsub.f32 v4, v18  }
0x70: {  	v30 =	vbroadcast v8, $0x6;
	v47 =	vsub.f32 v2, v20;
	v48 =	vsub.f32 v2, v32  }
0x71: {  	v49 =	vsub.f32 v1, v27;
	v2 =	vsub.f32 v2, v33;
	v37 =	vmul.f32 v37, v37  }
0x72: {  	v51 =	vsub.f32 v4, v26;
	v39 =	vmul.f32 v39, v39;
	v40 =	vmul.f32 v40, v40  }
0x73: {  	v54 =	vsub.f32 v4, v16;
	v7 =	vmul.f32 v7, v7;
	v44 =	vmul.f32 v44, v44  }
0x74: {  	v1 =	vsub.f32 v1, v19;
	v42 =	vmul.f32 v42, v42;
	v38 =	vmul.f32 v38, v38  }
0x75: {  	v58 =	vsub.f32 v4, v22;
	v50 =	vmul.f32 v47, v47;
	v36 =	vmul.f32 v36, v36  }
0x76: {  	v53 =	vmul.f32 v41, v41;
	v55 =	vmul.f32 v2, v2;
	v38 =	vadd.f32 v44, v38  }
0x77: {  	v2 =	vmul.f32 v45, v45;
	v56 =	vmul.f32 v51, v51;
	v39 =	vadd.f32 v39, v40  }
0x78: {  	v57 =	vmul.f32 v49, v49;
	v44 =	vadd.f32 v7, v38;
	v7 =	vmul.f32 v46, v46  }
0x79: {  	v48 =	vmul.f32 v48, v48;
	v5 =	vmul.f32 v5, v5;
	v47 =	vadd.f32 v53, v39  }
0x7a: {  	v59 =	vmul.f32 v54, v54;
	v39 =	vadd.f32 v57, v56;
	v2 =	vadd.f32 v2, v7  }
0x7b: {  	v4 =	vsub.f32 v4, v30;
	v60 =	vmul.f32 v58, v58;
	v7 =	vmul.f32 v1, v1  }
0x7c: {  	v39 =	vadd.f32 v36, v39;
	v61 =	vmin.f32 v44, v47;
	v1 =	vadd.f32 v42, v2  }
0x7d: {  	v2 =	vmul.f32 v4, v4;
	v4 =	vmul.f32 v43, v43;
	v7 =	vadd.f32 v7, v59  }
0x7e: {  	v6 =	vmul.f32 v6, v6;
	v5 =	vadd.f32 v5, v60;
	v36 =	vmin.f32 v61, v39  }
0x7f: {  	s9 =	simm.s32 $0x3310;
	v4 =	vadd.f32 v4, v2;
	v2 =	vadd.f32 v50, v7;
	v7 =	vmul.f32 v35, v35  }
0x80: {  	v63 =	vld [tilespmem:s9+$0xFFFFFFF0];
	v6 =	vadd.f32 v6, v37;
	v5 =	vadd.f32 v48, v5;
	v62 =	vmin.f32 v36, v1  }
0x81: {  	v35 =	vmin.f32 v62, v2;
	v4 =	vadd.f32 v7, v4  }
0x82: {  	v36 =	vadd.f32 v55, v6;
	v7 =	vmin.f32 v35, v5  }
0x83: {  	v6 =	vmin.f32 v7, v4  }
0x84: {  	v6 =	vmin.f32 v6, v36  }
0x85: {  	v6 =	vmin.f32 v63, v6  }
0x86: {  	[tilespmem:s9+$0xFFFFFFF0] =	vst v6  }
0x87: {  	v7 =	vld [tilespmem:s10+$0x0]  }
0x88: {  	v41 =	vimm.f32 $+Inf;
	v38 =	vimm.f32 $+Inf;
	v46 =	vld [tilespmem:s25+$0x0]  }
0x89: {  	s12 =	simm.s32 $0x1330;
	v40 =	vimm.f32 $+Inf;
	v37 =	vmin.f32 v38, v39;
	v42 =	vimm.f32 $+Inf  }
0x8a: {  	s13 =	simm.s32 $0x330;
	s7 =	simm.s32 $0x3310;
	v43 =	vimm.f32 $+Inf;
	v39 =	vimm.f32 $+Inf;
	v35 =	vimm.f32 $+Inf;
	s10 =	simm.s32 $0x0;
	v45 =	vld [tilespmem:s8+$0x0]  }
.LBB2_7:
0x8b: {  	s10 =	sadd.s32 $0x2, s10;
	v6 =	vmin.f32 v38, v44;
	v40 =	vmin.f32 v40, v47;
	v1 =	vmin.f32 v42, v1;
	s9 =	sadd.s32 $0x20, s9;
	s8 =	sadd.s32 $0x20, s8  }
0x8c: {  	v5 =	vmin.f32 v43, v5;
	p1 =	slt.u32 s10, $0xFE;
	v38 =	vsub.f32 v7, v24;
	v42 =	vsub.f32 v7, v34  }
0x8d: {  	v2 =	vmin.f32 v41, v2;
	v41 =	vsub.f32 v46, v23;
	v43 =	vsub.f32 v46, v25  }
0x8e: {  	v4 =	vmin.f32 v39, v4;
	v39 =	vsub.f32 v7, v26;
	v44 =	vsub.f32 v46, v27  }
0x8f: {  	v47 =	vsub.f32 v46, v28;
	v43 =	vmul.f32 v43, v43;
	v48 =	vsub.f32 v45, v33  }
0x90: {  	v39 =	vmul.f32 v39, v39;
	v44 =	vmul.f32 v44, v44;
	v49 =	vsub.f32 v45, v32  }
0x91: {  	v50 =	vsub.f32 v46, v31;
	v38 =	vmul.f32 v38, v38;
	v48 =	vmul.f32 v48, v48  }
0x92: {  	v42 =	vmul.f32 v42, v42;
	v39 =	vadd.f32 v44, v39;
	v44 =	vsub.f32 v46, v29  }
0x93: {  	v51 =	vsub.f32 v7, v18;
	v52 =	vsub.f32 v7, v30;
	v50 =	vmul.f32 v50, v50  }
0x94: {  	v54 =	vsub.f32 v7, v22;
	v53 =	vsub.f32 v46, v19;
	v49 =	vmul.f32 v49, v49  }
0x95: {  	v52 =	vmul.f32 v52, v52;
	v55 =	vsub.f32 v45, v20;
	v44 =	vmul.f32 v44, v44  }
0x96: {  	v56 =	vsub.f32 v7, v11;
	v57 =	vsub.f32 v45, v14;
	v53 =	vmul.f32 v53, v53  }
0x97: {  	v7 =	vsub.f32 v7, v16;
	v58 =	vsub.f32 v45, v15;
	v55 =	vmul.f32 v55, v55  }
0x98: {  	v56 =	vmul.f32 v56, v56;
	v41 =	vmul.f32 v41, v41;
	v46 =	vsub.f32 v46, v21  }
0x99: {  	v7 =	vmul.f32 v7, v7;
	v59 =	vsub.f32 v45, v9;
	v60 =	vsub.f32 v45, v17  }
0x9a: {  	v45 =	vsub.f32 v45, v10;
	v57 =	vmul.f32 v57, v57;
	v46 =	vmul.f32 v46, v46  }
0x9b: {  	v38 =	vadd.f32 v41, v38;
	v41 =	vadd.f32 v43, v56;
	v43 =	vmul.f32 v60, v60  }
0x9c: {  	v56 =	vmul.f32 v59, v59;
	v45 =	vmul.f32 v45, v45;
	v57 =	vadd.f32 v57, v39  }
0x9d: {  	v47 =	vmul.f32 v47, v47;
	v39 =	vmul.f32 v51, v51;
	v46 =	vadd.f32 v46, v52  }
0x9e: {  	v51 =	vadd.f32 v56, v38;
	v41 =	vadd.f32 v45, v41;
	v45 =	vmul.f32 v54, v54  }
0x9f: {  	v7 =	vadd.f32 v53, v7;
	v39 =	vadd.f32 v47, v39;
	v47 =	vmul.f32 v58, v58  }
0xa0: {  	v38 =	vmin.f32 v6, v51;
	v6 =	vmin.f32 v51, v41;
	v44 =	vadd.f32 v44, v45  }
0xa1: {  	v7 =	vadd.f32 v55, v7;
	v40 =	vmin.f32 v40, v41;
	v39 =	vadd.f32 v47, v39  }
0xa2: {  	v6 =	vmin.f32 v6, v57;
	v45 =	vadd.f32 v43, v46;
	v46 =	vadd.f32 v50, v42  }
0xa3: {  	v42 =	vmin.f32 v1, v39;
	v1 =	vmin.f32 v6, v39;
	v6 =	vadd.f32 v49, v44;
	v44 =	vld [tilespmem:s7+$0x0]  }
0xa4: {  	v41 =	vmin.f32 v2, v7;
	v39 =	vmin.f32 v4, v45;
	v1 =	vmin.f32 v1, v7  }
0xa5: {  	v2 =	vadd.f32 v48, v46;
	v43 =	vmin.f32 v5, v6;
	v1 =	vmin.f32 v1, v6  }
0xa6: {  	v4 =	vmin.f32 v35, v36;
	v6 =	vmin.f32 v37, v57;
	v1 =	vmin.f32 v1, v45  }
0xa7: {  	v35 =	vmin.f32 v4, v2;
	v1 =	vmin.f32 v1, v2  }
0xa8: {  	v1 =	vmin.f32 v44, v1  }
0xa9: {  	[tilespmem:s7+$0x0] =	vst v1;
	s7 =	smov.u32 s9;
	_ =	sdelay $0x1  }
0xaa: {  	v1 =	vld [tilespmem:s12+$0xFFFFFFF0]  }
0xab: {  	v2 =	vld [tilespmem:s8+$0xFFFFFFF0]  }
0xac: {  	v4 =	vld [tilespmem:s13+$0xFFFFFFF0];
	_ =	sdelay $0x2  }
0xad: {  	v5 =	vsub.f32 v1, v29;
	v7 =	vsub.f32 v1, v31  }
0xae: {  	v36 =	vsub.f32 v2, v9;
	v37 =	vsub.f32 v2, v17  }
0xaf: {  	v44 =	vsub.f32 v2, v14;
	v45 =	vsub.f32 v4, v34  }
0xb0: {  	v47 =	vsub.f32 v1, v25;
	v46 =	vsub.f32 v4, v24  }
0xb1: {  	v49 =	vsub.f32 v2, v10;
	v48 =	vsub.f32 v4, v11;
	v45 =	vmul.f32 v45, v45  }
0xb2: {  	v51 =	vsub.f32 v1, v21;
	v50 =	vsub.f32 v2, v15;
	v47 =	vmul.f32 v47, v47  }
0xb3: {  	v52 =	vsub.f32 v1, v23;
	v53 =	vsub.f32 v1, v28;
	v48 =	vmul.f32 v48, v48  }
0xb4: {  	v55 =	vsub.f32 v2, v20;
	v54 =	vsub.f32 v4, v18;
	v36 =	vmul.f32 v36, v36  }
0xb5: {  	v56 =	vsub.f32 v2, v32;
	v52 =	vmul.f32 v52, v52;
	v50 =	vmul.f32 v50, v50  }
0xb6: {  	v57 =	vsub.f32 v1, v27;
	v55 =	vmul.f32 v55, v55;
	v46 =	vmul.f32 v46, v46  }
0xb7: {  	v2 =	vsub.f32 v2, v33;
	v58 =	vmul.f32 v44, v44;
	v56 =	vmul.f32 v56, v56  }
0xb8: {  	v5 =	vmul.f32 v5, v5;
	v44 =	vadd.f32 v52, v46;
	v46 =	vsub.f32 v4, v26  }
0xb9: {  	v47 =	vadd.f32 v47, v48;
	v48 =	vmul.f32 v49, v49;
	v49 =	vsub.f32 v4, v16  }
0xba: {  	v52 =	vmul.f32 v2, v2;
	v44 =	vadd.f32 v36, v44;
	v36 =	vmul.f32 v54, v54  }
0xbb: {  	v1 =	vsub.f32 v1, v19;
	v2 =	vmul.f32 v53, v53;
	v47 =	vadd.f32 v48, v47  }
0xbc: {  	v53 =	vsub.f32 v4, v22;
	v46 =	vmul.f32 v46, v46;
	v48 =	vmul.f32 v57, v57  }
0xbd: {  	v4 =	vsub.f32 v4, v30;
	v2 =	vadd.f32 v2, v36;
	v36 =	vmul.f32 v1, v1  }
0xbe: {  	v46 =	vadd.f32 v48, v46;
	v48 =	vmul.f32 v49, v49;
	v49 =	vmul.f32 v53, v53  }
0xbf: {  	v1 =	vadd.f32 v50, v2;
	v2 =	vmul.f32 v4, v4;
	v4 =	vmul.f32 v51, v51  }
0xc0: {  	v7 =	vmul.f32 v7, v7;
	v50 =	vadd.f32 v58, v46;
	v36 =	vadd.f32 v36, v48  }
0xc1: {  	v46 =	vmin.f32 v44, v47;
	v5 =	vadd.f32 v5, v49;
	v4 =	vadd.f32 v4, v2  }
0xc2: {  	v46 =	vmin.f32 v46, v50;
	v2 =	vadd.f32 v55, v36;
	v36 =	vmul.f32 v37, v37  }
0xc3: {  	v7 =	vadd.f32 v7, v45;
	v5 =	vadd.f32 v56, v5;
	v37 =	vmin.f32 v46, v1;
	v45 =	vld [tilespmem:s9+$0xFFFFFFF0]  }
0xc4: {  	v37 =	vmin.f32 v37, v2;
	v4 =	vadd.f32 v36, v4  }
0xc5: {  	v36 =	vadd.f32 v52, v7;
	v37 =	vmin.f32 v37, v5  }
0xc6: {  	v7 =	vmin.f32 v37, v4  }
0xc7: {  	v7 =	vmin.f32 v7, v36  }
0xc8: {  	v7 =	vmin.f32 v45, v7  }
.Ltmp4:
0xc9: {  	[tilespmem:s9+$0xFFFFFFF0] =	vst v7;
	(pc) =	sbr.rel @p1 .LBB2_7-.Ltmp4, $3  }
0xca: {  	v7 =	vld [tilespmem:s13+$0x0]  }
0xcb: {  	v46 =	vld [tilespmem:s12+$0x0];
	_ =	sdelay $0x1  }
0xcc: {  	v37 =	vmin.f32 v6, v50;
	s13 =	sadd.s32 $0x20, s13;
	s12 =	sadd.s32 $0x20, s12;
	v45 =	vld [tilespmem:s8+$0x0]  }
0xcd: {  	_ = 	snop  }
0xce: {  	v6 =	vmin.f32 v38, v44;
	v24 =	vsub.f32 v7, v24;
	v34 =	vsub.f32 v7, v34  }
0xcf: {  	v54 =	vmin.f32 v40, v47;
	v26 =	vsub.f32 v7, v26;
	v18 =	vsub.f32 v7, v18  }
0xd0: {  	v1 =	vmin.f32 v42, v1;
	v11 =	vsub.f32 v7, v11;
	v23 =	vsub.f32 v46, v23  }
0xd1: {  	v25 =	vsub.f32 v46, v25;
	v27 =	vsub.f32 v46, v27;
	v26 =	vmul.f32 v26, v26  }
0xd2: {  	v28 =	vsub.f32 v46, v28;
	v24 =	vmul.f32 v24, v24;
	v11 =	vmul.f32 v11, v11  }
0xd3: {  	v18 =	vmul.f32 v18, v18;
	v25 =	vmul.f32 v25, v25;
	v20 =	vsub.f32 v45, v20  }
0xd4: {  	v27 =	vmul.f32 v27, v27;
	v14 =	vsub.f32 v45, v14;
	v10 =	vsub.f32 v45, v10  }
0xd5: {  	v9 =	vsub.f32 v45, v9;
	v55 =	vmul.f32 v20, v20;
	v20 =	vmul.f32 v23, v23  }
0xd6: {  	v15 =	vsub.f32 v45, v15;
	v11 =	vadd.f32 v25, v11;
	v10 =	vmul.f32 v10, v10  }
0xd7: {  	v9 =	vmul.f32 v9, v9;
	v23 =	vmul.f32 v28, v28;
	v20 =	vadd.f32 v20, v24  }
0xd8: {  	v26 =	vadd.f32 v27, v26;
	v14 =	vmul.f32 v14, v14;
	v10 =	vadd.f32 v10, v11  }
0xd9: {  	v15 =	vmul.f32 v15, v15;
	v18 =	vadd.f32 v23, v18;
	v9 =	vadd.f32 v9, v20  }
0xda: {  	v2 =	vmin.f32 v41, v2;
	v30 =	vsub.f32 v7, v30;
	v14 =	vadd.f32 v14, v26  }
0xdb: {  	v15 =	vadd.f32 v15, v18;
	v6 =	vmin.f32 v6, v9;
	v9 =	vmin.f32 v9, v10  }
0xdc: {  	v22 =	vsub.f32 v7, v22;
	v27 =	vsub.f32 v46, v29;
	v9 =	vmin.f32 v9, v14  }
0xdd: {  	v31 =	vsub.f32 v46, v31;
	v21 =	vsub.f32 v46, v21;
	v23 =	vmin.f32 v9, v15;
	v9 =	vld [tilespmem:$0x1FFD0]  }
0xde: {  	v32 =	vsub.f32 v45, v32;
	v27 =	vmul.f32 v27, v27;
	v11 =	vmul.f32 v22, v22  }
0xdf: {  	v30 =	vmul.f32 v30, v30;
	v33 =	vsub.f32 v45, v33;
	v31 =	vmul.f32 v31, v31  }
0xe0: {  	v21 =	vmul.f32 v21, v21;
	v32 =	vmul.f32 v32, v32;
	v11 =	vadd.f32 v27, v11  }
0xe1: {  	v29 =	vmul.f32 v34, v34;
	v10 =	vmin.f32 v54, v10;
	v57 =	vperm.xlane v6, v0  }
0xe2: {  	v24 =	vadd.f32 v32, v11;
	v11 =	vand.u32 $0xF, v9;
	v9 =	vperm.xlane v10, v0  }
0xe3: {  	v33 =	vmul.f32 v33, v33;
	v56 =	vadd.f32 v31, v29;
	v6 =	vmin.f32 v6, v57  }
0xe4: {  	v1 =	vmin.f32 v1, v15;
	v15 =	vperm.xlane v6, v11;
	v9 =	vmin.f32 v10, v9;
	v10 =	vld [tilespmem:$0x1FFE0]  }
0xe5: {  	v26 =	vadd.f32 v33, v56;
	v58 =	vmin.f32 v37, v14;
	v14 =	vperm.xlane v9, v11  }
0xe6: {  	v41 =	vbroadcast v8, $0xA;
	v6 =	vmin.f32 v6, v15;
	v15 =	vmin.f32 v35, v36  }
0xe7: {  	v21 =	vadd.f32 v21, v30;
	v30 =	vmin.f32 v15, v26;
	v15 =	vmin.f32 v9, v14;
	v9 =	vld [tilespmem:$0x1FFF0]  }
0xe8: {  	v42 =	vbroadcast v13, $0xA;
	v44 =	vbroadcast v13, $0xB  }
0xe9: {  	v38 =	vbroadcast v8, $0xD;
	v47 =	vbroadcast v13, $0xF;
	v10 =	vand.u32 $0xF, v10  }
0xea: {  	v49 =	vbroadcast v12, $0xD;
	v59 =	vperm.xlane v6, v10  }
0xeb: {  	v51 =	vbroadcast v8, $0xF;
	v48 =	vbroadcast v8, $0xE  }
0xec: {  	v61 =	vperm.xlane v1, v0;
	v14 =	vmin.f32 v6, v59;
	v9 =	vand.u32 $0xF, v9  }
0xed: {  	v6 =	vperm.xlane v15, v10;
	[tilespmem:$0x1FED0] =	vst v14;
	v14 =	vperm.xlane v14, v9  }
0xee: {  	v7 =	vsub.f32 v7, v16;
	v19 =	vsub.f32 v46, v19;
	v1 =	vmin.f32 v1, v61  }
0xef: {  	v17 =	vsub.f32 v45, v17;
	[tilespmem:$0x1FEE0] =	vst v14;
	v14 =	vmin.f32 v15, v6;
	v6 =	vperm.xlane v1, v11  }
0xf0: {  	v5 =	vmin.f32 v43, v5;
	v7 =	vmul.f32 v7, v7;
	v19 =	vmul.f32 v19, v19  }
0xf1: {  	v17 =	vmul.f32 v17, v17;
	v5 =	vmin.f32 v5, v24;
	v1 =	vmin.f32 v1, v6  }
0xf2: {  	v4 =	vmin.f32 v39, v4;
	v20 =	vperm.xlane v5, v0;
	v6 =	vperm.xlane v1, v10  }
0xf3: {  	v40 =	vbroadcast v13, $0xE;
	v50 =	vbroadcast v12, $0xF;
	v22 =	vadd.f32 v17, v21  }
0xf4: {  	v7 =	vadd.f32 v19, v7;
	v5 =	vmin.f32 v5, v20;
	v6 =	vmin.f32 v1, v6  }
0xf5: {  	v4 =	vmin.f32 v4, v22;
	v27 =	vperm.xlane v5, v11;
	[tilespmem:$0x1FF30] =	vst v6;
	v6 =	vperm.xlane v6, v9  }
0xf6: {  	v45 =	vbroadcast v13, $0xD;
	v7 =	vadd.f32 v55, v7;
	v1 =	vperm.xlane v4, v0  }
0xf7: {  	v28 =	vbroadcast v8, $0xC;
	v60 =	vperm.xlane v58, v0;
	[tilespmem:$0x1FF40] =	vst v6;
	v6 =	vmin.f32 v5, v27;
	v5 =	vld [tilespmem:s7+$0x0]  }
0xf8: {  	v2 =	vmin.f32 v2, v7;
	v39 =	vmin.f32 v4, v1;
	v1 =	vmin.f32 v23, v7  }
0xf9: {  	v63 =	vperm.xlane v2, v0;
	v62 =	vmin.f32 v58, v60;
	v1 =	vmin.f32 v1, v24  }
0xfa: {  	v34 =	vbroadcast v12, $0xC;
	v18 =	vperm.xlane v62, v11;
	v1 =	vmin.f32 v1, v22  }
0xfb: {  	v31 =	vbroadcast v13, $0x8;
	v2 =	vmin.f32 v2, v63;
	v1 =	vmin.f32 v1, v26  }
0xfc: {  	v25 =	vperm.xlane v2, v11;
	v18 =	vmin.f32 v62, v18;
	[tilespmem:$0x1FEF0] =	vst v14;
	v1 =	vmin.f32 v5, v1  }
0xfd: {  	s25 =	simm.s32 $0x1310;
	v21 =	vperm.xlane v18, v10;
	v14 =	vperm.xlane v14, v9;
	[tilespmem:s7+$0x0] =	vst v1  }
0xfe: {  	s8 =	simm.s32 $0x2310;
	v29 =	vbroadcast v8, $0xB;
	v33 =	vbroadcast v13, $0xC;
	v2 =	vmin.f32 v2, v25;
	v1 =	vld [tilespmem:s25+$0xFFFFFFF0]  }
0xff: {  	v35 =	vbroadcast v8, $0x8;
	[tilespmem:$0x1FF00] =	vst v14;
	v14 =	vmin.f32 v18, v21;
	v18 =	vperm.xlane v2, v10;
	v5 =	vld [tilespmem:s8+$0xFFFFFFF0]  }
0x100: {  	s10 =	simm.s32 $0x310;
	[tilespmem:$0x1FF10] =	vst v14;
	v14 =	vperm.xlane v14, v9;
	v4 =	vperm.xlane v30, v0  }
0x101: {  	v25 =	vbroadcast v8, $0x9;
	v36 =	vbroadcast v13, $0x9;
	v43 =	vld [tilespmem:s10+$0xFFFFFFF0]  }
0x102: {  	[tilespmem:$0x1FF20] =	vst v14;
	v14 =	vmin.f32 v2, v18;
	v23 =	vbroadcast v12, $0x8;
	v32 =	vmin.f32 v30, v4  }
0x103: {  	v30 =	vbroadcast v12, $0xE;
	v26 =	vbroadcast v12, $0xA;
	v2 =	vsub.f32 v1, v45  }
0x104: {  	v7 =	vperm.xlane v39, v11;
	v4 =	vsub.f32 v1, v47;
	v19 =	vsub.f32 v5, v23  }
0x105: {  	v24 =	vbroadcast v12, $0x9;
	v52 =	vsub.f32 v5, v30;
	v13 =	vsub.f32 v5, v26  }
0x106: {  	v27 =	vbroadcast v12, $0xB;
	v53 =	vsub.f32 v43, v51;
	v12 =	vsub.f32 v43, v35  }
0x107: {  	v37 =	vperm.xlane v6, v10;
	v54 =	vsub.f32 v1, v36;
	v55 =	vsub.f32 v43, v25  }
0x108: {  	v7 =	vmin.f32 v39, v7;
	v56 =	vsub.f32 v5, v24;
	v57 =	vsub.f32 v5, v27  }
0x109: {  	v58 =	vsub.f32 v1, v31;
	v59 =	vsub.f32 v1, v40;
	v53 =	vmul.f32 v53, v53  }
0x10a: {  	v60 =	vsub.f32 v1, v44;
	v54 =	vmul.f32 v54, v54;
	v55 =	vmul.f32 v55, v55  }
0x10b: {  	v61 =	vsub.f32 v5, v34;
	v58 =	vmul.f32 v58, v58;
	v12 =	vmul.f32 v12, v12  }
0x10c: {  	v63 =	vsub.f32 v5, v49;
	v46 =	vmul.f32 v19, v19;
	v57 =	vmul.f32 v57, v57  }
0x10d: {  	v62 =	vsub.f32 v43, v29;
	v16 =	vmul.f32 v61, v61;
	v13 =	vmul.f32 v13, v13  }
0x10e: {  	v5 =	vsub.f32 v5, v50;
	v63 =	vmul.f32 v63, v63;
	v2 =	vmul.f32 v2, v2  }
0x10f: {  	v56 =	vmul.f32 v56, v56;
	v19 =	vsub.f32 v43, v38;
	v12 =	vadd.f32 v58, v12  }
0x110: {  	v17 =	vmul.f32 v5, v5;
	v58 =	vsub.f32 v1, v42;
	v54 =	vadd.f32 v54, v55  }
0x111: {  	v5 =	vmul.f32 v60, v60;
	v55 =	vsub.f32 v43, v41;
	v1 =	vsub.f32 v1, v33  }
0x112: {  	v61 =	vadd.f32 v46, v12;
	v12 =	vsub.f32 v43, v28;
	v46 =	vmul.f32 v62, v62  }
0x113: {  	v62 =	vadd.f32 v56, v54;
	v60 =	vmul.f32 v55, v55;
	v18 =	vmul.f32 v58, v58  }
0x114: {  	v1 =	vmul.f32 v1, v1;
	v43 =	vsub.f32 v43, v48;
	v5 =	vadd.f32 v5, v46  }
0x115: {  	v60 =	vadd.f32 v18, v60;
	v12 =	vmul.f32 v12, v12;
	v18 =	vmul.f32 v19, v19  }
0x116: {  	v43 =	vmul.f32 v43, v43;
	v19 =	vmul.f32 v59, v59;
	v5 =	vadd.f32 v57, v5  }
0x117: {  	v56 =	vadd.f32 v13, v60;
	v1 =	vadd.f32 v1, v12;
	v12 =	vmul.f32 v4, v4  }
0x118: {  	v4 =	vmin.f32 v61, v62;
	v2 =	vadd.f32 v2, v18;
	v13 =	vadd.f32 v19, v43  }
0x119: {  	s9 =	simm.s32 $0x3310;
	v60 =	vmul.f32 v52, v52;
	v4 =	vmin.f32 v4, v56;
	v1 =	vadd.f32 v16, v1  }
0x11a: {  	v58 =	vld [tilespmem:s9+$0xFFFFFFF0];
	v12 =	vadd.f32 v12, v53;
	v57 =	vmin.f32 v4, v5;
	v4 =	vadd.f32 v63, v2  }
0x11b: {  	v59 =	vperm.xlane v32, v11;
	v2 =	vadd.f32 v60, v13;
	v43 =	vmin.f32 v57, v1  }
0x11c: {  	v13 =	vmin.f32 v6, v37;
	v53 =	vadd.f32 v17, v12;
	v6 =	vmin.f32 v43, v4  }
0x11d: {  	v60 =	vperm.xlane v7, v10;
	v6 =	vmin.f32 v6, v2  }
0x11e: {  	v12 =	vmin.f32 v32, v59;
	v6 =	vmin.f32 v6, v53  }
0x11f: {  	v63 =	vperm.xlane v12, v10;
	v37 =	vmin.f32 v7, v60;
	v6 =	vmin.f32 v58, v6  }
0x120: {  	[tilespmem:s9+$0xFFFFFFF0] =	vst v6;
	v6 =	vperm.xlane v37, v9  }
0x121: {  	[tilespmem:$0x1FF50] =	vst v14;
	v14 =	vperm.xlane v14, v9;
	v7 =	vmin.f32 v12, v63  }
0x122: {  	[tilespmem:$0x1FF80] =	vst v6;
	v6 =	vperm.xlane v7, v9  }
0x123: {  	[tilespmem:$0x1FF60] =	vst v14  }
0x124: {  	[tilespmem:$0x1FFA0] =	vst v6;
	v6 =	vld [tilespmem:s10+$0x0]  }
0x125: {  	v55 =	vimm.f32 $+Inf;
	v52 =	vimm.f32 $+Inf;
	v14 =	vperm.xlane v13, v9;
	[tilespmem:$0x1FF90] =	vst v7;
	v7 =	vld [tilespmem:s25+$0x0]  }
0x126: {  	s12 =	simm.s32 $0x1330;
	v54 =	vmin.f32 v55, v56;
	v56 =	vimm.f32 $+Inf;
	v57 =	vimm.f32 $+Inf  }
0x127: {  	s13 =	simm.s32 $0x330;
	s7 =	simm.s32 $0x3310;
	v59 =	vimm.f32 $+Inf;
	v60 =	vimm.f32 $+Inf;
	[tilespmem:$0x1FF70] =	vst v14;
	v58 =	vimm.f32 $+Inf;
	v63 =	vld [tilespmem:s8+$0x0];
	s10 =	simm.s32 $0x0  }
.LBB2_9:
0x128: {  	s10 =	sadd.s32 $0x2, s10;
	v16 =	vmin.f32 v55, v61;
	v17 =	vmin.f32 v57, v62;
	v5 =	vmin.f32 v59, v5;
	s9 =	sadd.s32 $0x20, s9;
	s8 =	sadd.s32 $0x20, s8  }
0x129: {  	v4 =	vmin.f32 v60, v4;
	p1 =	slt.u32 s10, $0xFE;
	v55 =	vsub.f32 v6, v35;
	v57 =	vsub.f32 v6, v51  }
0x12a: {  	v1 =	vmin.f32 v58, v1;
	v58 =	vsub.f32 v7, v31;
	v59 =	vsub.f32 v7, v36  }
0x12b: {  	v2 =	vmin.f32 v56, v2;
	v56 =	vsub.f32 v6, v41;
	v60 =	vsub.f32 v7, v42  }
0x12c: {  	v61 =	vsub.f32 v7, v44;
	v59 =	vmul.f32 v59, v59;
	v62 =	vsub.f32 v63, v50  }
0x12d: {  	v56 =	vmul.f32 v56, v56;
	v60 =	vmul.f32 v60, v60;
	v20 =	vsub.f32 v63, v49  }
0x12e: {  	v21 =	vsub.f32 v7, v47;
	v55 =	vmul.f32 v55, v55;
	v62 =	vmul.f32 v62, v62  }
0x12f: {  	v32 =	vmul.f32 v57, v57;
	v56 =	vadd.f32 v60, v56;
	v60 =	vsub.f32 v7, v45  }
0x130: {  	v39 =	vsub.f32 v6, v48;
	v57 =	vsub.f32 v6, v29;
	v21 =	vmul.f32 v21, v21  }
0x131: {  	v46 =	vsub.f32 v6, v38;
	v43 =	vsub.f32 v7, v33;
	v20 =	vmul.f32 v20, v20  }
0x132: {  	v39 =	vmul.f32 v39, v39;
	v14 =	vsub.f32 v63, v34;
	v60 =	vmul.f32 v60, v60  }
0x133: {  	v15 =	vsub.f32 v6, v25;
	v18 =	vsub.f32 v63, v26;
	v43 =	vmul.f32 v43, v43  }
0x134: {  	v6 =	vsub.f32 v6, v28;
	v19 =	vsub.f32 v63, v27;
	v14 =	vmul.f32 v14, v14  }
0x135: {  	v15 =	vmul.f32 v15, v15;
	v58 =	vmul.f32 v58, v58;
	v7 =	vsub.f32 v7, v40  }
0x136: {  	v22 =	vsub.f32 v63, v23;
	v12 =	vsub.f32 v63, v30;
	v6 =	vmul.f32 v6, v6  }
0x137: {  	v63 =	vsub.f32 v63, v24;
	v18 =	vmul.f32 v18, v18;
	v7 =	vmul.f32 v7, v7  }
0x138: {  	v55 =	vadd.f32 v58, v55;
	v15 =	vadd.f32 v59, v15;
	v12 =	vmul.f32 v12, v12  }
0x139: {  	v22 =	vmul.f32 v22, v22;
	v58 =	vmul.f32 v63, v63;
	v18 =	vadd.f32 v18, v56  }
0x13a: {  	v56 =	vmul.f32 v57, v57;
	v57 =	vmul.f32 v61, v61;
	v7 =	vadd.f32 v7, v39  }
0x13b: {  	v22 =	vadd.f32 v22, v55;
	v15 =	vadd.f32 v58, v15;
	v39 =	vmul.f32 v46, v46  }
0x13c: {  	v19 =	vmul.f32 v19, v19;
	v6 =	vadd.f32 v43, v6;
	v46 =	vadd.f32 v57, v56  }
0x13d: {  	v55 =	vmin.f32 v16, v22;
	v16 =	vmin.f32 v22, v15;
	v22 =	vadd.f32 v60, v39  }
0x13e: {  	v6 =	vadd.f32 v14, v6;
	v57 =	vmin.f32 v17, v15;
	v15 =	vadd.f32 v19, v46  }
0x13f: {  	v14 =	vmin.f32 v16, v18;
	v7 =	vadd.f32 v12, v7;
	v12 =	vadd.f32 v21, v32  }
0x140: {  	v59 =	vmin.f32 v5, v15;
	v5 =	vmin.f32 v14, v15;
	v14 =	vadd.f32 v20, v22;
	v15 =	vld [tilespmem:s7+$0x0]  }
0x141: {  	v58 =	vmin.f32 v1, v6;
	v56 =	vmin.f32 v2, v7;
	v1 =	vmin.f32 v5, v6  }
0x142: {  	v2 =	vadd.f32 v62, v12;
	v60 =	vmin.f32 v4, v14;
	v1 =	vmin.f32 v1, v14  }
0x143: {  	v12 =	vmin.f32 v54, v18;
	v4 =	vmin.f32 v52, v53;
	v1 =	vmin.f32 v1, v7  }
0x144: {  	v52 =	vmin.f32 v4, v2;
	v1 =	vmin.f32 v1, v2  }
0x145: {  	v1 =	vmin.f32 v15, v1  }
0x146: {  	[tilespmem:s7+$0x0] =	vst v1;
	s7 =	smov.u32 s9;
	_ =	sdelay $0x1  }
0x147: {  	v1 =	vld [tilespmem:s12+$0xFFFFFFF0]  }
0x148: {  	v2 =	vld [tilespmem:s8+$0xFFFFFFF0]  }
0x149: {  	v4 =	vld [tilespmem:s13+$0xFFFFFFF0];
	_ =	sdelay $0x2  }
0x14a: {  	v5 =	vsub.f32 v1, v45;
	v6 =	vsub.f32 v1, v47  }
0x14b: {  	v7 =	vsub.f32 v2, v23;
	v14 =	vsub.f32 v2, v30  }
0x14c: {  	v15 =	vsub.f32 v2, v26;
	v16 =	vsub.f32 v4, v51  }
0x14d: {  	v18 =	vsub.f32 v1, v36;
	v17 =	vsub.f32 v4, v35  }
0x14e: {  	v20 =	vsub.f32 v2, v24;
	v19 =	vsub.f32 v4, v25;
	v16 =	vmul.f32 v16, v16  }
0x14f: {  	v22 =	vsub.f32 v1, v40;
	v21 =	vsub.f32 v2, v27;
	v18 =	vmul.f32 v18, v18  }
0x150: {  	v32 =	vsub.f32 v1, v31;
	v39 =	vsub.f32 v1, v44;
	v19 =	vmul.f32 v19, v19  }
0x151: {  	v46 =	vsub.f32 v2, v34;
	v43 =	vsub.f32 v4, v29;
	v7 =	vmul.f32 v7, v7  }
0x152: {  	v53 =	vsub.f32 v2, v49;
	v32 =	vmul.f32 v32, v32;
	v21 =	vmul.f32 v21, v21  }
0x153: {  	v54 =	vsub.f32 v1, v42;
	v46 =	vmul.f32 v46, v46;
	v17 =	vmul.f32 v17, v17  }
0x154: {  	v2 =	vsub.f32 v2, v50;
	v15 =	vmul.f32 v15, v15;
	v53 =	vmul.f32 v53, v53  }
0x155: {  	v63 =	vmul.f32 v5, v5;
	v17 =	vadd.f32 v32, v17;
	v32 =	vsub.f32 v4, v41  }
0x156: {  	v5 =	vadd.f32 v18, v19;
	v18 =	vmul.f32 v20, v20;
	v19 =	vsub.f32 v4, v28  }
0x157: {  	v61 =	vadd.f32 v7, v17;
	v7 =	vmul.f32 v43, v43;
	v17 =	vmul.f32 v2, v2  }
0x158: {  	v1 =	vsub.f32 v1, v33;
	v62 =	vadd.f32 v18, v5;
	v2 =	vmul.f32 v39, v39  }
0x159: {  	v20 =	vsub.f32 v4, v38;
	v5 =	vmul.f32 v32, v32;
	v18 =	vmul.f32 v54, v54  }
0x15a: {  	v1 =	vmul.f32 v1, v1;
	v4 =	vsub.f32 v4, v48;
	v2 =	vadd.f32 v2, v7  }
0x15b: {  	v7 =	vadd.f32 v18, v5;
	v18 =	vmul.f32 v19, v19;
	v19 =	vmul.f32 v20, v20  }
0x15c: {  	v5 =	vadd.f32 v21, v2;
	v2 =	vmul.f32 v4, v4;
	v4 =	vmul.f32 v22, v22  }
0x15d: {  	v6 =	vmul.f32 v6, v6;
	v15 =	vadd.f32 v15, v7;
	v1 =	vadd.f32 v1, v18  }
0x15e: {  	v7 =	vmin.f32 v61, v62;
	v18 =	vadd.f32 v63, v19;
	v2 =	vadd.f32 v4, v2  }
0x15f: {  	v4 =	vmin.f32 v7, v15;
	v1 =	vadd.f32 v46, v1;
	v7 =	vmul.f32 v14, v14  }
0x160: {  	v6 =	vadd.f32 v6, v16;
	v14 =	vmin.f32 v4, v5;
	v4 =	vadd.f32 v53, v18;
	v16 =	vld [tilespmem:s9+$0xFFFFFFF0]  }
0x161: {  	v14 =	vmin.f32 v14, v1;
	v2 =	vadd.f32 v7, v2  }
0x162: {  	v53 =	vadd.f32 v17, v6;
	v7 =	vmin.f32 v14, v4  }
0x163: {  	v6 =	vmin.f32 v7, v2  }
0x164: {  	v6 =	vmin.f32 v6, v53  }
0x165: {  	v6 =	vmin.f32 v16, v6  }
.Ltmp5:
0x166: {  	[tilespmem:s9+$0xFFFFFFF0] =	vst v6;
	(pc) =	sbr.rel @p1 .LBB2_9-.Ltmp5, $3  }
0x167: {  	v6 =	vld [tilespmem:s13+$0x0]  }
0x168: {  	v7 =	vld [tilespmem:s12+$0x0];
	_ =	sdelay $0x1  }
0x169: {  	v54 =	vmin.f32 v12, v15;
	s13 =	sadd.s32 $0x20, s13;
	s12 =	sadd.s32 $0x20, s12;
	v63 =	vld [tilespmem:s8+$0x0]  }
0x16a: {  	(v2sf) =	vpush v8, $0x0  }
0x16b: {  	v15 =	vsub.f32 v6, v35;
	v16 =	vsub.f32 v6, v51  }
0x16c: {  	v12 =	vmin.f32 v55, v61;
	v17 =	vsub.f32 v6, v41;
	v29 =	vsub.f32 v6, v29  }
0x16d: {  	v14 =	vmin.f32 v57, v62;
	v61 =	vsub.f32 v6, v48;
	v62 =	vsub.f32 v6, v38  }
0x16e: {  	v5 =	vmin.f32 v59, v5;
	v25 =	vsub.f32 v6, v25;
	v38 =	vsub.f32 v6, v28  }
0x16f: {  	v4 =	vmin.f32 v60, v4;
	(v2sf) =	vpush v8, $0x1;
	v18 =	vsub.f32 v7, v42  }
0x170: {  	v1 =	vmin.f32 v58, v1;
	v19 =	vsub.f32 v7, v31;
	v20 =	vsub.f32 v7, v36  }
0x171: {  	v2 =	vmin.f32 v56, v2;
	v21 =	vsub.f32 v7, v44;
	v32 =	vsub.f32 v7, v47  }
0x172: {  	v60 =	vsub.f32 v7, v45;
	v33 =	vsub.f32 v7, v33;
	v17 =	vmul.f32 v17, v17  }
0x173: {  	v39 =	vsub.f32 v7, v40;
	v15 =	vmul.f32 v15, v15;
	v16 =	vmul.f32 v16, v16  }
0x174: {  	(v2sf) =	vpush v8, $0x2;
	v35 =	vmul.f32 v61, v61;
	v25 =	vmul.f32 v25, v25  }
0x175: {  	v44 =	vmul.f32 v29, v29;
	(v2sf) =	vpush v8, $0x3;
	v6 =	vmul.f32 v38, v38  }
0x176: {  	v45 =	vmul.f32 v62, v62;
	v18 =	vmul.f32 v18, v18;
	v22 =	vsub.f32 v63, v50  }
0x177: {  	v20 =	vmul.f32 v20, v20;
	v58 =	vsub.f32 v63, v49;
	v34 =	vsub.f32 v63, v34  }
0x178: {  	v26 =	vsub.f32 v63, v26;
	v33 =	vmul.f32 v33, v33;
	v27 =	vsub.f32 v63, v27  }
0x179: {  	v19 =	vmul.f32 v19, v19;
	v23 =	vsub.f32 v63, v23;
	v40 =	vsub.f32 v63, v30  }
0x17a: {  	v24 =	vsub.f32 v63, v24;
	v7 =	vmul.f32 v39, v39;
	(v2sf) =	vpush v8, $0x4  }
0x17b: {  	v21 =	vmul.f32 v21, v21;
	v49 =	vmul.f32 v32, v32;
	(v2sf) =	vpush v8, $0x5  }
0x17c: {  	v17 =	vadd.f32 v18, v17;
	v59 =	vmul.f32 v22, v22;
	v22 =	vmul.f32 v60, v60  }
0x17d: {  	v26 =	vmul.f32 v26, v26;
	v15 =	vadd.f32 v19, v15;
	v41 =	vadd.f32 v20, v25  }
0x17e: {  	v42 =	vmul.f32 v23, v23;
	v7 =	vadd.f32 v7, v35;
	v6 =	vadd.f32 v33, v6  }
0x17f: {  	v56 =	vld [tilespmem:$0x1FED0];
	v43 =	vmul.f32 v24, v24;
	(v2sf) =	vpush v8, $0x6;
	v55 =	vadd.f32 v49, v16  }
0x180: {  	v57 =	vld [tilespmem:$0x1FEE0];
	v46 =	vmul.f32 v27, v27;
	(v2sf) =	vpush v8, $0x7;
	v23 =	vadd.f32 v26, v17  }
0x181: {  	v47 =	vmul.f32 v34, v34;
	v24 =	vadd.f32 v42, v15;
	v25 =	vadd.f32 v43, v41  }
0x182: {  	v48 =	vmul.f32 v40, v40;
	v17 =	vadd.f32 v21, v44;
	v15 =	vadd.f32 v22, v45  }
0x183: {  	v50 =	vmul.f32 v58, v58;
	(v2sf) =	vpush v8, $0x8;
	v28 =	vadd.f32 v47, v6  }
0x184: {  	v38 =	vld [tilespmem:$0x1FF80];
	v58 =	vmin.f32 v52, v53;
	v26 =	vadd.f32 v48, v7;
	v30 =	vadd.f32 v59, v55  }
0x185: {  	v6 =	vmin.f32 v56, v57;
	(v2sf) =	vpush v8, $0x9;
	v27 =	vadd.f32 v46, v17  }
0x186: {  	v34 =	vld [tilespmem:$0x1FF70];
	(v2sf) =	vpush v8, $0xA;
	v51 =	vmin.f32 v12, v24;
	v14 =	vmin.f32 v14, v25  }
0x187: {  	v60 =	vld [tilespmem:$0x1FF00];
	v29 =	vadd.f32 v50, v15;
	v1 =	vmin.f32 v1, v28;
	(v2sf) =	vpush v8, $0xB  }
0x188: {  	v59 =	vld [tilespmem:$0x1FEF0];
	v2 =	vmin.f32 v2, v26;
	v61 =	vmin.f32 v54, v23;
	(v2sf) =	vpush v8, $0xC  }
0x189: {  	v62 =	vld [tilespmem:$0x1FF10];
	v12 =	vmin.f32 v37, v38;
	v20 =	vperm.xlane v51, v0;
	(v2sf) =	vpush v8, $0xD  }
0x18a: {  	v63 =	vld [tilespmem:$0x1FF20];
	v31 =	vperm.xlane v14, v0;
	v33 =	vperm.xlane v61, v0;
	(v2sf) =	vpush v8, $0xE  }
0x18b: {  	v18 =	vld [tilespmem:$0x1FF30];
	v13 =	vmin.f32 v13, v34;
	v49 =	vperm.xlane v1, v0;
	(v2sf) =	vpush v8, $0xF;
	s25 =	spop (v2sf)  }
0x18c: {  	v19 =	vld [tilespmem:$0x1FF40];
	v54 =	vperm.xlane v2, v0;
	v5 =	vmin.f32 v5, v27;
	(v2sf) =	vpush v6, $0x0;
	s24 =	spop (v2sf)  }
0x18d: {  	v21 =	vld [tilespmem:$0x1FF50];
	v4 =	vmin.f32 v4, v29;
	v32 =	vmin.f32 v51, v20;
	v6 =	vmin.f32 v59, v60;
	s23 =	spop (v2sf)  }
0x18e: {  	v22 =	vld [tilespmem:$0x1FF60];
	v14 =	vmin.f32 v14, v31;
	v7 =	vmin.f32 v61, v33;
	(v2sf) =	vpush v6, $0x0;
	s22 =	spop (v2sf)  }
0x18f: {  	v45 =	vperm.xlane v5, v0;
	v1 =	vmin.f32 v1, v49;
	v6 =	vmin.f32 v62, v63;
	s20 =	spop (v2sf)  }
0x190: {  	v52 =	vperm.xlane v4, v0;
	v2 =	vmin.f32 v2, v54;
	(v2sf) =	vpush v6, $0x0;
	s19 =	spop (v2sf)  }
0x191: {  	v35 =	vperm.xlane v32, v11;
	v36 =	vperm.xlane v14, v11;
	v6 =	vmin.f32 v18, v19;
	s18 =	spop (v2sf)  }
0x192: {  	v39 =	vperm.xlane v7, v11;
	v53 =	vperm.xlane v1, v11;
	(v2sf) =	vpush v6, $0x0;
	s17 =	spop (v2sf)  }
0x193: {  	v41 =	vld [tilespmem:$0x1FF90];
	v5 =	vmin.f32 v5, v45;
	v8 =	vmin.f32 v58, v30;
	v6 =	vmin.f32 v21, v22;
	s16 =	spop (v2sf)  }
0x194: {  	v42 =	vld [tilespmem:$0x1FFA0];
	v4 =	vmin.f32 v4, v52;
	v7 =	vmin.f32 v7, v39;
	(v2sf) =	vpush v6, $0x0;
	s12 =	spop (v2sf)  }
0x195: {  	v47 =	vperm.xlane v5, v11;
	v1 =	vmin.f32 v1, v53;
	v6 =	vmin.f32 v32, v35;
	s13 =	spop (v2sf)  }
0x196: {  	v56 =	vperm.xlane v4, v11;
	(v2sf) =	vpush v13, $0x0;
	v40 =	vperm.xlane v6, v10;
	s14 =	spop (v2sf)  }
0x197: {  	v58 =	vperm.xlane v8, v0;
	v59 =	vperm.xlane v2, v11;
	v13 =	vmin.f32 v14, v36;
	s15 =	spop (v2sf)  }
0x198: {  	(v2sf) =	vpush v12, $0x0;
	v43 =	vperm.xlane v13, v10;
	v6 =	vmin.f32 v6, v40;
	s10 =	spop (v2sf)  }
0x199: {  	v44 =	vperm.xlane v7, v10;
	v14 =	vmin.f32 v41, v42;
	v46 =	vperm.xlane v6, v9;
	s9 =	spop (v2sf)  }
0x19a: {  	p1 =	slt.f32 s25, $9.999999840e+17;
	v57 =	vperm.xlane v1, v10;
	(v2sf) =	vpush v14, $0x0;
	v13 =	vmin.f32 v13, v43;
	s8 =	spop (v2sf)  }
0x19b: {  	v5 =	vmin.f32 v5, v47;
	v16 =	vperm.xlane v13, v9;
	v6 =	vmin.f32 v6, v46;
	s25 =	spop (v2sf)  }
0x19c: {  	v7 =	vmin.f32 v7, v44;
	v51 =	vperm.xlane v5, v10;
	(v2sf) =	vpush v6, $0x0;
	s25 =	simm.s32 @!p1 $0x0;
	p1 =	slt.f32 s24, $9.999999840e+17  }
0x19d: {  	v4 =	vmin.f32 v4, v56;
	v12 =	vperm.xlane v7, v9;
	v48 =	vmin.f32 v13, v16;
	s24 =	spop (v2sf)  }
0x19e: {  	v2 =	vmin.f32 v2, v59;
	v5 =	vmin.f32 v5, v51;
	(v2sf) =	vpush v48, $0x0;
	s24 =	simm.s32 @!p1 $0x0;
	p1 =	slt.f32 s23, $9.999999840e+17  }
0x19f: {  	v1 =	vmin.f32 v1, v57;
	v55 =	vperm.xlane v5, v9;
	v50 =	vmin.f32 v7, v12;
	s6 =	sadd.f32 s25, s6;
	s23 =	spop (v2sf)  }
0x1a0: {  	v60 =	vperm.xlane v4, v10;
	v7 =	vmin.f32 v8, v58;
	(v2sf) =	vpush v50, $0x0;
	s23 =	simm.s32 @!p1 $0x0;
	p1 =	slt.f32 s22, $9.999999840e+17  }
0x1a1: {  	v61 =	vperm.xlane v1, v9;
	v5 =	vmin.f32 v5, v55;
	v62 =	vperm.xlane v7, v11;
	s6 =	sadd.f32 s24, s6;
	s22 =	spop (v2sf)  }
0x1a2: {  	v4 =	vmin.f32 v4, v60;
	(v2sf) =	vpush v5, $0x0;
	v5 =	vperm.xlane v2, v10;
	s22 =	simm.s32 @!p1 $0x0;
	p1 =	slt.f32 s20, $9.999999840e+17  }
0x1a3: {  	v1 =	vmin.f32 v1, v61;
	v63 =	vperm.xlane v4, v9;
	v6 =	vmin.f32 v7, v62;
	s6 =	sadd.f32 s23, s6;
	s20 =	spop (v2sf)  }
0x1a4: {  	(v2sf) =	vpush v1, $0x0;
	v1 =	vmin.f32 v2, v5;
	v2 =	vperm.xlane v6, v10;
	s20 =	simm.s32 @!p1 $0x0;
	p1 =	slt.f32 s19, $9.999999840e+17  }
0x1a5: {  	v4 =	vmin.f32 v4, v63;
	s6 =	sadd.f32 s22, s6;
	v5 =	vperm.xlane v1, v9;
	s19 =	spop (v2sf)  }
0x1a6: {  	(v2sf) =	vpush v4, $0x0;
	v2 =	vmin.f32 v6, v2;
	s19 =	simm.s32 @!p1 $0x0;
	p1 =	slt.f32 s18, $9.999999840e+17  }
0x1a7: {  	s6 =	sadd.f32 s20, s6;
	v1 =	vmin.f32 v1, v5;
	v4 =	vperm.xlane v2, v9;
	s18 =	spop (v2sf)  }
0x1a8: {  	(v2sf) =	vpush v1, $0x0;
	s18 =	simm.s32 @!p1 $0x0;
	p1 =	slt.f32 s17, $9.999999840e+17  }
0x1a9: {  	s6 =	sadd.f32 s19, s6;
	v1 =	vmin.f32 v2, v4;
	s17 =	spop (v2sf)  }
0x1aa: {  	(v2sf) =	vpush v1, $0x0;
	s17 =	simm.s32 @!p1 $0x0;
	p1 =	slt.f32 s16, $9.999999840e+17  }
0x1ab: {  	s6 =	sadd.f32 s18, s6;
	s16 =	spop (v2sf)  }
0x1ac: {  	s16 =	simm.s32 @!p1 $0x0;
	p1 =	slt.f32 s12, $9.999999840e+17  }
0x1ad: {  	s6 =	sadd.f32 s17, s6;
	s12 =	spop (v2sf)  }
0x1ae: {  	s12 =	simm.s32 @!p1 $0x0;
	p1 =	slt.f32 s13, $9.999999840e+17  }
0x1af: {  	s6 =	sadd.f32 s16, s6;
	s13 =	spop (v2sf)  }
0x1b0: {  	s13 =	simm.s32 @!p1 $0x0;
	p1 =	slt.f32 s14, $9.999999840e+17  }
0x1b1: {  	s6 =	sadd.f32 s12, s6;
	s12 =	spop (v2sf)  }
0x1b2: {  	s12 =	simm.s32 @!p1 $0x0;
	p1 =	slt.f32 s15, $9.999999840e+17  }
0x1b3: {  	s6 =	sadd.f32 s13, s6;
	s13 =	spop (v2sf)  }
0x1b4: {  	s13 =	simm.s32 @!p1 $0x0;
	p1 =	slt.f32 s10, $9.999999840e+17  }
0x1b5: {  	s10 =	spop (v2sf)  }
0x1b6: {  	s10 =	simm.s32 @!p1 $0x0;
	p1 =	slt.f32 s9, $9.999999840e+17  }
0x1b7: {  	v1 =	vmin.f32 v24, v25;
	s6 =	sadd.f32 s12, s6;
	s9 =	spop (v2sf)  }
0x1b8: {  	v1 =	vmin.f32 v1, v23;
	s9 =	simm.s32 @!p1 $0x0;
	p1 =	slt.f32 s8, $9.999999840e+17  }
0x1b9: {  	s5 =	sadd.s32 $0x1, s5;
	v2 =	vld [tilespmem:s7+$0x0];
	v1 =	vmin.f32 v1, v27;
	s6 =	sadd.f32 s13, s6;
	s8 =	spop (v2sf)  }
0x1ba: {  	v1 =	vmin.f32 v1, v28;
	s8 =	simm.s32 @!p1 $0x0;
	p1 =	sne.s32 s5, $0x10  }
.Ltmp6:
0x1bb: {  	v1 =	vmin.f32 v1, v29;
	s6 =	sadd.f32 s10, s6;
	(pc) =	sbr.rel @p1 .LBB2_6-.Ltmp6, $4  }
0x1bc: {  	v1 =	vmin.f32 v1, v26  }
0x1bd: {  	v1 =	vmin.f32 v1, v30;
	s6 =	sadd.f32 s9, s6  }
0x1be: {  	v1 =	vmin.f32 v2, v1  }
0x1bf: {  	[tilespmem:s7+$0x0] =	vst v1;
	s6 =	sadd.f32 s8, s6  }
0x1c0: {  	v1 =	vld [tilespmem:$0x1FFB0]  }
0x1c1: {  	v2 =	vld [tilespmem:$0x1FFC0];
	_ =	sdelay $0x4  }
0x1c2: {  	v1 =	vadd.f32 v2, v1;
	_ =	sdelay $0x1  }
0x1c3: {  	v1 =	vbroadcast v1, $0x0  }
0x1c4: {  	v2 =	vmov s6  }
0x1c5: {  	v2 =	vnsel vm0, $0x0, v2;
	v1 =	vnsel vm1, $0x0, v1  }
0x1c6: {  	v1 =	vadd.f32 v2, v1;
	_ =	sdelay $0x1  }
0x1c7: {  	s5 =	rddreg [dreg:$0xc];
	s12 =	simm.s32 $0x3300;
	[tilespmem:$0x5300] =	vst v1  }
0x1c8: {  	[spmem:s5] =	stream.linear.scatter [tilespmem:s12], [sflag:$0x1], $0x1000, $0x38;
	[tilespmem:$0x63A0] =	vst v63  }
0x1c9: {  	_ =	swait.ge [sflag:s0], $0x1000  }
0x1ca: {  	[sflag:s0] =	ssyncset.done $0x0  }
0x1cb: {  	s13 =	rddreg [dreg:$0xd];
	[sflag:s0] =	ssyncadd.s32 $0xFFFFF000  }
0x1cc: {  	[spmem:s13] =	stream.linear.scatter [tilespmem:s21], [sflag:$0x1], $0x10, $0x38;
	[tilespmem:$0x63A0] =	vst v63  }
0x1cd: {  	_ =	swait.ge [sflag:s0], $0x10  }
0x1ce: {  	[sflag:s0] =	ssyncset.done $0x0  }
0x1cf: {  	[sflag:s0] =	ssyncadd.s32 $0xFFFFFFF0  }
0x1d0: {  	s5 =	simm.s32 $0x4300;
	[bflag:$0x0] =	sbarrier.arrive $0xFFFF  }
0x1d1: {  	[tilespmem:s5], [sflag:$0x1] =	stream.linear.gather [spmem:s11], $0x100, $0x38;
	[tilespmem:$0x63A0] =	vst v63  }
0x1d2: {  	_ =	swait.ge [sflag:s0], $0x100  }
0x1d3: {  	[sflag:s0] =	ssyncset.done $0x0  }
0x1d4: {  	s7 =	simm.s32 $0x4400;
	s14 =	rddreg [dreg:$0xe];
	[sflag:s0] =	ssyncadd.s32 $0xFFFFFF00  }
0x1d5: {  	[tilespmem:s7], [sflag:$0x1] =	stream.linear.gather [spmem:s14], $0x100, $0x38;
	[tilespmem:$0x63A0] =	vst v63  }
0x1d6: {  	_ =	swait.ge [sflag:s0], $0x100  }
0x1d7: {  	[sflag:s0] =	ssyncset.done $0x0  }
0x1d8: {  	s16 =	simm.s32 $0x4500;
	s15 =	rddreg [dreg:$0xf];
	[sflag:s0] =	ssyncadd.s32 $0xFFFFFF00  }
0x1d9: {  	[tilespmem:s16], [sflag:$0x1] =	stream.linear.gather [spmem:s15], $0x100, $0x38;
	[tilespmem:$0x63A0] =	vst v63  }
0x1da: {  	_ =	swait.ge [sflag:s0], $0x100  }
0x1db: {  	[sflag:s0] =	ssyncset.done $0x0  }
0x1dc: {  	s18 =	simm.s32 $0x4600;
	s17 =	rddreg [dreg:$0x10];
	[sflag:s0] =	ssyncadd.s32 $0xFFFFFF00  }
0x1dd: {  	[tilespmem:s18], [sflag:$0x1] =	stream.linear.gather [spmem:s17], $0x100, $0x38;
	[tilespmem:$0x63A0] =	vst v63  }
0x1de: {  	_ =	swait.ge [sflag:s0], $0x100  }
0x1df: {  	[sflag:s0] =	ssyncset.done $0x0  }
0x1e0: {  	s20 =	simm.s32 $0x4700;
	s19 =	rddreg [dreg:$0x11];
	[sflag:s0] =	ssyncadd.s32 $0xFFFFFF00  }
0x1e1: {  	[tilespmem:s20], [sflag:$0x1] =	stream.linear.gather [spmem:s19], $0x100, $0x38;
	[tilespmem:$0x63A0] =	vst v63  }
0x1e2: {  	_ =	swait.ge [sflag:s0], $0x100  }
0x1e3: {  	[sflag:s0] =	ssyncset.done $0x0  }
0x1e4: {  	s23 =	simm.s32 $0x4800;
	s22 =	rddreg [dreg:$0x12];
	[sflag:s0] =	ssyncadd.s32 $0xFFFFFF00  }
0x1e5: {  	[tilespmem:s23], [sflag:$0x1] =	stream.linear.gather [spmem:s22], $0x100, $0x38;
	[tilespmem:$0x63A0] =	vst v63  }
0x1e6: {  	_ =	swait.ge [sflag:s0], $0x100  }
0x1e7: {  	[sflag:s0] =	ssyncset.done $0x0  }
0x1e8: {  	s25 =	simm.s32 $0x4900;
	s24 =	rddreg [dreg:$0x13];
	[sflag:s0] =	ssyncadd.s32 $0xFFFFFF00  }
0x1e9: {  	[tilespmem:s25], [sflag:$0x1] =	stream.linear.gather [spmem:s24], $0x100, $0x38;
	[tilespmem:$0x63A0] =	vst v63  }
0x1ea: {  	_ =	swait.ge [sflag:s0], $0x100  }
0x1eb: {  	[sflag:s0] =	ssyncset.done $0x0  }
0x1ec: {  	s9 =	simm.s32 $0x4A00;
	s8 =	rddreg [dreg:$0x14];
	[sflag:s0] =	ssyncadd.s32 $0xFFFFFF00  }
0x1ed: {  	[tilespmem:s9], [sflag:$0x1] =	stream.linear.gather [spmem:s8], $0x100, $0x38;
	[tilespmem:$0x63A0] =	vst v63  }
0x1ee: {  	_ =	swait.ge [sflag:s0], $0x100  }
0x1ef: {  	[sflag:s0] =	ssyncset.done $0x0  }
0x1f0: {  	s12 =	simm.s32 $0x4B00;
	s10 =	rddreg [dreg:$0x15];
	[sflag:s0] =	ssyncadd.s32 $0xFFFFFF00  }
0x1f1: {  	[tilespmem:s12], [sflag:$0x1] =	stream.linear.gather [spmem:s10], $0x100, $0x38;
	[tilespmem:$0x63A0] =	vst v63  }
0x1f2: {  	_ =	swait.ge [sflag:s0], $0x100  }
0x1f3: {  	[sflag:s0] =	ssyncset.done $0x0  }
0x1f4: {  	s14 =	simm.s32 $0x4C00;
	s13 =	rddreg [dreg:$0x17];
	[sflag:s0] =	ssyncadd.s32 $0xFFFFFF00  }
0x1f5: {  	[tilespmem:s14], [sflag:$0x1] =	stream.linear.gather [spmem:s13], $0x100, $0x38;
	[tilespmem:$0x63A0] =	vst v63  }
0x1f6: {  	_ =	swait.ge [sflag:s0], $0x100  }
0x1f7: {  	[sflag:s0] =	ssyncset.done $0x0  }
0x1f8: {  	s16 =	simm.s32 $0x4D00;
	s15 =	rddreg [dreg:$0x18];
	[sflag:s0] =	ssyncadd.s32 $0xFFFFFF00  }
0x1f9: {  	[tilespmem:s16], [sflag:$0x1] =	stream.linear.gather [spmem:s15], $0x100, $0x38;
	[tilespmem:$0x63A0] =	vst v63  }
0x1fa: {  	_ =	swait.ge [sflag:s0], $0x100  }
0x1fb: {  	[sflag:s0] =	ssyncset.done $0x0  }
0x1fc: {  	s17 =	simm.s32 $0x4E00;
	[sflag:s0] =	ssyncadd.s32 $0xFFFFFF00  }
0x1fd: {  	[tilespmem:s17], [sflag:$0x1] =	stream.linear.gather [spmem:s26], $0x100, $0x38;
	[tilespmem:$0x63A0] =	vst v63  }
0x1fe: {  	_ =	swait.ge [sflag:s0], $0x100  }
0x1ff: {  	[sflag:s0] =	ssyncset.done $0x0  }
0x200: {  	s18 =	simm.s32 $0x4F00;
	[sflag:s0] =	ssyncadd.s32 $0xFFFFFF00  }
0x201: {  	[tilespmem:s18], [sflag:$0x1] =	stream.linear.gather [spmem:s28], $0x100, $0x38;
	[tilespmem:$0x63A0] =	vst v63  }
0x202: {  	_ =	swait.ge [sflag:s0], $0x100  }
0x203: {  	[sflag:s0] =	ssyncset.done $0x0  }
0x204: {  	s19 =	simm.s32 $0x5000;
	[sflag:s0] =	ssyncadd.s32 $0xFFFFFF00  }
0x205: {  	[tilespmem:s19], [sflag:$0x1] =	stream.linear.gather [spmem:s29], $0x100, $0x38;
	[tilespmem:$0x63A0] =	vst v63  }
0x206: {  	_ =	swait.ge [sflag:s0], $0x100  }
0x207: {  	[sflag:s0] =	ssyncset.done $0x0  }
0x208: {  	s20 =	simm.s32 $0x5100;
	[sflag:s0] =	ssyncadd.s32 $0xFFFFFF00  }
0x209: {  	[tilespmem:s20], [sflag:$0x1] =	stream.linear.gather [spmem:s30], $0x100, $0x38;
	[tilespmem:$0x63A0] =	vst v63  }
0x20a: {  	_ =	swait.ge [sflag:s0], $0x100  }
0x20b: {  	[sflag:s0] =	ssyncset.done $0x0  }
0x20c: {  	s22 =	simm.s32 $0x5200;
	[sflag:s0] =	ssyncadd.s32 $0xFFFFFF00  }
0x20d: {  	[tilespmem:s22], [sflag:$0x1] =	stream.linear.gather [spmem:s31], $0x100, $0x38;
	[tilespmem:$0x63A0] =	vst v63  }
0x20e: {  	_ =	swait.ge [sflag:s0], $0x100  }
0x20f: {  	[sflag:s0] =	ssyncset.done $0x0  }
0x210: {  	s23 =	simm.s32 $0x0;
	[sflag:s0] =	ssyncadd.s32 $0xFFFFFF00  }
0x211: {  	s24 =	sand.u32 $0xF0, s23;
	v1 =	vld [tilespmem:s5+$0x0]  }
0x212: {  	v2 =	vld [tilespmem:s24+$0x4400]  }
0x213: {  	v4 =	vld [tilespmem:s24+$0x4500]  }
0x214: {  	v5 =	vld [tilespmem:s24+$0x4600]  }
0x215: {  	v6 =	vld [tilespmem:s24+$0x4700]  }
0x216: {  	v7 =	vld [tilespmem:s24+$0x4800]  }
0x217: {  	v1 =	vmin.f32 v1, v2;
	v2 =	vld [tilespmem:s24+$0x4900]  }
0x218: {  	v1 =	vmin.f32 v1, v4;
	v4 =	vld [tilespmem:s24+$0x4A00]  }
0x219: {  	v8 =	vld [tilespmem:s24+$0x4B00];
	v1 =	vmin.f32 v1, v5  }
0x21a: {  	v1 =	vmin.f32 v1, v6;
	v6 =	vld [tilespmem:s24+$0x4C00]  }
0x21b: {  	v1 =	vmin.f32 v1, v7;
	v7 =	vld [tilespmem:s24+$0x4D00]  }
0x21c: {  	v9 =	vld [tilespmem:s24+$0x4E00];
	v1 =	vmin.f32 v1, v2  }
0x21d: {  	v5 =	vld [tilespmem:s24+$0x4F00];
	v1 =	vmin.f32 v1, v4  }
0x21e: {  	v2 =	vld [tilespmem:s24+$0x5000];
	v1 =	vmin.f32 v1, v8  }
0x21f: {  	v4 =	vld [tilespmem:s24+$0x5100];
	v1 =	vmin.f32 v1, v6  }
0x220: {  	s6 =	simm.s32 $0x4310;
	s25 =	simm.s32 $0x10;
	v6 =	vld [tilespmem:s24+$0x5200];
	v8 =	vmin.f32 v1, v7  }
0x221: {  	s7 =	simm.s32 $0x20;
	s5 =	sand.u32 $0xF0, s25;
	v1 =	vimm.f32 $0.0e+00;
	v7 =	vld [tilespmem:s6+$0x0];
	v8 =	vmin.f32 v8, v9  }
.LBB2_12:
0x222: {  	p1 =	sne.s32 s7, $0xF0;
	v9 =	vld [tilespmem:s5+$0x4400];
	v5 =	vmin.f32 v8, v5  }
0x223: {  	v8 =	vld [tilespmem:s5+$0x4500];
	v2 =	vmin.f32 v5, v2  }
0x224: {  	v5 =	vld [tilespmem:s5+$0x4600];
	v2 =	vmin.f32 v2, v4  }
0x225: {  	v4 =	vld [tilespmem:s5+$0x4700];
	v2 =	vmin.f32 v2, v6  }
0x226: {  	v6 =	vld [tilespmem:s5+$0x4800];
	v1 =	vadd.f32 v2, v1  }
0x227: {  	v2 =	vmin.f32 v7, v9;
	v7 =	vld [tilespmem:s5+$0x4900]  }
0x228: {  	v2 =	vmin.f32 v2, v8;
	v8 =	vld [tilespmem:s5+$0x4A00]  }
0x229: {  	v2 =	vmin.f32 v2, v5;
	v9 =	vld [tilespmem:s5+$0x4B00]  }
0x22a: {  	v2 =	vmin.f32 v2, v4;
	v4 =	vld [tilespmem:s5+$0x4C00]  }
0x22b: {  	v2 =	vmin.f32 v2, v6;
	v6 =	vld [tilespmem:s5+$0x4D00]  }
0x22c: {  	v2 =	vmin.f32 v2, v7;
	v10 =	vld [tilespmem:s5+$0x4E00]  }
.Ltmp7:
0x22d: {  	v2 =	vmin.f32 v2, v8;
	v5 =	vld [tilespmem:s5+$0x4F00];
	(pc) =	sbr.rel @p1 .LBB2_12-.Ltmp7, $4  }
0x22e: {  	v7 =	vmin.f32 v2, v9;
	v2 =	vld [tilespmem:s5+$0x5000]  }
0x22f: {  	v7 =	vmin.f32 v7, v4;
	v4 =	vld [tilespmem:s5+$0x5100]  }
0x230: {  	s6 =	sadd.s32 $0x10, s6;
	v8 =	vmin.f32 v7, v6;
	v6 =	vld [tilespmem:s5+$0x5200]  }
0x231: {  	s5 =	sand.u32 $0xF0, s7;
	s7 =	sadd.s32 $0x10, s7;
	v7 =	vld [tilespmem:s6+$0x0];
	v8 =	vmin.f32 v8, v10  }
0x232: {  	v9 =	vld [tilespmem:s5+$0x4400]  }
0x233: {  	v10 =	vld [tilespmem:s5+$0x4500]  }
0x234: {  	v11 =	vld [tilespmem:s5+$0x4600]  }
0x235: {  	v12 =	vld [tilespmem:s5+$0x4700]  }
0x236: {  	v13 =	vld [tilespmem:s5+$0x4800]  }
0x237: {  	v55 =	vld [tilespmem:s5+$0x4900];
	v7 =	vmin.f32 v7, v9  }
0x238: {  	v56 =	vld [tilespmem:s5+$0x4A00];
	v7 =	vmin.f32 v7, v10  }
0x239: {  	v57 =	vld [tilespmem:s5+$0x4B00];
	v7 =	vmin.f32 v7, v11  }
0x23a: {  	v58 =	vld [tilespmem:s5+$0x4C00];
	v7 =	vmin.f32 v7, v12  }
0x23b: {  	v59 =	vld [tilespmem:s5+$0x4D00];
	v7 =	vmin.f32 v7, v13  }
0x23c: {  	v60 =	vld [tilespmem:s5+$0x4E00];
	v7 =	vmin.f32 v7, v55  }
0x23d: {  	v61 =	vld [tilespmem:s5+$0x4F00];
	v7 =	vmin.f32 v7, v56  }
0x23e: {  	v62 =	vld [tilespmem:s5+$0x5000];
	v7 =	vmin.f32 v7, v57  }
0x23f: {  	v63 =	vld [tilespmem:s5+$0x5100];
	v7 =	vmin.f32 v7, v58  }
0x240: {  	v5 =	vmin.f32 v8, v5;
	v8 =	vld [tilespmem:s5+$0x5200];
	v7 =	vmin.f32 v7, v59  }
0x241: {  	v2 =	vmin.f32 v5, v2;
	v5 =	vmin.f32 v7, v60  }
0x242: {  	v2 =	vmin.f32 v2, v4;
	v4 =	vmin.f32 v5, v61  }
0x243: {  	v2 =	vmin.f32 v2, v6;
	v4 =	vmin.f32 v4, v62  }
0x244: {  	v1 =	vadd.f32 v2, v1;
	v2 =	vmin.f32 v4, v63  }
0x245: {  	v2 =	vmin.f32 v2, v8  }
0x246: {  	v1 =	vadd.f32 v2, v1;
	_ =	sdelay $0x1  }
0x247: {  	v2 =	vperm.xlane v1, v0;
	_ =	sdelay $0x1  }
0x248: {  	v1 =	vadd.f32 v2, v1;
	v2 =	vld [tilespmem:$0x1FFD0];
	_ =	sdelay $0x4  }
0x249: {  	v2 =	vperm.xlane v1, v2;
	_ =	sdelay $0x1  }
0x24a: {  	v1 =	vadd.f32 v2, v1;
	v2 =	vld [tilespmem:$0x1FFE0];
	_ =	sdelay $0x4  }
0x24b: {  	v2 =	vperm.xlane v1, v2;
	_ =	sdelay $0x1  }
0x24c: {  	v1 =	vadd.f32 v2, v1;
	v2 =	vld [tilespmem:$0x1FFF0];
	_ =	sdelay $0x4  }
0x24d: {  	v2 =	vperm.xlane v1, v2;
	_ =	sdelay $0x1  }
0x24e: {  	v1 =	vadd.f32 v2, v1  }
0x24f: {  	vm2 =	vmmov $0x1  }
0x250: {  	v1 =	vnsel vm2, $0x0, v1  }
0x251: {  	s25 =	rddreg [dreg:$0x19];
	[tilespmem:$0x5300] =	vst v1  }
0x252: {  	[spmem:s25] =	stream.linear.scatter [tilespmem:s21], [sflag:$0x1], $0x10, $0x38;
	[tilespmem:$0x63A0] =	vst v63  }
.Ltmp8:
0x253: {  	_ =	swait.ge [sflag:s0], $0x10;
	(pc) =	sbr.rel @p0 .LBB2_17-.Ltmp8, $4  }
0x254: {  	[sflag:s0] =	ssyncset.done $0x0  }
0x255: {  	[sflag:s0] =	ssyncadd.s32 $0xFFFFFFF0  }
0x256: {  	[bflag:$0x0] =	sbarrier.arrive $0xFFFF  }
0x257: {  	v7 =	vimm.f32 $+Inf  }
0x258: {  	s5 =	sadd.s32 $0x0, s1  }
0x259: {  	[tilespmem:s21], [sflag:$0x1] =	stream.linear.gather [spmem:s5], $0x10, $0x38;
	[tilespmem:$0x63A0] =	vst v63  }
0x25a: {  	_ =	swait.ge [sflag:s0], $0x10  }
0x25b: {  	[sflag:s0] =	ssyncset.done $0x0  }
0x25c: {  	s20 =	sadd.s32 $0x0, s2;
	[sflag:s0] =	ssyncadd.s32 $0xFFFFFFF0  }
0x25d: {  	v1 =	vld [tilespmem:$0x5300];
	[tilespmem:s21], [sflag:$0x1] =	stream.linear.gather [spmem:s20], $0x10, $0x38  }
0x25e: {  	_ =	swait.ge [sflag:s0], $0x10  }
0x25f: {  	[sflag:s0] =	ssyncset.done $0x0  }
0x260: {  	[sflag:s0] =	ssyncadd.s32 $0xFFFFFFF0  }
0x261: {  	v2 =	vld [tilespmem:$0x5300];
	_ =	sdelay $0x1  }
0x262: {  	s22 =	sadd.s32 $0x10, s1  }
0x263: {  	[tilespmem:s21], [sflag:$0x1] =	stream.linear.gather [spmem:s22], $0x10, $0x38;
	[tilespmem:$0x63A0] =	vst v63  }
0x264: {  	_ =	swait.ge [sflag:s0], $0x10  }
0x265: {  	(v2sf) =	vpush v2, $0x0  }
0x266: {  	[sflag:s0] =	ssyncset.done $0x0  }
0x267: {  	s23 =	sadd.s32 $0x10, s2;
	[sflag:s0] =	ssyncadd.s32 $0xFFFFFFF0  }
0x268: {  	v4 =	vld [tilespmem:$0x5300];
	[tilespmem:s21], [sflag:$0x1] =	stream.linear.gather [spmem:s23], $0x10, $0x38  }
0x269: {  	_ =	swait.ge [sflag:s0], $0x10  }
0x26a: {  	[sflag:s0] =	ssyncset.done $0x0  }
0x26b: {  	[sflag:s0] =	ssyncadd.s32 $0xFFFFFFF0  }
0x26c: {  	v5 =	vld [tilespmem:$0x5300]  }
0x26d: {  	s24 =	sadd.s32 $0x20, s1  }
0x26e: {  	[tilespmem:s21], [sflag:$0x1] =	stream.linear.gather [spmem:s24], $0x10, $0x38;
	[tilespmem:$0x63A0] =	vst v63  }
0x26f: {  	_ =	swait.ge [sflag:s0], $0x10  }
0x270: {  	[sflag:s0] =	ssyncset.done $0x0  }
0x271: {  	v6 =	vimm.f32 $0.0e+00;
	s25 =	sadd.s32 $0x20, s2;
	[sflag:s0] =	ssyncadd.s32 $0xFFFFFFF0;
	(v2sf) =	vpush v5, $0x0  }
0x272: {  	v1 =	vadd.f32 v1, v6;
	v2 =	vld [tilespmem:$0x5300];
	[tilespmem:s21], [sflag:$0x1] =	stream.linear.gather [spmem:s25], $0x10, $0x38  }
0x273: {  	s7 =	simm.s32 $0xC0;
	_ =	swait.ge [sflag:s0], $0x10  }
0x274: {  	s5 =	simm.f32 $0.0e+00;
	v1 =	vadd.f32 v4, v1;
	[sflag:s0] =	ssyncset.done $0x0;
	s6 =	spop (v2sf)  }
.LBB2_15:
0x275: {  	[sflag:s0] =	ssyncadd.s32 $0xFFFFFFF0  }
0x276: {  	s5 =	sadd.f32 s6, s5;
	s6 =	smov.u32 s7;
	s8 =	sadd.s32 $0x40, s7  }
0x277: {  	p1 =	sne.s32 s7, $0x3C0;
	s6 =	sshra.s32 s6, $0x2;
	v1 =	vadd.f32 v2, v1;
	v2 =	vld [tilespmem:$0x5300]  }
0x278: {  	s7 =	sadd.s32 s6, s1  }
0x279: {  	[tilespmem:s21], [sflag:$0x1] =	stream.linear.gather [spmem:s7], $0x10, $0x38;
	[tilespmem:$0x63A0] =	vst v63  }
0x27a: {  	_ =	swait.ge [sflag:s0], $0x10  }
0x27b: {  	[sflag:s0] =	ssyncset.done $0x0  }
.Ltmp9:
0x27c: {  	[sflag:s0] =	ssyncadd.s32 $0xFFFFFFF0;
	(v2sf) =	vpush v2, $0x0;
	(pc) =	sbr.rel @p1 .LBB2_15-.Ltmp9, $4  }
0x27d: {  	s6 =	sadd.s32 s6, s2;
	v2 =	vld [tilespmem:$0x5300]  }
0x27e: {  	[tilespmem:s21], [sflag:$0x1] =	stream.linear.gather [spmem:s6], $0x10, $0x38;
	[tilespmem:$0x63A0] =	vst v63  }
0x27f: {  	_ =	swait.ge [sflag:s0], $0x10  }
0x280: {  	s7 =	smov.u32 s8;
	[sflag:s0] =	ssyncset.done $0x0;
	s6 =	spop (v2sf)  }
0x281: {  	_ = 	snop  }
0x282: {  	v1 =	vadd.f32 v2, v1;
	v2 =	vld [tilespmem:$0x1FFF0];
	_ =	sdelay $0x4  }
0x283: {  	v2 =	vperm.xlane v1, v2;
	_ =	sdelay $0x1  }
0x284: {  	(erf) = vrcp.f32 v2;
	_ =	sdelay $0x1  }
0x285: {  	[sflag:s0] =	ssyncadd.s32 $0xFFFFFFF0  }
0x286: {  	v2 =	vld [tilespmem:$0x5300];
	_ =	sdelay $0x4  }
0x287: {  	(v2sf) =	vpush v2, $0x0  }
0x288: {  	v2 =	vpop (erf)  }
0x289: {  	v1 =	vmul.f32 v2, v1;
	_ =	sdelay $0x1  }
0x28a: {  	(v2sf) =	vpush v1, $0x0;
	_ =	sdelay $0x7  }
0x28b: {  	s5 =	sadd.f32 s6, s5  }
0x28c: {  	s22 =	spop (v2sf)  }
0x28d: {  	s5 =	sadd.f32 s22, s5  }
0x28e: {  	s23 =	spop (v2sf)  }
0x28f: {  	s5 =	sadd.f32 s23, s5;
	_ =	sdelay $0x1  }
0x290: {  	s5 =	smul.f32 $2.441406250e-04, s5  }
0x291: {  	s24 =	spop (v2sf)  }
0x292: {  	s5 =	sadd.f32 s24, s5;
	_ =	sdelay $0x1  }
0x293: {  	v1 =	vmov s5  }
0x294: {  	v1 =	vadd.f32 $0.0e+00, v1;
	_ =	sdelay $0x1  }
0x295: {  	v1 =	vbroadcast v1, $0x0;
	_ =	sdelay $0x1  }
.Ltmp10:
0x296: {  	s25 =	rddreg [dreg:$0x16];
	[tilespmem:$0x5300] =	vst v1;
	(pc) =	sbr.rel .LBB2_17-.Ltmp10, $4  }
0x297: {  	[hbm4b:s25+s3] =	stream.linear.scatter [tilespmem:s21], [sflag:$0x1], $0x10, $0x38;
	[tilespmem:$0x63A0] =	vst v63  }
0x298: {  	_ =	swait.ge [sflag:s0], $0x10  }
0x299: {  	[sflag:s0] =	ssyncset.done $0x0  }
0x29a: {  	[sflag:s0] =	ssyncadd.s32 $0xFFFFFFF0  }
.LBB2_18:
0x29b: {  	_ =	sfence.sel $0x180000  }
0x29c: {  	[bflag:$0x0] =	sbarrier.arrive $0xFFFF  }
0x29d: {  	_ =	strace $0x90000047  }
0x29e: {  	[bflag:$0x2] =	sbarrier.arrive $0xFFFF  }
0x29f: {  	s0 =	rddreg [dreg:$0x5]  }
0x2a0: {  	s0 =	sadd.s32 @!p0 $0x100000, s0  }
0x2a1: {  	[sflag:s0] =	ssyncadd.tile.s32 @!p0 $0x1;
	_ =	shalt  }
.Lfunc_end2:
_tile_overlayer_lowered:
.L_overlay_start_2:
0x2a2: {  	(tag) =	ssettag $0x2  }
0x2a3: {  	s0 =	rddreg [dreg:$0x0];
	s2 =	stileid.u32  }
0x2a4: {  	s1 =	rddreg [dreg:$0x1];
	p0 =	sne.s32 s2, $0x0  }
0x2a5: {  	s3 =	rddreg [dreg:$0x2];
	[bflag:$0x3] =	sbarrier.arrive $0xFFFF;
	s2 =	simm.s32 @!p0 $0x1C01  }
0x2a6: {  	[timem:s3], [sflag:s2] =	dma.local @!p0 [hbm:s0], s1  }
0x2a7: {  	s0 =	simm.s32 @!p0 $0x1  }
0x2a8: {  	_ =	swait.ge @!p0 [sflag:s0], s1  }
0x2a9: {  	s1 =	ssub.s32 @!p0 $0x0, s1;
	[sflag:s0] =	ssyncset.done @!p0 $0x0  }
0x2aa: {  	[sflag:s0] =	ssyncadd.s32 @!p0 s1  }
0x2ab: {  	[bflag:$0x3] =	sbarrier.arrive $0xFFFF  }
0x2ac: {  	_ =	shalt  }

</sc_bundles>
